<compile_context>
chip_gen: v7x
topology: tpu7x:2x2x1
jax: 0.10.2.dev20260603
libtpu: 0.0.44.dev20260713+nightly
codegen_flags: <defaults>
</compile_context>

<pallas_src>
import functools

import jax
import jax.numpy as jnp
from jax import lax
from jax.experimental import pallas as pl
from jax.experimental.pallas import tpu as pltpu
from jax.experimental.pallas import tpu_sc as plsc

NODES = 10000
EDGES = 160000
FEAT = 256
HALF = 128
BATCH = 8
LAYERS = 2

NC = 2
NS = 16
EPT = EDGES // NS
K = 80
NCHK = EPT // K
NPAIR = (NCHK - 1) // 2
WROWS = 624
LEFT = NODES - NS * WROWS
LEFT0 = NS * WROWS
WCOPY = (WROWS // K, WROWS % K)
NPAD = 10240
RED = NPAD // NS


def _zero_1d(ref, n):
    def body(i, _):
        ref[pl.ds(i * 16, 16)] = jnp.zeros((16,), ref.dtype)
        return None

    lax.fori_loop(0, n // 16, body, None)


def _zero_2d(ref, nrows, ncols):
    cpl = ncols // 16

    def body(i, _):
        ref[i // cpl, pl.ds((i % cpl) * 16, 16)] = jnp.zeros((16,), ref.dtype)
        return None

    lax.fori_loop(0, nrows * cpl, body, None)


@functools.lru_cache(maxsize=None)
def _sc_kernels():
    mesh = plsc.VectorSubcoreMesh(
        core_axis_name="c", subcore_axis_name="s",
        num_cores=NC, num_subcores=NS)

    @functools.partial(
        pl.kernel,
        out_type=jax.ShapeDtypeStruct((2 * NPAD,), jnp.float32),
        mesh=mesh,
        scratch_types=[
            pltpu.VMEM((NPAD,), jnp.int32),
            pltpu.VMEM((NPAD,), jnp.float32),
            pltpu.VMEM((RED,), jnp.float32),
            pltpu.VMEM((RED,), jnp.float32),
            pltpu.VMEM_SHARED((NS, 1, NPAD), jnp.float32),
        ],
        compiler_params=pltpu.CompilerParams(needs_layout_passes=False),
    )
    def deg_kernel(edge_ref, out_ref, idx_full, hist_v, tmp_v, red_v, spm):
        c = lax.axis_index("c")
        s = lax.axis_index("s")

        _zero_1d(hist_v, NPAD)
        ones16 = jnp.ones((16,), jnp.float32)
        pltpu.sync_copy(edge_ref.at[pl.ds(c * EDGES + s * EPT, EPT)],
                        idx_full.at[pl.ds(0, EPT)])

        def padfill(j, _):
            idx_full[pl.ds(EPT + j * 16, 16)] = jnp.full(
                (16,), NODES, jnp.int32)
            return None

        lax.fori_loop(0, (NPAD - EPT) // 16, padfill, None)

        def upd(j, _):
            idx16 = idx_full[pl.ds(j * 16, 16)]
            plsc.addupdate_scatter(hist_v, [idx16], ones16)
            return None

        lax.fori_loop(0, NPAD // 16, upd, None)
        pltpu.sync_copy(hist_v, spm.at[s, 0])
        plsc.subcore_barrier()

        _zero_1d(red_v, RED)
        for t in range(NS):
            pltpu.sync_copy(spm.at[t, 0, pl.ds(s * RED, RED)], tmp_v)

            def acc(j, _):
                sl = pl.ds(j * 16, 16)
                red_v[sl] = red_v[sl] + tmp_v[sl]
                return None

            lax.fori_loop(0, RED // 16, acc, None)
        pltpu.sync_copy(red_v, out_ref.at[pl.ds(c * NPAD + s * RED, RED)])

    @functools.partial(
        pl.kernel,
        out_type=jax.ShapeDtypeStruct((2 * NODES, HALF), jnp.float32),
        mesh=mesh,
        scratch_types=[
            pltpu.VMEM((EPT,), jnp.int32),
            pltpu.VMEM((K,), jnp.int32),
            pltpu.VMEM((K,), jnp.int32),
            pltpu.VMEM((K,), jnp.int32),
            pltpu.VMEM((K, HALF), jnp.float32),
            pltpu.VMEM((K, HALF), jnp.float32),
            pltpu.VMEM((K, HALF), jnp.float32),
            pltpu.VMEM_SHARED((NODES, HALF), jnp.float32),
            pltpu.SemaphoreType.DMA,
            pltpu.SemaphoreType.DMA,
            pltpu.SemaphoreType.DMA,
            pltpu.SemaphoreType.DMA,
            pltpu.SemaphoreType.DMA,
            pltpu.SemaphoreType.DMA,
            pltpu.SemaphoreType.DMA,
            pltpu.SemaphoreType.DMA,
            pltpu.SemaphoreType.DMA,
        ],
    )
    def scatter_kernel(m_ref, edge_ref, out_ref, src_full,
                       dst_v0, dst_v1, dst_v2, rows_0, rows_1, rows_2,
                       acc, gs_0, gs_1, gs_2, ss_0, ss_1, ss_2,
                       ds_0, ds_1, ds_2):
        c = lax.axis_index("c")
        s = lax.axis_index("s")

        pltpu.sync_copy(edge_ref.at[pl.ds(s * EPT, EPT)],
                        src_full.at[pl.ds(0, EPT)])

        def soff(j, _):
            sl = pl.ds(j * 16, 16)
            src_full[sl] = src_full[sl] + c * NODES
            return None

        lax.fori_loop(0, EPT // 16, soff, None)

        _zero_2d(rows_0, K, HALF)
        for i in range(WCOPY[0]):
            pltpu.sync_copy(rows_0, acc.at[pl.ds(s * WROWS + i * K, K)])
        pltpu.sync_copy(rows_0.at[pl.ds(0, WCOPY[1])],
                        acc.at[pl.ds(s * WROWS + WCOPY[0] * K, WCOPY[1])])

        @pl.when(s == 0)
        def _():
            pltpu.sync_copy(rows_0.at[pl.ds(0, LEFT)],
                            acc.at[pl.ds(LEFT0, LEFT)])

        plsc.subcore_barrier()

        rows = (rows_0, rows_1, rows_2)
        dsts = (dst_v0, dst_v1, dst_v2)
        gsem = (gs_0, gs_1, gs_2)
        ssem = (ss_0, ss_1, ss_2)
        dsem = (ds_0, ds_1, ds_2)

        def fire_gather(chunk, u):
            pltpu.async_copy(m_ref.at[src_full.at[pl.ds(chunk * K, K)]],
                             rows[u], gsem[u])

        def wait_gather(chunk, u):
            pltpu.make_async_copy(m_ref.at[src_full.at[pl.ds(chunk * K, K)]],
                                  rows[u], gsem[u]).wait()

        def _dst_slice(chunk):
            return edge_ref.at[pl.ds(EDGES + s * EPT + chunk * K, K)]

        def fire_dst(chunk, u):
            pltpu.async_copy(_dst_slice(chunk), dsts[u], dsem[u])

        def wait_dst(chunk, u):
            pltpu.make_async_copy(_dst_slice(chunk), dsts[u], dsem[u]).wait()

        def fire_scatter(u):
            pltpu.async_copy(rows[u], acc.at[dsts[u]], ssem[u], add=True)

        def wait_scatter(u):
            pltpu.make_async_copy(rows[u], acc.at[dsts[u]], ssem[u]).wait()

        for u in (0, 1):
            fire_dst(u, u)
            fire_gather(u, u)

        def triple(kk, _):
            for u in range(3):
                c = 3 * kk + u
                wait_gather(c, u)
                wait_dst(c, u)
                fire_scatter(u)
                z = (u + 2) % 3

                @pl.when(c >= 1)
                def _():
                    wait_scatter(z)

                fire_dst(c + 2, z)
                fire_gather(c + 2, z)
            return None

        lax.fori_loop(0, (NCHK - 2) // 3, triple, None)
        for tail_c, u in ((NCHK - 2, 0), (NCHK - 1, 1)):
            wait_gather(tail_c, u)
            wait_dst(tail_c, u)
            fire_scatter(u)
        wait_scatter(2)
        wait_scatter(0)
        wait_scatter(1)

        plsc.subcore_barrier()
        for i in range(WCOPY[0]):
            sl_a = pl.ds(s * WROWS + i * K, K)
            sl_o = pl.ds(c * NODES + s * WROWS + i * K, K)
            pltpu.sync_copy(acc.at[sl_a], rows_0)
            pltpu.sync_copy(rows_0, out_ref.at[sl_o])
        pltpu.sync_copy(acc.at[pl.ds(s * WROWS + WCOPY[0] * K, WCOPY[1])],
                        rows_0.at[pl.ds(0, WCOPY[1])])
        pltpu.sync_copy(rows_0.at[pl.ds(0, WCOPY[1])],
                        out_ref.at[pl.ds(c * NODES + s * WROWS + WCOPY[0] * K,
                                         WCOPY[1])])

        @pl.when(s == 0)
        def _():
            pltpu.sync_copy(acc.at[pl.ds(LEFT0, LEFT)],
                            rows_0.at[pl.ds(0, LEFT)])
            pltpu.sync_copy(rows_0.at[pl.ds(0, LEFT)],
                            out_ref.at[pl.ds(c * NODES + LEFT0, LEFT)])

    return deg_kernel, scatter_kernel


R = 1000
GRID = NODES // R


def _ln(xb, g, b):
    mu = jnp.mean(xb, axis=-1, keepdims=True)
    xc = xb - mu
    var = jnp.mean(xc * xc, axis=-1, keepdims=True)
    return xc * lax.rsqrt(var + 1e-5) * g + b


def _inv_sqrt_deg(deg_blk):
    return lax.rsqrt(jnp.maximum(deg_blk, 1.0))


_VEC_SPEC = pl.BlockSpec((1, FEAT), lambda i: (0, 0))
_DEG_SPEC = pl.BlockSpec((R, 1), lambda i: (i, 0))
_MH_SPEC = pl.BlockSpec((2, R, HALF), lambda i: (0, i, 0))
_MH_SHAPE = jax.ShapeDtypeStruct((2, NODES, HALF), jnp.float32)


def _store_halves(m, m_ref):
    m_ref[0] = m[:, :HALF]
    m_ref[1] = m[:, HALF:]


def _tc_pre_body(x_ref, od_ref, g1_ref, b1_ref, m_ref):
    hn = _ln(x_ref[...], g1_ref[...], b1_ref[...])
    _store_halves(hn * _inv_sqrt_deg(od_ref[...]), m_ref)


_tc_pre = pl.pallas_call(
    _tc_pre_body,
    grid=(GRID,),
    in_specs=[
        pl.BlockSpec((R, FEAT), lambda i: (i, 0)),
        _DEG_SPEC,
        _VEC_SPEC,
        _VEC_SPEC,
    ],
    out_specs=_MH_SPEC,
    out_shape=_MH_SHAPE,
)


def _bdot(x, w_ref):
    return jnp.dot(x.astype(jnp.bfloat16), w_ref[...],
                   preferred_element_type=jnp.float32)


def _dense_layer(agg_ref, ind_ref, wg_ref, bg_ref, g2_ref, b2_ref,
                 w1_ref, b1f_ref, w2_ref, b2f_ref):
    a = jnp.concatenate([agg_ref[0], agg_ref[1]], axis=-1)
    a = a * _inv_sqrt_deg(ind_ref[...])
    h = _bdot(a, wg_ref) + bg_ref[...]
    hn2 = _ln(h, g2_ref[...], b2_ref[...])
    t = jnp.maximum(_bdot(hn2, w1_ref) + b1f_ref[...], 0.0)
    return _bdot(t, w2_ref) + b2f_ref[...] + h


def _tc_mid_body(agg_ref, ind_ref, od_ref, wg_ref, bg_ref, g2_ref, b2_ref,
                 w1_ref, b1f_ref, w2_ref, b2f_ref, g1n_ref, b1n_ref, m_ref):
    h = _dense_layer(agg_ref, ind_ref, wg_ref, bg_ref, g2_ref, b2_ref,
                     w1_ref, b1f_ref, w2_ref, b2f_ref)
    hn = _ln(h, g1n_ref[...], b1n_ref[...])
    _store_halves(hn * _inv_sqrt_deg(od_ref[...]), m_ref)


_tc_mid = pl.pallas_call(
    _tc_mid_body,
    grid=(GRID,),
    in_specs=[
        _MH_SPEC,
        _DEG_SPEC,
        _DEG_SPEC,
        pl.BlockSpec((FEAT, FEAT), lambda i: (0, 0)),
        _VEC_SPEC,
        _VEC_SPEC,
        _VEC_SPEC,
        pl.BlockSpec((FEAT, 2 * FEAT), lambda i: (0, 0)),
        pl.BlockSpec((1, 2 * FEAT), lambda i: (0, 0)),
        pl.BlockSpec((2 * FEAT, FEAT), lambda i: (0, 0)),
        _VEC_SPEC,
        _VEC_SPEC,
        _VEC_SPEC,
    ],
    out_specs=_MH_SPEC,
    out_shape=_MH_SHAPE,
)


def _tc_fin_body(agg_ref, ind_ref, wg_ref, bg_ref, g2_ref, b2_ref,
                 w1_ref, b1f_ref, w2_ref, b2f_ref, fni_ref, out_ref):
    h = _dense_layer(agg_ref, ind_ref, wg_ref, bg_ref, g2_ref, b2_ref,
                     w1_ref, b1f_ref, w2_ref, b2f_ref)
    i = pl.program_id(0)
    rows = lax.broadcasted_iota(jnp.int32, (BATCH, R), 1) + i * R
    onehot = (rows == fni_ref[...]).astype(jnp.float32)
    contrib = jnp.dot(onehot, h, preferred_element_type=jnp.float32)

    @pl.when(i == 0)
    def _():
        out_ref[...] = contrib

    @pl.when(i > 0)
    def _():
        out_ref[...] += contrib


_W_SPECS = [
    pl.BlockSpec((FEAT, FEAT), lambda i: (0, 0)),
    _VEC_SPEC,
    _VEC_SPEC,
    _VEC_SPEC,
    pl.BlockSpec((FEAT, 2 * FEAT), lambda i: (0, 0)),
    pl.BlockSpec((1, 2 * FEAT), lambda i: (0, 0)),
    pl.BlockSpec((2 * FEAT, FEAT), lambda i: (0, 0)),
    _VEC_SPEC,
]

_tc_fin = pl.pallas_call(
    _tc_fin_body,
    grid=(GRID,),
    in_specs=[_MH_SPEC, _DEG_SPEC] + _W_SPECS
    + [pl.BlockSpec((BATCH, 1), lambda i: (0, 0))],
    out_specs=pl.BlockSpec((BATCH, FEAT), lambda i: (0, 0)),
    out_shape=jax.ShapeDtypeStruct((BATCH, FEAT), jnp.float32),
)


def kernel(x, edge_index, first_nodes_idx, ln1_g, ln1_b, Wg, bg, ln2_g,
           ln2_b, W1, b1, W2, b2):
    deg_kernel, scatter_kernel = _sc_kernels()
    edge_flat = edge_index.reshape(2 * EDGES)
    deg = deg_kernel(edge_flat)
    od = deg[:NODES].reshape(NODES, 1)
    ind = deg[NPAD:NPAD + NODES].reshape(NODES, 1)

    m = _tc_pre(x, od, ln1_g[0:1], ln1_b[0:1])
    agg = scatter_kernel(m.reshape(2 * NODES, HALF), edge_flat)
    Wgh = Wg.astype(jnp.bfloat16)
    W1h = W1.astype(jnp.bfloat16)
    W2h = W2.astype(jnp.bfloat16)
    m = _tc_mid(agg.reshape(2, NODES, HALF), ind, od, Wgh[0],
                bg[0:1], ln2_g[0:1], ln2_b[0:1], W1h[0], b1[0:1],
                W2h[0], b2[0:1], ln1_g[1:2], ln1_b[1:2])
    agg = scatter_kernel(m.reshape(2 * NODES, HALF), edge_flat)
    return _tc_fin(agg.reshape(2, NODES, HALF), ind, Wgh[1],
                   bg[1:2], ln2_g[1:2], ln2_b[1:2], W1h[1], b1[1:2],
                   W2h[1], b2[1:2], first_nodes_idx.reshape(BATCH, 1))

# --- scband reference (transcript-rebuilt; emitter-appended) ---
"""Pipeline reference for scband-gnn-family-1623497638003 (READ-ONLY COPY).

The authoritative reference and input builder live on the scoring server;
editing this copy changes nothing except your own understanding.
"""

import jax, jax.numpy as jnp
import numpy as np

N = 10000
E = 160000
D = 256
L = 2
B = 8


def setup_inputs(seed: int = 0):
    key = jax.random.key(seed)
    ks = jax.random.split(key, 8)
    inp = {}
    inp["x"] = jax.random.normal(ks[0], (N, D), dtype=jnp.float32)
    inp["edge_index"] = jax.random.randint(ks[1], (2, E), 0, N)
    inp["first_nodes_idx"] = jnp.sort(jax.random.randint(ks[2], (B,), 0, N))
    inp["ln1_g"] = jnp.ones((L, D), jnp.float32)
    inp["ln1_b"] = jnp.zeros((L, D), jnp.float32)
    inp["Wg"] = jax.random.normal(ks[3], (L, D, D), dtype=jnp.float32) * 0.05
    inp["bg"] = jnp.zeros((L, D), jnp.float32)
    inp["ln2_g"] = jnp.ones((L, D), jnp.float32)
    inp["ln2_b"] = jnp.zeros((L, D), jnp.float32)
    inp["W1"] = jax.random.normal(ks[4], (L, D, 2 * D), dtype=jnp.float32) * 0.05
    inp["b1"] = jnp.zeros((L, 2 * D), jnp.float32)
    inp["W2"] = jax.random.normal(ks[5], (L, 2 * D, D), dtype=jnp.float32) * 0.05
    inp["b2"] = jnp.zeros((L, D), jnp.float32)
    return inp


def _layer_norm(h, g, b):
    mu = jnp.mean(h, axis=-1, keepdims=True)
    var = jnp.var(h, axis=-1, keepdims=True)
    return (h - mu) / jnp.sqrt(var + 1e-5) * g + b


def reference(x, edge_index, first_nodes_idx, ln1_g, ln1_b, Wg, bg, ln2_g, ln2_b, W1, b1, W2, b2):
    src = edge_index[0]
    dst = edge_index[1]
    ones_e = jnp.ones((E,), jnp.float32)
    out_deg = jnp.maximum(jax.ops.segment_sum(ones_e, src, num_segments=N), 1.0)
    in_deg = jnp.maximum(jax.ops.segment_sum(ones_e, dst, num_segments=N), 1.0)
    norm_src = out_deg ** -0.5
    norm_dst = in_deg ** -0.5
    h = x
    for i in range(L):
        hn = _layer_norm(h, ln1_g[i], ln1_b[i])
        # DGL GraphConv with norm='both': D_dst^-1/2 A D_src^-1/2 X W + b
        m = (hn * norm_src[:, None])[src]
        agg = jax.ops.segment_sum(m, dst, num_segments=N)
        agg = agg * norm_dst[:, None]
        h = agg @ Wg[i] + bg[i]
        hn2 = _layer_norm(h, ln2_g[i], ln2_b[i])
        ff = jax.nn.relu(hn2 @ W1[i] + b1[i]) @ W2[i] + b2[i]
        h = ff + h
    # graph readout: take first node of each graph in the batch
    return h[first_nodes_idx]

if __name__ == "__main__":
    import jax
    _d = setup_inputs()
    print(jax.jit(kernel)(*tuple(_d.values())))

</pallas_src>

<mosaic_0001>
#map = affine_map<(d0, d1) -> (0, 0)>
#map1 = affine_map<(d0, d1) -> (0)>
module attributes {stable_mosaic.version = 14 : i64} {
  func.func @scatter_kernel(%arg0: i32, %arg1: i32, %arg2: memref<20000x128xf32, #tpu.memory_space<hbm>>, %arg3: memref<320000xi32, #tpu.memory_space<hbm>>, %arg4: memref<20000x128xf32, #tpu.memory_space<hbm>>, %arg5: memref<10000xi32, #tpu.memory_space<vmem>>, %arg6: memref<80xi32, #tpu.memory_space<vmem>>, %arg7: memref<80xi32, #tpu.memory_space<vmem>>, %arg8: memref<80xi32, #tpu.memory_space<vmem>>, %arg9: memref<80x128xf32, #tpu.memory_space<vmem>>, %arg10: memref<80x128xf32, #tpu.memory_space<vmem>>, %arg11: memref<80x128xf32, #tpu.memory_space<vmem>>, %arg12: memref<10000x128xf32, #tpu.memory_space<vmem_shared>>, %arg13: memref<!tpu.dma_semaphore, #tpu.memory_space<semaphore_mem>>, %arg14: memref<!tpu.dma_semaphore, #tpu.memory_space<semaphore_mem>>, %arg15: memref<!tpu.dma_semaphore, #tpu.memory_space<semaphore_mem>>, %arg16: memref<!tpu.dma_semaphore, #tpu.memory_space<semaphore_mem>>, %arg17: memref<!tpu.dma_semaphore, #tpu.memory_space<semaphore_mem>>, %arg18: memref<!tpu.dma_semaphore, #tpu.memory_space<semaphore_mem>>, %arg19: memref<!tpu.dma_semaphore, #tpu.memory_space<semaphore_mem>>, %arg20: memref<!tpu.dma_semaphore, #tpu.memory_space<semaphore_mem>>, %arg21: memref<!tpu.dma_semaphore, #tpu.memory_space<semaphore_mem>>) attributes {dimension_semantics = [#tpu.dimension_semantics<core_parallel>, #tpu.dimension_semantics<subcore_parallel>], iteration_bounds = array<i64: 2, 16>, scalar_prefetch = 0 : i64, scratch_operands = 17 : i64, tpu.core_type = #tpu.core_type<sc_vector_subcore>, window_params = [{transform_indices = #map}, {transform_indices = #map1}, {transform_indices = #map}]} {
    %mul3A = arith.constant 10000 : i32
    %mul3A_0 = arith.muli %arg1, %mul3A : i32
    "tpu.region"() ({
      %run_scoped3A = tpu.sem_alloc : memref<!tpu.dma_semaphore, #tpu.memory_space<semaphore_mem>>
      %dma_start3A_207 = arith.constant 0 : i32
      %dma_start3A_208 = tpu.memref_slice %arg5[%dma_start3A_207] : memref<10000xi32, #tpu.memory_space<vmem>> -> memref<10000xi32, #tpu.memory_space<vmem>>
      %dma_start3A_209 = tpu.memref_slice %arg3[%mul3A_0] : memref<320000xi32, #tpu.memory_space<hbm>> -> memref<10000xi32, #tpu.memory_space<hbm>>
      %dma_start3A_210 = arith.constant 0 : i32
      %dma_start3A_211 = tpu.memref_slice %arg5[%dma_start3A_210] : memref<10000xi32, #tpu.memory_space<vmem>> -> memref<10000xi32, #tpu.memory_space<vmem>>
      %dma_start3A_212 = tpu.memref_slice %arg3[%mul3A_0] : memref<320000xi32, #tpu.memory_space<hbm>> -> memref<10000xi32, #tpu.memory_space<hbm>>
      tpu.enqueue_dma source(%dma_start3A_212 : memref<10000xi32, #tpu.memory_space<hbm>>) target(%dma_start3A_211 : memref<10000xi32, #tpu.memory_space<vmem>>) target_semaphore(%run_scoped3A : memref<!tpu.dma_semaphore, #tpu.memory_space<semaphore_mem>>)
      %dma_wait3A_213 = arith.constant 0 : i32
      %dma_wait3A_214 = tpu.memref_slice %arg5[%dma_wait3A_213] : memref<10000xi32, #tpu.memory_space<vmem>> -> memref<10000xi32, #tpu.memory_space<vmem>>
      %dma_wait3A_215 = tpu.memref_slice %arg3[%mul3A_0] : memref<320000xi32, #tpu.memory_space<hbm>> -> memref<10000xi32, #tpu.memory_space<hbm>>
      %dma_wait3A_216 = arith.constant 0 : i32
      %dma_wait3A_217 = tpu.memref_slice %arg5[%dma_wait3A_216] : memref<10000xi32, #tpu.memory_space<vmem>> -> memref<10000xi32, #tpu.memory_space<vmem>>
      %dma_wait3A_218 = tpu.memref_slice %arg3[%mul3A_0] : memref<320000xi32, #tpu.memory_space<hbm>> -> memref<10000xi32, #tpu.memory_space<hbm>>
      tpu.wait_dma2 semaphore(%run_scoped3A : memref<!tpu.dma_semaphore, #tpu.memory_space<semaphore_mem>>) src(%dma_wait3A_218 : memref<10000xi32, #tpu.memory_space<hbm>>) dst(%dma_wait3A_217 : memref<10000xi32, #tpu.memory_space<vmem>>)
      tpu.yield
    }) : () -> ()
    %scan3A = arith.constant 0 : i32
    %scan3A_1 = arith.constant 625 : i32
    %scan3A_2 = arith.addi %scan3A, %scan3A_1 : i32
    %scan3A_3 = arith.constant 1 : i32
    scf.for %scan3A_207 = %scan3A to %scan3A_2 step %scan3A_3  : i32 {
      %mul3A_208 = arith.constant 16 : i32
      %mul3A_209 = arith.muli %scan3A_207, %mul3A_208 : i32
      %get3A = arith.index_cast %mul3A_209 : i32 to index
      %get3A_210 = tpu.vector_load %arg5[%get3A] {strides = array<i32>} : memref<10000xi32, #tpu.memory_space<vmem>>, vector<16xi32>,
      %get3A_211 = vector.shape_cast %get3A_210 : vector<16xi32> to vector<16xi32>
      %mul3A_212 = arith.constant 10000 : i32
      %mul3A_213 = arith.muli %arg0, %mul3A_212 : i32
      %add3A_214 = vector.broadcast %mul3A_213 : i32 to vector<16xi32>
      %add3A_215 = arith.addi %get3A_211, %add3A_214 : vector<16xi32>
      %swap3A = arith.index_cast %mul3A_209 : i32 to index
      %swap3A_216 = tpu.vector_load %arg5[%swap3A] {strides = array<i32>} : memref<10000xi32, #tpu.memory_space<vmem>>, vector<16xi32>,
      %swap3A_217 = vector.shape_cast %swap3A_216 : vector<16xi32> to vector<16xi32>
      %swap3A_218 = vector.shape_cast %add3A_215 : vector<16xi32> to vector<16xi32>
      tpu.vector_store %arg5[%swap3A], %swap3A_218 {strides = array<i32>} : memref<10000xi32, #tpu.memory_space<vmem>>, vector<16xi32>,
    }
    %scan3A_4 = arith.constant 625 : i32
    %scan3A_5 = arith.constant 0 : i32
    %scan3A_6 = arith.constant 640 : i32
    %scan3A_7 = arith.addi %scan3A_5, %scan3A_6 : i32
    %scan3A_8 = arith.constant 1 : i32
    scf.for %scan3A_207 = %scan3A_5 to %scan3A_7 step %scan3A_8  : i32 {
      %broadcast_in_dim3A = arith.constant 0.000000e+00 : f32
      %broadcast_in_dim3A_208 = vector.broadcast %broadcast_in_dim3A : f32 to vector<16xf32>
      %jit3A = arith.constant 8 : i32
      %div3A = arith.divsi %scan3A_207, %jit3A : i32
      %sign3A = arith.constant 0 : i32
      %sign3A_209 = arith.cmpi sgt, %scan3A_207, %sign3A : i32
      %sign3A_210 = arith.extui %sign3A_209 : i1 to i32
      %sign3A_211 = arith.constant 0 : i32
      %sign3A_212 = arith.cmpi slt, %scan3A_207, %sign3A_211 : i32
      %sign3A_213 = arith.extui %sign3A_212 : i1 to i32
      %sign3A_214 = arith.subi %sign3A_210, %sign3A_213 : i32
      %sign3A_215 = arith.constant 0 : i32
      %sign3A_216 = arith.cmpi sgt, %jit3A, %sign3A_215 : i32
      %sign3A_217 = arith.extui %sign3A_216 : i1 to i32
      %sign3A_218 = arith.constant 0 : i32
      %sign3A_219 = arith.cmpi slt, %jit3A, %sign3A_218 : i32
      %sign3A_220 = arith.extui %sign3A_219 : i1 to i32
      %sign3A_221 = arith.subi %sign3A_217, %sign3A_220 : i32
      %ne3A = arith.cmpi ne, %sign3A_214, %sign3A_221 : i32
      %rem3A = arith.remsi %scan3A_207, %jit3A : i32
      %ne3A_222 = arith.constant 0 : i32
      %ne3A_223 = arith.cmpi ne, %rem3A, %ne3A_222 : i32
      %and3A = arith.andi %ne3A, %ne3A_223 : i1
      %sub3A = arith.constant 1 : i32
      %sub3A_224 = arith.subi %div3A, %sub3A : i32
      %select_n3A = arith.select %and3A, %sub3A_224, %div3A : i32
      %jit3A_225 = arith.constant 8 : i32
      %eq3A_226 = arith.constant 0 : i32
      %eq3A_227 = arith.cmpi eq, %jit3A_225, %eq3A_226 : i32
      %jit3A_228 = arith.constant 1 : i32
      %select_n3A_229 = arith.select %eq3A_227, %jit3A_228, %jit3A_225 : i32
      %rem3A_230 = arith.remsi %scan3A_207, %select_n3A_229 : i32
      %ne3A_231 = arith.constant 0 : i32
      %ne3A_232 = arith.cmpi ne, %rem3A_230, %ne3A_231 : i32
      %lt3A = arith.constant 0 : i32
      %lt3A_233 = arith.cmpi slt, %rem3A_230, %lt3A : i32
      %lt3A_234 = arith.constant 0 : i32
      %lt3A_235 = arith.cmpi slt, %select_n3A_229, %lt3A_234 : i32
      %ne3A_236 = arith.xori %lt3A_233, %lt3A_235 : i1
      %and3A_237 = arith.andi %ne3A_236, %ne3A_232 : i1
      %add3A_238 = arith.addi %rem3A_230, %select_n3A_229 : i32
      %select_n3A_239 = arith.select %and3A_237, %add3A_238, %rem3A_230 : i32
      %mul3A_240 = arith.constant 16 : i32
      %mul3A_241 = arith.muli %select_n3A_239, %mul3A_240 : i32
      %swap3A = arith.index_cast %select_n3A : i32 to index
      %swap3A_242 = arith.index_cast %mul3A_241 : i32 to index
      %swap3A_243 = tpu.vector_load %arg9[%swap3A, %swap3A_242] {strides = array<i32>} : memref<80x128xf32, #tpu.memory_space<vmem>>, vector<1x16xf32>,
      %swap3A_244 = vector.shape_cast %swap3A_243 : vector<1x16xf32> to vector<16xf32>
      %swap3A_245 = vector.shape_cast %broadcast_in_dim3A_208 : vector<16xf32> to vector<1x16xf32>
      tpu.vector_store %arg9[%swap3A, %swap3A_242], %swap3A_245 {strides = array<i32>} : memref<80x128xf32, #tpu.memory_space<vmem>>, vector<1x16xf32>,
    }
    %scan3A_9 = arith.constant 640 : i32
    %mul3A_10 = arith.constant 624 : i32
    %mul3A_11 = arith.muli %arg1, %mul3A_10 : i32
    %add3A = arith.constant 0 : i32
    %add3A_12 = arith.addi %mul3A_11, %add3A : i32
    "tpu.region"() ({
      %run_scoped3A = tpu.sem_alloc : memref<!tpu.dma_semaphore, #tpu.memory_space<semaphore_mem>>
      %dma_start3A_207 = arith.constant 0 : i32
      %dma_start3A_208 = tpu.memref_slice %arg12[%add3A_12, %dma_start3A_207] : memref<10000x128xf32, #tpu.memory_space<vmem_shared>> -> memref<80x128xf32, #tpu.memory_space<vmem_shared>>
      %dma_start3A_209 = arith.constant 0 : i32
      %dma_start3A_210 = tpu.memref_slice %arg12[%add3A_12, %dma_start3A_209] : memref<10000x128xf32, #tpu.memory_space<vmem_shared>> -> memref<80x128xf32, #tpu.memory_space<vmem_shared>>
      tpu.enqueue_dma source(%arg9 : memref<80x128xf32, #tpu.memory_space<vmem>>) target(%dma_start3A_210 : memref<80x128xf32, #tpu.memory_space<vmem_shared>>) target_semaphore(%run_scoped3A : memref<!tpu.dma_semaphore, #tpu.memory_space<semaphore_mem>>)
      %dma_wait3A_211 = arith.constant 0 : i32
      %dma_wait3A_212 = tpu.memref_slice %arg12[%add3A_12, %dma_wait3A_211] : memref<10000x128xf32, #tpu.memory_space<vmem_shared>> -> memref<80x128xf32, #tpu.memory_space<vmem_shared>>
      %dma_wait3A_213 = arith.constant 0 : i32
      %dma_wait3A_214 = tpu.memref_slice %arg12[%add3A_12, %dma_wait3A_213] : memref<10000x128xf32, #tpu.memory_space<vmem_shared>> -> memref<80x128xf32, #tpu.memory_space<vmem_shared>>
      tpu.wait_dma2 semaphore(%run_scoped3A : memref<!tpu.dma_semaphore, #tpu.memory_space<semaphore_mem>>) src(%arg9 : memref<80x128xf32, #tpu.memory_space<vmem>>) dst(%dma_wait3A_214 : memref<80x128xf32, #tpu.memory_space<vmem_shared>>)
      tpu.yield
    }) : () -> ()
    %mul3A_13 = arith.constant 624 : i32
    %mul3A_14 = arith.muli %arg1, %mul3A_13 : i32
    %add3A_15 = arith.constant 80 : i32
    %add3A_16 = arith.addi %mul3A_14, %add3A_15 : i32
    "tpu.region"() ({
      %run_scoped3A = tpu.sem_alloc : memref<!tpu.dma_semaphore, #tpu.memory_space<semaphore_mem>>
      %dma_start3A_207 = arith.constant 0 : i32
      %dma_start3A_208 = tpu.memref_slice %arg12[%add3A_16, %dma_start3A_207] : memref<10000x128xf32, #tpu.memory_space<vmem_shared>> -> memref<80x128xf32, #tpu.memory_space<vmem_shared>>
      %dma_start3A_209 = arith.constant 0 : i32
      %dma_start3A_210 = tpu.memref_slice %arg12[%add3A_16, %dma_start3A_209] : memref<10000x128xf32, #tpu.memory_space<vmem_shared>> -> memref<80x128xf32, #tpu.memory_space<vmem_shared>>
      tpu.enqueue_dma source(%arg9 : memref<80x128xf32, #tpu.memory_space<vmem>>) target(%dma_start3A_210 : memref<80x128xf32, #tpu.memory_space<vmem_shared>>) target_semaphore(%run_scoped3A : memref<!tpu.dma_semaphore, #tpu.memory_space<semaphore_mem>>)
      %dma_wait3A_211 = arith.constant 0 : i32
      %dma_wait3A_212 = tpu.memref_slice %arg12[%add3A_16, %dma_wait3A_211] : memref<10000x128xf32, #tpu.memory_space<vmem_shared>> -> memref<80x128xf32, #tpu.memory_space<vmem_shared>>
      %dma_wait3A_213 = arith.constant 0 : i32
      %dma_wait3A_214 = tpu.memref_slice %arg12[%add3A_16, %dma_wait3A_213] : memref<10000x128xf32, #tpu.memory_space<vmem_shared>> -> memref<80x128xf32, #tpu.memory_space<vmem_shared>>
      tpu.wait_dma2 semaphore(%run_scoped3A : memref<!tpu.dma_semaphore, #tpu.memory_space<semaphore_mem>>) src(%arg9 : memref<80x128xf32, #tpu.memory_space<vmem>>) dst(%dma_wait3A_214 : memref<80x128xf32, #tpu.memory_space<vmem_shared>>)
      tpu.yield
    }) : () -> ()
    %mul3A_17 = arith.constant 624 : i32
    %mul3A_18 = arith.muli %arg1, %mul3A_17 : i32
    %add3A_19 = arith.constant 160 : i32
    %add3A_20 = arith.addi %mul3A_18, %add3A_19 : i32
    "tpu.region"() ({
      %run_scoped3A = tpu.sem_alloc : memref<!tpu.dma_semaphore, #tpu.memory_space<semaphore_mem>>
      %dma_start3A_207 = arith.constant 0 : i32
      %dma_start3A_208 = tpu.memref_slice %arg12[%add3A_20, %dma_start3A_207] : memref<10000x128xf32, #tpu.memory_space<vmem_shared>> -> memref<80x128xf32, #tpu.memory_space<vmem_shared>>
      %dma_start3A_209 = arith.constant 0 : i32
      %dma_start3A_210 = tpu.memref_slice %arg12[%add3A_20, %dma_start3A_209] : memref<10000x128xf32, #tpu.memory_space<vmem_shared>> -> memref<80x128xf32, #tpu.memory_space<vmem_shared>>
      tpu.enqueue_dma source(%arg9 : memref<80x128xf32, #tpu.memory_space<vmem>>) target(%dma_start3A_210 : memref<80x128xf32, #tpu.memory_space<vmem_shared>>) target_semaphore(%run_scoped3A : memref<!tpu.dma_semaphore, #tpu.memory_space<semaphore_mem>>)
      %dma_wait3A_211 = arith.constant 0 : i32
      %dma_wait3A_212 = tpu.memref_slice %arg12[%add3A_20, %dma_wait3A_211] : memref<10000x128xf32, #tpu.memory_space<vmem_shared>> -> memref<80x128xf32, #tpu.memory_space<vmem_shared>>
      %dma_wait3A_213 = arith.constant 0 : i32
      %dma_wait3A_214 = tpu.memref_slice %arg12[%add3A_20, %dma_wait3A_213] : memref<10000x128xf32, #tpu.memory_space<vmem_shared>> -> memref<80x128xf32, #tpu.memory_space<vmem_shared>>
      tpu.wait_dma2 semaphore(%run_scoped3A : memref<!tpu.dma_semaphore, #tpu.memory_space<semaphore_mem>>) src(%arg9 : memref<80x128xf32, #tpu.memory_space<vmem>>) dst(%dma_wait3A_214 : memref<80x128xf32, #tpu.memory_space<vmem_shared>>)
      tpu.yield
    }) : () -> ()
    %mul3A_21 = arith.constant 624 : i32
    %mul3A_22 = arith.muli %arg1, %mul3A_21 : i32
    %add3A_23 = arith.constant 240 : i32
    %add3A_24 = arith.addi %mul3A_22, %add3A_23 : i32
    "tpu.region"() ({
      %run_scoped3A = tpu.sem_alloc : memref<!tpu.dma_semaphore, #tpu.memory_space<semaphore_mem>>
      %dma_start3A_207 = arith.constant 0 : i32
      %dma_start3A_208 = tpu.memref_slice %arg12[%add3A_24, %dma_start3A_207] : memref<10000x128xf32, #tpu.memory_space<vmem_shared>> -> memref<80x128xf32, #tpu.memory_space<vmem_shared>>
      %dma_start3A_209 = arith.constant 0 : i32
      %dma_start3A_210 = tpu.memref_slice %arg12[%add3A_24, %dma_start3A_209] : memref<10000x128xf32, #tpu.memory_space<vmem_shared>> -> memref<80x128xf32, #tpu.memory_space<vmem_shared>>
      tpu.enqueue_dma source(%arg9 : memref<80x128xf32, #tpu.memory_space<vmem>>) target(%dma_start3A_210 : memref<80x128xf32, #tpu.memory_space<vmem_shared>>) target_semaphore(%run_scoped3A : memref<!tpu.dma_semaphore, #tpu.memory_space<semaphore_mem>>)
      %dma_wait3A_211 = arith.constant 0 : i32
      %dma_wait3A_212 = tpu.memref_slice %arg12[%add3A_24, %dma_wait3A_211] : memref<10000x128xf32, #tpu.memory_space<vmem_shared>> -> memref<80x128xf32, #tpu.memory_space<vmem_shared>>
      %dma_wait3A_213 = arith.constant 0 : i32
      %dma_wait3A_214 = tpu.memref_slice %arg12[%add3A_24, %dma_wait3A_213] : memref<10000x128xf32, #tpu.memory_space<vmem_shared>> -> memref<80x128xf32, #tpu.memory_space<vmem_shared>>
      tpu.wait_dma2 semaphore(%run_scoped3A : memref<!tpu.dma_semaphore, #tpu.memory_space<semaphore_mem>>) src(%arg9 : memref<80x128xf32, #tpu.memory_space<vmem>>) dst(%dma_wait3A_214 : memref<80x128xf32, #tpu.memory_space<vmem_shared>>)
      tpu.yield
    }) : () -> ()
    %mul3A_25 = arith.constant 624 : i32
    %mul3A_26 = arith.muli %arg1, %mul3A_25 : i32
    %add3A_27 = arith.constant 320 : i32
    %add3A_28 = arith.addi %mul3A_26, %add3A_27 : i32
    "tpu.region"() ({
      %run_scoped3A = tpu.sem_alloc : memref<!tpu.dma_semaphore, #tpu.memory_space<semaphore_mem>>
      %dma_start3A_207 = arith.constant 0 : i32
      %dma_start3A_208 = tpu.memref_slice %arg12[%add3A_28, %dma_start3A_207] : memref<10000x128xf32, #tpu.memory_space<vmem_shared>> -> memref<80x128xf32, #tpu.memory_space<vmem_shared>>
      %dma_start3A_209 = arith.constant 0 : i32
      %dma_start3A_210 = tpu.memref_slice %arg12[%add3A_28, %dma_start3A_209] : memref<10000x128xf32, #tpu.memory_space<vmem_shared>> -> memref<80x128xf32, #tpu.memory_space<vmem_shared>>
      tpu.enqueue_dma source(%arg9 : memref<80x128xf32, #tpu.memory_space<vmem>>) target(%dma_start3A_210 : memref<80x128xf32, #tpu.memory_space<vmem_shared>>) target_semaphore(%run_scoped3A : memref<!tpu.dma_semaphore, #tpu.memory_space<semaphore_mem>>)
      %dma_wait3A_211 = arith.constant 0 : i32
      %dma_wait3A_212 = tpu.memref_slice %arg12[%add3A_28, %dma_wait3A_211] : memref<10000x128xf32, #tpu.memory_space<vmem_shared>> -> memref<80x128xf32, #tpu.memory_space<vmem_shared>>
      %dma_wait3A_213 = arith.constant 0 : i32
      %dma_wait3A_214 = tpu.memref_slice %arg12[%add3A_28, %dma_wait3A_213] : memref<10000x128xf32, #tpu.memory_space<vmem_shared>> -> memref<80x128xf32, #tpu.memory_space<vmem_shared>>
      tpu.wait_dma2 semaphore(%run_scoped3A : memref<!tpu.dma_semaphore, #tpu.memory_space<semaphore_mem>>) src(%arg9 : memref<80x128xf32, #tpu.memory_space<vmem>>) dst(%dma_wait3A_214 : memref<80x128xf32, #tpu.memory_space<vmem_shared>>)
      tpu.yield
    }) : () -> ()
    %mul3A_29 = arith.constant 624 : i32
    %mul3A_30 = arith.muli %arg1, %mul3A_29 : i32
    %add3A_31 = arith.constant 400 : i32
    %add3A_32 = arith.addi %mul3A_30, %add3A_31 : i32
    "tpu.region"() ({
      %run_scoped3A = tpu.sem_alloc : memref<!tpu.dma_semaphore, #tpu.memory_space<semaphore_mem>>
      %dma_start3A_207 = arith.constant 0 : i32
      %dma_start3A_208 = tpu.memref_slice %arg12[%add3A_32, %dma_start3A_207] : memref<10000x128xf32, #tpu.memory_space<vmem_shared>> -> memref<80x128xf32, #tpu.memory_space<vmem_shared>>
      %dma_start3A_209 = arith.constant 0 : i32
      %dma_start3A_210 = tpu.memref_slice %arg12[%add3A_32, %dma_start3A_209] : memref<10000x128xf32, #tpu.memory_space<vmem_shared>> -> memref<80x128xf32, #tpu.memory_space<vmem_shared>>
      tpu.enqueue_dma source(%arg9 : memref<80x128xf32, #tpu.memory_space<vmem>>) target(%dma_start3A_210 : memref<80x128xf32, #tpu.memory_space<vmem_shared>>) target_semaphore(%run_scoped3A : memref<!tpu.dma_semaphore, #tpu.memory_space<semaphore_mem>>)
      %dma_wait3A_211 = arith.constant 0 : i32
      %dma_wait3A_212 = tpu.memref_slice %arg12[%add3A_32, %dma_wait3A_211] : memref<10000x128xf32, #tpu.memory_space<vmem_shared>> -> memref<80x128xf32, #tpu.memory_space<vmem_shared>>
      %dma_wait3A_213 = arith.constant 0 : i32
      %dma_wait3A_214 = tpu.memref_slice %arg12[%add3A_32, %dma_wait3A_213] : memref<10000x128xf32, #tpu.memory_space<vmem_shared>> -> memref<80x128xf32, #tpu.memory_space<vmem_shared>>
      tpu.wait_dma2 semaphore(%run_scoped3A : memref<!tpu.dma_semaphore, #tpu.memory_space<semaphore_mem>>) src(%arg9 : memref<80x128xf32, #tpu.memory_space<vmem>>) dst(%dma_wait3A_214 : memref<80x128xf32, #tpu.memory_space<vmem_shared>>)
      tpu.yield
    }) : () -> ()
    %mul3A_33 = arith.constant 624 : i32
    %mul3A_34 = arith.muli %arg1, %mul3A_33 : i32
    %add3A_35 = arith.constant 480 : i32
    %add3A_36 = arith.addi %mul3A_34, %add3A_35 : i32
    "tpu.region"() ({
      %run_scoped3A = tpu.sem_alloc : memref<!tpu.dma_semaphore, #tpu.memory_space<semaphore_mem>>
      %dma_start3A_207 = arith.constant 0 : i32
      %dma_start3A_208 = tpu.memref_slice %arg12[%add3A_36, %dma_start3A_207] : memref<10000x128xf32, #tpu.memory_space<vmem_shared>> -> memref<80x128xf32, #tpu.memory_space<vmem_shared>>
      %dma_start3A_209 = arith.constant 0 : i32
      %dma_start3A_210 = tpu.memref_slice %arg12[%add3A_36, %dma_start3A_209] : memref<10000x128xf32, #tpu.memory_space<vmem_shared>> -> memref<80x128xf32, #tpu.memory_space<vmem_shared>>
      tpu.enqueue_dma source(%arg9 : memref<80x128xf32, #tpu.memory_space<vmem>>) target(%dma_start3A_210 : memref<80x128xf32, #tpu.memory_space<vmem_shared>>) target_semaphore(%run_scoped3A : memref<!tpu.dma_semaphore, #tpu.memory_space<semaphore_mem>>)
      %dma_wait3A_211 = arith.constant 0 : i32
      %dma_wait3A_212 = tpu.memref_slice %arg12[%add3A_36, %dma_wait3A_211] : memref<10000x128xf32, #tpu.memory_space<vmem_shared>> -> memref<80x128xf32, #tpu.memory_space<vmem_shared>>
      %dma_wait3A_213 = arith.constant 0 : i32
      %dma_wait3A_214 = tpu.memref_slice %arg12[%add3A_36, %dma_wait3A_213] : memref<10000x128xf32, #tpu.memory_space<vmem_shared>> -> memref<80x128xf32, #tpu.memory_space<vmem_shared>>
      tpu.wait_dma2 semaphore(%run_scoped3A : memref<!tpu.dma_semaphore, #tpu.memory_space<semaphore_mem>>) src(%arg9 : memref<80x128xf32, #tpu.memory_space<vmem>>) dst(%dma_wait3A_214 : memref<80x128xf32, #tpu.memory_space<vmem_shared>>)
      tpu.yield
    }) : () -> ()
    %mul3A_37 = arith.constant 624 : i32
    %mul3A_38 = arith.muli %arg1, %mul3A_37 : i32
    %add3A_39 = arith.constant 560 : i32
    %add3A_40 = arith.addi %mul3A_38, %add3A_39 : i32
    "tpu.region"() ({
      %run_scoped3A = tpu.sem_alloc : memref<!tpu.dma_semaphore, #tpu.memory_space<semaphore_mem>>
      %dma_start3A_207 = arith.constant 0 : i32
      %dma_start3A_208 = arith.constant 0 : i32
      %dma_start3A_209 = tpu.memref_slice %arg9[%dma_start3A_207, %dma_start3A_208] : memref<80x128xf32, #tpu.memory_space<vmem>> -> memref<64x128xf32, #tpu.memory_space<vmem>>
      %dma_start3A_210 = arith.constant 0 : i32
      %dma_start3A_211 = tpu.memref_slice %arg12[%add3A_40, %dma_start3A_210] : memref<10000x128xf32, #tpu.memory_space<vmem_shared>> -> memref<64x128xf32, #tpu.memory_space<vmem_shared>>
      %dma_start3A_212 = arith.constant 0 : i32
      %dma_start3A_213 = tpu.memref_slice %arg12[%add3A_40, %dma_start3A_212] : memref<10000x128xf32, #tpu.memory_space<vmem_shared>> -> memref<64x128xf32, #tpu.memory_space<vmem_shared>>
      %dma_start3A_214 = arith.constant 0 : i32
      %dma_start3A_215 = arith.constant 0 : i32
      %dma_start3A_216 = tpu.memref_slice %arg9[%dma_start3A_214, %dma_start3A_215] : memref<80x128xf32, #tpu.memory_space<vmem>> -> memref<64x128xf32, #tpu.memory_space<vmem>>
      tpu.enqueue_dma source(%dma_start3A_216 : memref<64x128xf32, #tpu.memory_space<vmem>>) target(%dma_start3A_213 : memref<64x128xf32, #tpu.memory_space<vmem_shared>>) target_semaphore(%run_scoped3A : memref<!tpu.dma_semaphore, #tpu.memory_space<semaphore_mem>>)
      %dma_wait3A_217 = arith.constant 0 : i32
      %dma_wait3A_218 = arith.constant 0 : i32
      %dma_wait3A_219 = tpu.memref_slice %arg9[%dma_wait3A_217, %dma_wait3A_218] : memref<80x128xf32, #tpu.memory_space<vmem>> -> memref<64x128xf32, #tpu.memory_space<vmem>>
      %dma_wait3A_220 = arith.constant 0 : i32
      %dma_wait3A_221 = tpu.memref_slice %arg12[%add3A_40, %dma_wait3A_220] : memref<10000x128xf32, #tpu.memory_space<vmem_shared>> -> memref<64x128xf32, #tpu.memory_space<vmem_shared>>
      %dma_wait3A_222 = arith.constant 0 : i32
      %dma_wait3A_223 = tpu.memref_slice %arg12[%add3A_40, %dma_wait3A_222] : memref<10000x128xf32, #tpu.memory_space<vmem_shared>> -> memref<64x128xf32, #tpu.memory_space<vmem_shared>>
      %dma_wait3A_224 = arith.constant 0 : i32
      %dma_wait3A_225 = arith.constant 0 : i32
      %dma_wait3A_226 = tpu.memref_slice %arg9[%dma_wait3A_224, %dma_wait3A_225] : memref<80x128xf32, #tpu.memory_space<vmem>> -> memref<64x128xf32, #tpu.memory_space<vmem>>
      tpu.wait_dma2 semaphore(%run_scoped3A : memref<!tpu.dma_semaphore, #tpu.memory_space<semaphore_mem>>) src(%dma_wait3A_226 : memref<64x128xf32, #tpu.memory_space<vmem>>) dst(%dma_wait3A_223 : memref<64x128xf32, #tpu.memory_space<vmem_shared>>)
      tpu.yield
    }) : () -> ()
    %eq3A = arith.constant 0 : i32
    %eq3A_41 = arith.cmpi eq, %arg1, %eq3A : i32
    %convert_element_type3A = arith.extui %eq3A_41 : i1 to i32
    %cond3A = arith.constant 0 : i32
    %cond3A_42 = arith.cmpi ne, %convert_element_type3A, %cond3A : i32
    scf.if %cond3A_42 {
      "tpu.region"() ({
        %run_scoped3A = tpu.sem_alloc : memref<!tpu.dma_semaphore, #tpu.memory_space<semaphore_mem>>
        %dma_start3A_207 = arith.constant 0 : i32
        %dma_start3A_208 = arith.constant 0 : i32
        %dma_start3A_209 = tpu.memref_slice %arg9[%dma_start3A_207, %dma_start3A_208] : memref<80x128xf32, #tpu.memory_space<vmem>> -> memref<16x128xf32, #tpu.memory_space<vmem>>
        %dma_start3A_210 = arith.constant 9984 : i32
        %dma_start3A_211 = arith.constant 0 : i32
        %dma_start3A_212 = tpu.memref_slice %arg12[%dma_start3A_210, %dma_start3A_211] : memref<10000x128xf32, #tpu.memory_space<vmem_shared>> -> memref<16x128xf32, #tpu.memory_space<vmem_shared>>
        %dma_start3A_213 = arith.constant 9984 : i32
        %dma_start3A_214 = arith.constant 0 : i32
        %dma_start3A_215 = tpu.memref_slice %arg12[%dma_start3A_213, %dma_start3A_214] : memref<10000x128xf32, #tpu.memory_space<vmem_shared>> -> memref<16x128xf32, #tpu.memory_space<vmem_shared>>
        %dma_start3A_216 = arith.constant 0 : i32
        %dma_start3A_217 = arith.constant 0 : i32
        %dma_start3A_218 = tpu.memref_slice %arg9[%dma_start3A_216, %dma_start3A_217] : memref<80x128xf32, #tpu.memory_space<vmem>> -> memref<16x128xf32, #tpu.memory_space<vmem>>
        tpu.enqueue_dma source(%dma_start3A_218 : memref<16x128xf32, #tpu.memory_space<vmem>>) target(%dma_start3A_215 : memref<16x128xf32, #tpu.memory_space<vmem_shared>>) target_semaphore(%run_scoped3A : memref<!tpu.dma_semaphore, #tpu.memory_space<semaphore_mem>>)
        %dma_wait3A_219 = arith.constant 0 : i32
        %dma_wait3A_220 = arith.constant 0 : i32
        %dma_wait3A_221 = tpu.memref_slice %arg9[%dma_wait3A_219, %dma_wait3A_220] : memref<80x128xf32, #tpu.memory_space<vmem>> -> memref<16x128xf32, #tpu.memory_space<vmem>>
        %dma_wait3A_222 = arith.constant 9984 : i32
        %dma_wait3A_223 = arith.constant 0 : i32
        %dma_wait3A_224 = tpu.memref_slice %arg12[%dma_wait3A_222, %dma_wait3A_223] : memref<10000x128xf32, #tpu.memory_space<vmem_shared>> -> memref<16x128xf32, #tpu.memory_space<vmem_shared>>
        %dma_wait3A_225 = arith.constant 9984 : i32
        %dma_wait3A_226 = arith.constant 0 : i32
        %dma_wait3A_227 = tpu.memref_slice %arg12[%dma_wait3A_225, %dma_wait3A_226] : memref<10000x128xf32, #tpu.memory_space<vmem_shared>> -> memref<16x128xf32, #tpu.memory_space<vmem_shared>>
        %dma_wait3A_228 = arith.constant 0 : i32
        %dma_wait3A_229 = arith.constant 0 : i32
        %dma_wait3A_230 = tpu.memref_slice %arg9[%dma_wait3A_228, %dma_wait3A_229] : memref<80x128xf32, #tpu.memory_space<vmem>> -> memref<16x128xf32, #tpu.memory_space<vmem>>
        tpu.wait_dma2 semaphore(%run_scoped3A : memref<!tpu.dma_semaphore, #tpu.memory_space<semaphore_mem>>) src(%dma_wait3A_230 : memref<16x128xf32, #tpu.memory_space<vmem>>) dst(%dma_wait3A_227 : memref<16x128xf32, #tpu.memory_space<vmem_shared>>)
        tpu.yield
      }) : () -> ()
    } else {
    }
    %barrier3A = arith.constant 0 : index
    tpu.barrier barrier_id(%barrier3A)
    %mul3A_43 = arith.constant 10000 : i32
    %mul3A_44 = arith.muli %arg1, %mul3A_43 : i32
    %add3A_45 = arith.constant 160000 : i32
    %add3A_46 = arith.addi %add3A_45, %mul3A_44 : i32
    %add3A_47 = arith.constant 0 : i32
    %add3A_48 = arith.addi %add3A_46, %add3A_47 : i32
    %dma_start3A = tpu.memref_slice %arg3[%add3A_48] : memref<320000xi32, #tpu.memory_space<hbm>> -> memref<80xi32, #tpu.memory_space<hbm>>
    %dma_start3A_49 = tpu.memref_slice %arg3[%add3A_48] : memref<320000xi32, #tpu.memory_space<hbm>> -> memref<80xi32, #tpu.memory_space<hbm>>
    tpu.enqueue_dma source(%dma_start3A_49 : memref<80xi32, #tpu.memory_space<hbm>>) target(%arg6 : memref<80xi32, #tpu.memory_space<vmem>>) target_semaphore(%arg19 : memref<!tpu.dma_semaphore, #tpu.memory_space<semaphore_mem>>)
    %dma_start3A_50 = arith.constant 0 : i32
    %dma_start3A_51 = tpu.memref_slice %arg5[%dma_start3A_50] : memref<10000xi32, #tpu.memory_space<vmem>> -> memref<80xi32, #tpu.memory_space<vmem>>
    %dma_start3A_52 = arith.constant 0 : i32
    %dma_start3A_53 = arith.constant 0 : i32
    %dma_start3A_54 = tpu.memref_slice %arg2[%dma_start3A_52, %dma_start3A_53] : memref<20000x128xf32, #tpu.memory_space<hbm>> -> memref<20000x128xf32, #tpu.memory_space<hbm>>
    tpu.enqueue_indirect_dma source(%dma_start3A_54 : memref<20000x128xf32, #tpu.memory_space<hbm>>) target(%arg9 : memref<80x128xf32, #tpu.memory_space<vmem>>) offsets(%dma_start3A_51 : memref<80xi32, #tpu.memory_space<vmem>>) semaphore(%arg13 : memref<!tpu.dma_semaphore, #tpu.memory_space<semaphore_mem>>)
    %mul3A_55 = arith.constant 10000 : i32
    %mul3A_56 = arith.muli %arg1, %mul3A_55 : i32
    %add3A_57 = arith.constant 160000 : i32
    %add3A_58 = arith.addi %add3A_57, %mul3A_56 : i32
    %add3A_59 = arith.constant 80 : i32
    %add3A_60 = arith.addi %add3A_58, %add3A_59 : i32
    %dma_start3A_61 = tpu.memref_slice %arg3[%add3A_60] : memref<320000xi32, #tpu.memory_space<hbm>> -> memref<80xi32, #tpu.memory_space<hbm>>
    %dma_start3A_62 = tpu.memref_slice %arg3[%add3A_60] : memref<320000xi32, #tpu.memory_space<hbm>> -> memref<80xi32, #tpu.memory_space<hbm>>
    tpu.enqueue_dma source(%dma_start3A_62 : memref<80xi32, #tpu.memory_space<hbm>>) target(%arg7 : memref<80xi32, #tpu.memory_space<vmem>>) target_semaphore(%arg20 : memref<!tpu.dma_semaphore, #tpu.memory_space<semaphore_mem>>)
    %dma_start3A_63 = arith.constant 80 : i32
    %dma_start3A_64 = tpu.memref_slice %arg5[%dma_start3A_63] : memref<10000xi32, #tpu.memory_space<vmem>> -> memref<80xi32, #tpu.memory_space<vmem>>
    %dma_start3A_65 = arith.constant 0 : i32
    %dma_start3A_66 = arith.constant 0 : i32
    %dma_start3A_67 = tpu.memref_slice %arg2[%dma_start3A_65, %dma_start3A_66] : memref<20000x128xf32, #tpu.memory_space<hbm>> -> memref<20000x128xf32, #tpu.memory_space<hbm>>
    tpu.enqueue_indirect_dma source(%dma_start3A_67 : memref<20000x128xf32, #tpu.memory_space<hbm>>) target(%arg10 : memref<80x128xf32, #tpu.memory_space<vmem>>) offsets(%dma_start3A_64 : memref<80xi32, #tpu.memory_space<vmem>>) semaphore(%arg14 : memref<!tpu.dma_semaphore, #tpu.memory_space<semaphore_mem>>)
    %scan3A_68 = arith.constant 0 : i32
    %scan3A_69 = arith.constant 41 : i32
    %scan3A_70 = arith.addi %scan3A_68, %scan3A_69 : i32
    %scan3A_71 = arith.constant 1 : i32
    scf.for %scan3A_207 = %scan3A_68 to %scan3A_70 step %scan3A_71  : i32 {
      %mul3A_208 = arith.constant 3 : i32
      %mul3A_209 = arith.muli %mul3A_208, %scan3A_207 : i32
      %add3A_210 = arith.constant 0 : i32
      %add3A_211 = arith.addi %mul3A_209, %add3A_210 : i32
      %mul3A_212 = arith.constant 80 : i32
      %mul3A_213 = arith.muli %add3A_211, %mul3A_212 : i32
      %dma_wait3A_214 = tpu.memref_slice %arg5[%mul3A_213] : memref<10000xi32, #tpu.memory_space<vmem>> -> memref<80xi32, #tpu.memory_space<vmem>>
      %dma_wait3A_215 = arith.constant 0 : i32
      %dma_wait3A_216 = arith.constant 0 : i32
      %dma_wait3A_217 = tpu.memref_slice %arg2[%dma_wait3A_215, %dma_wait3A_216] : memref<20000x128xf32, #tpu.memory_space<hbm>> -> memref<20000x128xf32, #tpu.memory_space<hbm>>
      tpu.wait_indirect_dma semaphore(%arg13 : memref<!tpu.dma_semaphore, #tpu.memory_space<semaphore_mem>>) src(%dma_wait3A_217 : memref<20000x128xf32, #tpu.memory_space<hbm>>) dst(%arg9 : memref<80x128xf32, #tpu.memory_space<vmem>>)
      %mul3A_218 = arith.constant 10000 : i32
      %mul3A_219 = arith.muli %arg1, %mul3A_218 : i32
      %add3A_220 = arith.constant 160000 : i32
      %add3A_221 = arith.addi %add3A_220, %mul3A_219 : i32
      %mul3A_222 = arith.constant 80 : i32
      %mul3A_223 = arith.muli %add3A_211, %mul3A_222 : i32
      %add3A_224 = arith.addi %add3A_221, %mul3A_223 : i32
      %dma_wait3A_225 = tpu.memref_slice %arg3[%add3A_224] : memref<320000xi32, #tpu.memory_space<hbm>> -> memref<80xi32, #tpu.memory_space<hbm>>
      %dma_wait3A_226 = tpu.memref_slice %arg3[%add3A_224] : memref<320000xi32, #tpu.memory_space<hbm>> -> memref<80xi32, #tpu.memory_space<hbm>>
      tpu.wait_dma2 semaphore(%arg19 : memref<!tpu.dma_semaphore, #tpu.memory_space<semaphore_mem>>) src(%dma_wait3A_226 : memref<80xi32, #tpu.memory_space<hbm>>) dst(%arg6 : memref<80xi32, #tpu.memory_space<vmem>>)
      %dma_start3A_227 = arith.constant 0 : i32
      %dma_start3A_228 = arith.constant 0 : i32
      %dma_start3A_229 = tpu.memref_slice %arg12[%dma_start3A_227, %dma_start3A_228] : memref<10000x128xf32, #tpu.memory_space<vmem_shared>> -> memref<10000x128xf32, #tpu.memory_space<vmem_shared>>
      tpu.enqueue_indirect_dma source(%arg9 : memref<80x128xf32, #tpu.memory_space<vmem>>) target(%dma_start3A_229 : memref<10000x128xf32, #tpu.memory_space<vmem_shared>>) offsets(%arg6 : memref<80xi32, #tpu.memory_space<vmem>>) semaphore(%arg16 : memref<!tpu.dma_semaphore, #tpu.memory_space<semaphore_mem>>) {add = true}
      %ge3A = arith.constant 1 : i32
      %ge3A_230 = arith.cmpi sge, %add3A_211, %ge3A : i32
      %convert_element_type3A_231 = arith.extui %ge3A_230 : i1 to i32
      %cond3A_232 = arith.constant 0 : i32
      %cond3A_233 = arith.cmpi ne, %convert_element_type3A_231, %cond3A_232 : i32
      scf.if %cond3A_233 {
        %dma_wait3A_345 = arith.constant 0 : i32
        %dma_wait3A_346 = arith.constant 0 : i32
        %dma_wait3A_347 = tpu.memref_slice %arg12[%dma_wait3A_345, %dma_wait3A_346] : memref<10000x128xf32, #tpu.memory_space<vmem_shared>> -> memref<10000x128xf32, #tpu.memory_space<vmem_shared>>
        tpu.wait_indirect_dma semaphore(%arg18 : memref<!tpu.dma_semaphore, #tpu.memory_space<semaphore_mem>>) src(%arg11 : memref<80x128xf32, #tpu.memory_space<vmem>>) dst(%dma_wait3A_347 : memref<10000x128xf32, #tpu.memory_space<vmem_shared>>)
      } else {
      }
      %add3A_234 = arith.constant 2 : i32
      %add3A_235 = arith.addi %add3A_211, %add3A_234 : i32
      %mul3A_236 = arith.constant 10000 : i32
      %mul3A_237 = arith.muli %arg1, %mul3A_236 : i32
      %add3A_238 = arith.constant 160000 : i32
      %add3A_239 = arith.addi %add3A_238, %mul3A_237 : i32
      %mul3A_240 = arith.constant 80 : i32
      %mul3A_241 = arith.muli %add3A_235, %mul3A_240 : i32
      %add3A_242 = arith.addi %add3A_239, %mul3A_241 : i32
      %dma_start3A_243 = tpu.memref_slice %arg3[%add3A_242] : memref<320000xi32, #tpu.memory_space<hbm>> -> memref<80xi32, #tpu.memory_space<hbm>>
      %dma_start3A_244 = tpu.memref_slice %arg3[%add3A_242] : memref<320000xi32, #tpu.memory_space<hbm>> -> memref<80xi32, #tpu.memory_space<hbm>>
      tpu.enqueue_dma source(%dma_start3A_244 : memref<80xi32, #tpu.memory_space<hbm>>) target(%arg8 : memref<80xi32, #tpu.memory_space<vmem>>) target_semaphore(%arg21 : memref<!tpu.dma_semaphore, #tpu.memory_space<semaphore_mem>>)
      %add3A_245 = arith.constant 2 : i32
      %add3A_246 = arith.addi %add3A_211, %add3A_245 : i32
      %mul3A_247 = arith.constant 80 : i32
      %mul3A_248 = arith.muli %add3A_246, %mul3A_247 : i32
      %dma_start3A_249 = tpu.memref_slice %arg5[%mul3A_248] : memref<10000xi32, #tpu.memory_space<vmem>> -> memref<80xi32, #tpu.memory_space<vmem>>
      %dma_start3A_250 = arith.constant 0 : i32
      %dma_start3A_251 = arith.constant 0 : i32
      %dma_start3A_252 = tpu.memref_slice %arg2[%dma_start3A_250, %dma_start3A_251] : memref<20000x128xf32, #tpu.memory_space<hbm>> -> memref<20000x128xf32, #tpu.memory_space<hbm>>
      tpu.enqueue_indirect_dma source(%dma_start3A_252 : memref<20000x128xf32, #tpu.memory_space<hbm>>) target(%arg11 : memref<80x128xf32, #tpu.memory_space<vmem>>) offsets(%dma_start3A_249 : memref<80xi32, #tpu.memory_space<vmem>>) semaphore(%arg15 : memref<!tpu.dma_semaphore, #tpu.memory_space<semaphore_mem>>)
      %mul3A_253 = arith.constant 3 : i32
      %mul3A_254 = arith.muli %mul3A_253, %scan3A_207 : i32
      %add3A_255 = arith.constant 1 : i32
      %add3A_256 = arith.addi %mul3A_254, %add3A_255 : i32
      %mul3A_257 = arith.constant 80 : i32
      %mul3A_258 = arith.muli %add3A_256, %mul3A_257 : i32
      %dma_wait3A_259 = tpu.memref_slice %arg5[%mul3A_258] : memref<10000xi32, #tpu.memory_space<vmem>> -> memref<80xi32, #tpu.memory_space<vmem>>
      %dma_wait3A_260 = arith.constant 0 : i32
      %dma_wait3A_261 = arith.constant 0 : i32
      %dma_wait3A_262 = tpu.memref_slice %arg2[%dma_wait3A_260, %dma_wait3A_261] : memref<20000x128xf32, #tpu.memory_space<hbm>> -> memref<20000x128xf32, #tpu.memory_space<hbm>>
      tpu.wait_indirect_dma semaphore(%arg14 : memref<!tpu.dma_semaphore, #tpu.memory_space<semaphore_mem>>) src(%dma_wait3A_262 : memref<20000x128xf32, #tpu.memory_space<hbm>>) dst(%arg10 : memref<80x128xf32, #tpu.memory_space<vmem>>)
      %mul3A_263 = arith.constant 10000 : i32
      %mul3A_264 = arith.muli %arg1, %mul3A_263 : i32
      %add3A_265 = arith.constant 160000 : i32
      %add3A_266 = arith.addi %add3A_265, %mul3A_264 : i32
      %mul3A_267 = arith.constant 80 : i32
      %mul3A_268 = arith.muli %add3A_256, %mul3A_267 : i32
      %add3A_269 = arith.addi %add3A_266, %mul3A_268 : i32
      %dma_wait3A_270 = tpu.memref_slice %arg3[%add3A_269] : memref<320000xi32, #tpu.memory_space<hbm>> -> memref<80xi32, #tpu.memory_space<hbm>>
      %dma_wait3A_271 = tpu.memref_slice %arg3[%add3A_269] : memref<320000xi32, #tpu.memory_space<hbm>> -> memref<80xi32, #tpu.memory_space<hbm>>
      tpu.wait_dma2 semaphore(%arg20 : memref<!tpu.dma_semaphore, #tpu.memory_space<semaphore_mem>>) src(%dma_wait3A_271 : memref<80xi32, #tpu.memory_space<hbm>>) dst(%arg7 : memref<80xi32, #tpu.memory_space<vmem>>)
      %dma_start3A_272 = arith.constant 0 : i32
      %dma_start3A_273 = arith.constant 0 : i32
      %dma_start3A_274 = tpu.memref_slice %arg12[%dma_start3A_272, %dma_start3A_273] : memref<10000x128xf32, #tpu.memory_space<vmem_shared>> -> memref<10000x128xf32, #tpu.memory_space<vmem_shared>>
      tpu.enqueue_indirect_dma source(%arg10 : memref<80x128xf32, #tpu.memory_space<vmem>>) target(%dma_start3A_274 : memref<10000x128xf32, #tpu.memory_space<vmem_shared>>) offsets(%arg7 : memref<80xi32, #tpu.memory_space<vmem>>) semaphore(%arg17 : memref<!tpu.dma_semaphore, #tpu.memory_space<semaphore_mem>>) {add = true}
      %ge3A_275 = arith.constant 1 : i32
      %ge3A_276 = arith.cmpi sge, %add3A_256, %ge3A_275 : i32
      %convert_element_type3A_277 = arith.extui %ge3A_276 : i1 to i32
      %cond3A_278 = arith.constant 0 : i32
      %cond3A_279 = arith.cmpi ne, %convert_element_type3A_277, %cond3A_278 : i32
      scf.if %cond3A_279 {
        %dma_wait3A_345 = arith.constant 0 : i32
        %dma_wait3A_346 = arith.constant 0 : i32
        %dma_wait3A_347 = tpu.memref_slice %arg12[%dma_wait3A_345, %dma_wait3A_346] : memref<10000x128xf32, #tpu.memory_space<vmem_shared>> -> memref<10000x128xf32, #tpu.memory_space<vmem_shared>>
        tpu.wait_indirect_dma semaphore(%arg16 : memref<!tpu.dma_semaphore, #tpu.memory_space<semaphore_mem>>) src(%arg9 : memref<80x128xf32, #tpu.memory_space<vmem>>) dst(%dma_wait3A_347 : memref<10000x128xf32, #tpu.memory_space<vmem_shared>>)
      } else {
      }
      %add3A_280 = arith.constant 2 : i32
      %add3A_281 = arith.addi %add3A_256, %add3A_280 : i32
      %mul3A_282 = arith.constant 10000 : i32
      %mul3A_283 = arith.muli %arg1, %mul3A_282 : i32
      %add3A_284 = arith.constant 160000 : i32
      %add3A_285 = arith.addi %add3A_284, %mul3A_283 : i32
      %mul3A_286 = arith.constant 80 : i32
      %mul3A_287 = arith.muli %add3A_281, %mul3A_286 : i32
      %add3A_288 = arith.addi %add3A_285, %mul3A_287 : i32
      %dma_start3A_289 = tpu.memref_slice %arg3[%add3A_288] : memref<320000xi32, #tpu.memory_space<hbm>> -> memref<80xi32, #tpu.memory_space<hbm>>
      %dma_start3A_290 = tpu.memref_slice %arg3[%add3A_288] : memref<320000xi32, #tpu.memory_space<hbm>> -> memref<80xi32, #tpu.memory_space<hbm>>
      tpu.enqueue_dma source(%dma_start3A_290 : memref<80xi32, #tpu.memory_space<hbm>>) target(%arg6 : memref<80xi32, #tpu.memory_space<vmem>>) target_semaphore(%arg19 : memref<!tpu.dma_semaphore, #tpu.memory_space<semaphore_mem>>)
      %add3A_291 = arith.constant 2 : i32
      %add3A_292 = arith.addi %add3A_256, %add3A_291 : i32
      %mul3A_293 = arith.constant 80 : i32
      %mul3A_294 = arith.muli %add3A_292, %mul3A_293 : i32
      %dma_start3A_295 = tpu.memref_slice %arg5[%mul3A_294] : memref<10000xi32, #tpu.memory_space<vmem>> -> memref<80xi32, #tpu.memory_space<vmem>>
      %dma_start3A_296 = arith.constant 0 : i32
      %dma_start3A_297 = arith.constant 0 : i32
      %dma_start3A_298 = tpu.memref_slice %arg2[%dma_start3A_296, %dma_start3A_297] : memref<20000x128xf32, #tpu.memory_space<hbm>> -> memref<20000x128xf32, #tpu.memory_space<hbm>>
      tpu.enqueue_indirect_dma source(%dma_start3A_298 : memref<20000x128xf32, #tpu.memory_space<hbm>>) target(%arg9 : memref<80x128xf32, #tpu.memory_space<vmem>>) offsets(%dma_start3A_295 : memref<80xi32, #tpu.memory_space<vmem>>) semaphore(%arg13 : memref<!tpu.dma_semaphore, #tpu.memory_space<semaphore_mem>>)
      %mul3A_299 = arith.constant 3 : i32
      %mul3A_300 = arith.muli %mul3A_299, %scan3A_207 : i32
      %add3A_301 = arith.constant 2 : i32
      %add3A_302 = arith.addi %mul3A_300, %add3A_301 : i32
      %mul3A_303 = arith.constant 80 : i32
      %mul3A_304 = arith.muli %add3A_302, %mul3A_303 : i32
      %dma_wait3A_305 = tpu.memref_slice %arg5[%mul3A_304] : memref<10000xi32, #tpu.memory_space<vmem>> -> memref<80xi32, #tpu.memory_space<vmem>>
      %dma_wait3A_306 = arith.constant 0 : i32
      %dma_wait3A_307 = arith.constant 0 : i32
      %dma_wait3A_308 = tpu.memref_slice %arg2[%dma_wait3A_306, %dma_wait3A_307] : memref<20000x128xf32, #tpu.memory_space<hbm>> -> memref<20000x128xf32, #tpu.memory_space<hbm>>
      tpu.wait_indirect_dma semaphore(%arg15 : memref<!tpu.dma_semaphore, #tpu.memory_space<semaphore_mem>>) src(%dma_wait3A_308 : memref<20000x128xf32, #tpu.memory_space<hbm>>) dst(%arg11 : memref<80x128xf32, #tpu.memory_space<vmem>>)
      %mul3A_309 = arith.constant 10000 : i32
      %mul3A_310 = arith.muli %arg1, %mul3A_309 : i32
      %add3A_311 = arith.constant 160000 : i32
      %add3A_312 = arith.addi %add3A_311, %mul3A_310 : i32
      %mul3A_313 = arith.constant 80 : i32
      %mul3A_314 = arith.muli %add3A_302, %mul3A_313 : i32
      %add3A_315 = arith.addi %add3A_312, %mul3A_314 : i32
      %dma_wait3A_316 = tpu.memref_slice %arg3[%add3A_315] : memref<320000xi32, #tpu.memory_space<hbm>> -> memref<80xi32, #tpu.memory_space<hbm>>
      %dma_wait3A_317 = tpu.memref_slice %arg3[%add3A_315] : memref<320000xi32, #tpu.memory_space<hbm>> -> memref<80xi32, #tpu.memory_space<hbm>>
      tpu.wait_dma2 semaphore(%arg21 : memref<!tpu.dma_semaphore, #tpu.memory_space<semaphore_mem>>) src(%dma_wait3A_317 : memref<80xi32, #tpu.memory_space<hbm>>) dst(%arg8 : memref<80xi32, #tpu.memory_space<vmem>>)
      %dma_start3A_318 = arith.constant 0 : i32
      %dma_start3A_319 = arith.constant 0 : i32
      %dma_start3A_320 = tpu.memref_slice %arg12[%dma_start3A_318, %dma_start3A_319] : memref<10000x128xf32, #tpu.memory_space<vmem_shared>> -> memref<10000x128xf32, #tpu.memory_space<vmem_shared>>
      tpu.enqueue_indirect_dma source(%arg11 : memref<80x128xf32, #tpu.memory_space<vmem>>) target(%dma_start3A_320 : memref<10000x128xf32, #tpu.memory_space<vmem_shared>>) offsets(%arg8 : memref<80xi32, #tpu.memory_space<vmem>>) semaphore(%arg18 : memref<!tpu.dma_semaphore, #tpu.memory_space<semaphore_mem>>) {add = true}
      %ge3A_321 = arith.constant 1 : i32
      %ge3A_322 = arith.cmpi sge, %add3A_302, %ge3A_321 : i32
      %convert_element_type3A_323 = arith.extui %ge3A_322 : i1 to i32
      %cond3A_324 = arith.constant 0 : i32
      %cond3A_325 = arith.cmpi ne, %convert_element_type3A_323, %cond3A_324 : i32
      scf.if %cond3A_325 {
        %dma_wait3A_345 = arith.constant 0 : i32
        %dma_wait3A_346 = arith.constant 0 : i32
        %dma_wait3A_347 = tpu.memref_slice %arg12[%dma_wait3A_345, %dma_wait3A_346] : memref<10000x128xf32, #tpu.memory_space<vmem_shared>> -> memref<10000x128xf32, #tpu.memory_space<vmem_shared>>
        tpu.wait_indirect_dma semaphore(%arg17 : memref<!tpu.dma_semaphore, #tpu.memory_space<semaphore_mem>>) src(%arg10 : memref<80x128xf32, #tpu.memory_space<vmem>>) dst(%dma_wait3A_347 : memref<10000x128xf32, #tpu.memory_space<vmem_shared>>)
      } else {
      }
      %add3A_326 = arith.constant 2 : i32
      %add3A_327 = arith.addi %add3A_302, %add3A_326 : i32
      %mul3A_328 = arith.constant 10000 : i32
      %mul3A_329 = arith.muli %arg1, %mul3A_328 : i32
      %add3A_330 = arith.constant 160000 : i32
      %add3A_331 = arith.addi %add3A_330, %mul3A_329 : i32
      %mul3A_332 = arith.constant 80 : i32
      %mul3A_333 = arith.muli %add3A_327, %mul3A_332 : i32
      %add3A_334 = arith.addi %add3A_331, %mul3A_333 : i32
      %dma_start3A_335 = tpu.memref_slice %arg3[%add3A_334] : memref<320000xi32, #tpu.memory_space<hbm>> -> memref<80xi32, #tpu.memory_space<hbm>>
      %dma_start3A_336 = tpu.memref_slice %arg3[%add3A_334] : memref<320000xi32, #tpu.memory_space<hbm>> -> memref<80xi32, #tpu.memory_space<hbm>>
      tpu.enqueue_dma source(%dma_start3A_336 : memref<80xi32, #tpu.memory_space<hbm>>) target(%arg7 : memref<80xi32, #tpu.memory_space<vmem>>) target_semaphore(%arg20 : memref<!tpu.dma_semaphore, #tpu.memory_space<semaphore_mem>>)
      %add3A_337 = arith.constant 2 : i32
      %add3A_338 = arith.addi %add3A_302, %add3A_337 : i32
      %mul3A_339 = arith.constant 80 : i32
      %mul3A_340 = arith.muli %add3A_338, %mul3A_339 : i32
      %dma_start3A_341 = tpu.memref_slice %arg5[%mul3A_340] : memref<10000xi32, #tpu.memory_space<vmem>> -> memref<80xi32, #tpu.memory_space<vmem>>
      %dma_start3A_342 = arith.constant 0 : i32
      %dma_start3A_343 = arith.constant 0 : i32
      %dma_start3A_344 = tpu.memref_slice %arg2[%dma_start3A_342, %dma_start3A_343] : memref<20000x128xf32, #tpu.memory_space<hbm>> -> memref<20000x128xf32, #tpu.memory_space<hbm>>
      tpu.enqueue_indirect_dma source(%dma_start3A_344 : memref<20000x128xf32, #tpu.memory_space<hbm>>) target(%arg10 : memref<80x128xf32, #tpu.memory_space<vmem>>) offsets(%dma_start3A_341 : memref<80xi32, #tpu.memory_space<vmem>>) semaphore(%arg14 : memref<!tpu.dma_semaphore, #tpu.memory_space<semaphore_mem>>)
    }
    %scan3A_72 = arith.constant 41 : i32
    %dma_wait3A = arith.constant 9840 : i32
    %dma_wait3A_73 = tpu.memref_slice %arg5[%dma_wait3A] : memref<10000xi32, #tpu.memory_space<vmem>> -> memref<80xi32, #tpu.memory_space<vmem>>
    %dma_wait3A_74 = arith.constant 0 : i32
    %dma_wait3A_75 = arith.constant 0 : i32
    %dma_wait3A_76 = tpu.memref_slice %arg2[%dma_wait3A_74, %dma_wait3A_75] : memref<20000x128xf32, #tpu.memory_space<hbm>> -> memref<20000x128xf32, #tpu.memory_space<hbm>>
    tpu.wait_indirect_dma semaphore(%arg13 : memref<!tpu.dma_semaphore, #tpu.memory_space<semaphore_mem>>) src(%dma_wait3A_76 : memref<20000x128xf32, #tpu.memory_space<hbm>>) dst(%arg9 : memref<80x128xf32, #tpu.memory_space<vmem>>)
    %mul3A_77 = arith.constant 10000 : i32
    %mul3A_78 = arith.muli %arg1, %mul3A_77 : i32
    %add3A_79 = arith.constant 160000 : i32
    %add3A_80 = arith.addi %add3A_79, %mul3A_78 : i32
    %add3A_81 = arith.constant 9840 : i32
    %add3A_82 = arith.addi %add3A_80, %add3A_81 : i32
    %dma_wait3A_83 = tpu.memref_slice %arg3[%add3A_82] : memref<320000xi32, #tpu.memory_space<hbm>> -> memref<80xi32, #tpu.memory_space<hbm>>
    %dma_wait3A_84 = tpu.memref_slice %arg3[%add3A_82] : memref<320000xi32, #tpu.memory_space<hbm>> -> memref<80xi32, #tpu.memory_space<hbm>>
    tpu.wait_dma2 semaphore(%arg19 : memref<!tpu.dma_semaphore, #tpu.memory_space<semaphore_mem>>) src(%dma_wait3A_84 : memref<80xi32, #tpu.memory_space<hbm>>) dst(%arg6 : memref<80xi32, #tpu.memory_space<vmem>>)
    %dma_start3A_85 = arith.constant 0 : i32
    %dma_start3A_86 = arith.constant 0 : i32
    %dma_start3A_87 = tpu.memref_slice %arg12[%dma_start3A_85, %dma_start3A_86] : memref<10000x128xf32, #tpu.memory_space<vmem_shared>> -> memref<10000x128xf32, #tpu.memory_space<vmem_shared>>
    tpu.enqueue_indirect_dma source(%arg9 : memref<80x128xf32, #tpu.memory_space<vmem>>) target(%dma_start3A_87 : memref<10000x128xf32, #tpu.memory_space<vmem_shared>>) offsets(%arg6 : memref<80xi32, #tpu.memory_space<vmem>>) semaphore(%arg16 : memref<!tpu.dma_semaphore, #tpu.memory_space<semaphore_mem>>) {add = true}
    %dma_wait3A_88 = arith.constant 9920 : i32
    %dma_wait3A_89 = tpu.memref_slice %arg5[%dma_wait3A_88] : memref<10000xi32, #tpu.memory_space<vmem>> -> memref<80xi32, #tpu.memory_space<vmem>>
    %dma_wait3A_90 = arith.constant 0 : i32
    %dma_wait3A_91 = arith.constant 0 : i32
    %dma_wait3A_92 = tpu.memref_slice %arg2[%dma_wait3A_90, %dma_wait3A_91] : memref<20000x128xf32, #tpu.memory_space<hbm>> -> memref<20000x128xf32, #tpu.memory_space<hbm>>
    tpu.wait_indirect_dma semaphore(%arg14 : memref<!tpu.dma_semaphore, #tpu.memory_space<semaphore_mem>>) src(%dma_wait3A_92 : memref<20000x128xf32, #tpu.memory_space<hbm>>) dst(%arg10 : memref<80x128xf32, #tpu.memory_space<vmem>>)
    %mul3A_93 = arith.constant 10000 : i32
    %mul3A_94 = arith.muli %arg1, %mul3A_93 : i32
    %add3A_95 = arith.constant 160000 : i32
    %add3A_96 = arith.addi %add3A_95, %mul3A_94 : i32
    %add3A_97 = arith.constant 9920 : i32
    %add3A_98 = arith.addi %add3A_96, %add3A_97 : i32
    %dma_wait3A_99 = tpu.memref_slice %arg3[%add3A_98] : memref<320000xi32, #tpu.memory_space<hbm>> -> memref<80xi32, #tpu.memory_space<hbm>>
    %dma_wait3A_100 = tpu.memref_slice %arg3[%add3A_98] : memref<320000xi32, #tpu.memory_space<hbm>> -> memref<80xi32, #tpu.memory_space<hbm>>
    tpu.wait_dma2 semaphore(%arg20 : memref<!tpu.dma_semaphore, #tpu.memory_space<semaphore_mem>>) src(%dma_wait3A_100 : memref<80xi32, #tpu.memory_space<hbm>>) dst(%arg7 : memref<80xi32, #tpu.memory_space<vmem>>)
    %dma_start3A_101 = arith.constant 0 : i32
    %dma_start3A_102 = arith.constant 0 : i32
    %dma_start3A_103 = tpu.memref_slice %arg12[%dma_start3A_101, %dma_start3A_102] : memref<10000x128xf32, #tpu.memory_space<vmem_shared>> -> memref<10000x128xf32, #tpu.memory_space<vmem_shared>>
    tpu.enqueue_indirect_dma source(%arg10 : memref<80x128xf32, #tpu.memory_space<vmem>>) target(%dma_start3A_103 : memref<10000x128xf32, #tpu.memory_space<vmem_shared>>) offsets(%arg7 : memref<80xi32, #tpu.memory_space<vmem>>) semaphore(%arg17 : memref<!tpu.dma_semaphore, #tpu.memory_space<semaphore_mem>>) {add = true}
    %dma_wait3A_104 = arith.constant 0 : i32
    %dma_wait3A_105 = arith.constant 0 : i32
    %dma_wait3A_106 = tpu.memref_slice %arg12[%dma_wait3A_104, %dma_wait3A_105] : memref<10000x128xf32, #tpu.memory_space<vmem_shared>> -> memref<10000x128xf32, #tpu.memory_space<vmem_shared>>
    tpu.wait_indirect_dma semaphore(%arg18 : memref<!tpu.dma_semaphore, #tpu.memory_space<semaphore_mem>>) src(%arg11 : memref<80x128xf32, #tpu.memory_space<vmem>>) dst(%dma_wait3A_106 : memref<10000x128xf32, #tpu.memory_space<vmem_shared>>)
    %dma_wait3A_107 = arith.constant 0 : i32
    %dma_wait3A_108 = arith.constant 0 : i32
    %dma_wait3A_109 = tpu.memref_slice %arg12[%dma_wait3A_107, %dma_wait3A_108] : memref<10000x128xf32, #tpu.memory_space<vmem_shared>> -> memref<10000x128xf32, #tpu.memory_space<vmem_shared>>
    tpu.wait_indirect_dma semaphore(%arg16 : memref<!tpu.dma_semaphore, #tpu.memory_space<semaphore_mem>>) src(%arg9 : memref<80x128xf32, #tpu.memory_space<vmem>>) dst(%dma_wait3A_109 : memref<10000x128xf32, #tpu.memory_space<vmem_shared>>)
    %dma_wait3A_110 = arith.constant 0 : i32
    %dma_wait3A_111 = arith.constant 0 : i32
    %dma_wait3A_112 = tpu.memref_slice %arg12[%dma_wait3A_110, %dma_wait3A_111] : memref<10000x128xf32, #tpu.memory_space<vmem_shared>> -> memref<10000x128xf32, #tpu.memory_space<vmem_shared>>
    tpu.wait_indirect_dma semaphore(%arg17 : memref<!tpu.dma_semaphore, #tpu.memory_space<semaphore_mem>>) src(%arg10 : memref<80x128xf32, #tpu.memory_space<vmem>>) dst(%dma_wait3A_112 : memref<10000x128xf32, #tpu.memory_space<vmem_shared>>)
    %barrier3A_113 = arith.constant 0 : index
    tpu.barrier barrier_id(%barrier3A_113)
    %mul3A_114 = arith.constant 624 : i32
    %mul3A_115 = arith.muli %arg1, %mul3A_114 : i32
    %add3A_116 = arith.constant 0 : i32
    %add3A_117 = arith.addi %mul3A_115, %add3A_116 : i32
    %mul3A_118 = arith.constant 10000 : i32
    %mul3A_119 = arith.muli %arg0, %mul3A_118 : i32
    %mul3A_120 = arith.constant 624 : i32
    %mul3A_121 = arith.muli %arg1, %mul3A_120 : i32
    %add3A_122 = arith.addi %mul3A_119, %mul3A_121 : i32
    %add3A_123 = arith.constant 0 : i32
    %add3A_124 = arith.addi %add3A_122, %add3A_123 : i32
    "tpu.region"() ({
      %run_scoped3A = tpu.sem_alloc : memref<!tpu.dma_semaphore, #tpu.memory_space<semaphore_mem>>
      %dma_start3A_207 = arith.constant 0 : i32
      %dma_start3A_208 = tpu.memref_slice %arg12[%add3A_117, %dma_start3A_207] : memref<10000x128xf32, #tpu.memory_space<vmem_shared>> -> memref<80x128xf32, #tpu.memory_space<vmem_shared>>
      %dma_start3A_209 = arith.constant 0 : i32
      %dma_start3A_210 = tpu.memref_slice %arg12[%add3A_117, %dma_start3A_209] : memref<10000x128xf32, #tpu.memory_space<vmem_shared>> -> memref<80x128xf32, #tpu.memory_space<vmem_shared>>
      tpu.enqueue_dma source(%dma_start3A_210 : memref<80x128xf32, #tpu.memory_space<vmem_shared>>) target(%arg9 : memref<80x128xf32, #tpu.memory_space<vmem>>) target_semaphore(%run_scoped3A : memref<!tpu.dma_semaphore, #tpu.memory_space<semaphore_mem>>)
      %dma_wait3A_211 = arith.constant 0 : i32
      %dma_wait3A_212 = tpu.memref_slice %arg12[%add3A_117, %dma_wait3A_211] : memref<10000x128xf32, #tpu.memory_space<vmem_shared>> -> memref<80x128xf32, #tpu.memory_space<vmem_shared>>
      %dma_wait3A_213 = arith.constant 0 : i32
      %dma_wait3A_214 = tpu.memref_slice %arg12[%add3A_117, %dma_wait3A_213] : memref<10000x128xf32, #tpu.memory_space<vmem_shared>> -> memref<80x128xf32, #tpu.memory_space<vmem_shared>>
      tpu.wait_dma2 semaphore(%run_scoped3A : memref<!tpu.dma_semaphore, #tpu.memory_space<semaphore_mem>>) src(%dma_wait3A_214 : memref<80x128xf32, #tpu.memory_space<vmem_shared>>) dst(%arg9 : memref<80x128xf32, #tpu.memory_space<vmem>>)
      tpu.yield
    }) : () -> ()
    "tpu.region"() ({
      %run_scoped3A = tpu.sem_alloc : memref<!tpu.dma_semaphore, #tpu.memory_space<semaphore_mem>>
      %dma_start3A_207 = arith.constant 0 : i32
      %dma_start3A_208 = tpu.memref_slice %arg4[%add3A_124, %dma_start3A_207] : memref<20000x128xf32, #tpu.memory_space<hbm>> -> memref<80x128xf32, #tpu.memory_space<hbm>>
      %dma_start3A_209 = arith.constant 0 : i32
      %dma_start3A_210 = tpu.memref_slice %arg4[%add3A_124, %dma_start3A_209] : memref<20000x128xf32, #tpu.memory_space<hbm>> -> memref<80x128xf32, #tpu.memory_space<hbm>>
      tpu.enqueue_dma source(%arg9 : memref<80x128xf32, #tpu.memory_space<vmem>>) target(%dma_start3A_210 : memref<80x128xf32, #tpu.memory_space<hbm>>) target_semaphore(%run_scoped3A : memref<!tpu.dma_semaphore, #tpu.memory_space<semaphore_mem>>)
      %dma_wait3A_211 = arith.constant 0 : i32
      %dma_wait3A_212 = tpu.memref_slice %arg4[%add3A_124, %dma_wait3A_211] : memref<20000x128xf32, #tpu.memory_space<hbm>> -> memref<80x128xf32, #tpu.memory_space<hbm>>
      %dma_wait3A_213 = arith.constant 0 : i32
      %dma_wait3A_214 = tpu.memref_slice %arg4[%add3A_124, %dma_wait3A_213] : memref<20000x128xf32, #tpu.memory_space<hbm>> -> memref<80x128xf32, #tpu.memory_space<hbm>>
      tpu.wait_dma2 semaphore(%run_scoped3A : memref<!tpu.dma_semaphore, #tpu.memory_space<semaphore_mem>>) src(%arg9 : memref<80x128xf32, #tpu.memory_space<vmem>>) dst(%dma_wait3A_214 : memref<80x128xf32, #tpu.memory_space<hbm>>)
      tpu.yield
    }) : () -> ()
    %mul3A_125 = arith.constant 624 : i32
    %mul3A_126 = arith.muli %arg1, %mul3A_125 : i32
    %add3A_127 = arith.constant 80 : i32
    %add3A_128 = arith.addi %mul3A_126, %add3A_127 : i32
    %mul3A_129 = arith.constant 10000 : i32
    %mul3A_130 = arith.muli %arg0, %mul3A_129 : i32
    %mul3A_131 = arith.constant 624 : i32
    %mul3A_132 = arith.muli %arg1, %mul3A_131 : i32
    %add3A_133 = arith.addi %mul3A_130, %mul3A_132 : i32
    %add3A_134 = arith.constant 80 : i32
    %add3A_135 = arith.addi %add3A_133, %add3A_134 : i32
    "tpu.region"() ({
      %run_scoped3A = tpu.sem_alloc : memref<!tpu.dma_semaphore, #tpu.memory_space<semaphore_mem>>
      %dma_start3A_207 = arith.constant 0 : i32
      %dma_start3A_208 = tpu.memref_slice %arg12[%add3A_128, %dma_start3A_207] : memref<10000x128xf32, #tpu.memory_space<vmem_shared>> -> memref<80x128xf32, #tpu.memory_space<vmem_shared>>
      %dma_start3A_209 = arith.constant 0 : i32
      %dma_start3A_210 = tpu.memref_slice %arg12[%add3A_128, %dma_start3A_209] : memref<10000x128xf32, #tpu.memory_space<vmem_shared>> -> memref<80x128xf32, #tpu.memory_space<vmem_shared>>
      tpu.enqueue_dma source(%dma_start3A_210 : memref<80x128xf32, #tpu.memory_space<vmem_shared>>) target(%arg9 : memref<80x128xf32, #tpu.memory_space<vmem>>) target_semaphore(%run_scoped3A : memref<!tpu.dma_semaphore, #tpu.memory_space<semaphore_mem>>)
      %dma_wait3A_211 = arith.constant 0 : i32
      %dma_wait3A_212 = tpu.memref_slice %arg12[%add3A_128, %dma_wait3A_211] : memref<10000x128xf32, #tpu.memory_space<vmem_shared>> -> memref<80x128xf32, #tpu.memory_space<vmem_shared>>
      %dma_wait3A_213 = arith.constant 0 : i32
      %dma_wait3A_214 = tpu.memref_slice %arg12[%add3A_128, %dma_wait3A_213] : memref<10000x128xf32, #tpu.memory_space<vmem_shared>> -> memref<80x128xf32, #tpu.memory_space<vmem_shared>>
      tpu.wait_dma2 semaphore(%run_scoped3A : memref<!tpu.dma_semaphore, #tpu.memory_space<semaphore_mem>>) src(%dma_wait3A_214 : memref<80x128xf32, #tpu.memory_space<vmem_shared>>) dst(%arg9 : memref<80x128xf32, #tpu.memory_space<vmem>>)
      tpu.yield
    }) : () -> ()
    "tpu.region"() ({
      %run_scoped3A = tpu.sem_alloc : memref<!tpu.dma_semaphore, #tpu.memory_space<semaphore_mem>>
      %dma_start3A_207 = arith.constant 0 : i32
      %dma_start3A_208 = tpu.memref_slice %arg4[%add3A_135, %dma_start3A_207] : memref<20000x128xf32, #tpu.memory_space<hbm>> -> memref<80x128xf32, #tpu.memory_space<hbm>>
      %dma_start3A_209 = arith.constant 0 : i32
      %dma_start3A_210 = tpu.memref_slice %arg4[%add3A_135, %dma_start3A_209] : memref<20000x128xf32, #tpu.memory_space<hbm>> -> memref<80x128xf32, #tpu.memory_space<hbm>>
      tpu.enqueue_dma source(%arg9 : memref<80x128xf32, #tpu.memory_space<vmem>>) target(%dma_start3A_210 : memref<80x128xf32, #tpu.memory_space<hbm>>) target_semaphore(%run_scoped3A : memref<!tpu.dma_semaphore, #tpu.memory_space<semaphore_mem>>)
      %dma_wait3A_211 = arith.constant 0 : i32
      %dma_wait3A_212 = tpu.memref_slice %arg4[%add3A_135, %dma_wait3A_211] : memref<20000x128xf32, #tpu.memory_space<hbm>> -> memref<80x128xf32, #tpu.memory_space<hbm>>
      %dma_wait3A_213 = arith.constant 0 : i32
      %dma_wait3A_214 = tpu.memref_slice %arg4[%add3A_135, %dma_wait3A_213] : memref<20000x128xf32, #tpu.memory_space<hbm>> -> memref<80x128xf32, #tpu.memory_space<hbm>>
      tpu.wait_dma2 semaphore(%run_scoped3A : memref<!tpu.dma_semaphore, #tpu.memory_space<semaphore_mem>>) src(%arg9 : memref<80x128xf32, #tpu.memory_space<vmem>>) dst(%dma_wait3A_214 : memref<80x128xf32, #tpu.memory_space<hbm>>)
      tpu.yield
    }) : () -> ()
    %mul3A_136 = arith.constant 624 : i32
    %mul3A_137 = arith.muli %arg1, %mul3A_136 : i32
    %add3A_138 = arith.constant 160 : i32
    %add3A_139 = arith.addi %mul3A_137, %add3A_138 : i32
    %mul3A_140 = arith.constant 10000 : i32
    %mul3A_141 = arith.muli %arg0, %mul3A_140 : i32
    %mul3A_142 = arith.constant 624 : i32
    %mul3A_143 = arith.muli %arg1, %mul3A_142 : i32
    %add3A_144 = arith.addi %mul3A_141, %mul3A_143 : i32
    %add3A_145 = arith.constant 160 : i32
    %add3A_146 = arith.addi %add3A_144, %add3A_145 : i32
    "tpu.region"() ({
      %run_scoped3A = tpu.sem_alloc : memref<!tpu.dma_semaphore, #tpu.memory_space<semaphore_mem>>
      %dma_start3A_207 = arith.constant 0 : i32
      %dma_start3A_208 = tpu.memref_slice %arg12[%add3A_139, %dma_start3A_207] : memref<10000x128xf32, #tpu.memory_space<vmem_shared>> -> memref<80x128xf32, #tpu.memory_space<vmem_shared>>
      %dma_start3A_209 = arith.constant 0 : i32
      %dma_start3A_210 = tpu.memref_slice %arg12[%add3A_139, %dma_start3A_209] : memref<10000x128xf32, #tpu.memory_space<vmem_shared>> -> memref<80x128xf32, #tpu.memory_space<vmem_shared>>
      tpu.enqueue_dma source(%dma_start3A_210 : memref<80x128xf32, #tpu.memory_space<vmem_shared>>) target(%arg9 : memref<80x128xf32, #tpu.memory_space<vmem>>) target_semaphore(%run_scoped3A : memref<!tpu.dma_semaphore, #tpu.memory_space<semaphore_mem>>)
      %dma_wait3A_211 = arith.constant 0 : i32
      %dma_wait3A_212 = tpu.memref_slice %arg12[%add3A_139, %dma_wait3A_211] : memref<10000x128xf32, #tpu.memory_space<vmem_shared>> -> memref<80x128xf32, #tpu.memory_space<vmem_shared>>
      %dma_wait3A_213 = arith.constant 0 : i32
      %dma_wait3A_214 = tpu.memref_slice %arg12[%add3A_139, %dma_wait3A_213] : memref<10000x128xf32, #tpu.memory_space<vmem_shared>> -> memref<80x128xf32, #tpu.memory_space<vmem_shared>>
      tpu.wait_dma2 semaphore(%run_scoped3A : memref<!tpu.dma_semaphore, #tpu.memory_space<semaphore_mem>>) src(%dma_wait3A_214 : memref<80x128xf32, #tpu.memory_space<vmem_shared>>) dst(%arg9 : memref<80x128xf32, #tpu.memory_space<vmem>>)
      tpu.yield
    }) : () -> ()
    "tpu.region"() ({
      %run_scoped3A = tpu.sem_alloc : memref<!tpu.dma_semaphore, #tpu.memory_space<semaphore_mem>>
      %dma_start3A_207 = arith.constant 0 : i32
      %dma_start3A_208 = tpu.memref_slice %arg4[%add3A_146, %dma_start3A_207] : memref<20000x128xf32, #tpu.memory_space<hbm>> -> memref<80x128xf32, #tpu.memory_space<hbm>>
      %dma_start3A_209 = arith.constant 0 : i32
      %dma_start3A_210 = tpu.memref_slice %arg4[%add3A_146, %dma_start3A_209] : memref<20000x128xf32, #tpu.memory_space<hbm>> -> memref<80x128xf32, #tpu.memory_space<hbm>>
      tpu.enqueue_dma source(%arg9 : memref<80x128xf32, #tpu.memory_space<vmem>>) target(%dma_start3A_210 : memref<80x128xf32, #tpu.memory_space<hbm>>) target_semaphore(%run_scoped3A : memref<!tpu.dma_semaphore, #tpu.memory_space<semaphore_mem>>)
      %dma_wait3A_211 = arith.constant 0 : i32
      %dma_wait3A_212 = tpu.memref_slice %arg4[%add3A_146, %dma_wait3A_211] : memref<20000x128xf32, #tpu.memory_space<hbm>> -> memref<80x128xf32, #tpu.memory_space<hbm>>
      %dma_wait3A_213 = arith.constant 0 : i32
      %dma_wait3A_214 = tpu.memref_slice %arg4[%add3A_146, %dma_wait3A_213] : memref<20000x128xf32, #tpu.memory_space<hbm>> -> memref<80x128xf32, #tpu.memory_space<hbm>>
      tpu.wait_dma2 semaphore(%run_scoped3A : memref<!tpu.dma_semaphore, #tpu.memory_space<semaphore_mem>>) src(%arg9 : memref<80x128xf32, #tpu.memory_space<vmem>>) dst(%dma_wait3A_214 : memref<80x128xf32, #tpu.memory_space<hbm>>)
      tpu.yield
    }) : () -> ()
    %mul3A_147 = arith.constant 624 : i32
    %mul3A_148 = arith.muli %arg1, %mul3A_147 : i32
    %add3A_149 = arith.constant 240 : i32
    %add3A_150 = arith.addi %mul3A_148, %add3A_149 : i32
    %mul3A_151 = arith.constant 10000 : i32
    %mul3A_152 = arith.muli %arg0, %mul3A_151 : i32
    %mul3A_153 = arith.constant 624 : i32
    %mul3A_154 = arith.muli %arg1, %mul3A_153 : i32
    %add3A_155 = arith.addi %mul3A_152, %mul3A_154 : i32
    %add3A_156 = arith.constant 240 : i32
    %add3A_157 = arith.addi %add3A_155, %add3A_156 : i32
    "tpu.region"() ({
      %run_scoped3A = tpu.sem_alloc : memref<!tpu.dma_semaphore, #tpu.memory_space<semaphore_mem>>
      %dma_start3A_207 = arith.constant 0 : i32
      %dma_start3A_208 = tpu.memref_slice %arg12[%add3A_150, %dma_start3A_207] : memref<10000x128xf32, #tpu.memory_space<vmem_shared>> -> memref<80x128xf32, #tpu.memory_space<vmem_shared>>
      %dma_start3A_209 = arith.constant 0 : i32
      %dma_start3A_210 = tpu.memref_slice %arg12[%add3A_150, %dma_start3A_209] : memref<10000x128xf32, #tpu.memory_space<vmem_shared>> -> memref<80x128xf32, #tpu.memory_space<vmem_shared>>
      tpu.enqueue_dma source(%dma_start3A_210 : memref<80x128xf32, #tpu.memory_space<vmem_shared>>) target(%arg9 : memref<80x128xf32, #tpu.memory_space<vmem>>) target_semaphore(%run_scoped3A : memref<!tpu.dma_semaphore, #tpu.memory_space<semaphore_mem>>)
      %dma_wait3A_211 = arith.constant 0 : i32
      %dma_wait3A_212 = tpu.memref_slice %arg12[%add3A_150, %dma_wait3A_211] : memref<10000x128xf32, #tpu.memory_space<vmem_shared>> -> memref<80x128xf32, #tpu.memory_space<vmem_shared>>
      %dma_wait3A_213 = arith.constant 0 : i32
      %dma_wait3A_214 = tpu.memref_slice %arg12[%add3A_150, %dma_wait3A_213] : memref<10000x128xf32, #tpu.memory_space<vmem_shared>> -> memref<80x128xf32, #tpu.memory_space<vmem_shared>>
      tpu.wait_dma2 semaphore(%run_scoped3A : memref<!tpu.dma_semaphore, #tpu.memory_space<semaphore_mem>>) src(%dma_wait3A_214 : memref<80x128xf32, #tpu.memory_space<vmem_shared>>) dst(%arg9 : memref<80x128xf32, #tpu.memory_space<vmem>>)
      tpu.yield
    }) : () -> ()
    "tpu.region"() ({
      %run_scoped3A = tpu.sem_alloc : memref<!tpu.dma_semaphore, #tpu.memory_space<semaphore_mem>>
      %dma_start3A_207 = arith.constant 0 : i32
      %dma_start3A_208 = tpu.memref_slice %arg4[%add3A_157, %dma_start3A_207] : memref<20000x128xf32, #tpu.memory_space<hbm>> -> memref<80x128xf32, #tpu.memory_space<hbm>>
      %dma_start3A_209 = arith.constant 0 : i32
      %dma_start3A_210 = tpu.memref_slice %arg4[%add3A_157, %dma_start3A_209] : memref<20000x128xf32, #tpu.memory_space<hbm>> -> memref<80x128xf32, #tpu.memory_space<hbm>>
      tpu.enqueue_dma source(%arg9 : memref<80x128xf32, #tpu.memory_space<vmem>>) target(%dma_start3A_210 : memref<80x128xf32, #tpu.memory_space<hbm>>) target_semaphore(%run_scoped3A : memref<!tpu.dma_semaphore, #tpu.memory_space<semaphore_mem>>)
      %dma_wait3A_211 = arith.constant 0 : i32
      %dma_wait3A_212 = tpu.memref_slice %arg4[%add3A_157, %dma_wait3A_211] : memref<20000x128xf32, #tpu.memory_space<hbm>> -> memref<80x128xf32, #tpu.memory_space<hbm>>
      %dma_wait3A_213 = arith.constant 0 : i32
      %dma_wait3A_214 = tpu.memref_slice %arg4[%add3A_157, %dma_wait3A_213] : memref<20000x128xf32, #tpu.memory_space<hbm>> -> memref<80x128xf32, #tpu.memory_space<hbm>>
      tpu.wait_dma2 semaphore(%run_scoped3A : memref<!tpu.dma_semaphore, #tpu.memory_space<semaphore_mem>>) src(%arg9 : memref<80x128xf32, #tpu.memory_space<vmem>>) dst(%dma_wait3A_214 : memref<80x128xf32, #tpu.memory_space<hbm>>)
      tpu.yield
    }) : () -> ()
    %mul3A_158 = arith.constant 624 : i32
    %mul3A_159 = arith.muli %arg1, %mul3A_158 : i32
    %add3A_160 = arith.constant 320 : i32
    %add3A_161 = arith.addi %mul3A_159, %add3A_160 : i32
    %mul3A_162 = arith.constant 10000 : i32
    %mul3A_163 = arith.muli %arg0, %mul3A_162 : i32
    %mul3A_164 = arith.constant 624 : i32
    %mul3A_165 = arith.muli %arg1, %mul3A_164 : i32
    %add3A_166 = arith.addi %mul3A_163, %mul3A_165 : i32
    %add3A_167 = arith.constant 320 : i32
    %add3A_168 = arith.addi %add3A_166, %add3A_167 : i32
    "tpu.region"() ({
      %run_scoped3A = tpu.sem_alloc : memref<!tpu.dma_semaphore, #tpu.memory_space<semaphore_mem>>
      %dma_start3A_207 = arith.constant 0 : i32
      %dma_start3A_208 = tpu.memref_slice %arg12[%add3A_161, %dma_start3A_207] : memref<10000x128xf32, #tpu.memory_space<vmem_shared>> -> memref<80x128xf32, #tpu.memory_space<vmem_shared>>
      %dma_start3A_209 = arith.constant 0 : i32
      %dma_start3A_210 = tpu.memref_slice %arg12[%add3A_161, %dma_start3A_209] : memref<10000x128xf32, #tpu.memory_space<vmem_shared>> -> memref<80x128xf32, #tpu.memory_space<vmem_shared>>
      tpu.enqueue_dma source(%dma_start3A_210 : memref<80x128xf32, #tpu.memory_space<vmem_shared>>) target(%arg9 : memref<80x128xf32, #tpu.memory_space<vmem>>) target_semaphore(%run_scoped3A : memref<!tpu.dma_semaphore, #tpu.memory_space<semaphore_mem>>)
      %dma_wait3A_211 = arith.constant 0 : i32
      %dma_wait3A_212 = tpu.memref_slice %arg12[%add3A_161, %dma_wait3A_211] : memref<10000x128xf32, #tpu.memory_space<vmem_shared>> -> memref<80x128xf32, #tpu.memory_space<vmem_shared>>
      %dma_wait3A_213 = arith.constant 0 : i32
      %dma_wait3A_214 = tpu.memref_slice %arg12[%add3A_161, %dma_wait3A_213] : memref<10000x128xf32, #tpu.memory_space<vmem_shared>> -> memref<80x128xf32, #tpu.memory_space<vmem_shared>>
      tpu.wait_dma2 semaphore(%run_scoped3A : memref<!tpu.dma_semaphore, #tpu.memory_space<semaphore_mem>>) src(%dma_wait3A_214 : memref<80x128xf32, #tpu.memory_space<vmem_shared>>) dst(%arg9 : memref<80x128xf32, #tpu.memory_space<vmem>>)
      tpu.yield
    }) : () -> ()
    "tpu.region"() ({
      %run_scoped3A = tpu.sem_alloc : memref<!tpu.dma_semaphore, #tpu.memory_space<semaphore_mem>>
      %dma_start3A_207 = arith.constant 0 : i32
      %dma_start3A_208 = tpu.memref_slice %arg4[%add3A_168, %dma_start3A_207] : memref<20000x128xf32, #tpu.memory_space<hbm>> -> memref<80x128xf32, #tpu.memory_space<hbm>>
      %dma_start3A_209 = arith.constant 0 : i32
      %dma_start3A_210 = tpu.memref_slice %arg4[%add3A_168, %dma_start3A_209] : memref<20000x128xf32, #tpu.memory_space<hbm>> -> memref<80x128xf32, #tpu.memory_space<hbm>>
      tpu.enqueue_dma source(%arg9 : memref<80x128xf32, #tpu.memory_space<vmem>>) target(%dma_start3A_210 : memref<80x128xf32, #tpu.memory_space<hbm>>) target_semaphore(%run_scoped3A : memref<!tpu.dma_semaphore, #tpu.memory_space<semaphore_mem>>)
      %dma_wait3A_211 = arith.constant 0 : i32
      %dma_wait3A_212 = tpu.memref_slice %arg4[%add3A_168, %dma_wait3A_211] : memref<20000x128xf32, #tpu.memory_space<hbm>> -> memref<80x128xf32, #tpu.memory_space<hbm>>
      %dma_wait3A_213 = arith.constant 0 : i32
      %dma_wait3A_214 = tpu.memref_slice %arg4[%add3A_168, %dma_wait3A_213] : memref<20000x128xf32, #tpu.memory_space<hbm>> -> memref<80x128xf32, #tpu.memory_space<hbm>>
      tpu.wait_dma2 semaphore(%run_scoped3A : memref<!tpu.dma_semaphore, #tpu.memory_space<semaphore_mem>>) src(%arg9 : memref<80x128xf32, #tpu.memory_space<vmem>>) dst(%dma_wait3A_214 : memref<80x128xf32, #tpu.memory_space<hbm>>)
      tpu.yield
    }) : () -> ()
    %mul3A_169 = arith.constant 624 : i32
    %mul3A_170 = arith.muli %arg1, %mul3A_169 : i32
    %add3A_171 = arith.constant 400 : i32
    %add3A_172 = arith.addi %mul3A_170, %add3A_171 : i32
    %mul3A_173 = arith.constant 10000 : i32
    %mul3A_174 = arith.muli %arg0, %mul3A_173 : i32
    %mul3A_175 = arith.constant 624 : i32
    %mul3A_176 = arith.muli %arg1, %mul3A_175 : i32
    %add3A_177 = arith.addi %mul3A_174, %mul3A_176 : i32
    %add3A_178 = arith.constant 400 : i32
    %add3A_179 = arith.addi %add3A_177, %add3A_178 : i32
    "tpu.region"() ({
      %run_scoped3A = tpu.sem_alloc : memref<!tpu.dma_semaphore, #tpu.memory_space<semaphore_mem>>
      %dma_start3A_207 = arith.constant 0 : i32
      %dma_start3A_208 = tpu.memref_slice %arg12[%add3A_172, %dma_start3A_207] : memref<10000x128xf32, #tpu.memory_space<vmem_shared>> -> memref<80x128xf32, #tpu.memory_space<vmem_shared>>
      %dma_start3A_209 = arith.constant 0 : i32
      %dma_start3A_210 = tpu.memref_slice %arg12[%add3A_172, %dma_start3A_209] : memref<10000x128xf32, #tpu.memory_space<vmem_shared>> -> memref<80x128xf32, #tpu.memory_space<vmem_shared>>
      tpu.enqueue_dma source(%dma_start3A_210 : memref<80x128xf32, #tpu.memory_space<vmem_shared>>) target(%arg9 : memref<80x128xf32, #tpu.memory_space<vmem>>) target_semaphore(%run_scoped3A : memref<!tpu.dma_semaphore, #tpu.memory_space<semaphore_mem>>)
      %dma_wait3A_211 = arith.constant 0 : i32
      %dma_wait3A_212 = tpu.memref_slice %arg12[%add3A_172, %dma_wait3A_211] : memref<10000x128xf32, #tpu.memory_space<vmem_shared>> -> memref<80x128xf32, #tpu.memory_space<vmem_shared>>
      %dma_wait3A_213 = arith.constant 0 : i32
      %dma_wait3A_214 = tpu.memref_slice %arg12[%add3A_172, %dma_wait3A_213] : memref<10000x128xf32, #tpu.memory_space<vmem_shared>> -> memref<80x128xf32, #tpu.memory_space<vmem_shared>>
      tpu.wait_dma2 semaphore(%run_scoped3A : memref<!tpu.dma_semaphore, #tpu.memory_space<semaphore_mem>>) src(%dma_wait3A_214 : memref<80x128xf32, #tpu.memory_space<vmem_shared>>) dst(%arg9 : memref<80x128xf32, #tpu.memory_space<vmem>>)
      tpu.yield
    }) : () -> ()
    "tpu.region"() ({
      %run_scoped3A = tpu.sem_alloc : memref<!tpu.dma_semaphore, #tpu.memory_space<semaphore_mem>>
      %dma_start3A_207 = arith.constant 0 : i32
      %dma_start3A_208 = tpu.memref_slice %arg4[%add3A_179, %dma_start3A_207] : memref<20000x128xf32, #tpu.memory_space<hbm>> -> memref<80x128xf32, #tpu.memory_space<hbm>>
      %dma_start3A_209 = arith.constant 0 : i32
      %dma_start3A_210 = tpu.memref_slice %arg4[%add3A_179, %dma_start3A_209] : memref<20000x128xf32, #tpu.memory_space<hbm>> -> memref<80x128xf32, #tpu.memory_space<hbm>>
      tpu.enqueue_dma source(%arg9 : memref<80x128xf32, #tpu.memory_space<vmem>>) target(%dma_start3A_210 : memref<80x128xf32, #tpu.memory_space<hbm>>) target_semaphore(%run_scoped3A : memref<!tpu.dma_semaphore, #tpu.memory_space<semaphore_mem>>)
      %dma_wait3A_211 = arith.constant 0 : i32
      %dma_wait3A_212 = tpu.memref_slice %arg4[%add3A_179, %dma_wait3A_211] : memref<20000x128xf32, #tpu.memory_space<hbm>> -> memref<80x128xf32, #tpu.memory_space<hbm>>
      %dma_wait3A_213 = arith.constant 0 : i32
      %dma_wait3A_214 = tpu.memref_slice %arg4[%add3A_179, %dma_wait3A_213] : memref<20000x128xf32, #tpu.memory_space<hbm>> -> memref<80x128xf32, #tpu.memory_space<hbm>>
      tpu.wait_dma2 semaphore(%run_scoped3A : memref<!tpu.dma_semaphore, #tpu.memory_space<semaphore_mem>>) src(%arg9 : memref<80x128xf32, #tpu.memory_space<vmem>>) dst(%dma_wait3A_214 : memref<80x128xf32, #tpu.memory_space<hbm>>)
      tpu.yield
    }) : () -> ()
    %mul3A_180 = arith.constant 624 : i32
    %mul3A_181 = arith.muli %arg1, %mul3A_180 : i32
    %add3A_182 = arith.constant 480 : i32
    %add3A_183 = arith.addi %mul3A_181, %add3A_182 : i32
    %mul3A_184 = arith.constant 10000 : i32
    %mul3A_185 = arith.muli %arg0, %mul3A_184 : i32
    %mul3A_186 = arith.constant 624 : i32
    %mul3A_187 = arith.muli %arg1, %mul3A_186 : i32
    %add3A_188 = arith.addi %mul3A_185, %mul3A_187 : i32
    %add3A_189 = arith.constant 480 : i32
    %add3A_190 = arith.addi %add3A_188, %add3A_189 : i32
    "tpu.region"() ({
      %run_scoped3A = tpu.sem_alloc : memref<!tpu.dma_semaphore, #tpu.memory_space<semaphore_mem>>
      %dma_start3A_207 = arith.constant 0 : i32
      %dma_start3A_208 = tpu.memref_slice %arg12[%add3A_183, %dma_start3A_207] : memref<10000x128xf32, #tpu.memory_space<vmem_shared>> -> memref<80x128xf32, #tpu.memory_space<vmem_shared>>
      %dma_start3A_209 = arith.constant 0 : i32
      %dma_start3A_210 = tpu.memref_slice %arg12[%add3A_183, %dma_start3A_209] : memref<10000x128xf32, #tpu.memory_space<vmem_shared>> -> memref<80x128xf32, #tpu.memory_space<vmem_shared>>
      tpu.enqueue_dma source(%dma_start3A_210 : memref<80x128xf32, #tpu.memory_space<vmem_shared>>) target(%arg9 : memref<80x128xf32, #tpu.memory_space<vmem>>) target_semaphore(%run_scoped3A : memref<!tpu.dma_semaphore, #tpu.memory_space<semaphore_mem>>)
      %dma_wait3A_211 = arith.constant 0 : i32
      %dma_wait3A_212 = tpu.memref_slice %arg12[%add3A_183, %dma_wait3A_211] : memref<10000x128xf32, #tpu.memory_space<vmem_shared>> -> memref<80x128xf32, #tpu.memory_space<vmem_shared>>
      %dma_wait3A_213 = arith.constant 0 : i32
      %dma_wait3A_214 = tpu.memref_slice %arg12[%add3A_183, %dma_wait3A_213] : memref<10000x128xf32, #tpu.memory_space<vmem_shared>> -> memref<80x128xf32, #tpu.memory_space<vmem_shared>>
      tpu.wait_dma2 semaphore(%run_scoped3A : memref<!tpu.dma_semaphore, #tpu.memory_space<semaphore_mem>>) src(%dma_wait3A_214 : memref<80x128xf32, #tpu.memory_space<vmem_shared>>) dst(%arg9 : memref<80x128xf32, #tpu.memory_space<vmem>>)
      tpu.yield
    }) : () -> ()
    "tpu.region"() ({
      %run_scoped3A = tpu.sem_alloc : memref<!tpu.dma_semaphore, #tpu.memory_space<semaphore_mem>>
      %dma_start3A_207 = arith.constant 0 : i32
      %dma_start3A_208 = tpu.memref_slice %arg4[%add3A_190, %dma_start3A_207] : memref<20000x128xf32, #tpu.memory_space<hbm>> -> memref<80x128xf32, #tpu.memory_space<hbm>>
      %dma_start3A_209 = arith.constant 0 : i32
      %dma_start3A_210 = tpu.memref_slice %arg4[%add3A_190, %dma_start3A_209] : memref<20000x128xf32, #tpu.memory_space<hbm>> -> memref<80x128xf32, #tpu.memory_space<hbm>>
      tpu.enqueue_dma source(%arg9 : memref<80x128xf32, #tpu.memory_space<vmem>>) target(%dma_start3A_210 : memref<80x128xf32, #tpu.memory_space<hbm>>) target_semaphore(%run_scoped3A : memref<!tpu.dma_semaphore, #tpu.memory_space<semaphore_mem>>)
      %dma_wait3A_211 = arith.constant 0 : i32
      %dma_wait3A_212 = tpu.memref_slice %arg4[%add3A_190, %dma_wait3A_211] : memref<20000x128xf32, #tpu.memory_space<hbm>> -> memref<80x128xf32, #tpu.memory_space<hbm>>
      %dma_wait3A_213 = arith.constant 0 : i32
      %dma_wait3A_214 = tpu.memref_slice %arg4[%add3A_190, %dma_wait3A_213] : memref<20000x128xf32, #tpu.memory_space<hbm>> -> memref<80x128xf32, #tpu.memory_space<hbm>>
      tpu.wait_dma2 semaphore(%run_scoped3A : memref<!tpu.dma_semaphore, #tpu.memory_space<semaphore_mem>>) src(%arg9 : memref<80x128xf32, #tpu.memory_space<vmem>>) dst(%dma_wait3A_214 : memref<80x128xf32, #tpu.memory_space<hbm>>)
      tpu.yield
    }) : () -> ()
    %mul3A_191 = arith.constant 624 : i32
    %mul3A_192 = arith.muli %arg1, %mul3A_191 : i32
    %add3A_193 = arith.constant 560 : i32
    %add3A_194 = arith.addi %mul3A_192, %add3A_193 : i32
    "tpu.region"() ({
      %run_scoped3A = tpu.sem_alloc : memref<!tpu.dma_semaphore, #tpu.memory_space<semaphore_mem>>
      %dma_start3A_207 = arith.constant 0 : i32
      %dma_start3A_208 = arith.constant 0 : i32
      %dma_start3A_209 = tpu.memref_slice %arg9[%dma_start3A_207, %dma_start3A_208] : memref<80x128xf32, #tpu.memory_space<vmem>> -> memref<64x128xf32, #tpu.memory_space<vmem>>
      %dma_start3A_210 = arith.constant 0 : i32
      %dma_start3A_211 = tpu.memref_slice %arg12[%add3A_194, %dma_start3A_210] : memref<10000x128xf32, #tpu.memory_space<vmem_shared>> -> memref<64x128xf32, #tpu.memory_space<vmem_shared>>
      %dma_start3A_212 = arith.constant 0 : i32
      %dma_start3A_213 = arith.constant 0 : i32
      %dma_start3A_214 = tpu.memref_slice %arg9[%dma_start3A_212, %dma_start3A_213] : memref<80x128xf32, #tpu.memory_space<vmem>> -> memref<64x128xf32, #tpu.memory_space<vmem>>
      %dma_start3A_215 = arith.constant 0 : i32
      %dma_start3A_216 = tpu.memref_slice %arg12[%add3A_194, %dma_start3A_215] : memref<10000x128xf32, #tpu.memory_space<vmem_shared>> -> memref<64x128xf32, #tpu.memory_space<vmem_shared>>
      tpu.enqueue_dma source(%dma_start3A_216 : memref<64x128xf32, #tpu.memory_space<vmem_shared>>) target(%dma_start3A_214 : memref<64x128xf32, #tpu.memory_space<vmem>>) target_semaphore(%run_scoped3A : memref<!tpu.dma_semaphore, #tpu.memory_space<semaphore_mem>>)
      %dma_wait3A_217 = arith.constant 0 : i32
      %dma_wait3A_218 = arith.constant 0 : i32
      %dma_wait3A_219 = tpu.memref_slice %arg9[%dma_wait3A_217, %dma_wait3A_218] : memref<80x128xf32, #tpu.memory_space<vmem>> -> memref<64x128xf32, #tpu.memory_space<vmem>>
      %dma_wait3A_220 = arith.constant 0 : i32
      %dma_wait3A_221 = tpu.memref_slice %arg12[%add3A_194, %dma_wait3A_220] : memref<10000x128xf32, #tpu.memory_space<vmem_shared>> -> memref<64x128xf32, #tpu.memory_space<vmem_shared>>
      %dma_wait3A_222 = arith.constant 0 : i32
      %dma_wait3A_223 = arith.constant 0 : i32
      %dma_wait3A_224 = tpu.memref_slice %arg9[%dma_wait3A_222, %dma_wait3A_223] : memref<80x128xf32, #tpu.memory_space<vmem>> -> memref<64x128xf32, #tpu.memory_space<vmem>>
      %dma_wait3A_225 = arith.constant 0 : i32
      %dma_wait3A_226 = tpu.memref_slice %arg12[%add3A_194, %dma_wait3A_225] : memref<10000x128xf32, #tpu.memory_space<vmem_shared>> -> memref<64x128xf32, #tpu.memory_space<vmem_shared>>
      tpu.wait_dma2 semaphore(%run_scoped3A : memref<!tpu.dma_semaphore, #tpu.memory_space<semaphore_mem>>) src(%dma_wait3A_226 : memref<64x128xf32, #tpu.memory_space<vmem_shared>>) dst(%dma_wait3A_224 : memref<64x128xf32, #tpu.memory_space<vmem>>)
      tpu.yield
    }) : () -> ()
    %mul3A_195 = arith.constant 10000 : i32
    %mul3A_196 = arith.muli %arg0, %mul3A_195 : i32
    %mul3A_197 = arith.constant 624 : i32
    %mul3A_198 = arith.muli %arg1, %mul3A_197 : i32
    %add3A_199 = arith.addi %mul3A_196, %mul3A_198 : i32
    %add3A_200 = arith.constant 560 : i32
    %add3A_201 = arith.addi %add3A_199, %add3A_200 : i32
    "tpu.region"() ({
      %run_scoped3A = tpu.sem_alloc : memref<!tpu.dma_semaphore, #tpu.memory_space<semaphore_mem>>
      %dma_start3A_207 = arith.constant 0 : i32
      %dma_start3A_208 = arith.constant 0 : i32
      %dma_start3A_209 = tpu.memref_slice %arg9[%dma_start3A_207, %dma_start3A_208] : memref<80x128xf32, #tpu.memory_space<vmem>> -> memref<64x128xf32, #tpu.memory_space<vmem>>
      %dma_start3A_210 = arith.constant 0 : i32
      %dma_start3A_211 = tpu.memref_slice %arg4[%add3A_201, %dma_start3A_210] : memref<20000x128xf32, #tpu.memory_space<hbm>> -> memref<64x128xf32, #tpu.memory_space<hbm>>
      %dma_start3A_212 = arith.constant 0 : i32
      %dma_start3A_213 = tpu.memref_slice %arg4[%add3A_201, %dma_start3A_212] : memref<20000x128xf32, #tpu.memory_space<hbm>> -> memref<64x128xf32, #tpu.memory_space<hbm>>
      %dma_start3A_214 = arith.constant 0 : i32
      %dma_start3A_215 = arith.constant 0 : i32
      %dma_start3A_216 = tpu.memref_slice %arg9[%dma_start3A_214, %dma_start3A_215] : memref<80x128xf32, #tpu.memory_space<vmem>> -> memref<64x128xf32, #tpu.memory_space<vmem>>
      tpu.enqueue_dma source(%dma_start3A_216 : memref<64x128xf32, #tpu.memory_space<vmem>>) target(%dma_start3A_213 : memref<64x128xf32, #tpu.memory_space<hbm>>) target_semaphore(%run_scoped3A : memref<!tpu.dma_semaphore, #tpu.memory_space<semaphore_mem>>)
      %dma_wait3A_217 = arith.constant 0 : i32
      %dma_wait3A_218 = arith.constant 0 : i32
      %dma_wait3A_219 = tpu.memref_slice %arg9[%dma_wait3A_217, %dma_wait3A_218] : memref<80x128xf32, #tpu.memory_space<vmem>> -> memref<64x128xf32, #tpu.memory_space<vmem>>
      %dma_wait3A_220 = arith.constant 0 : i32
      %dma_wait3A_221 = tpu.memref_slice %arg4[%add3A_201, %dma_wait3A_220] : memref<20000x128xf32, #tpu.memory_space<hbm>> -> memref<64x128xf32, #tpu.memory_space<hbm>>
      %dma_wait3A_222 = arith.constant 0 : i32
      %dma_wait3A_223 = tpu.memref_slice %arg4[%add3A_201, %dma_wait3A_222] : memref<20000x128xf32, #tpu.memory_space<hbm>> -> memref<64x128xf32, #tpu.memory_space<hbm>>
      %dma_wait3A_224 = arith.constant 0 : i32
      %dma_wait3A_225 = arith.constant 0 : i32
      %dma_wait3A_226 = tpu.memref_slice %arg9[%dma_wait3A_224, %dma_wait3A_225] : memref<80x128xf32, #tpu.memory_space<vmem>> -> memref<64x128xf32, #tpu.memory_space<vmem>>
      tpu.wait_dma2 semaphore(%run_scoped3A : memref<!tpu.dma_semaphore, #tpu.memory_space<semaphore_mem>>) src(%dma_wait3A_226 : memref<64x128xf32, #tpu.memory_space<vmem>>) dst(%dma_wait3A_223 : memref<64x128xf32, #tpu.memory_space<hbm>>)
      tpu.yield
    }) : () -> ()
    %eq3A_202 = arith.constant 0 : i32
    %eq3A_203 = arith.cmpi eq, %arg1, %eq3A_202 : i32
    %convert_element_type3A_204 = arith.extui %eq3A_203 : i1 to i32
    %cond3A_205 = arith.constant 0 : i32
    %cond3A_206 = arith.cmpi ne, %convert_element_type3A_204, %cond3A_205 : i32
    scf.if %cond3A_206 {
      "tpu.region"() ({
        %run_scoped3A = tpu.sem_alloc : memref<!tpu.dma_semaphore, #tpu.memory_space<semaphore_mem>>
        %dma_start3A_211 = arith.constant 0 : i32
        %dma_start3A_212 = arith.constant 0 : i32
        %dma_start3A_213 = tpu.memref_slice %arg9[%dma_start3A_211, %dma_start3A_212] : memref<80x128xf32, #tpu.memory_space<vmem>> -> memref<16x128xf32, #tpu.memory_space<vmem>>
        %dma_start3A_214 = arith.constant 9984 : i32
        %dma_start3A_215 = arith.constant 0 : i32
        %dma_start3A_216 = tpu.memref_slice %arg12[%dma_start3A_214, %dma_start3A_215] : memref<10000x128xf32, #tpu.memory_space<vmem_shared>> -> memref<16x128xf32, #tpu.memory_space<vmem_shared>>
        %dma_start3A_217 = arith.constant 0 : i32
        %dma_start3A_218 = arith.constant 0 : i32
        %dma_start3A_219 = tpu.memref_slice %arg9[%dma_start3A_217, %dma_start3A_218] : memref<80x128xf32, #tpu.memory_space<vmem>> -> memref<16x128xf32, #tpu.memory_space<vmem>>
        %dma_start3A_220 = arith.constant 9984 : i32
        %dma_start3A_221 = arith.constant 0 : i32
        %dma_start3A_222 = tpu.memref_slice %arg12[%dma_start3A_220, %dma_start3A_221] : memref<10000x128xf32, #tpu.memory_space<vmem_shared>> -> memref<16x128xf32, #tpu.memory_space<vmem_shared>>
        tpu.enqueue_dma source(%dma_start3A_222 : memref<16x128xf32, #tpu.memory_space<vmem_shared>>) target(%dma_start3A_219 : memref<16x128xf32, #tpu.memory_space<vmem>>) target_semaphore(%run_scoped3A : memref<!tpu.dma_semaphore, #tpu.memory_space<semaphore_mem>>)
        %dma_wait3A_223 = arith.constant 0 : i32
        %dma_wait3A_224 = arith.constant 0 : i32
        %dma_wait3A_225 = tpu.memref_slice %arg9[%dma_wait3A_223, %dma_wait3A_224] : memref<80x128xf32, #tpu.memory_space<vmem>> -> memref<16x128xf32, #tpu.memory_space<vmem>>
        %dma_wait3A_226 = arith.constant 9984 : i32
        %dma_wait3A_227 = arith.constant 0 : i32
        %dma_wait3A_228 = tpu.memref_slice %arg12[%dma_wait3A_226, %dma_wait3A_227] : memref<10000x128xf32, #tpu.memory_space<vmem_shared>> -> memref<16x128xf32, #tpu.memory_space<vmem_shared>>
        %dma_wait3A_229 = arith.constant 0 : i32
        %dma_wait3A_230 = arith.constant 0 : i32
        %dma_wait3A_231 = tpu.memref_slice %arg9[%dma_wait3A_229, %dma_wait3A_230] : memref<80x128xf32, #tpu.memory_space<vmem>> -> memref<16x128xf32, #tpu.memory_space<vmem>>
        %dma_wait3A_232 = arith.constant 9984 : i32
        %dma_wait3A_233 = arith.constant 0 : i32
        %dma_wait3A_234 = tpu.memref_slice %arg12[%dma_wait3A_232, %dma_wait3A_233] : memref<10000x128xf32, #tpu.memory_space<vmem_shared>> -> memref<16x128xf32, #tpu.memory_space<vmem_shared>>
        tpu.wait_dma2 semaphore(%run_scoped3A : memref<!tpu.dma_semaphore, #tpu.memory_space<semaphore_mem>>) src(%dma_wait3A_234 : memref<16x128xf32, #tpu.memory_space<vmem_shared>>) dst(%dma_wait3A_231 : memref<16x128xf32, #tpu.memory_space<vmem>>)
        tpu.yield
      }) : () -> ()
      %mul3A_207 = arith.constant 10000 : i32
      %mul3A_208 = arith.muli %arg0, %mul3A_207 : i32
      %add3A_209 = arith.constant 9984 : i32
      %add3A_210 = arith.addi %mul3A_208, %add3A_209 : i32
      "tpu.region"() ({
        %run_scoped3A = tpu.sem_alloc : memref<!tpu.dma_semaphore, #tpu.memory_space<semaphore_mem>>
        %dma_start3A_211 = arith.constant 0 : i32
        %dma_start3A_212 = arith.constant 0 : i32
        %dma_start3A_213 = tpu.memref_slice %arg9[%dma_start3A_211, %dma_start3A_212] : memref<80x128xf32, #tpu.memory_space<vmem>> -> memref<16x128xf32, #tpu.memory_space<vmem>>
        %dma_start3A_214 = arith.constant 0 : i32
        %dma_start3A_215 = tpu.memref_slice %arg4[%add3A_210, %dma_start3A_214] : memref<20000x128xf32, #tpu.memory_space<hbm>> -> memref<16x128xf32, #tpu.memory_space<hbm>>
        %dma_start3A_216 = arith.constant 0 : i32
        %dma_start3A_217 = tpu.memref_slice %arg4[%add3A_210, %dma_start3A_216] : memref<20000x128xf32, #tpu.memory_space<hbm>> -> memref<16x128xf32, #tpu.memory_space<hbm>>
        %dma_start3A_218 = arith.constant 0 : i32
        %dma_start3A_219 = arith.constant 0 : i32
        %dma_start3A_220 = tpu.memref_slice %arg9[%dma_start3A_218, %dma_start3A_219] : memref<80x128xf32, #tpu.memory_space<vmem>> -> memref<16x128xf32, #tpu.memory_space<vmem>>
        tpu.enqueue_dma source(%dma_start3A_220 : memref<16x128xf32, #tpu.memory_space<vmem>>) target(%dma_start3A_217 : memref<16x128xf32, #tpu.memory_space<hbm>>) target_semaphore(%run_scoped3A : memref<!tpu.dma_semaphore, #tpu.memory_space<semaphore_mem>>)
        %dma_wait3A_221 = arith.constant 0 : i32
        %dma_wait3A_222 = arith.constant 0 : i32
        %dma_wait3A_223 = tpu.memref_slice %arg9[%dma_wait3A_221, %dma_wait3A_222] : memref<80x128xf32, #tpu.memory_space<vmem>> -> memref<16x128xf32, #tpu.memory_space<vmem>>
        %dma_wait3A_224 = arith.constant 0 : i32
        %dma_wait3A_225 = tpu.memref_slice %arg4[%add3A_210, %dma_wait3A_224] : memref<20000x128xf32, #tpu.memory_space<hbm>> -> memref<16x128xf32, #tpu.memory_space<hbm>>
        %dma_wait3A_226 = arith.constant 0 : i32
        %dma_wait3A_227 = tpu.memref_slice %arg4[%add3A_210, %dma_wait3A_226] : memref<20000x128xf32, #tpu.memory_space<hbm>> -> memref<16x128xf32, #tpu.memory_space<hbm>>
        %dma_wait3A_228 = arith.constant 0 : i32
        %dma_wait3A_229 = arith.constant 0 : i32
        %dma_wait3A_230 = tpu.memref_slice %arg9[%dma_wait3A_228, %dma_wait3A_229] : memref<80x128xf32, #tpu.memory_space<vmem>> -> memref<16x128xf32, #tpu.memory_space<vmem>>
        tpu.wait_dma2 semaphore(%run_scoped3A : memref<!tpu.dma_semaphore, #tpu.memory_space<semaphore_mem>>) src(%dma_wait3A_230 : memref<16x128xf32, #tpu.memory_space<vmem>>) dst(%dma_wait3A_227 : memref<16x128xf32, #tpu.memory_space<hbm>>)
        tpu.yield
      }) : () -> ()
    } else {
    }
    return
  }
}

#map = affine_map<(d0, d1) -> (0)>
module attributes {stable_mosaic.version = 14 : i64} {
  func.func @deg_kernel(%arg0: i32, %arg1: i32, %arg2: memref<320000xi32, #tpu.memory_space<hbm>>, %arg3: memref<20480xf32, #tpu.memory_space<hbm>>, %arg4: memref<10240xi32, #tpu.memory_space<vmem>>, %arg5: memref<10240xf32, #tpu.memory_space<vmem>>, %arg6: memref<640xf32, #tpu.memory_space<vmem>>, %arg7: memref<640xf32, #tpu.memory_space<vmem>>, %arg8: memref<16x1x10240xf32, #tpu.memory_space<vmem_shared>>) attributes {dimension_semantics = [#tpu.dimension_semantics<core_parallel>, #tpu.dimension_semantics<subcore_parallel>], iteration_bounds = array<i64: 2, 16>, scalar_prefetch = 0 : i64, scratch_operands = 5 : i64, tpu.core_type = #tpu.core_type<sc_vector_subcore>, window_params = [{transform_indices = #map}, {transform_indices = #map}]} {
    %scan3A = arith.constant 0 : i32
    %scan3A_0 = arith.constant 640 : i32
    %scan3A_1 = arith.addi %scan3A, %scan3A_0 : i32
    %scan3A_2 = arith.constant 1 : i32
    scf.for %scan3A_172 = %scan3A to %scan3A_1 step %scan3A_2  : i32 {
      %broadcast_in_dim3A_173 = arith.constant 0.000000e+00 : f32
      %broadcast_in_dim3A_174 = vector.broadcast %broadcast_in_dim3A_173 : f32 to vector<16xf32>
      %mul3A_175 = arith.constant 16 : i32
      %mul3A_176 = arith.muli %scan3A_172, %mul3A_175 : i32
      %swap3A = arith.index_cast %mul3A_176 : i32 to index
      %swap3A_177 = tpu.vector_load %arg5[%swap3A] {strides = array<i32>} : memref<10240xf32, #tpu.memory_space<vmem>>, vector<16xf32>,
      tpu.vector_store %arg5[%swap3A], %broadcast_in_dim3A_174 {strides = array<i32>} : memref<10240xf32, #tpu.memory_space<vmem>>, vector<16xf32>,
    }
    %scan3A_3 = arith.constant 640 : i32
    %broadcast_in_dim3A = arith.constant 1.000000e+00 : f32
    %broadcast_in_dim3A_4 = vector.broadcast %broadcast_in_dim3A : f32 to vector<16xf32>
    %mul3A = arith.constant 160000 : i32
    %mul3A_5 = arith.muli %arg0, %mul3A : i32
    %mul3A_6 = arith.constant 10000 : i32
    %mul3A_7 = arith.muli %arg1, %mul3A_6 : i32
    %add3A = arith.addi %mul3A_5, %mul3A_7 : i32
    "tpu.region"() ({
      %run_scoped3A_172 = tpu.sem_alloc : memref<!tpu.dma_semaphore, #tpu.memory_space<semaphore_mem>>
      %dma_start3A = arith.constant 0 : i32
      %dma_start3A_173 = tpu.memref_slice %arg4[%dma_start3A] : memref<10240xi32, #tpu.memory_space<vmem>> -> memref<10000xi32, #tpu.memory_space<vmem>>
      %dma_start3A_174 = tpu.memref_slice %arg2[%add3A] : memref<320000xi32, #tpu.memory_space<hbm>> -> memref<10000xi32, #tpu.memory_space<hbm>>
      %dma_start3A_175 = arith.constant 0 : i32
      %dma_start3A_176 = tpu.memref_slice %arg4[%dma_start3A_175] : memref<10240xi32, #tpu.memory_space<vmem>> -> memref<10000xi32, #tpu.memory_space<vmem>>
      %dma_start3A_177 = tpu.memref_slice %arg2[%add3A] : memref<320000xi32, #tpu.memory_space<hbm>> -> memref<10000xi32, #tpu.memory_space<hbm>>
      tpu.enqueue_dma source(%dma_start3A_177 : memref<10000xi32, #tpu.memory_space<hbm>>) target(%dma_start3A_176 : memref<10000xi32, #tpu.memory_space<vmem>>) target_semaphore(%run_scoped3A_172 : memref<!tpu.dma_semaphore, #tpu.memory_space<semaphore_mem>>)
      %dma_wait3A = arith.constant 0 : i32
      %dma_wait3A_178 = tpu.memref_slice %arg4[%dma_wait3A] : memref<10240xi32, #tpu.memory_space<vmem>> -> memref<10000xi32, #tpu.memory_space<vmem>>
      %dma_wait3A_179 = tpu.memref_slice %arg2[%add3A] : memref<320000xi32, #tpu.memory_space<hbm>> -> memref<10000xi32, #tpu.memory_space<hbm>>
      %dma_wait3A_180 = arith.constant 0 : i32
      %dma_wait3A_181 = tpu.memref_slice %arg4[%dma_wait3A_180] : memref<10240xi32, #tpu.memory_space<vmem>> -> memref<10000xi32, #tpu.memory_space<vmem>>
      %dma_wait3A_182 = tpu.memref_slice %arg2[%add3A] : memref<320000xi32, #tpu.memory_space<hbm>> -> memref<10000xi32, #tpu.memory_space<hbm>>
      tpu.wait_dma2 semaphore(%run_scoped3A_172 : memref<!tpu.dma_semaphore, #tpu.memory_space<semaphore_mem>>) src(%dma_wait3A_182 : memref<10000xi32, #tpu.memory_space<hbm>>) dst(%dma_wait3A_181 : memref<10000xi32, #tpu.memory_space<vmem>>)
      tpu.yield
    }) : () -> ()
    %scan3A_8 = arith.constant 0 : i32
    %scan3A_9 = arith.constant 15 : i32
    %scan3A_10 = arith.addi %scan3A_8, %scan3A_9 : i32
    %scan3A_11 = arith.constant 1 : i32
    scf.for %scan3A_172 = %scan3A_8 to %scan3A_10 step %scan3A_11  : i32 {
      %broadcast_in_dim3A_173 = arith.constant 10000 : i32
      %broadcast_in_dim3A_174 = vector.broadcast %broadcast_in_dim3A_173 : i32 to vector<16xi32>
      %mul3A_175 = arith.constant 16 : i32
      %mul3A_176 = arith.muli %scan3A_172, %mul3A_175 : i32
      %add3A_177 = arith.constant 10000 : i32
      %add3A_178 = arith.addi %add3A_177, %mul3A_176 : i32
      %swap3A = arith.index_cast %add3A_178 : i32 to index
      %swap3A_179 = tpu.vector_load %arg4[%swap3A] {strides = array<i32>} : memref<10240xi32, #tpu.memory_space<vmem>>, vector<16xi32>,
      tpu.vector_store %arg4[%swap3A], %broadcast_in_dim3A_174 {strides = array<i32>} : memref<10240xi32, #tpu.memory_space<vmem>>, vector<16xi32>,
    }
    %scan3A_12 = arith.constant 15 : i32
    %scan3A_13 = arith.constant 0 : i32
    %scan3A_14 = arith.constant 640 : i32
    %scan3A_15 = arith.addi %scan3A_13, %scan3A_14 : i32
    %scan3A_16 = arith.constant 1 : i32
    scf.for %scan3A_172 = %scan3A_13 to %scan3A_15 step %scan3A_16  : i32 {
      %mul3A_173 = arith.constant 16 : i32
      %mul3A_174 = arith.muli %scan3A_172, %mul3A_173 : i32
      %get3A = arith.index_cast %mul3A_174 : i32 to index
      %get3A_175 = tpu.vector_load %arg4[%get3A] {strides = array<i32>} : memref<10240xi32, #tpu.memory_space<vmem>>, vector<16xi32>,
      tpu.vector_store_idx %arg5[%get3A_175], %broadcast_in_dim3A_4 {add = true} : memref<10240xf32, #tpu.memory_space<vmem>>[vector<16xi32>], vector<16xf32>,
    }
    %scan3A_17 = arith.constant 640 : i32
    %run_scoped3A = arith.constant 0 : i32
    "tpu.region"() ({
      %run_scoped3A_172 = tpu.sem_alloc : memref<!tpu.dma_semaphore, #tpu.memory_space<semaphore_mem>>
      %dma_start3A = arith.constant 0 : i32
      %dma_start3A_173 = tpu.memref_slice %arg8[%arg1, %run_scoped3A, %dma_start3A] : memref<16x1x10240xf32, #tpu.memory_space<vmem_shared>> -> memref<1x1x10240xf32, #tpu.memory_space<vmem_shared>>
      %dma_start3A_174 = tpu.memref_squeeze %dma_start3A_173 : memref<1x1x10240xf32, #tpu.memory_space<vmem_shared>> -> memref<10240xf32, #tpu.memory_space<vmem_shared>>
      %dma_start3A_175 = arith.constant 0 : i32
      %dma_start3A_176 = tpu.memref_slice %arg8[%arg1, %run_scoped3A, %dma_start3A_175] : memref<16x1x10240xf32, #tpu.memory_space<vmem_shared>> -> memref<1x1x10240xf32, #tpu.memory_space<vmem_shared>>
      %dma_start3A_177 = tpu.memref_squeeze %dma_start3A_176 : memref<1x1x10240xf32, #tpu.memory_space<vmem_shared>> -> memref<10240xf32, #tpu.memory_space<vmem_shared>>
      tpu.enqueue_dma source(%arg5 : memref<10240xf32, #tpu.memory_space<vmem>>) target(%dma_start3A_177 : memref<10240xf32, #tpu.memory_space<vmem_shared>>) target_semaphore(%run_scoped3A_172 : memref<!tpu.dma_semaphore, #tpu.memory_space<semaphore_mem>>)
      %dma_wait3A = arith.constant 0 : i32
      %dma_wait3A_178 = tpu.memref_slice %arg8[%arg1, %run_scoped3A, %dma_wait3A] : memref<16x1x10240xf32, #tpu.memory_space<vmem_shared>> -> memref<1x1x10240xf32, #tpu.memory_space<vmem_shared>>
      %dma_wait3A_179 = tpu.memref_squeeze %dma_wait3A_178 : memref<1x1x10240xf32, #tpu.memory_space<vmem_shared>> -> memref<10240xf32, #tpu.memory_space<vmem_shared>>
      %dma_wait3A_180 = arith.constant 0 : i32
      %dma_wait3A_181 = tpu.memref_slice %arg8[%arg1, %run_scoped3A, %dma_wait3A_180] : memref<16x1x10240xf32, #tpu.memory_space<vmem_shared>> -> memref<1x1x10240xf32, #tpu.memory_space<vmem_shared>>
      %dma_wait3A_182 = tpu.memref_squeeze %dma_wait3A_181 : memref<1x1x10240xf32, #tpu.memory_space<vmem_shared>> -> memref<10240xf32, #tpu.memory_space<vmem_shared>>
      tpu.wait_dma2 semaphore(%run_scoped3A_172 : memref<!tpu.dma_semaphore, #tpu.memory_space<semaphore_mem>>) src(%arg5 : memref<10240xf32, #tpu.memory_space<vmem>>) dst(%dma_wait3A_182 : memref<10240xf32, #tpu.memory_space<vmem_shared>>)
      tpu.yield
    }) : () -> ()
    %barrier3A = arith.constant 0 : index
    tpu.barrier barrier_id(%barrier3A)
    %scan3A_18 = arith.constant 0 : i32
    %scan3A_19 = arith.constant 40 : i32
    %scan3A_20 = arith.addi %scan3A_18, %scan3A_19 : i32
    %scan3A_21 = arith.constant 1 : i32
    scf.for %scan3A_172 = %scan3A_18 to %scan3A_20 step %scan3A_21  : i32 {
      %broadcast_in_dim3A_173 = arith.constant 0.000000e+00 : f32
      %broadcast_in_dim3A_174 = vector.broadcast %broadcast_in_dim3A_173 : f32 to vector<16xf32>
      %mul3A_175 = arith.constant 16 : i32
      %mul3A_176 = arith.muli %scan3A_172, %mul3A_175 : i32
      %swap3A = arith.index_cast %mul3A_176 : i32 to index
      %swap3A_177 = tpu.vector_load %arg7[%swap3A] {strides = array<i32>} : memref<640xf32, #tpu.memory_space<vmem>>, vector<16xf32>,
      tpu.vector_store %arg7[%swap3A], %broadcast_in_dim3A_174 {strides = array<i32>} : memref<640xf32, #tpu.memory_space<vmem>>, vector<16xf32>,
    }
    %scan3A_22 = arith.constant 40 : i32
    %mul3A_23 = arith.constant 640 : i32
    %mul3A_24 = arith.muli %arg1, %mul3A_23 : i32
    %run_scoped3A_25 = arith.constant 0 : i32
    %run_scoped3A_26 = arith.constant 0 : i32
    "tpu.region"() ({
      %run_scoped3A_172 = tpu.sem_alloc : memref<!tpu.dma_semaphore, #tpu.memory_space<semaphore_mem>>
      %dma_start3A = tpu.memref_slice %arg8[%run_scoped3A_25, %run_scoped3A_26, %mul3A_24] : memref<16x1x10240xf32, #tpu.memory_space<vmem_shared>> -> memref<1x1x640xf32, #tpu.memory_space<vmem_shared>>
      %dma_start3A_173 = tpu.memref_squeeze %dma_start3A : memref<1x1x640xf32, #tpu.memory_space<vmem_shared>> -> memref<640xf32, #tpu.memory_space<vmem_shared>>
      %dma_start3A_174 = tpu.memref_slice %arg8[%run_scoped3A_25, %run_scoped3A_26, %mul3A_24] : memref<16x1x10240xf32, #tpu.memory_space<vmem_shared>> -> memref<1x1x640xf32, #tpu.memory_space<vmem_shared>>
      %dma_start3A_175 = tpu.memref_squeeze %dma_start3A_174 : memref<1x1x640xf32, #tpu.memory_space<vmem_shared>> -> memref<640xf32, #tpu.memory_space<vmem_shared>>
      tpu.enqueue_dma source(%dma_start3A_175 : memref<640xf32, #tpu.memory_space<vmem_shared>>) target(%arg6 : memref<640xf32, #tpu.memory_space<vmem>>) target_semaphore(%run_scoped3A_172 : memref<!tpu.dma_semaphore, #tpu.memory_space<semaphore_mem>>)
      %dma_wait3A = tpu.memref_slice %arg8[%run_scoped3A_25, %run_scoped3A_26, %mul3A_24] : memref<16x1x10240xf32, #tpu.memory_space<vmem_shared>> -> memref<1x1x640xf32, #tpu.memory_space<vmem_shared>>
      %dma_wait3A_176 = tpu.memref_squeeze %dma_wait3A : memref<1x1x640xf32, #tpu.memory_space<vmem_shared>> -> memref<640xf32, #tpu.memory_space<vmem_shared>>
      %dma_wait3A_177 = tpu.memref_slice %arg8[%run_scoped3A_25, %run_scoped3A_26, %mul3A_24] : memref<16x1x10240xf32, #tpu.memory_space<vmem_shared>> -> memref<1x1x640xf32, #tpu.memory_space<vmem_shared>>
      %dma_wait3A_178 = tpu.memref_squeeze %dma_wait3A_177 : memref<1x1x640xf32, #tpu.memory_space<vmem_shared>> -> memref<640xf32, #tpu.memory_space<vmem_shared>>
      tpu.wait_dma2 semaphore(%run_scoped3A_172 : memref<!tpu.dma_semaphore, #tpu.memory_space<semaphore_mem>>) src(%dma_wait3A_178 : memref<640xf32, #tpu.memory_space<vmem_shared>>) dst(%arg6 : memref<640xf32, #tpu.memory_space<vmem>>)
      tpu.yield
    }) : () -> ()
    %scan3A_27 = arith.constant 0 : i32
    %scan3A_28 = arith.constant 40 : i32
    %scan3A_29 = arith.addi %scan3A_27, %scan3A_28 : i32
    %scan3A_30 = arith.constant 1 : i32
    scf.for %scan3A_172 = %scan3A_27 to %scan3A_29 step %scan3A_30  : i32 {
      %mul3A_173 = arith.constant 16 : i32
      %mul3A_174 = arith.muli %scan3A_172, %mul3A_173 : i32
      %get3A = arith.index_cast %mul3A_174 : i32 to index
      %get3A_175 = tpu.vector_load %arg7[%get3A] {strides = array<i32>} : memref<640xf32, #tpu.memory_space<vmem>>, vector<16xf32>,
      %get3A_176 = arith.index_cast %mul3A_174 : i32 to index
      %get3A_177 = tpu.vector_load %arg6[%get3A_176] {strides = array<i32>} : memref<640xf32, #tpu.memory_space<vmem>>, vector<16xf32>,
      %add3A_178 = arith.addf %get3A_175, %get3A_177 : vector<16xf32>
      %swap3A = arith.index_cast %mul3A_174 : i32 to index
      %swap3A_179 = tpu.vector_load %arg7[%swap3A] {strides = array<i32>} : memref<640xf32, #tpu.memory_space<vmem>>, vector<16xf32>,
      tpu.vector_store %arg7[%swap3A], %add3A_178 {strides = array<i32>} : memref<640xf32, #tpu.memory_space<vmem>>, vector<16xf32>,
    }
    %scan3A_31 = arith.constant 40 : i32
    %mul3A_32 = arith.constant 640 : i32
    %mul3A_33 = arith.muli %arg1, %mul3A_32 : i32
    %run_scoped3A_34 = arith.constant 1 : i32
    %run_scoped3A_35 = arith.constant 0 : i32
    "tpu.region"() ({
      %run_scoped3A_172 = tpu.sem_alloc : memref<!tpu.dma_semaphore, #tpu.memory_space<semaphore_mem>>
      %dma_start3A = tpu.memref_slice %arg8[%run_scoped3A_34, %run_scoped3A_35, %mul3A_33] : memref<16x1x10240xf32, #tpu.memory_space<vmem_shared>> -> memref<1x1x640xf32, #tpu.memory_space<vmem_shared>>
      %dma_start3A_173 = tpu.memref_squeeze %dma_start3A : memref<1x1x640xf32, #tpu.memory_space<vmem_shared>> -> memref<640xf32, #tpu.memory_space<vmem_shared>>
      %dma_start3A_174 = tpu.memref_slice %arg8[%run_scoped3A_34, %run_scoped3A_35, %mul3A_33] : memref<16x1x10240xf32, #tpu.memory_space<vmem_shared>> -> memref<1x1x640xf32, #tpu.memory_space<vmem_shared>>
      %dma_start3A_175 = tpu.memref_squeeze %dma_start3A_174 : memref<1x1x640xf32, #tpu.memory_space<vmem_shared>> -> memref<640xf32, #tpu.memory_space<vmem_shared>>
      tpu.enqueue_dma source(%dma_start3A_175 : memref<640xf32, #tpu.memory_space<vmem_shared>>) target(%arg6 : memref<640xf32, #tpu.memory_space<vmem>>) target_semaphore(%run_scoped3A_172 : memref<!tpu.dma_semaphore, #tpu.memory_space<semaphore_mem>>)
      %dma_wait3A = tpu.memref_slice %arg8[%run_scoped3A_34, %run_scoped3A_35, %mul3A_33] : memref<16x1x10240xf32, #tpu.memory_space<vmem_shared>> -> memref<1x1x640xf32, #tpu.memory_space<vmem_shared>>
      %dma_wait3A_176 = tpu.memref_squeeze %dma_wait3A : memref<1x1x640xf32, #tpu.memory_space<vmem_shared>> -> memref<640xf32, #tpu.memory_space<vmem_shared>>
      %dma_wait3A_177 = tpu.memref_slice %arg8[%run_scoped3A_34, %run_scoped3A_35, %mul3A_33] : memref<16x1x10240xf32, #tpu.memory_space<vmem_shared>> -> memref<1x1x640xf32, #tpu.memory_space<vmem_shared>>
      %dma_wait3A_178 = tpu.memref_squeeze %dma_wait3A_177 : memref<1x1x640xf32, #tpu.memory_space<vmem_shared>> -> memref<640xf32, #tpu.memory_space<vmem_shared>>
      tpu.wait_dma2 semaphore(%run_scoped3A_172 : memref<!tpu.dma_semaphore, #tpu.memory_space<semaphore_mem>>) src(%dma_wait3A_178 : memref<640xf32, #tpu.memory_space<vmem_shared>>) dst(%arg6 : memref<640xf32, #tpu.memory_space<vmem>>)
      tpu.yield
    }) : () -> ()
    %scan3A_36 = arith.constant 0 : i32
    %scan3A_37 = arith.constant 40 : i32
    %scan3A_38 = arith.addi %scan3A_36, %scan3A_37 : i32
    %scan3A_39 = arith.constant 1 : i32
    scf.for %scan3A_172 = %scan3A_36 to %scan3A_38 step %scan3A_39  : i32 {
      %mul3A_173 = arith.constant 16 : i32
      %mul3A_174 = arith.muli %scan3A_172, %mul3A_173 : i32
      %get3A = arith.index_cast %mul3A_174 : i32 to index
      %get3A_175 = tpu.vector_load %arg7[%get3A] {strides = array<i32>} : memref<640xf32, #tpu.memory_space<vmem>>, vector<16xf32>,
      %get3A_176 = arith.index_cast %mul3A_174 : i32 to index
      %get3A_177 = tpu.vector_load %arg6[%get3A_176] {strides = array<i32>} : memref<640xf32, #tpu.memory_space<vmem>>, vector<16xf32>,
      %add3A_178 = arith.addf %get3A_175, %get3A_177 : vector<16xf32>
      %swap3A = arith.index_cast %mul3A_174 : i32 to index
      %swap3A_179 = tpu.vector_load %arg7[%swap3A] {strides = array<i32>} : memref<640xf32, #tpu.memory_space<vmem>>, vector<16xf32>,
      tpu.vector_store %arg7[%swap3A], %add3A_178 {strides = array<i32>} : memref<640xf32, #tpu.memory_space<vmem>>, vector<16xf32>,
    }
    %scan3A_40 = arith.constant 40 : i32
    %mul3A_41 = arith.constant 640 : i32
    %mul3A_42 = arith.muli %arg1, %mul3A_41 : i32
    %run_scoped3A_43 = arith.constant 2 : i32
    %run_scoped3A_44 = arith.constant 0 : i32
    "tpu.region"() ({
      %run_scoped3A_172 = tpu.sem_alloc : memref<!tpu.dma_semaphore, #tpu.memory_space<semaphore_mem>>
      %dma_start3A = tpu.memref_slice %arg8[%run_scoped3A_43, %run_scoped3A_44, %mul3A_42] : memref<16x1x10240xf32, #tpu.memory_space<vmem_shared>> -> memref<1x1x640xf32, #tpu.memory_space<vmem_shared>>
      %dma_start3A_173 = tpu.memref_squeeze %dma_start3A : memref<1x1x640xf32, #tpu.memory_space<vmem_shared>> -> memref<640xf32, #tpu.memory_space<vmem_shared>>
      %dma_start3A_174 = tpu.memref_slice %arg8[%run_scoped3A_43, %run_scoped3A_44, %mul3A_42] : memref<16x1x10240xf32, #tpu.memory_space<vmem_shared>> -> memref<1x1x640xf32, #tpu.memory_space<vmem_shared>>
      %dma_start3A_175 = tpu.memref_squeeze %dma_start3A_174 : memref<1x1x640xf32, #tpu.memory_space<vmem_shared>> -> memref<640xf32, #tpu.memory_space<vmem_shared>>
      tpu.enqueue_dma source(%dma_start3A_175 : memref<640xf32, #tpu.memory_space<vmem_shared>>) target(%arg6 : memref<640xf32, #tpu.memory_space<vmem>>) target_semaphore(%run_scoped3A_172 : memref<!tpu.dma_semaphore, #tpu.memory_space<semaphore_mem>>)
      %dma_wait3A = tpu.memref_slice %arg8[%run_scoped3A_43, %run_scoped3A_44, %mul3A_42] : memref<16x1x10240xf32, #tpu.memory_space<vmem_shared>> -> memref<1x1x640xf32, #tpu.memory_space<vmem_shared>>
      %dma_wait3A_176 = tpu.memref_squeeze %dma_wait3A : memref<1x1x640xf32, #tpu.memory_space<vmem_shared>> -> memref<640xf32, #tpu.memory_space<vmem_shared>>
      %dma_wait3A_177 = tpu.memref_slice %arg8[%run_scoped3A_43, %run_scoped3A_44, %mul3A_42] : memref<16x1x10240xf32, #tpu.memory_space<vmem_shared>> -> memref<1x1x640xf32, #tpu.memory_space<vmem_shared>>
      %dma_wait3A_178 = tpu.memref_squeeze %dma_wait3A_177 : memref<1x1x640xf32, #tpu.memory_space<vmem_shared>> -> memref<640xf32, #tpu.memory_space<vmem_shared>>
      tpu.wait_dma2 semaphore(%run_scoped3A_172 : memref<!tpu.dma_semaphore, #tpu.memory_space<semaphore_mem>>) src(%dma_wait3A_178 : memref<640xf32, #tpu.memory_space<vmem_shared>>) dst(%arg6 : memref<640xf32, #tpu.memory_space<vmem>>)
      tpu.yield
    }) : () -> ()
    %scan3A_45 = arith.constant 0 : i32
    %scan3A_46 = arith.constant 40 : i32
    %scan3A_47 = arith.addi %scan3A_45, %scan3A_46 : i32
    %scan3A_48 = arith.constant 1 : i32
    scf.for %scan3A_172 = %scan3A_45 to %scan3A_47 step %scan3A_48  : i32 {
      %mul3A_173 = arith.constant 16 : i32
      %mul3A_174 = arith.muli %scan3A_172, %mul3A_173 : i32
      %get3A = arith.index_cast %mul3A_174 : i32 to index
      %get3A_175 = tpu.vector_load %arg7[%get3A] {strides = array<i32>} : memref<640xf32, #tpu.memory_space<vmem>>, vector<16xf32>,
      %get3A_176 = arith.index_cast %mul3A_174 : i32 to index
      %get3A_177 = tpu.vector_load %arg6[%get3A_176] {strides = array<i32>} : memref<640xf32, #tpu.memory_space<vmem>>, vector<16xf32>,
      %add3A_178 = arith.addf %get3A_175, %get3A_177 : vector<16xf32>
      %swap3A = arith.index_cast %mul3A_174 : i32 to index
      %swap3A_179 = tpu.vector_load %arg7[%swap3A] {strides = array<i32>} : memref<640xf32, #tpu.memory_space<vmem>>, vector<16xf32>,
      tpu.vector_store %arg7[%swap3A], %add3A_178 {strides = array<i32>} : memref<640xf32, #tpu.memory_space<vmem>>, vector<16xf32>,
    }
    %scan3A_49 = arith.constant 40 : i32
    %mul3A_50 = arith.constant 640 : i32
    %mul3A_51 = arith.muli %arg1, %mul3A_50 : i32
    %run_scoped3A_52 = arith.constant 3 : i32
    %run_scoped3A_53 = arith.constant 0 : i32
    "tpu.region"() ({
      %run_scoped3A_172 = tpu.sem_alloc : memref<!tpu.dma_semaphore, #tpu.memory_space<semaphore_mem>>
      %dma_start3A = tpu.memref_slice %arg8[%run_scoped3A_52, %run_scoped3A_53, %mul3A_51] : memref<16x1x10240xf32, #tpu.memory_space<vmem_shared>> -> memref<1x1x640xf32, #tpu.memory_space<vmem_shared>>
      %dma_start3A_173 = tpu.memref_squeeze %dma_start3A : memref<1x1x640xf32, #tpu.memory_space<vmem_shared>> -> memref<640xf32, #tpu.memory_space<vmem_shared>>
      %dma_start3A_174 = tpu.memref_slice %arg8[%run_scoped3A_52, %run_scoped3A_53, %mul3A_51] : memref<16x1x10240xf32, #tpu.memory_space<vmem_shared>> -> memref<1x1x640xf32, #tpu.memory_space<vmem_shared>>
      %dma_start3A_175 = tpu.memref_squeeze %dma_start3A_174 : memref<1x1x640xf32, #tpu.memory_space<vmem_shared>> -> memref<640xf32, #tpu.memory_space<vmem_shared>>
      tpu.enqueue_dma source(%dma_start3A_175 : memref<640xf32, #tpu.memory_space<vmem_shared>>) target(%arg6 : memref<640xf32, #tpu.memory_space<vmem>>) target_semaphore(%run_scoped3A_172 : memref<!tpu.dma_semaphore, #tpu.memory_space<semaphore_mem>>)
      %dma_wait3A = tpu.memref_slice %arg8[%run_scoped3A_52, %run_scoped3A_53, %mul3A_51] : memref<16x1x10240xf32, #tpu.memory_space<vmem_shared>> -> memref<1x1x640xf32, #tpu.memory_space<vmem_shared>>
      %dma_wait3A_176 = tpu.memref_squeeze %dma_wait3A : memref<1x1x640xf32, #tpu.memory_space<vmem_shared>> -> memref<640xf32, #tpu.memory_space<vmem_shared>>
      %dma_wait3A_177 = tpu.memref_slice %arg8[%run_scoped3A_52, %run_scoped3A_53, %mul3A_51] : memref<16x1x10240xf32, #tpu.memory_space<vmem_shared>> -> memref<1x1x640xf32, #tpu.memory_space<vmem_shared>>
      %dma_wait3A_178 = tpu.memref_squeeze %dma_wait3A_177 : memref<1x1x640xf32, #tpu.memory_space<vmem_shared>> -> memref<640xf32, #tpu.memory_space<vmem_shared>>
      tpu.wait_dma2 semaphore(%run_scoped3A_172 : memref<!tpu.dma_semaphore, #tpu.memory_space<semaphore_mem>>) src(%dma_wait3A_178 : memref<640xf32, #tpu.memory_space<vmem_shared>>) dst(%arg6 : memref<640xf32, #tpu.memory_space<vmem>>)
      tpu.yield
    }) : () -> ()
    %scan3A_54 = arith.constant 0 : i32
    %scan3A_55 = arith.constant 40 : i32
    %scan3A_56 = arith.addi %scan3A_54, %scan3A_55 : i32
    %scan3A_57 = arith.constant 1 : i32
    scf.for %scan3A_172 = %scan3A_54 to %scan3A_56 step %scan3A_57  : i32 {
      %mul3A_173 = arith.constant 16 : i32
      %mul3A_174 = arith.muli %scan3A_172, %mul3A_173 : i32
      %get3A = arith.index_cast %mul3A_174 : i32 to index
      %get3A_175 = tpu.vector_load %arg7[%get3A] {strides = array<i32>} : memref<640xf32, #tpu.memory_space<vmem>>, vector<16xf32>,
      %get3A_176 = arith.index_cast %mul3A_174 : i32 to index
      %get3A_177 = tpu.vector_load %arg6[%get3A_176] {strides = array<i32>} : memref<640xf32, #tpu.memory_space<vmem>>, vector<16xf32>,
      %add3A_178 = arith.addf %get3A_175, %get3A_177 : vector<16xf32>
      %swap3A = arith.index_cast %mul3A_174 : i32 to index
      %swap3A_179 = tpu.vector_load %arg7[%swap3A] {strides = array<i32>} : memref<640xf32, #tpu.memory_space<vmem>>, vector<16xf32>,
      tpu.vector_store %arg7[%swap3A], %add3A_178 {strides = array<i32>} : memref<640xf32, #tpu.memory_space<vmem>>, vector<16xf32>,
    }
    %scan3A_58 = arith.constant 40 : i32
    %mul3A_59 = arith.constant 640 : i32
    %mul3A_60 = arith.muli %arg1, %mul3A_59 : i32
    %run_scoped3A_61 = arith.constant 4 : i32
    %run_scoped3A_62 = arith.constant 0 : i32
    "tpu.region"() ({
      %run_scoped3A_172 = tpu.sem_alloc : memref<!tpu.dma_semaphore, #tpu.memory_space<semaphore_mem>>
      %dma_start3A = tpu.memref_slice %arg8[%run_scoped3A_61, %run_scoped3A_62, %mul3A_60] : memref<16x1x10240xf32, #tpu.memory_space<vmem_shared>> -> memref<1x1x640xf32, #tpu.memory_space<vmem_shared>>
      %dma_start3A_173 = tpu.memref_squeeze %dma_start3A : memref<1x1x640xf32, #tpu.memory_space<vmem_shared>> -> memref<640xf32, #tpu.memory_space<vmem_shared>>
      %dma_start3A_174 = tpu.memref_slice %arg8[%run_scoped3A_61, %run_scoped3A_62, %mul3A_60] : memref<16x1x10240xf32, #tpu.memory_space<vmem_shared>> -> memref<1x1x640xf32, #tpu.memory_space<vmem_shared>>
      %dma_start3A_175 = tpu.memref_squeeze %dma_start3A_174 : memref<1x1x640xf32, #tpu.memory_space<vmem_shared>> -> memref<640xf32, #tpu.memory_space<vmem_shared>>
      tpu.enqueue_dma source(%dma_start3A_175 : memref<640xf32, #tpu.memory_space<vmem_shared>>) target(%arg6 : memref<640xf32, #tpu.memory_space<vmem>>) target_semaphore(%run_scoped3A_172 : memref<!tpu.dma_semaphore, #tpu.memory_space<semaphore_mem>>)
      %dma_wait3A = tpu.memref_slice %arg8[%run_scoped3A_61, %run_scoped3A_62, %mul3A_60] : memref<16x1x10240xf32, #tpu.memory_space<vmem_shared>> -> memref<1x1x640xf32, #tpu.memory_space<vmem_shared>>
      %dma_wait3A_176 = tpu.memref_squeeze %dma_wait3A : memref<1x1x640xf32, #tpu.memory_space<vmem_shared>> -> memref<640xf32, #tpu.memory_space<vmem_shared>>
      %dma_wait3A_177 = tpu.memref_slice %arg8[%run_scoped3A_61, %run_scoped3A_62, %mul3A_60] : memref<16x1x10240xf32, #tpu.memory_space<vmem_shared>> -> memref<1x1x640xf32, #tpu.memory_space<vmem_shared>>
      %dma_wait3A_178 = tpu.memref_squeeze %dma_wait3A_177 : memref<1x1x640xf32, #tpu.memory_space<vmem_shared>> -> memref<640xf32, #tpu.memory_space<vmem_shared>>
      tpu.wait_dma2 semaphore(%run_scoped3A_172 : memref<!tpu.dma_semaphore, #tpu.memory_space<semaphore_mem>>) src(%dma_wait3A_178 : memref<640xf32, #tpu.memory_space<vmem_shared>>) dst(%arg6 : memref<640xf32, #tpu.memory_space<vmem>>)
      tpu.yield
    }) : () -> ()
    %scan3A_63 = arith.constant 0 : i32
    %scan3A_64 = arith.constant 40 : i32
    %scan3A_65 = arith.addi %scan3A_63, %scan3A_64 : i32
    %scan3A_66 = arith.constant 1 : i32
    scf.for %scan3A_172 = %scan3A_63 to %scan3A_65 step %scan3A_66  : i32 {
      %mul3A_173 = arith.constant 16 : i32
      %mul3A_174 = arith.muli %scan3A_172, %mul3A_173 : i32
      %get3A = arith.index_cast %mul3A_174 : i32 to index
      %get3A_175 = tpu.vector_load %arg7[%get3A] {strides = array<i32>} : memref<640xf32, #tpu.memory_space<vmem>>, vector<16xf32>,
      %get3A_176 = arith.index_cast %mul3A_174 : i32 to index
      %get3A_177 = tpu.vector_load %arg6[%get3A_176] {strides = array<i32>} : memref<640xf32, #tpu.memory_space<vmem>>, vector<16xf32>,
      %add3A_178 = arith.addf %get3A_175, %get3A_177 : vector<16xf32>
      %swap3A = arith.index_cast %mul3A_174 : i32 to index
      %swap3A_179 = tpu.vector_load %arg7[%swap3A] {strides = array<i32>} : memref<640xf32, #tpu.memory_space<vmem>>, vector<16xf32>,
      tpu.vector_store %arg7[%swap3A], %add3A_178 {strides = array<i32>} : memref<640xf32, #tpu.memory_space<vmem>>, vector<16xf32>,
    }
    %scan3A_67 = arith.constant 40 : i32
    %mul3A_68 = arith.constant 640 : i32
    %mul3A_69 = arith.muli %arg1, %mul3A_68 : i32
    %run_scoped3A_70 = arith.constant 5 : i32
    %run_scoped3A_71 = arith.constant 0 : i32
    "tpu.region"() ({
      %run_scoped3A_172 = tpu.sem_alloc : memref<!tpu.dma_semaphore, #tpu.memory_space<semaphore_mem>>
      %dma_start3A = tpu.memref_slice %arg8[%run_scoped3A_70, %run_scoped3A_71, %mul3A_69] : memref<16x1x10240xf32, #tpu.memory_space<vmem_shared>> -> memref<1x1x640xf32, #tpu.memory_space<vmem_shared>>
      %dma_start3A_173 = tpu.memref_squeeze %dma_start3A : memref<1x1x640xf32, #tpu.memory_space<vmem_shared>> -> memref<640xf32, #tpu.memory_space<vmem_shared>>
      %dma_start3A_174 = tpu.memref_slice %arg8[%run_scoped3A_70, %run_scoped3A_71, %mul3A_69] : memref<16x1x10240xf32, #tpu.memory_space<vmem_shared>> -> memref<1x1x640xf32, #tpu.memory_space<vmem_shared>>
      %dma_start3A_175 = tpu.memref_squeeze %dma_start3A_174 : memref<1x1x640xf32, #tpu.memory_space<vmem_shared>> -> memref<640xf32, #tpu.memory_space<vmem_shared>>
      tpu.enqueue_dma source(%dma_start3A_175 : memref<640xf32, #tpu.memory_space<vmem_shared>>) target(%arg6 : memref<640xf32, #tpu.memory_space<vmem>>) target_semaphore(%run_scoped3A_172 : memref<!tpu.dma_semaphore, #tpu.memory_space<semaphore_mem>>)
      %dma_wait3A = tpu.memref_slice %arg8[%run_scoped3A_70, %run_scoped3A_71, %mul3A_69] : memref<16x1x10240xf32, #tpu.memory_space<vmem_shared>> -> memref<1x1x640xf32, #tpu.memory_space<vmem_shared>>
      %dma_wait3A_176 = tpu.memref_squeeze %dma_wait3A : memref<1x1x640xf32, #tpu.memory_space<vmem_shared>> -> memref<640xf32, #tpu.memory_space<vmem_shared>>
      %dma_wait3A_177 = tpu.memref_slice %arg8[%run_scoped3A_70, %run_scoped3A_71, %mul3A_69] : memref<16x1x10240xf32, #tpu.memory_space<vmem_shared>> -> memref<1x1x640xf32, #tpu.memory_space<vmem_shared>>
      %dma_wait3A_178 = tpu.memref_squeeze %dma_wait3A_177 : memref<1x1x640xf32, #tpu.memory_space<vmem_shared>> -> memref<640xf32, #tpu.memory_space<vmem_shared>>
      tpu.wait_dma2 semaphore(%run_scoped3A_172 : memref<!tpu.dma_semaphore, #tpu.memory_space<semaphore_mem>>) src(%dma_wait3A_178 : memref<640xf32, #tpu.memory_space<vmem_shared>>) dst(%arg6 : memref<640xf32, #tpu.memory_space<vmem>>)
      tpu.yield
    }) : () -> ()
    %scan3A_72 = arith.constant 0 : i32
    %scan3A_73 = arith.constant 40 : i32
    %scan3A_74 = arith.addi %scan3A_72, %scan3A_73 : i32
    %scan3A_75 = arith.constant 1 : i32
    scf.for %scan3A_172 = %scan3A_72 to %scan3A_74 step %scan3A_75  : i32 {
      %mul3A_173 = arith.constant 16 : i32
      %mul3A_174 = arith.muli %scan3A_172, %mul3A_173 : i32
      %get3A = arith.index_cast %mul3A_174 : i32 to index
      %get3A_175 = tpu.vector_load %arg7[%get3A] {strides = array<i32>} : memref<640xf32, #tpu.memory_space<vmem>>, vector<16xf32>,
      %get3A_176 = arith.index_cast %mul3A_174 : i32 to index
      %get3A_177 = tpu.vector_load %arg6[%get3A_176] {strides = array<i32>} : memref<640xf32, #tpu.memory_space<vmem>>, vector<16xf32>,
      %add3A_178 = arith.addf %get3A_175, %get3A_177 : vector<16xf32>
      %swap3A = arith.index_cast %mul3A_174 : i32 to index
      %swap3A_179 = tpu.vector_load %arg7[%swap3A] {strides = array<i32>} : memref<640xf32, #tpu.memory_space<vmem>>, vector<16xf32>,
      tpu.vector_store %arg7[%swap3A], %add3A_178 {strides = array<i32>} : memref<640xf32, #tpu.memory_space<vmem>>, vector<16xf32>,
    }
    %scan3A_76 = arith.constant 40 : i32
    %mul3A_77 = arith.constant 640 : i32
    %mul3A_78 = arith.muli %arg1, %mul3A_77 : i32
    %run_scoped3A_79 = arith.constant 6 : i32
    %run_scoped3A_80 = arith.constant 0 : i32
    "tpu.region"() ({
      %run_scoped3A_172 = tpu.sem_alloc : memref<!tpu.dma_semaphore, #tpu.memory_space<semaphore_mem>>
      %dma_start3A = tpu.memref_slice %arg8[%run_scoped3A_79, %run_scoped3A_80, %mul3A_78] : memref<16x1x10240xf32, #tpu.memory_space<vmem_shared>> -> memref<1x1x640xf32, #tpu.memory_space<vmem_shared>>
      %dma_start3A_173 = tpu.memref_squeeze %dma_start3A : memref<1x1x640xf32, #tpu.memory_space<vmem_shared>> -> memref<640xf32, #tpu.memory_space<vmem_shared>>
      %dma_start3A_174 = tpu.memref_slice %arg8[%run_scoped3A_79, %run_scoped3A_80, %mul3A_78] : memref<16x1x10240xf32, #tpu.memory_space<vmem_shared>> -> memref<1x1x640xf32, #tpu.memory_space<vmem_shared>>
      %dma_start3A_175 = tpu.memref_squeeze %dma_start3A_174 : memref<1x1x640xf32, #tpu.memory_space<vmem_shared>> -> memref<640xf32, #tpu.memory_space<vmem_shared>>
      tpu.enqueue_dma source(%dma_start3A_175 : memref<640xf32, #tpu.memory_space<vmem_shared>>) target(%arg6 : memref<640xf32, #tpu.memory_space<vmem>>) target_semaphore(%run_scoped3A_172 : memref<!tpu.dma_semaphore, #tpu.memory_space<semaphore_mem>>)
      %dma_wait3A = tpu.memref_slice %arg8[%run_scoped3A_79, %run_scoped3A_80, %mul3A_78] : memref<16x1x10240xf32, #tpu.memory_space<vmem_shared>> -> memref<1x1x640xf32, #tpu.memory_space<vmem_shared>>
      %dma_wait3A_176 = tpu.memref_squeeze %dma_wait3A : memref<1x1x640xf32, #tpu.memory_space<vmem_shared>> -> memref<640xf32, #tpu.memory_space<vmem_shared>>
      %dma_wait3A_177 = tpu.memref_slice %arg8[%run_scoped3A_79, %run_scoped3A_80, %mul3A_78] : memref<16x1x10240xf32, #tpu.memory_space<vmem_shared>> -> memref<1x1x640xf32, #tpu.memory_space<vmem_shared>>
      %dma_wait3A_178 = tpu.memref_squeeze %dma_wait3A_177 : memref<1x1x640xf32, #tpu.memory_space<vmem_shared>> -> memref<640xf32, #tpu.memory_space<vmem_shared>>
      tpu.wait_dma2 semaphore(%run_scoped3A_172 : memref<!tpu.dma_semaphore, #tpu.memory_space<semaphore_mem>>) src(%dma_wait3A_178 : memref<640xf32, #tpu.memory_space<vmem_shared>>) dst(%arg6 : memref<640xf32, #tpu.memory_space<vmem>>)
      tpu.yield
    }) : () -> ()
    %scan3A_81 = arith.constant 0 : i32
    %scan3A_82 = arith.constant 40 : i32
    %scan3A_83 = arith.addi %scan3A_81, %scan3A_82 : i32
    %scan3A_84 = arith.constant 1 : i32
    scf.for %scan3A_172 = %scan3A_81 to %scan3A_83 step %scan3A_84  : i32 {
      %mul3A_173 = arith.constant 16 : i32
      %mul3A_174 = arith.muli %scan3A_172, %mul3A_173 : i32
      %get3A = arith.index_cast %mul3A_174 : i32 to index
      %get3A_175 = tpu.vector_load %arg7[%get3A] {strides = array<i32>} : memref<640xf32, #tpu.memory_space<vmem>>, vector<16xf32>,
      %get3A_176 = arith.index_cast %mul3A_174 : i32 to index
      %get3A_177 = tpu.vector_load %arg6[%get3A_176] {strides = array<i32>} : memref<640xf32, #tpu.memory_space<vmem>>, vector<16xf32>,
      %add3A_178 = arith.addf %get3A_175, %get3A_177 : vector<16xf32>
      %swap3A = arith.index_cast %mul3A_174 : i32 to index
      %swap3A_179 = tpu.vector_load %arg7[%swap3A] {strides = array<i32>} : memref<640xf32, #tpu.memory_space<vmem>>, vector<16xf32>,
      tpu.vector_store %arg7[%swap3A], %add3A_178 {strides = array<i32>} : memref<640xf32, #tpu.memory_space<vmem>>, vector<16xf32>,
    }
    %scan3A_85 = arith.constant 40 : i32
    %mul3A_86 = arith.constant 640 : i32
    %mul3A_87 = arith.muli %arg1, %mul3A_86 : i32
    %run_scoped3A_88 = arith.constant 7 : i32
    %run_scoped3A_89 = arith.constant 0 : i32
    "tpu.region"() ({
      %run_scoped3A_172 = tpu.sem_alloc : memref<!tpu.dma_semaphore, #tpu.memory_space<semaphore_mem>>
      %dma_start3A = tpu.memref_slice %arg8[%run_scoped3A_88, %run_scoped3A_89, %mul3A_87] : memref<16x1x10240xf32, #tpu.memory_space<vmem_shared>> -> memref<1x1x640xf32, #tpu.memory_space<vmem_shared>>
      %dma_start3A_173 = tpu.memref_squeeze %dma_start3A : memref<1x1x640xf32, #tpu.memory_space<vmem_shared>> -> memref<640xf32, #tpu.memory_space<vmem_shared>>
      %dma_start3A_174 = tpu.memref_slice %arg8[%run_scoped3A_88, %run_scoped3A_89, %mul3A_87] : memref<16x1x10240xf32, #tpu.memory_space<vmem_shared>> -> memref<1x1x640xf32, #tpu.memory_space<vmem_shared>>
      %dma_start3A_175 = tpu.memref_squeeze %dma_start3A_174 : memref<1x1x640xf32, #tpu.memory_space<vmem_shared>> -> memref<640xf32, #tpu.memory_space<vmem_shared>>
      tpu.enqueue_dma source(%dma_start3A_175 : memref<640xf32, #tpu.memory_space<vmem_shared>>) target(%arg6 : memref<640xf32, #tpu.memory_space<vmem>>) target_semaphore(%run_scoped3A_172 : memref<!tpu.dma_semaphore, #tpu.memory_space<semaphore_mem>>)
      %dma_wait3A = tpu.memref_slice %arg8[%run_scoped3A_88, %run_scoped3A_89, %mul3A_87] : memref<16x1x10240xf32, #tpu.memory_space<vmem_shared>> -> memref<1x1x640xf32, #tpu.memory_space<vmem_shared>>
      %dma_wait3A_176 = tpu.memref_squeeze %dma_wait3A : memref<1x1x640xf32, #tpu.memory_space<vmem_shared>> -> memref<640xf32, #tpu.memory_space<vmem_shared>>
      %dma_wait3A_177 = tpu.memref_slice %arg8[%run_scoped3A_88, %run_scoped3A_89, %mul3A_87] : memref<16x1x10240xf32, #tpu.memory_space<vmem_shared>> -> memref<1x1x640xf32, #tpu.memory_space<vmem_shared>>
      %dma_wait3A_178 = tpu.memref_squeeze %dma_wait3A_177 : memref<1x1x640xf32, #tpu.memory_space<vmem_shared>> -> memref<640xf32, #tpu.memory_space<vmem_shared>>
      tpu.wait_dma2 semaphore(%run_scoped3A_172 : memref<!tpu.dma_semaphore, #tpu.memory_space<semaphore_mem>>) src(%dma_wait3A_178 : memref<640xf32, #tpu.memory_space<vmem_shared>>) dst(%arg6 : memref<640xf32, #tpu.memory_space<vmem>>)
      tpu.yield
    }) : () -> ()
    %scan3A_90 = arith.constant 0 : i32
    %scan3A_91 = arith.constant 40 : i32
    %scan3A_92 = arith.addi %scan3A_90, %scan3A_91 : i32
    %scan3A_93 = arith.constant 1 : i32
    scf.for %scan3A_172 = %scan3A_90 to %scan3A_92 step %scan3A_93  : i32 {
      %mul3A_173 = arith.constant 16 : i32
      %mul3A_174 = arith.muli %scan3A_172, %mul3A_173 : i32
      %get3A = arith.index_cast %mul3A_174 : i32 to index
      %get3A_175 = tpu.vector_load %arg7[%get3A] {strides = array<i32>} : memref<640xf32, #tpu.memory_space<vmem>>, vector<16xf32>,
      %get3A_176 = arith.index_cast %mul3A_174 : i32 to index
      %get3A_177 = tpu.vector_load %arg6[%get3A_176] {strides = array<i32>} : memref<640xf32, #tpu.memory_space<vmem>>, vector<16xf32>,
      %add3A_178 = arith.addf %get3A_175, %get3A_177 : vector<16xf32>
      %swap3A = arith.index_cast %mul3A_174 : i32 to index
      %swap3A_179 = tpu.vector_load %arg7[%swap3A] {strides = array<i32>} : memref<640xf32, #tpu.memory_space<vmem>>, vector<16xf32>,
      tpu.vector_store %arg7[%swap3A], %add3A_178 {strides = array<i32>} : memref<640xf32, #tpu.memory_space<vmem>>, vector<16xf32>,
    }
    %scan3A_94 = arith.constant 40 : i32
    %mul3A_95 = arith.constant 640 : i32
    %mul3A_96 = arith.muli %arg1, %mul3A_95 : i32
    %run_scoped3A_97 = arith.constant 8 : i32
    %run_scoped3A_98 = arith.constant 0 : i32
    "tpu.region"() ({
      %run_scoped3A_172 = tpu.sem_alloc : memref<!tpu.dma_semaphore, #tpu.memory_space<semaphore_mem>>
      %dma_start3A = tpu.memref_slice %arg8[%run_scoped3A_97, %run_scoped3A_98, %mul3A_96] : memref<16x1x10240xf32, #tpu.memory_space<vmem_shared>> -> memref<1x1x640xf32, #tpu.memory_space<vmem_shared>>
      %dma_start3A_173 = tpu.memref_squeeze %dma_start3A : memref<1x1x640xf32, #tpu.memory_space<vmem_shared>> -> memref<640xf32, #tpu.memory_space<vmem_shared>>
      %dma_start3A_174 = tpu.memref_slice %arg8[%run_scoped3A_97, %run_scoped3A_98, %mul3A_96] : memref<16x1x10240xf32, #tpu.memory_space<vmem_shared>> -> memref<1x1x640xf32, #tpu.memory_space<vmem_shared>>
      %dma_start3A_175 = tpu.memref_squeeze %dma_start3A_174 : memref<1x1x640xf32, #tpu.memory_space<vmem_shared>> -> memref<640xf32, #tpu.memory_space<vmem_shared>>
      tpu.enqueue_dma source(%dma_start3A_175 : memref<640xf32, #tpu.memory_space<vmem_shared>>) target(%arg6 : memref<640xf32, #tpu.memory_space<vmem>>) target_semaphore(%run_scoped3A_172 : memref<!tpu.dma_semaphore, #tpu.memory_space<semaphore_mem>>)
      %dma_wait3A = tpu.memref_slice %arg8[%run_scoped3A_97, %run_scoped3A_98, %mul3A_96] : memref<16x1x10240xf32, #tpu.memory_space<vmem_shared>> -> memref<1x1x640xf32, #tpu.memory_space<vmem_shared>>
      %dma_wait3A_176 = tpu.memref_squeeze %dma_wait3A : memref<1x1x640xf32, #tpu.memory_space<vmem_shared>> -> memref<640xf32, #tpu.memory_space<vmem_shared>>
      %dma_wait3A_177 = tpu.memref_slice %arg8[%run_scoped3A_97, %run_scoped3A_98, %mul3A_96] : memref<16x1x10240xf32, #tpu.memory_space<vmem_shared>> -> memref<1x1x640xf32, #tpu.memory_space<vmem_shared>>
      %dma_wait3A_178 = tpu.memref_squeeze %dma_wait3A_177 : memref<1x1x640xf32, #tpu.memory_space<vmem_shared>> -> memref<640xf32, #tpu.memory_space<vmem_shared>>
      tpu.wait_dma2 semaphore(%run_scoped3A_172 : memref<!tpu.dma_semaphore, #tpu.memory_space<semaphore_mem>>) src(%dma_wait3A_178 : memref<640xf32, #tpu.memory_space<vmem_shared>>) dst(%arg6 : memref<640xf32, #tpu.memory_space<vmem>>)
      tpu.yield
    }) : () -> ()
    %scan3A_99 = arith.constant 0 : i32
    %scan3A_100 = arith.constant 40 : i32
    %scan3A_101 = arith.addi %scan3A_99, %scan3A_100 : i32
    %scan3A_102 = arith.constant 1 : i32
    scf.for %scan3A_172 = %scan3A_99 to %scan3A_101 step %scan3A_102  : i32 {
      %mul3A_173 = arith.constant 16 : i32
      %mul3A_174 = arith.muli %scan3A_172, %mul3A_173 : i32
      %get3A = arith.index_cast %mul3A_174 : i32 to index
      %get3A_175 = tpu.vector_load %arg7[%get3A] {strides = array<i32>} : memref<640xf32, #tpu.memory_space<vmem>>, vector<16xf32>,
      %get3A_176 = arith.index_cast %mul3A_174 : i32 to index
      %get3A_177 = tpu.vector_load %arg6[%get3A_176] {strides = array<i32>} : memref<640xf32, #tpu.memory_space<vmem>>, vector<16xf32>,
      %add3A_178 = arith.addf %get3A_175, %get3A_177 : vector<16xf32>
      %swap3A = arith.index_cast %mul3A_174 : i32 to index
      %swap3A_179 = tpu.vector_load %arg7[%swap3A] {strides = array<i32>} : memref<640xf32, #tpu.memory_space<vmem>>, vector<16xf32>,
      tpu.vector_store %arg7[%swap3A], %add3A_178 {strides = array<i32>} : memref<640xf32, #tpu.memory_space<vmem>>, vector<16xf32>,
    }
    %scan3A_103 = arith.constant 40 : i32
    %mul3A_104 = arith.constant 640 : i32
    %mul3A_105 = arith.muli %arg1, %mul3A_104 : i32
    %run_scoped3A_106 = arith.constant 9 : i32
    %run_scoped3A_107 = arith.constant 0 : i32
    "tpu.region"() ({
      %run_scoped3A_172 = tpu.sem_alloc : memref<!tpu.dma_semaphore, #tpu.memory_space<semaphore_mem>>
      %dma_start3A = tpu.memref_slice %arg8[%run_scoped3A_106, %run_scoped3A_107, %mul3A_105] : memref<16x1x10240xf32, #tpu.memory_space<vmem_shared>> -> memref<1x1x640xf32, #tpu.memory_space<vmem_shared>>
      %dma_start3A_173 = tpu.memref_squeeze %dma_start3A : memref<1x1x640xf32, #tpu.memory_space<vmem_shared>> -> memref<640xf32, #tpu.memory_space<vmem_shared>>
      %dma_start3A_174 = tpu.memref_slice %arg8[%run_scoped3A_106, %run_scoped3A_107, %mul3A_105] : memref<16x1x10240xf32, #tpu.memory_space<vmem_shared>> -> memref<1x1x640xf32, #tpu.memory_space<vmem_shared>>
      %dma_start3A_175 = tpu.memref_squeeze %dma_start3A_174 : memref<1x1x640xf32, #tpu.memory_space<vmem_shared>> -> memref<640xf32, #tpu.memory_space<vmem_shared>>
      tpu.enqueue_dma source(%dma_start3A_175 : memref<640xf32, #tpu.memory_space<vmem_shared>>) target(%arg6 : memref<640xf32, #tpu.memory_space<vmem>>) target_semaphore(%run_scoped3A_172 : memref<!tpu.dma_semaphore, #tpu.memory_space<semaphore_mem>>)
      %dma_wait3A = tpu.memref_slice %arg8[%run_scoped3A_106, %run_scoped3A_107, %mul3A_105] : memref<16x1x10240xf32, #tpu.memory_space<vmem_shared>> -> memref<1x1x640xf32, #tpu.memory_space<vmem_shared>>
      %dma_wait3A_176 = tpu.memref_squeeze %dma_wait3A : memref<1x1x640xf32, #tpu.memory_space<vmem_shared>> -> memref<640xf32, #tpu.memory_space<vmem_shared>>
      %dma_wait3A_177 = tpu.memref_slice %arg8[%run_scoped3A_106, %run_scoped3A_107, %mul3A_105] : memref<16x1x10240xf32, #tpu.memory_space<vmem_shared>> -> memref<1x1x640xf32, #tpu.memory_space<vmem_shared>>
      %dma_wait3A_178 = tpu.memref_squeeze %dma_wait3A_177 : memref<1x1x640xf32, #tpu.memory_space<vmem_shared>> -> memref<640xf32, #tpu.memory_space<vmem_shared>>
      tpu.wait_dma2 semaphore(%run_scoped3A_172 : memref<!tpu.dma_semaphore, #tpu.memory_space<semaphore_mem>>) src(%dma_wait3A_178 : memref<640xf32, #tpu.memory_space<vmem_shared>>) dst(%arg6 : memref<640xf32, #tpu.memory_space<vmem>>)
      tpu.yield
    }) : () -> ()
    %scan3A_108 = arith.constant 0 : i32
    %scan3A_109 = arith.constant 40 : i32
    %scan3A_110 = arith.addi %scan3A_108, %scan3A_109 : i32
    %scan3A_111 = arith.constant 1 : i32
    scf.for %scan3A_172 = %scan3A_108 to %scan3A_110 step %scan3A_111  : i32 {
      %mul3A_173 = arith.constant 16 : i32
      %mul3A_174 = arith.muli %scan3A_172, %mul3A_173 : i32
      %get3A = arith.index_cast %mul3A_174 : i32 to index
      %get3A_175 = tpu.vector_load %arg7[%get3A] {strides = array<i32>} : memref<640xf32, #tpu.memory_space<vmem>>, vector<16xf32>,
      %get3A_176 = arith.index_cast %mul3A_174 : i32 to index
      %get3A_177 = tpu.vector_load %arg6[%get3A_176] {strides = array<i32>} : memref<640xf32, #tpu.memory_space<vmem>>, vector<16xf32>,
      %add3A_178 = arith.addf %get3A_175, %get3A_177 : vector<16xf32>
      %swap3A = arith.index_cast %mul3A_174 : i32 to index
      %swap3A_179 = tpu.vector_load %arg7[%swap3A] {strides = array<i32>} : memref<640xf32, #tpu.memory_space<vmem>>, vector<16xf32>,
      tpu.vector_store %arg7[%swap3A], %add3A_178 {strides = array<i32>} : memref<640xf32, #tpu.memory_space<vmem>>, vector<16xf32>,
    }
    %scan3A_112 = arith.constant 40 : i32
    %mul3A_113 = arith.constant 640 : i32
    %mul3A_114 = arith.muli %arg1, %mul3A_113 : i32
    %run_scoped3A_115 = arith.constant 10 : i32
    %run_scoped3A_116 = arith.constant 0 : i32
    "tpu.region"() ({
      %run_scoped3A_172 = tpu.sem_alloc : memref<!tpu.dma_semaphore, #tpu.memory_space<semaphore_mem>>
      %dma_start3A = tpu.memref_slice %arg8[%run_scoped3A_115, %run_scoped3A_116, %mul3A_114] : memref<16x1x10240xf32, #tpu.memory_space<vmem_shared>> -> memref<1x1x640xf32, #tpu.memory_space<vmem_shared>>
      %dma_start3A_173 = tpu.memref_squeeze %dma_start3A : memref<1x1x640xf32, #tpu.memory_space<vmem_shared>> -> memref<640xf32, #tpu.memory_space<vmem_shared>>
      %dma_start3A_174 = tpu.memref_slice %arg8[%run_scoped3A_115, %run_scoped3A_116, %mul3A_114] : memref<16x1x10240xf32, #tpu.memory_space<vmem_shared>> -> memref<1x1x640xf32, #tpu.memory_space<vmem_shared>>
      %dma_start3A_175 = tpu.memref_squeeze %dma_start3A_174 : memref<1x1x640xf32, #tpu.memory_space<vmem_shared>> -> memref<640xf32, #tpu.memory_space<vmem_shared>>
      tpu.enqueue_dma source(%dma_start3A_175 : memref<640xf32, #tpu.memory_space<vmem_shared>>) target(%arg6 : memref<640xf32, #tpu.memory_space<vmem>>) target_semaphore(%run_scoped3A_172 : memref<!tpu.dma_semaphore, #tpu.memory_space<semaphore_mem>>)
      %dma_wait3A = tpu.memref_slice %arg8[%run_scoped3A_115, %run_scoped3A_116, %mul3A_114] : memref<16x1x10240xf32, #tpu.memory_space<vmem_shared>> -> memref<1x1x640xf32, #tpu.memory_space<vmem_shared>>
      %dma_wait3A_176 = tpu.memref_squeeze %dma_wait3A : memref<1x1x640xf32, #tpu.memory_space<vmem_shared>> -> memref<640xf32, #tpu.memory_space<vmem_shared>>
      %dma_wait3A_177 = tpu.memref_slice %arg8[%run_scoped3A_115, %run_scoped3A_116, %mul3A_114] : memref<16x1x10240xf32, #tpu.memory_space<vmem_shared>> -> memref<1x1x640xf32, #tpu.memory_space<vmem_shared>>
      %dma_wait3A_178 = tpu.memref_squeeze %dma_wait3A_177 : memref<1x1x640xf32, #tpu.memory_space<vmem_shared>> -> memref<640xf32, #tpu.memory_space<vmem_shared>>
      tpu.wait_dma2 semaphore(%run_scoped3A_172 : memref<!tpu.dma_semaphore, #tpu.memory_space<semaphore_mem>>) src(%dma_wait3A_178 : memref<640xf32, #tpu.memory_space<vmem_shared>>) dst(%arg6 : memref<640xf32, #tpu.memory_space<vmem>>)
      tpu.yield
    }) : () -> ()
    %scan3A_117 = arith.constant 0 : i32
    %scan3A_118 = arith.constant 40 : i32
    %scan3A_119 = arith.addi %scan3A_117, %scan3A_118 : i32
    %scan3A_120 = arith.constant 1 : i32
    scf.for %scan3A_172 = %scan3A_117 to %scan3A_119 step %scan3A_120  : i32 {
      %mul3A_173 = arith.constant 16 : i32
      %mul3A_174 = arith.muli %scan3A_172, %mul3A_173 : i32
      %get3A = arith.index_cast %mul3A_174 : i32 to index
      %get3A_175 = tpu.vector_load %arg7[%get3A] {strides = array<i32>} : memref<640xf32, #tpu.memory_space<vmem>>, vector<16xf32>,
      %get3A_176 = arith.index_cast %mul3A_174 : i32 to index
      %get3A_177 = tpu.vector_load %arg6[%get3A_176] {strides = array<i32>} : memref<640xf32, #tpu.memory_space<vmem>>, vector<16xf32>,
      %add3A_178 = arith.addf %get3A_175, %get3A_177 : vector<16xf32>
      %swap3A = arith.index_cast %mul3A_174 : i32 to index
      %swap3A_179 = tpu.vector_load %arg7[%swap3A] {strides = array<i32>} : memref<640xf32, #tpu.memory_space<vmem>>, vector<16xf32>,
      tpu.vector_store %arg7[%swap3A], %add3A_178 {strides = array<i32>} : memref<640xf32, #tpu.memory_space<vmem>>, vector<16xf32>,
    }
    %scan3A_121 = arith.constant 40 : i32
    %mul3A_122 = arith.constant 640 : i32
    %mul3A_123 = arith.muli %arg1, %mul3A_122 : i32
    %run_scoped3A_124 = arith.constant 11 : i32
    %run_scoped3A_125 = arith.constant 0 : i32
    "tpu.region"() ({
      %run_scoped3A_172 = tpu.sem_alloc : memref<!tpu.dma_semaphore, #tpu.memory_space<semaphore_mem>>
      %dma_start3A = tpu.memref_slice %arg8[%run_scoped3A_124, %run_scoped3A_125, %mul3A_123] : memref<16x1x10240xf32, #tpu.memory_space<vmem_shared>> -> memref<1x1x640xf32, #tpu.memory_space<vmem_shared>>
      %dma_start3A_173 = tpu.memref_squeeze %dma_start3A : memref<1x1x640xf32, #tpu.memory_space<vmem_shared>> -> memref<640xf32, #tpu.memory_space<vmem_shared>>
      %dma_start3A_174 = tpu.memref_slice %arg8[%run_scoped3A_124, %run_scoped3A_125, %mul3A_123] : memref<16x1x10240xf32, #tpu.memory_space<vmem_shared>> -> memref<1x1x640xf32, #tpu.memory_space<vmem_shared>>
      %dma_start3A_175 = tpu.memref_squeeze %dma_start3A_174 : memref<1x1x640xf32, #tpu.memory_space<vmem_shared>> -> memref<640xf32, #tpu.memory_space<vmem_shared>>
      tpu.enqueue_dma source(%dma_start3A_175 : memref<640xf32, #tpu.memory_space<vmem_shared>>) target(%arg6 : memref<640xf32, #tpu.memory_space<vmem>>) target_semaphore(%run_scoped3A_172 : memref<!tpu.dma_semaphore, #tpu.memory_space<semaphore_mem>>)
      %dma_wait3A = tpu.memref_slice %arg8[%run_scoped3A_124, %run_scoped3A_125, %mul3A_123] : memref<16x1x10240xf32, #tpu.memory_space<vmem_shared>> -> memref<1x1x640xf32, #tpu.memory_space<vmem_shared>>
      %dma_wait3A_176 = tpu.memref_squeeze %dma_wait3A : memref<1x1x640xf32, #tpu.memory_space<vmem_shared>> -> memref<640xf32, #tpu.memory_space<vmem_shared>>
      %dma_wait3A_177 = tpu.memref_slice %arg8[%run_scoped3A_124, %run_scoped3A_125, %mul3A_123] : memref<16x1x10240xf32, #tpu.memory_space<vmem_shared>> -> memref<1x1x640xf32, #tpu.memory_space<vmem_shared>>
      %dma_wait3A_178 = tpu.memref_squeeze %dma_wait3A_177 : memref<1x1x640xf32, #tpu.memory_space<vmem_shared>> -> memref<640xf32, #tpu.memory_space<vmem_shared>>
      tpu.wait_dma2 semaphore(%run_scoped3A_172 : memref<!tpu.dma_semaphore, #tpu.memory_space<semaphore_mem>>) src(%dma_wait3A_178 : memref<640xf32, #tpu.memory_space<vmem_shared>>) dst(%arg6 : memref<640xf32, #tpu.memory_space<vmem>>)
      tpu.yield
    }) : () -> ()
    %scan3A_126 = arith.constant 0 : i32
    %scan3A_127 = arith.constant 40 : i32
    %scan3A_128 = arith.addi %scan3A_126, %scan3A_127 : i32
    %scan3A_129 = arith.constant 1 : i32
    scf.for %scan3A_172 = %scan3A_126 to %scan3A_128 step %scan3A_129  : i32 {
      %mul3A_173 = arith.constant 16 : i32
      %mul3A_174 = arith.muli %scan3A_172, %mul3A_173 : i32
      %get3A = arith.index_cast %mul3A_174 : i32 to index
      %get3A_175 = tpu.vector_load %arg7[%get3A] {strides = array<i32>} : memref<640xf32, #tpu.memory_space<vmem>>, vector<16xf32>,
      %get3A_176 = arith.index_cast %mul3A_174 : i32 to index
      %get3A_177 = tpu.vector_load %arg6[%get3A_176] {strides = array<i32>} : memref<640xf32, #tpu.memory_space<vmem>>, vector<16xf32>,
      %add3A_178 = arith.addf %get3A_175, %get3A_177 : vector<16xf32>
      %swap3A = arith.index_cast %mul3A_174 : i32 to index
      %swap3A_179 = tpu.vector_load %arg7[%swap3A] {strides = array<i32>} : memref<640xf32, #tpu.memory_space<vmem>>, vector<16xf32>,
      tpu.vector_store %arg7[%swap3A], %add3A_178 {strides = array<i32>} : memref<640xf32, #tpu.memory_space<vmem>>, vector<16xf32>,
    }
    %scan3A_130 = arith.constant 40 : i32
    %mul3A_131 = arith.constant 640 : i32
    %mul3A_132 = arith.muli %arg1, %mul3A_131 : i32
    %run_scoped3A_133 = arith.constant 12 : i32
    %run_scoped3A_134 = arith.constant 0 : i32
    "tpu.region"() ({
      %run_scoped3A_172 = tpu.sem_alloc : memref<!tpu.dma_semaphore, #tpu.memory_space<semaphore_mem>>
      %dma_start3A = tpu.memref_slice %arg8[%run_scoped3A_133, %run_scoped3A_134, %mul3A_132] : memref<16x1x10240xf32, #tpu.memory_space<vmem_shared>> -> memref<1x1x640xf32, #tpu.memory_space<vmem_shared>>
      %dma_start3A_173 = tpu.memref_squeeze %dma_start3A : memref<1x1x640xf32, #tpu.memory_space<vmem_shared>> -> memref<640xf32, #tpu.memory_space<vmem_shared>>
      %dma_start3A_174 = tpu.memref_slice %arg8[%run_scoped3A_133, %run_scoped3A_134, %mul3A_132] : memref<16x1x10240xf32, #tpu.memory_space<vmem_shared>> -> memref<1x1x640xf32, #tpu.memory_space<vmem_shared>>
      %dma_start3A_175 = tpu.memref_squeeze %dma_start3A_174 : memref<1x1x640xf32, #tpu.memory_space<vmem_shared>> -> memref<640xf32, #tpu.memory_space<vmem_shared>>
      tpu.enqueue_dma source(%dma_start3A_175 : memref<640xf32, #tpu.memory_space<vmem_shared>>) target(%arg6 : memref<640xf32, #tpu.memory_space<vmem>>) target_semaphore(%run_scoped3A_172 : memref<!tpu.dma_semaphore, #tpu.memory_space<semaphore_mem>>)
      %dma_wait3A = tpu.memref_slice %arg8[%run_scoped3A_133, %run_scoped3A_134, %mul3A_132] : memref<16x1x10240xf32, #tpu.memory_space<vmem_shared>> -> memref<1x1x640xf32, #tpu.memory_space<vmem_shared>>
      %dma_wait3A_176 = tpu.memref_squeeze %dma_wait3A : memref<1x1x640xf32, #tpu.memory_space<vmem_shared>> -> memref<640xf32, #tpu.memory_space<vmem_shared>>
      %dma_wait3A_177 = tpu.memref_slice %arg8[%run_scoped3A_133, %run_scoped3A_134, %mul3A_132] : memref<16x1x10240xf32, #tpu.memory_space<vmem_shared>> -> memref<1x1x640xf32, #tpu.memory_space<vmem_shared>>
      %dma_wait3A_178 = tpu.memref_squeeze %dma_wait3A_177 : memref<1x1x640xf32, #tpu.memory_space<vmem_shared>> -> memref<640xf32, #tpu.memory_space<vmem_shared>>
      tpu.wait_dma2 semaphore(%run_scoped3A_172 : memref<!tpu.dma_semaphore, #tpu.memory_space<semaphore_mem>>) src(%dma_wait3A_178 : memref<640xf32, #tpu.memory_space<vmem_shared>>) dst(%arg6 : memref<640xf32, #tpu.memory_space<vmem>>)
      tpu.yield
    }) : () -> ()
    %scan3A_135 = arith.constant 0 : i32
    %scan3A_136 = arith.constant 40 : i32
    %scan3A_137 = arith.addi %scan3A_135, %scan3A_136 : i32
    %scan3A_138 = arith.constant 1 : i32
    scf.for %scan3A_172 = %scan3A_135 to %scan3A_137 step %scan3A_138  : i32 {
      %mul3A_173 = arith.constant 16 : i32
      %mul3A_174 = arith.muli %scan3A_172, %mul3A_173 : i32
      %get3A = arith.index_cast %mul3A_174 : i32 to index
      %get3A_175 = tpu.vector_load %arg7[%get3A] {strides = array<i32>} : memref<640xf32, #tpu.memory_space<vmem>>, vector<16xf32>,
      %get3A_176 = arith.index_cast %mul3A_174 : i32 to index
      %get3A_177 = tpu.vector_load %arg6[%get3A_176] {strides = array<i32>} : memref<640xf32, #tpu.memory_space<vmem>>, vector<16xf32>,
      %add3A_178 = arith.addf %get3A_175, %get3A_177 : vector<16xf32>
      %swap3A = arith.index_cast %mul3A_174 : i32 to index
      %swap3A_179 = tpu.vector_load %arg7[%swap3A] {strides = array<i32>} : memref<640xf32, #tpu.memory_space<vmem>>, vector<16xf32>,
      tpu.vector_store %arg7[%swap3A], %add3A_178 {strides = array<i32>} : memref<640xf32, #tpu.memory_space<vmem>>, vector<16xf32>,
    }
    %scan3A_139 = arith.constant 40 : i32
    %mul3A_140 = arith.constant 640 : i32
    %mul3A_141 = arith.muli %arg1, %mul3A_140 : i32
    %run_scoped3A_142 = arith.constant 13 : i32
    %run_scoped3A_143 = arith.constant 0 : i32
    "tpu.region"() ({
      %run_scoped3A_172 = tpu.sem_alloc : memref<!tpu.dma_semaphore, #tpu.memory_space<semaphore_mem>>
      %dma_start3A = tpu.memref_slice %arg8[%run_scoped3A_142, %run_scoped3A_143, %mul3A_141] : memref<16x1x10240xf32, #tpu.memory_space<vmem_shared>> -> memref<1x1x640xf32, #tpu.memory_space<vmem_shared>>
      %dma_start3A_173 = tpu.memref_squeeze %dma_start3A : memref<1x1x640xf32, #tpu.memory_space<vmem_shared>> -> memref<640xf32, #tpu.memory_space<vmem_shared>>
      %dma_start3A_174 = tpu.memref_slice %arg8[%run_scoped3A_142, %run_scoped3A_143, %mul3A_141] : memref<16x1x10240xf32, #tpu.memory_space<vmem_shared>> -> memref<1x1x640xf32, #tpu.memory_space<vmem_shared>>
      %dma_start3A_175 = tpu.memref_squeeze %dma_start3A_174 : memref<1x1x640xf32, #tpu.memory_space<vmem_shared>> -> memref<640xf32, #tpu.memory_space<vmem_shared>>
      tpu.enqueue_dma source(%dma_start3A_175 : memref<640xf32, #tpu.memory_space<vmem_shared>>) target(%arg6 : memref<640xf32, #tpu.memory_space<vmem>>) target_semaphore(%run_scoped3A_172 : memref<!tpu.dma_semaphore, #tpu.memory_space<semaphore_mem>>)
      %dma_wait3A = tpu.memref_slice %arg8[%run_scoped3A_142, %run_scoped3A_143, %mul3A_141] : memref<16x1x10240xf32, #tpu.memory_space<vmem_shared>> -> memref<1x1x640xf32, #tpu.memory_space<vmem_shared>>
      %dma_wait3A_176 = tpu.memref_squeeze %dma_wait3A : memref<1x1x640xf32, #tpu.memory_space<vmem_shared>> -> memref<640xf32, #tpu.memory_space<vmem_shared>>
      %dma_wait3A_177 = tpu.memref_slice %arg8[%run_scoped3A_142, %run_scoped3A_143, %mul3A_141] : memref<16x1x10240xf32, #tpu.memory_space<vmem_shared>> -> memref<1x1x640xf32, #tpu.memory_space<vmem_shared>>
      %dma_wait3A_178 = tpu.memref_squeeze %dma_wait3A_177 : memref<1x1x640xf32, #tpu.memory_space<vmem_shared>> -> memref<640xf32, #tpu.memory_space<vmem_shared>>
      tpu.wait_dma2 semaphore(%run_scoped3A_172 : memref<!tpu.dma_semaphore, #tpu.memory_space<semaphore_mem>>) src(%dma_wait3A_178 : memref<640xf32, #tpu.memory_space<vmem_shared>>) dst(%arg6 : memref<640xf32, #tpu.memory_space<vmem>>)
      tpu.yield
    }) : () -> ()
    %scan3A_144 = arith.constant 0 : i32
    %scan3A_145 = arith.constant 40 : i32
    %scan3A_146 = arith.addi %scan3A_144, %scan3A_145 : i32
    %scan3A_147 = arith.constant 1 : i32
    scf.for %scan3A_172 = %scan3A_144 to %scan3A_146 step %scan3A_147  : i32 {
      %mul3A_173 = arith.constant 16 : i32
      %mul3A_174 = arith.muli %scan3A_172, %mul3A_173 : i32
      %get3A = arith.index_cast %mul3A_174 : i32 to index
      %get3A_175 = tpu.vector_load %arg7[%get3A] {strides = array<i32>} : memref<640xf32, #tpu.memory_space<vmem>>, vector<16xf32>,
      %get3A_176 = arith.index_cast %mul3A_174 : i32 to index
      %get3A_177 = tpu.vector_load %arg6[%get3A_176] {strides = array<i32>} : memref<640xf32, #tpu.memory_space<vmem>>, vector<16xf32>,
      %add3A_178 = arith.addf %get3A_175, %get3A_177 : vector<16xf32>
      %swap3A = arith.index_cast %mul3A_174 : i32 to index
      %swap3A_179 = tpu.vector_load %arg7[%swap3A] {strides = array<i32>} : memref<640xf32, #tpu.memory_space<vmem>>, vector<16xf32>,
      tpu.vector_store %arg7[%swap3A], %add3A_178 {strides = array<i32>} : memref<640xf32, #tpu.memory_space<vmem>>, vector<16xf32>,
    }
    %scan3A_148 = arith.constant 40 : i32
    %mul3A_149 = arith.constant 640 : i32
    %mul3A_150 = arith.muli %arg1, %mul3A_149 : i32
    %run_scoped3A_151 = arith.constant 14 : i32
    %run_scoped3A_152 = arith.constant 0 : i32
    "tpu.region"() ({
      %run_scoped3A_172 = tpu.sem_alloc : memref<!tpu.dma_semaphore, #tpu.memory_space<semaphore_mem>>
      %dma_start3A = tpu.memref_slice %arg8[%run_scoped3A_151, %run_scoped3A_152, %mul3A_150] : memref<16x1x10240xf32, #tpu.memory_space<vmem_shared>> -> memref<1x1x640xf32, #tpu.memory_space<vmem_shared>>
      %dma_start3A_173 = tpu.memref_squeeze %dma_start3A : memref<1x1x640xf32, #tpu.memory_space<vmem_shared>> -> memref<640xf32, #tpu.memory_space<vmem_shared>>
      %dma_start3A_174 = tpu.memref_slice %arg8[%run_scoped3A_151, %run_scoped3A_152, %mul3A_150] : memref<16x1x10240xf32, #tpu.memory_space<vmem_shared>> -> memref<1x1x640xf32, #tpu.memory_space<vmem_shared>>
      %dma_start3A_175 = tpu.memref_squeeze %dma_start3A_174 : memref<1x1x640xf32, #tpu.memory_space<vmem_shared>> -> memref<640xf32, #tpu.memory_space<vmem_shared>>
      tpu.enqueue_dma source(%dma_start3A_175 : memref<640xf32, #tpu.memory_space<vmem_shared>>) target(%arg6 : memref<640xf32, #tpu.memory_space<vmem>>) target_semaphore(%run_scoped3A_172 : memref<!tpu.dma_semaphore, #tpu.memory_space<semaphore_mem>>)
      %dma_wait3A = tpu.memref_slice %arg8[%run_scoped3A_151, %run_scoped3A_152, %mul3A_150] : memref<16x1x10240xf32, #tpu.memory_space<vmem_shared>> -> memref<1x1x640xf32, #tpu.memory_space<vmem_shared>>
      %dma_wait3A_176 = tpu.memref_squeeze %dma_wait3A : memref<1x1x640xf32, #tpu.memory_space<vmem_shared>> -> memref<640xf32, #tpu.memory_space<vmem_shared>>
      %dma_wait3A_177 = tpu.memref_slice %arg8[%run_scoped3A_151, %run_scoped3A_152, %mul3A_150] : memref<16x1x10240xf32, #tpu.memory_space<vmem_shared>> -> memref<1x1x640xf32, #tpu.memory_space<vmem_shared>>
      %dma_wait3A_178 = tpu.memref_squeeze %dma_wait3A_177 : memref<1x1x640xf32, #tpu.memory_space<vmem_shared>> -> memref<640xf32, #tpu.memory_space<vmem_shared>>
      tpu.wait_dma2 semaphore(%run_scoped3A_172 : memref<!tpu.dma_semaphore, #tpu.memory_space<semaphore_mem>>) src(%dma_wait3A_178 : memref<640xf32, #tpu.memory_space<vmem_shared>>) dst(%arg6 : memref<640xf32, #tpu.memory_space<vmem>>)
      tpu.yield
    }) : () -> ()
    %scan3A_153 = arith.constant 0 : i32
    %scan3A_154 = arith.constant 40 : i32
    %scan3A_155 = arith.addi %scan3A_153, %scan3A_154 : i32
    %scan3A_156 = arith.constant 1 : i32
    scf.for %scan3A_172 = %scan3A_153 to %scan3A_155 step %scan3A_156  : i32 {
      %mul3A_173 = arith.constant 16 : i32
      %mul3A_174 = arith.muli %scan3A_172, %mul3A_173 : i32
      %get3A = arith.index_cast %mul3A_174 : i32 to index
      %get3A_175 = tpu.vector_load %arg7[%get3A] {strides = array<i32>} : memref<640xf32, #tpu.memory_space<vmem>>, vector<16xf32>,
      %get3A_176 = arith.index_cast %mul3A_174 : i32 to index
      %get3A_177 = tpu.vector_load %arg6[%get3A_176] {strides = array<i32>} : memref<640xf32, #tpu.memory_space<vmem>>, vector<16xf32>,
      %add3A_178 = arith.addf %get3A_175, %get3A_177 : vector<16xf32>
      %swap3A = arith.index_cast %mul3A_174 : i32 to index
      %swap3A_179 = tpu.vector_load %arg7[%swap3A] {strides = array<i32>} : memref<640xf32, #tpu.memory_space<vmem>>, vector<16xf32>,
      tpu.vector_store %arg7[%swap3A], %add3A_178 {strides = array<i32>} : memref<640xf32, #tpu.memory_space<vmem>>, vector<16xf32>,
    }
    %scan3A_157 = arith.constant 40 : i32
    %mul3A_158 = arith.constant 640 : i32
    %mul3A_159 = arith.muli %arg1, %mul3A_158 : i32
    %run_scoped3A_160 = arith.constant 15 : i32
    %run_scoped3A_161 = arith.constant 0 : i32
    "tpu.region"() ({
      %run_scoped3A_172 = tpu.sem_alloc : memref<!tpu.dma_semaphore, #tpu.memory_space<semaphore_mem>>
      %dma_start3A = tpu.memref_slice %arg8[%run_scoped3A_160, %run_scoped3A_161, %mul3A_159] : memref<16x1x10240xf32, #tpu.memory_space<vmem_shared>> -> memref<1x1x640xf32, #tpu.memory_space<vmem_shared>>
      %dma_start3A_173 = tpu.memref_squeeze %dma_start3A : memref<1x1x640xf32, #tpu.memory_space<vmem_shared>> -> memref<640xf32, #tpu.memory_space<vmem_shared>>
      %dma_start3A_174 = tpu.memref_slice %arg8[%run_scoped3A_160, %run_scoped3A_161, %mul3A_159] : memref<16x1x10240xf32, #tpu.memory_space<vmem_shared>> -> memref<1x1x640xf32, #tpu.memory_space<vmem_shared>>
      %dma_start3A_175 = tpu.memref_squeeze %dma_start3A_174 : memref<1x1x640xf32, #tpu.memory_space<vmem_shared>> -> memref<640xf32, #tpu.memory_space<vmem_shared>>
      tpu.enqueue_dma source(%dma_start3A_175 : memref<640xf32, #tpu.memory_space<vmem_shared>>) target(%arg6 : memref<640xf32, #tpu.memory_space<vmem>>) target_semaphore(%run_scoped3A_172 : memref<!tpu.dma_semaphore, #tpu.memory_space<semaphore_mem>>)
      %dma_wait3A = tpu.memref_slice %arg8[%run_scoped3A_160, %run_scoped3A_161, %mul3A_159] : memref<16x1x10240xf32, #tpu.memory_space<vmem_shared>> -> memref<1x1x640xf32, #tpu.memory_space<vmem_shared>>
      %dma_wait3A_176 = tpu.memref_squeeze %dma_wait3A : memref<1x1x640xf32, #tpu.memory_space<vmem_shared>> -> memref<640xf32, #tpu.memory_space<vmem_shared>>
      %dma_wait3A_177 = tpu.memref_slice %arg8[%run_scoped3A_160, %run_scoped3A_161, %mul3A_159] : memref<16x1x10240xf32, #tpu.memory_space<vmem_shared>> -> memref<1x1x640xf32, #tpu.memory_space<vmem_shared>>
      %dma_wait3A_178 = tpu.memref_squeeze %dma_wait3A_177 : memref<1x1x640xf32, #tpu.memory_space<vmem_shared>> -> memref<640xf32, #tpu.memory_space<vmem_shared>>
      tpu.wait_dma2 semaphore(%run_scoped3A_172 : memref<!tpu.dma_semaphore, #tpu.memory_space<semaphore_mem>>) src(%dma_wait3A_178 : memref<640xf32, #tpu.memory_space<vmem_shared>>) dst(%arg6 : memref<640xf32, #tpu.memory_space<vmem>>)
      tpu.yield
    }) : () -> ()
    %scan3A_162 = arith.constant 0 : i32
    %scan3A_163 = arith.constant 40 : i32
    %scan3A_164 = arith.addi %scan3A_162, %scan3A_163 : i32
    %scan3A_165 = arith.constant 1 : i32
    scf.for %scan3A_172 = %scan3A_162 to %scan3A_164 step %scan3A_165  : i32 {
      %mul3A_173 = arith.constant 16 : i32
      %mul3A_174 = arith.muli %scan3A_172, %mul3A_173 : i32
      %get3A = arith.index_cast %mul3A_174 : i32 to index
      %get3A_175 = tpu.vector_load %arg7[%get3A] {strides = array<i32>} : memref<640xf32, #tpu.memory_space<vmem>>, vector<16xf32>,
      %get3A_176 = arith.index_cast %mul3A_174 : i32 to index
      %get3A_177 = tpu.vector_load %arg6[%get3A_176] {strides = array<i32>} : memref<640xf32, #tpu.memory_space<vmem>>, vector<16xf32>,
      %add3A_178 = arith.addf %get3A_175, %get3A_177 : vector<16xf32>
      %swap3A = arith.index_cast %mul3A_174 : i32 to index
      %swap3A_179 = tpu.vector_load %arg7[%swap3A] {strides = array<i32>} : memref<640xf32, #tpu.memory_space<vmem>>, vector<16xf32>,
      tpu.vector_store %arg7[%swap3A], %add3A_178 {strides = array<i32>} : memref<640xf32, #tpu.memory_space<vmem>>, vector<16xf32>,
    }
    %scan3A_166 = arith.constant 40 : i32
    %mul3A_167 = arith.constant 10240 : i32
    %mul3A_168 = arith.muli %arg0, %mul3A_167 : i32
    %mul3A_169 = arith.constant 640 : i32
    %mul3A_170 = arith.muli %arg1, %mul3A_169 : i32
    %add3A_171 = arith.addi %mul3A_168, %mul3A_170 : i32
    "tpu.region"() ({
      %run_scoped3A_172 = tpu.sem_alloc : memref<!tpu.dma_semaphore, #tpu.memory_space<semaphore_mem>>
      %dma_start3A = tpu.memref_slice %arg3[%add3A_171] : memref<20480xf32, #tpu.memory_space<hbm>> -> memref<640xf32, #tpu.memory_space<hbm>>
      %dma_start3A_173 = tpu.memref_slice %arg3[%add3A_171] : memref<20480xf32, #tpu.memory_space<hbm>> -> memref<640xf32, #tpu.memory_space<hbm>>
      tpu.enqueue_dma source(%arg7 : memref<640xf32, #tpu.memory_space<vmem>>) target(%dma_start3A_173 : memref<640xf32, #tpu.memory_space<hbm>>) target_semaphore(%run_scoped3A_172 : memref<!tpu.dma_semaphore, #tpu.memory_space<semaphore_mem>>)
      %dma_wait3A = tpu.memref_slice %arg3[%add3A_171] : memref<20480xf32, #tpu.memory_space<hbm>> -> memref<640xf32, #tpu.memory_space<hbm>>
      %dma_wait3A_174 = tpu.memref_slice %arg3[%add3A_171] : memref<20480xf32, #tpu.memory_space<hbm>> -> memref<640xf32, #tpu.memory_space<hbm>>
      tpu.wait_dma2 semaphore(%run_scoped3A_172 : memref<!tpu.dma_semaphore, #tpu.memory_space<semaphore_mem>>) src(%arg7 : memref<640xf32, #tpu.memory_space<vmem>>) dst(%dma_wait3A_174 : memref<640xf32, #tpu.memory_space<hbm>>)
      tpu.yield
    }) : () -> ()
    return
  }
}

#map = affine_map<(d0, d1) -> (0, 0)>
#map1 = affine_map<(d0, d1) -> (0)>
module attributes {stable_mosaic.version = 14 : i64} {
  func.func @scatter_kernel(%arg0: i32, %arg1: i32, %arg2: memref<20000x128xf32, #tpu.memory_space<hbm>>, %arg3: memref<320000xi32, #tpu.memory_space<hbm>>, %arg4: memref<20000x128xf32, #tpu.memory_space<hbm>>, %arg5: memref<10000xi32, #tpu.memory_space<vmem>>, %arg6: memref<80xi32, #tpu.memory_space<vmem>>, %arg7: memref<80xi32, #tpu.memory_space<vmem>>, %arg8: memref<80xi32, #tpu.memory_space<vmem>>, %arg9: memref<80x128xf32, #tpu.memory_space<vmem>>, %arg10: memref<80x128xf32, #tpu.memory_space<vmem>>, %arg11: memref<80x128xf32, #tpu.memory_space<vmem>>, %arg12: memref<10000x128xf32, #tpu.memory_space<vmem_shared>>, %arg13: memref<!tpu.dma_semaphore, #tpu.memory_space<semaphore_mem>>, %arg14: memref<!tpu.dma_semaphore, #tpu.memory_space<semaphore_mem>>, %arg15: memref<!tpu.dma_semaphore, #tpu.memory_space<semaphore_mem>>, %arg16: memref<!tpu.dma_semaphore, #tpu.memory_space<semaphore_mem>>, %arg17: memref<!tpu.dma_semaphore, #tpu.memory_space<semaphore_mem>>, %arg18: memref<!tpu.dma_semaphore, #tpu.memory_space<semaphore_mem>>, %arg19: memref<!tpu.dma_semaphore, #tpu.memory_space<semaphore_mem>>, %arg20: memref<!tpu.dma_semaphore, #tpu.memory_space<semaphore_mem>>, %arg21: memref<!tpu.dma_semaphore, #tpu.memory_space<semaphore_mem>>) attributes {dimension_semantics = [#tpu.dimension_semantics<core_parallel>, #tpu.dimension_semantics<subcore_parallel>], iteration_bounds = array<i64: 2, 16>, scalar_prefetch = 0 : i64, scratch_operands = 17 : i64, tpu.core_type = #tpu.core_type<sc_vector_subcore>, window_params = [{transform_indices = #map}, {transform_indices = #map1}, {transform_indices = #map}]} {
    %mul3A = arith.constant 10000 : i32
    %mul3A_0 = arith.muli %arg1, %mul3A : i32
    "tpu.region"() ({
      %run_scoped3A = tpu.sem_alloc : memref<!tpu.dma_semaphore, #tpu.memory_space<semaphore_mem>>
      %dma_start3A_207 = arith.constant 0 : i32
      %dma_start3A_208 = tpu.memref_slice %arg5[%dma_start3A_207] : memref<10000xi32, #tpu.memory_space<vmem>> -> memref<10000xi32, #tpu.memory_space<vmem>>
      %dma_start3A_209 = tpu.memref_slice %arg3[%mul3A_0] : memref<320000xi32, #tpu.memory_space<hbm>> -> memref<10000xi32, #tpu.memory_space<hbm>>
      %dma_start3A_210 = arith.constant 0 : i32
      %dma_start3A_211 = tpu.memref_slice %arg5[%dma_start3A_210] : memref<10000xi32, #tpu.memory_space<vmem>> -> memref<10000xi32, #tpu.memory_space<vmem>>
      %dma_start3A_212 = tpu.memref_slice %arg3[%mul3A_0] : memref<320000xi32, #tpu.memory_space<hbm>> -> memref<10000xi32, #tpu.memory_space<hbm>>
      tpu.enqueue_dma source(%dma_start3A_212 : memref<10000xi32, #tpu.memory_space<hbm>>) target(%dma_start3A_211 : memref<10000xi32, #tpu.memory_space<vmem>>) target_semaphore(%run_scoped3A : memref<!tpu.dma_semaphore, #tpu.memory_space<semaphore_mem>>)
      %dma_wait3A_213 = arith.constant 0 : i32
      %dma_wait3A_214 = tpu.memref_slice %arg5[%dma_wait3A_213] : memref<10000xi32, #tpu.memory_space<vmem>> -> memref<10000xi32, #tpu.memory_space<vmem>>
      %dma_wait3A_215 = tpu.memref_slice %arg3[%mul3A_0] : memref<320000xi32, #tpu.memory_space<hbm>> -> memref<10000xi32, #tpu.memory_space<hbm>>
      %dma_wait3A_216 = arith.constant 0 : i32
      %dma_wait3A_217 = tpu.memref_slice %arg5[%dma_wait3A_216] : memref<10000xi32, #tpu.memory_space<vmem>> -> memref<10000xi32, #tpu.memory_space<vmem>>
      %dma_wait3A_218 = tpu.memref_slice %arg3[%mul3A_0] : memref<320000xi32, #tpu.memory_space<hbm>> -> memref<10000xi32, #tpu.memory_space<hbm>>
      tpu.wait_dma2 semaphore(%run_scoped3A : memref<!tpu.dma_semaphore, #tpu.memory_space<semaphore_mem>>) src(%dma_wait3A_218 : memref<10000xi32, #tpu.memory_space<hbm>>) dst(%dma_wait3A_217 : memref<10000xi32, #tpu.memory_space<vmem>>)
      tpu.yield
    }) : () -> ()
    %scan3A = arith.constant 0 : i32
    %scan3A_1 = arith.constant 625 : i32
    %scan3A_2 = arith.addi %scan3A, %scan3A_1 : i32
    %scan3A_3 = arith.constant 1 : i32
    scf.for %scan3A_207 = %scan3A to %scan3A_2 step %scan3A_3  : i32 {
      %mul3A_208 = arith.constant 16 : i32
      %mul3A_209 = arith.muli %scan3A_207, %mul3A_208 : i32
      %get3A = arith.index_cast %mul3A_209 : i32 to index
      %get3A_210 = tpu.vector_load %arg5[%get3A] {strides = array<i32>} : memref<10000xi32, #tpu.memory_space<vmem>>, vector<16xi32>,
      %get3A_211 = vector.shape_cast %get3A_210 : vector<16xi32> to vector<16xi32>
      %mul3A_212 = arith.constant 10000 : i32
      %mul3A_213 = arith.muli %arg0, %mul3A_212 : i32
      %add3A_214 = vector.broadcast %mul3A_213 : i32 to vector<16xi32>
      %add3A_215 = arith.addi %get3A_211, %add3A_214 : vector<16xi32>
      %swap3A = arith.index_cast %mul3A_209 : i32 to index
      %swap3A_216 = tpu.vector_load %arg5[%swap3A] {strides = array<i32>} : memref<10000xi32, #tpu.memory_space<vmem>>, vector<16xi32>,
      %swap3A_217 = vector.shape_cast %swap3A_216 : vector<16xi32> to vector<16xi32>
      %swap3A_218 = vector.shape_cast %add3A_215 : vector<16xi32> to vector<16xi32>
      tpu.vector_store %arg5[%swap3A], %swap3A_218 {strides = array<i32>} : memref<10000xi32, #tpu.memory_space<vmem>>, vector<16xi32>,
    }
    %scan3A_4 = arith.constant 625 : i32
    %scan3A_5 = arith.constant 0 : i32
    %scan3A_6 = arith.constant 640 : i32
    %scan3A_7 = arith.addi %scan3A_5, %scan3A_6 : i32
    %scan3A_8 = arith.constant 1 : i32
    scf.for %scan3A_207 = %scan3A_5 to %scan3A_7 step %scan3A_8  : i32 {
      %broadcast_in_dim3A = arith.constant 0.000000e+00 : f32
      %broadcast_in_dim3A_208 = vector.broadcast %broadcast_in_dim3A : f32 to vector<16xf32>
      %jit3A = arith.constant 8 : i32
      %div3A = arith.divsi %scan3A_207, %jit3A : i32
      %sign3A = arith.constant 0 : i32
      %sign3A_209 = arith.cmpi sgt, %scan3A_207, %sign3A : i32
      %sign3A_210 = arith.extui %sign3A_209 : i1 to i32
      %sign3A_211 = arith.constant 0 : i32
      %sign3A_212 = arith.cmpi slt, %scan3A_207, %sign3A_211 : i32
      %sign3A_213 = arith.extui %sign3A_212 : i1 to i32
      %sign3A_214 = arith.subi %sign3A_210, %sign3A_213 : i32
      %sign3A_215 = arith.constant 0 : i32
      %sign3A_216 = arith.cmpi sgt, %jit3A, %sign3A_215 : i32
      %sign3A_217 = arith.extui %sign3A_216 : i1 to i32
      %sign3A_218 = arith.constant 0 : i32
      %sign3A_219 = arith.cmpi slt, %jit3A, %sign3A_218 : i32
      %sign3A_220 = arith.extui %sign3A_219 : i1 to i32
      %sign3A_221 = arith.subi %sign3A_217, %sign3A_220 : i32
      %ne3A = arith.cmpi ne, %sign3A_214, %sign3A_221 : i32
      %rem3A = arith.remsi %scan3A_207, %jit3A : i32
      %ne3A_222 = arith.constant 0 : i32
      %ne3A_223 = arith.cmpi ne, %rem3A, %ne3A_222 : i32
      %and3A = arith.andi %ne3A, %ne3A_223 : i1
      %sub3A = arith.constant 1 : i32
      %sub3A_224 = arith.subi %div3A, %sub3A : i32
      %select_n3A = arith.select %and3A, %sub3A_224, %div3A : i32
      %jit3A_225 = arith.constant 8 : i32
      %eq3A_226 = arith.constant 0 : i32
      %eq3A_227 = arith.cmpi eq, %jit3A_225, %eq3A_226 : i32
      %jit3A_228 = arith.constant 1 : i32
      %select_n3A_229 = arith.select %eq3A_227, %jit3A_228, %jit3A_225 : i32
      %rem3A_230 = arith.remsi %scan3A_207, %select_n3A_229 : i32
      %ne3A_231 = arith.constant 0 : i32
      %ne3A_232 = arith.cmpi ne, %rem3A_230, %ne3A_231 : i32
      %lt3A = arith.constant 0 : i32
      %lt3A_233 = arith.cmpi slt, %rem3A_230, %lt3A : i32
      %lt3A_234 = arith.constant 0 : i32
      %lt3A_235 = arith.cmpi slt, %select_n3A_229, %lt3A_234 : i32
      %ne3A_236 = arith.xori %lt3A_233, %lt3A_235 : i1
      %and3A_237 = arith.andi %ne3A_236, %ne3A_232 : i1
      %add3A_238 = arith.addi %rem3A_230, %select_n3A_229 : i32
      %select_n3A_239 = arith.select %and3A_237, %add3A_238, %rem3A_230 : i32
      %mul3A_240 = arith.constant 16 : i32
      %mul3A_241 = arith.muli %select_n3A_239, %mul3A_240 : i32
      %swap3A = arith.index_cast %select_n3A : i32 to index
      %swap3A_242 = arith.index_cast %mul3A_241 : i32 to index
      %swap3A_243 = tpu.vector_load %arg9[%swap3A, %swap3A_242] {strides = array<i32>} : memref<80x128xf32, #tpu.memory_space<vmem>>, vector<1x16xf32>,
      %swap3A_244 = vector.shape_cast %swap3A_243 : vector<1x16xf32> to vector<16xf32>
      %swap3A_245 = vector.shape_cast %broadcast_in_dim3A_208 : vector<16xf32> to vector<1x16xf32>
      tpu.vector_store %arg9[%swap3A, %swap3A_242], %swap3A_245 {strides = array<i32>} : memref<80x128xf32, #tpu.memory_space<vmem>>, vector<1x16xf32>,
    }
    %scan3A_9 = arith.constant 640 : i32
    %mul3A_10 = arith.constant 624 : i32
    %mul3A_11 = arith.muli %arg1, %mul3A_10 : i32
    %add3A = arith.constant 0 : i32
    %add3A_12 = arith.addi %mul3A_11, %add3A : i32
    "tpu.region"() ({
      %run_scoped3A = tpu.sem_alloc : memref<!tpu.dma_semaphore, #tpu.memory_space<semaphore_mem>>
      %dma_start3A_207 = arith.constant 0 : i32
      %dma_start3A_208 = tpu.memref_slice %arg12[%add3A_12, %dma_start3A_207] : memref<10000x128xf32, #tpu.memory_space<vmem_shared>> -> memref<80x128xf32, #tpu.memory_space<vmem_shared>>
      %dma_start3A_209 = arith.constant 0 : i32
      %dma_start3A_210 = tpu.memref_slice %arg12[%add3A_12, %dma_start3A_209] : memref<10000x128xf32, #tpu.memory_space<vmem_shared>> -> memref<80x128xf32, #tpu.memory_space<vmem_shared>>
      tpu.enqueue_dma source(%arg9 : memref<80x128xf32, #tpu.memory_space<vmem>>) target(%dma_start3A_210 : memref<80x128xf32, #tpu.memory_space<vmem_shared>>) target_semaphore(%run_scoped3A : memref<!tpu.dma_semaphore, #tpu.memory_space<semaphore_mem>>)
      %dma_wait3A_211 = arith.constant 0 : i32
      %dma_wait3A_212 = tpu.memref_slice %arg12[%add3A_12, %dma_wait3A_211] : memref<10000x128xf32, #tpu.memory_space<vmem_shared>> -> memref<80x128xf32, #tpu.memory_space<vmem_shared>>
      %dma_wait3A_213 = arith.constant 0 : i32
      %dma_wait3A_214 = tpu.memref_slice %arg12[%add3A_12, %dma_wait3A_213] : memref<10000x128xf32, #tpu.memory_space<vmem_shared>> -> memref<80x128xf32, #tpu.memory_space<vmem_shared>>
      tpu.wait_dma2 semaphore(%run_scoped3A : memref<!tpu.dma_semaphore, #tpu.memory_space<semaphore_mem>>) src(%arg9 : memref<80x128xf32, #tpu.memory_space<vmem>>) dst(%dma_wait3A_214 : memref<80x128xf32, #tpu.memory_space<vmem_shared>>)
      tpu.yield
    }) : () -> ()
    %mul3A_13 = arith.constant 624 : i32
    %mul3A_14 = arith.muli %arg1, %mul3A_13 : i32
    %add3A_15 = arith.constant 80 : i32
    %add3A_16 = arith.addi %mul3A_14, %add3A_15 : i32
    "tpu.region"() ({
      %run_scoped3A = tpu.sem_alloc : memref<!tpu.dma_semaphore, #tpu.memory_space<semaphore_mem>>
      %dma_start3A_207 = arith.constant 0 : i32
      %dma_start3A_208 = tpu.memref_slice %arg12[%add3A_16, %dma_start3A_207] : memref<10000x128xf32, #tpu.memory_space<vmem_shared>> -> memref<80x128xf32, #tpu.memory_space<vmem_shared>>
      %dma_start3A_209 = arith.constant 0 : i32
      %dma_start3A_210 = tpu.memref_slice %arg12[%add3A_16, %dma_start3A_209] : memref<10000x128xf32, #tpu.memory_space<vmem_shared>> -> memref<80x128xf32, #tpu.memory_space<vmem_shared>>
      tpu.enqueue_dma source(%arg9 : memref<80x128xf32, #tpu.memory_space<vmem>>) target(%dma_start3A_210 : memref<80x128xf32, #tpu.memory_space<vmem_shared>>) target_semaphore(%run_scoped3A : memref<!tpu.dma_semaphore, #tpu.memory_space<semaphore_mem>>)
      %dma_wait3A_211 = arith.constant 0 : i32
      %dma_wait3A_212 = tpu.memref_slice %arg12[%add3A_16, %dma_wait3A_211] : memref<10000x128xf32, #tpu.memory_space<vmem_shared>> -> memref<80x128xf32, #tpu.memory_space<vmem_shared>>
      %dma_wait3A_213 = arith.constant 0 : i32
      %dma_wait3A_214 = tpu.memref_slice %arg12[%add3A_16, %dma_wait3A_213] : memref<10000x128xf32, #tpu.memory_space<vmem_shared>> -> memref<80x128xf32, #tpu.memory_space<vmem_shared>>
      tpu.wait_dma2 semaphore(%run_scoped3A : memref<!tpu.dma_semaphore, #tpu.memory_space<semaphore_mem>>) src(%arg9 : memref<80x128xf32, #tpu.memory_space<vmem>>) dst(%dma_wait3A_214 : memref<80x128xf32, #tpu.memory_space<vmem_shared>>)
      tpu.yield
    }) : () -> ()
    %mul3A_17 = arith.constant 624 : i32
    %mul3A_18 = arith.muli %arg1, %mul3A_17 : i32
    %add3A_19 = arith.constant 160 : i32
    %add3A_20 = arith.addi %mul3A_18, %add3A_19 : i32
    "tpu.region"() ({
      %run_scoped3A = tpu.sem_alloc : memref<!tpu.dma_semaphore, #tpu.memory_space<semaphore_mem>>
      %dma_start3A_207 = arith.constant 0 : i32
      %dma_start3A_208 = tpu.memref_slice %arg12[%add3A_20, %dma_start3A_207] : memref<10000x128xf32, #tpu.memory_space<vmem_shared>> -> memref<80x128xf32, #tpu.memory_space<vmem_shared>>
      %dma_start3A_209 = arith.constant 0 : i32
      %dma_start3A_210 = tpu.memref_slice %arg12[%add3A_20, %dma_start3A_209] : memref<10000x128xf32, #tpu.memory_space<vmem_shared>> -> memref<80x128xf32, #tpu.memory_space<vmem_shared>>
      tpu.enqueue_dma source(%arg9 : memref<80x128xf32, #tpu.memory_space<vmem>>) target(%dma_start3A_210 : memref<80x128xf32, #tpu.memory_space<vmem_shared>>) target_semaphore(%run_scoped3A : memref<!tpu.dma_semaphore, #tpu.memory_space<semaphore_mem>>)
      %dma_wait3A_211 = arith.constant 0 : i32
      %dma_wait3A_212 = tpu.memref_slice %arg12[%add3A_20, %dma_wait3A_211] : memref<10000x128xf32, #tpu.memory_space<vmem_shared>> -> memref<80x128xf32, #tpu.memory_space<vmem_shared>>
      %dma_wait3A_213 = arith.constant 0 : i32
      %dma_wait3A_214 = tpu.memref_slice %arg12[%add3A_20, %dma_wait3A_213] : memref<10000x128xf32, #tpu.memory_space<vmem_shared>> -> memref<80x128xf32, #tpu.memory_space<vmem_shared>>
      tpu.wait_dma2 semaphore(%run_scoped3A : memref<!tpu.dma_semaphore, #tpu.memory_space<semaphore_mem>>) src(%arg9 : memref<80x128xf32, #tpu.memory_space<vmem>>) dst(%dma_wait3A_214 : memref<80x128xf32, #tpu.memory_space<vmem_shared>>)
      tpu.yield
    }) : () -> ()
    %mul3A_21 = arith.constant 624 : i32
    %mul3A_22 = arith.muli %arg1, %mul3A_21 : i32
    %add3A_23 = arith.constant 240 : i32
    %add3A_24 = arith.addi %mul3A_22, %add3A_23 : i32
    "tpu.region"() ({
      %run_scoped3A = tpu.sem_alloc : memref<!tpu.dma_semaphore, #tpu.memory_space<semaphore_mem>>
      %dma_start3A_207 = arith.constant 0 : i32
      %dma_start3A_208 = tpu.memref_slice %arg12[%add3A_24, %dma_start3A_207] : memref<10000x128xf32, #tpu.memory_space<vmem_shared>> -> memref<80x128xf32, #tpu.memory_space<vmem_shared>>
      %dma_start3A_209 = arith.constant 0 : i32
      %dma_start3A_210 = tpu.memref_slice %arg12[%add3A_24, %dma_start3A_209] : memref<10000x128xf32, #tpu.memory_space<vmem_shared>> -> memref<80x128xf32, #tpu.memory_space<vmem_shared>>
      tpu.enqueue_dma source(%arg9 : memref<80x128xf32, #tpu.memory_space<vmem>>) target(%dma_start3A_210 : memref<80x128xf32, #tpu.memory_space<vmem_shared>>) target_semaphore(%run_scoped3A : memref<!tpu.dma_semaphore, #tpu.memory_space<semaphore_mem>>)
      %dma_wait3A_211 = arith.constant 0 : i32
      %dma_wait3A_212 = tpu.memref_slice %arg12[%add3A_24, %dma_wait3A_211] : memref<10000x128xf32, #tpu.memory_space<vmem_shared>> -> memref<80x128xf32, #tpu.memory_space<vmem_shared>>
      %dma_wait3A_213 = arith.constant 0 : i32
      %dma_wait3A_214 = tpu.memref_slice %arg12[%add3A_24, %dma_wait3A_213] : memref<10000x128xf32, #tpu.memory_space<vmem_shared>> -> memref<80x128xf32, #tpu.memory_space<vmem_shared>>
      tpu.wait_dma2 semaphore(%run_scoped3A : memref<!tpu.dma_semaphore, #tpu.memory_space<semaphore_mem>>) src(%arg9 : memref<80x128xf32, #tpu.memory_space<vmem>>) dst(%dma_wait3A_214 : memref<80x128xf32, #tpu.memory_space<vmem_shared>>)
      tpu.yield
    }) : () -> ()
    %mul3A_25 = arith.constant 624 : i32
    %mul3A_26 = arith.muli %arg1, %mul3A_25 : i32
    %add3A_27 = arith.constant 320 : i32
    %add3A_28 = arith.addi %mul3A_26, %add3A_27 : i32
    "tpu.region"() ({
      %run_scoped3A = tpu.sem_alloc : memref<!tpu.dma_semaphore, #tpu.memory_space<semaphore_mem>>
      %dma_start3A_207 = arith.constant 0 : i32
      %dma_start3A_208 = tpu.memref_slice %arg12[%add3A_28, %dma_start3A_207] : memref<10000x128xf32, #tpu.memory_space<vmem_shared>> -> memref<80x128xf32, #tpu.memory_space<vmem_shared>>
      %dma_start3A_209 = arith.constant 0 : i32
      %dma_start3A_210 = tpu.memref_slice %arg12[%add3A_28, %dma_start3A_209] : memref<10000x128xf32, #tpu.memory_space<vmem_shared>> -> memref<80x128xf32, #tpu.memory_space<vmem_shared>>
      tpu.enqueue_dma source(%arg9 : memref<80x128xf32, #tpu.memory_space<vmem>>) target(%dma_start3A_210 : memref<80x128xf32, #tpu.memory_space<vmem_shared>>) target_semaphore(%run_scoped3A : memref<!tpu.dma_semaphore, #tpu.memory_space<semaphore_mem>>)
      %dma_wait3A_211 = arith.constant 0 : i32
      %dma_wait3A_212 = tpu.memref_slice %arg12[%add3A_28, %dma_wait3A_211] : memref<10000x128xf32, #tpu.memory_space<vmem_shared>> -> memref<80x128xf32, #tpu.memory_space<vmem_shared>>
      %dma_wait3A_213 = arith.constant 0 : i32
      %dma_wait3A_214 = tpu.memref_slice %arg12[%add3A_28, %dma_wait3A_213] : memref<10000x128xf32, #tpu.memory_space<vmem_shared>> -> memref<80x128xf32, #tpu.memory_space<vmem_shared>>
      tpu.wait_dma2 semaphore(%run_scoped3A : memref<!tpu.dma_semaphore, #tpu.memory_space<semaphore_mem>>) src(%arg9 : memref<80x128xf32, #tpu.memory_space<vmem>>) dst(%dma_wait3A_214 : memref<80x128xf32, #tpu.memory_space<vmem_shared>>)
      tpu.yield
    }) : () -> ()
    %mul3A_29 = arith.constant 624 : i32
    %mul3A_30 = arith.muli %arg1, %mul3A_29 : i32
    %add3A_31 = arith.constant 400 : i32
    %add3A_32 = arith.addi %mul3A_30, %add3A_31 : i32
    "tpu.region"() ({
      %run_scoped3A = tpu.sem_alloc : memref<!tpu.dma_semaphore, #tpu.memory_space<semaphore_mem>>
      %dma_start3A_207 = arith.constant 0 : i32
      %dma_start3A_208 = tpu.memref_slice %arg12[%add3A_32, %dma_start3A_207] : memref<10000x128xf32, #tpu.memory_space<vmem_shared>> -> memref<80x128xf32, #tpu.memory_space<vmem_shared>>
      %dma_start3A_209 = arith.constant 0 : i32
      %dma_start3A_210 = tpu.memref_slice %arg12[%add3A_32, %dma_start3A_209] : memref<10000x128xf32, #tpu.memory_space<vmem_shared>> -> memref<80x128xf32, #tpu.memory_space<vmem_shared>>
      tpu.enqueue_dma source(%arg9 : memref<80x128xf32, #tpu.memory_space<vmem>>) target(%dma_start3A_210 : memref<80x128xf32, #tpu.memory_space<vmem_shared>>) target_semaphore(%run_scoped3A : memref<!tpu.dma_semaphore, #tpu.memory_space<semaphore_mem>>)
      %dma_wait3A_211 = arith.constant 0 : i32
      %dma_wait3A_212 = tpu.memref_slice %arg12[%add3A_32, %dma_wait3A_211] : memref<10000x128xf32, #tpu.memory_space<vmem_shared>> -> memref<80x128xf32, #tpu.memory_space<vmem_shared>>
      %dma_wait3A_213 = arith.constant 0 : i32
      %dma_wait3A_214 = tpu.memref_slice %arg12[%add3A_32, %dma_wait3A_213] : memref<10000x128xf32, #tpu.memory_space<vmem_shared>> -> memref<80x128xf32, #tpu.memory_space<vmem_shared>>
      tpu.wait_dma2 semaphore(%run_scoped3A : memref<!tpu.dma_semaphore, #tpu.memory_space<semaphore_mem>>) src(%arg9 : memref<80x128xf32, #tpu.memory_space<vmem>>) dst(%dma_wait3A_214 : memref<80x128xf32, #tpu.memory_space<vmem_shared>>)
      tpu.yield
    }) : () -> ()
    %mul3A_33 = arith.constant 624 : i32
    %mul3A_34 = arith.muli %arg1, %mul3A_33 : i32
    %add3A_35 = arith.constant 480 : i32
    %add3A_36 = arith.addi %mul3A_34, %add3A_35 : i32
    "tpu.region"() ({
      %run_scoped3A = tpu.sem_alloc : memref<!tpu.dma_semaphore, #tpu.memory_space<semaphore_mem>>
      %dma_start3A_207 = arith.constant 0 : i32
      %dma_start3A_208 = tpu.memref_slice %arg12[%add3A_36, %dma_start3A_207] : memref<10000x128xf32, #tpu.memory_space<vmem_shared>> -> memref<80x128xf32, #tpu.memory_space<vmem_shared>>
      %dma_start3A_209 = arith.constant 0 : i32
      %dma_start3A_210 = tpu.memref_slice %arg12[%add3A_36, %dma_start3A_209] : memref<10000x128xf32, #tpu.memory_space<vmem_shared>> -> memref<80x128xf32, #tpu.memory_space<vmem_shared>>
      tpu.enqueue_dma source(%arg9 : memref<80x128xf32, #tpu.memory_space<vmem>>) target(%dma_start3A_210 : memref<80x128xf32, #tpu.memory_space<vmem_shared>>) target_semaphore(%run_scoped3A : memref<!tpu.dma_semaphore, #tpu.memory_space<semaphore_mem>>)
      %dma_wait3A_211 = arith.constant 0 : i32
      %dma_wait3A_212 = tpu.memref_slice %arg12[%add3A_36, %dma_wait3A_211] : memref<10000x128xf32, #tpu.memory_space<vmem_shared>> -> memref<80x128xf32, #tpu.memory_space<vmem_shared>>
      %dma_wait3A_213 = arith.constant 0 : i32
      %dma_wait3A_214 = tpu.memref_slice %arg12[%add3A_36, %dma_wait3A_213] : memref<10000x128xf32, #tpu.memory_space<vmem_shared>> -> memref<80x128xf32, #tpu.memory_space<vmem_shared>>
      tpu.wait_dma2 semaphore(%run_scoped3A : memref<!tpu.dma_semaphore, #tpu.memory_space<semaphore_mem>>) src(%arg9 : memref<80x128xf32, #tpu.memory_space<vmem>>) dst(%dma_wait3A_214 : memref<80x128xf32, #tpu.memory_space<vmem_shared>>)
      tpu.yield
    }) : () -> ()
    %mul3A_37 = arith.constant 624 : i32
    %mul3A_38 = arith.muli %arg1, %mul3A_37 : i32
    %add3A_39 = arith.constant 560 : i32
    %add3A_40 = arith.addi %mul3A_38, %add3A_39 : i32
    "tpu.region"() ({
      %run_scoped3A = tpu.sem_alloc : memref<!tpu.dma_semaphore, #tpu.memory_space<semaphore_mem>>
      %dma_start3A_207 = arith.constant 0 : i32
      %dma_start3A_208 = arith.constant 0 : i32
      %dma_start3A_209 = tpu.memref_slice %arg9[%dma_start3A_207, %dma_start3A_208] : memref<80x128xf32, #tpu.memory_space<vmem>> -> memref<64x128xf32, #tpu.memory_space<vmem>>
      %dma_start3A_210 = arith.constant 0 : i32
      %dma_start3A_211 = tpu.memref_slice %arg12[%add3A_40, %dma_start3A_210] : memref<10000x128xf32, #tpu.memory_space<vmem_shared>> -> memref<64x128xf32, #tpu.memory_space<vmem_shared>>
      %dma_start3A_212 = arith.constant 0 : i32
      %dma_start3A_213 = tpu.memref_slice %arg12[%add3A_40, %dma_start3A_212] : memref<10000x128xf32, #tpu.memory_space<vmem_shared>> -> memref<64x128xf32, #tpu.memory_space<vmem_shared>>
      %dma_start3A_214 = arith.constant 0 : i32
      %dma_start3A_215 = arith.constant 0 : i32
      %dma_start3A_216 = tpu.memref_slice %arg9[%dma_start3A_214, %dma_start3A_215] : memref<80x128xf32, #tpu.memory_space<vmem>> -> memref<64x128xf32, #tpu.memory_space<vmem>>
      tpu.enqueue_dma source(%dma_start3A_216 : memref<64x128xf32, #tpu.memory_space<vmem>>) target(%dma_start3A_213 : memref<64x128xf32, #tpu.memory_space<vmem_shared>>) target_semaphore(%run_scoped3A : memref<!tpu.dma_semaphore, #tpu.memory_space<semaphore_mem>>)
      %dma_wait3A_217 = arith.constant 0 : i32
      %dma_wait3A_218 = arith.constant 0 : i32
      %dma_wait3A_219 = tpu.memref_slice %arg9[%dma_wait3A_217, %dma_wait3A_218] : memref<80x128xf32, #tpu.memory_space<vmem>> -> memref<64x128xf32, #tpu.memory_space<vmem>>
      %dma_wait3A_220 = arith.constant 0 : i32
      %dma_wait3A_221 = tpu.memref_slice %arg12[%add3A_40, %dma_wait3A_220] : memref<10000x128xf32, #tpu.memory_space<vmem_shared>> -> memref<64x128xf32, #tpu.memory_space<vmem_shared>>
      %dma_wait3A_222 = arith.constant 0 : i32
      %dma_wait3A_223 = tpu.memref_slice %arg12[%add3A_40, %dma_wait3A_222] : memref<10000x128xf32, #tpu.memory_space<vmem_shared>> -> memref<64x128xf32, #tpu.memory_space<vmem_shared>>
      %dma_wait3A_224 = arith.constant 0 : i32
      %dma_wait3A_225 = arith.constant 0 : i32
      %dma_wait3A_226 = tpu.memref_slice %arg9[%dma_wait3A_224, %dma_wait3A_225] : memref<80x128xf32, #tpu.memory_space<vmem>> -> memref<64x128xf32, #tpu.memory_space<vmem>>
      tpu.wait_dma2 semaphore(%run_scoped3A : memref<!tpu.dma_semaphore, #tpu.memory_space<semaphore_mem>>) src(%dma_wait3A_226 : memref<64x128xf32, #tpu.memory_space<vmem>>) dst(%dma_wait3A_223 : memref<64x128xf32, #tpu.memory_space<vmem_shared>>)
      tpu.yield
    }) : () -> ()
    %eq3A = arith.constant 0 : i32
    %eq3A_41 = arith.cmpi eq, %arg1, %eq3A : i32
    %convert_element_type3A = arith.extui %eq3A_41 : i1 to i32
    %cond3A = arith.constant 0 : i32
    %cond3A_42 = arith.cmpi ne, %convert_element_type3A, %cond3A : i32
    scf.if %cond3A_42 {
      "tpu.region"() ({
        %run_scoped3A = tpu.sem_alloc : memref<!tpu.dma_semaphore, #tpu.memory_space<semaphore_mem>>
        %dma_start3A_207 = arith.constant 0 : i32
        %dma_start3A_208 = arith.constant 0 : i32
        %dma_start3A_209 = tpu.memref_slice %arg9[%dma_start3A_207, %dma_start3A_208] : memref<80x128xf32, #tpu.memory_space<vmem>> -> memref<16x128xf32, #tpu.memory_space<vmem>>
        %dma_start3A_210 = arith.constant 9984 : i32
        %dma_start3A_211 = arith.constant 0 : i32
        %dma_start3A_212 = tpu.memref_slice %arg12[%dma_start3A_210, %dma_start3A_211] : memref<10000x128xf32, #tpu.memory_space<vmem_shared>> -> memref<16x128xf32, #tpu.memory_space<vmem_shared>>
        %dma_start3A_213 = arith.constant 9984 : i32
        %dma_start3A_214 = arith.constant 0 : i32
        %dma_start3A_215 = tpu.memref_slice %arg12[%dma_start3A_213, %dma_start3A_214] : memref<10000x128xf32, #tpu.memory_space<vmem_shared>> -> memref<16x128xf32, #tpu.memory_space<vmem_shared>>
        %dma_start3A_216 = arith.constant 0 : i32
        %dma_start3A_217 = arith.constant 0 : i32
        %dma_start3A_218 = tpu.memref_slice %arg9[%dma_start3A_216, %dma_start3A_217] : memref<80x128xf32, #tpu.memory_space<vmem>> -> memref<16x128xf32, #tpu.memory_space<vmem>>
        tpu.enqueue_dma source(%dma_start3A_218 : memref<16x128xf32, #tpu.memory_space<vmem>>) target(%dma_start3A_215 : memref<16x128xf32, #tpu.memory_space<vmem_shared>>) target_semaphore(%run_scoped3A : memref<!tpu.dma_semaphore, #tpu.memory_space<semaphore_mem>>)
        %dma_wait3A_219 = arith.constant 0 : i32
        %dma_wait3A_220 = arith.constant 0 : i32
        %dma_wait3A_221 = tpu.memref_slice %arg9[%dma_wait3A_219, %dma_wait3A_220] : memref<80x128xf32, #tpu.memory_space<vmem>> -> memref<16x128xf32, #tpu.memory_space<vmem>>
        %dma_wait3A_222 = arith.constant 9984 : i32
        %dma_wait3A_223 = arith.constant 0 : i32
        %dma_wait3A_224 = tpu.memref_slice %arg12[%dma_wait3A_222, %dma_wait3A_223] : memref<10000x128xf32, #tpu.memory_space<vmem_shared>> -> memref<16x128xf32, #tpu.memory_space<vmem_shared>>
        %dma_wait3A_225 = arith.constant 9984 : i32
        %dma_wait3A_226 = arith.constant 0 : i32
        %dma_wait3A_227 = tpu.memref_slice %arg12[%dma_wait3A_225, %dma_wait3A_226] : memref<10000x128xf32, #tpu.memory_space<vmem_shared>> -> memref<16x128xf32, #tpu.memory_space<vmem_shared>>
        %dma_wait3A_228 = arith.constant 0 : i32
        %dma_wait3A_229 = arith.constant 0 : i32
        %dma_wait3A_230 = tpu.memref_slice %arg9[%dma_wait3A_228, %dma_wait3A_229] : memref<80x128xf32, #tpu.memory_space<vmem>> -> memref<16x128xf32, #tpu.memory_space<vmem>>
        tpu.wait_dma2 semaphore(%run_scoped3A : memref<!tpu.dma_semaphore, #tpu.memory_space<semaphore_mem>>) src(%dma_wait3A_230 : memref<16x128xf32, #tpu.memory_space<vmem>>) dst(%dma_wait3A_227 : memref<16x128xf32, #tpu.memory_space<vmem_shared>>)
        tpu.yield
      }) : () -> ()
    } else {
    }
    %barrier3A = arith.constant 0 : index
    tpu.barrier barrier_id(%barrier3A)
    %mul3A_43 = arith.constant 10000 : i32
    %mul3A_44 = arith.muli %arg1, %mul3A_43 : i32
    %add3A_45 = arith.constant 160000 : i32
    %add3A_46 = arith.addi %add3A_45, %mul3A_44 : i32
    %add3A_47 = arith.constant 0 : i32
    %add3A_48 = arith.addi %add3A_46, %add3A_47 : i32
    %dma_start3A = tpu.memref_slice %arg3[%add3A_48] : memref<320000xi32, #tpu.memory_space<hbm>> -> memref<80xi32, #tpu.memory_space<hbm>>
    %dma_start3A_49 = tpu.memref_slice %arg3[%add3A_48] : memref<320000xi32, #tpu.memory_space<hbm>> -> memref<80xi32, #tpu.memory_space<hbm>>
    tpu.enqueue_dma source(%dma_start3A_49 : memref<80xi32, #tpu.memory_space<hbm>>) target(%arg6 : memref<80xi32, #tpu.memory_space<vmem>>) target_semaphore(%arg19 : memref<!tpu.dma_semaphore, #tpu.memory_space<semaphore_mem>>)
    %dma_start3A_50 = arith.constant 0 : i32
    %dma_start3A_51 = tpu.memref_slice %arg5[%dma_start3A_50] : memref<10000xi32, #tpu.memory_space<vmem>> -> memref<80xi32, #tpu.memory_space<vmem>>
    %dma_start3A_52 = arith.constant 0 : i32
    %dma_start3A_53 = arith.constant 0 : i32
    %dma_start3A_54 = tpu.memref_slice %arg2[%dma_start3A_52, %dma_start3A_53] : memref<20000x128xf32, #tpu.memory_space<hbm>> -> memref<20000x128xf32, #tpu.memory_space<hbm>>
    tpu.enqueue_indirect_dma source(%dma_start3A_54 : memref<20000x128xf32, #tpu.memory_space<hbm>>) target(%arg9 : memref<80x128xf32, #tpu.memory_space<vmem>>) offsets(%dma_start3A_51 : memref<80xi32, #tpu.memory_space<vmem>>) semaphore(%arg13 : memref<!tpu.dma_semaphore, #tpu.memory_space<semaphore_mem>>)
    %mul3A_55 = arith.constant 10000 : i32
    %mul3A_56 = arith.muli %arg1, %mul3A_55 : i32
    %add3A_57 = arith.constant 160000 : i32
    %add3A_58 = arith.addi %add3A_57, %mul3A_56 : i32
    %add3A_59 = arith.constant 80 : i32
    %add3A_60 = arith.addi %add3A_58, %add3A_59 : i32
    %dma_start3A_61 = tpu.memref_slice %arg3[%add3A_60] : memref<320000xi32, #tpu.memory_space<hbm>> -> memref<80xi32, #tpu.memory_space<hbm>>
    %dma_start3A_62 = tpu.memref_slice %arg3[%add3A_60] : memref<320000xi32, #tpu.memory_space<hbm>> -> memref<80xi32, #tpu.memory_space<hbm>>
    tpu.enqueue_dma source(%dma_start3A_62 : memref<80xi32, #tpu.memory_space<hbm>>) target(%arg7 : memref<80xi32, #tpu.memory_space<vmem>>) target_semaphore(%arg20 : memref<!tpu.dma_semaphore, #tpu.memory_space<semaphore_mem>>)
    %dma_start3A_63 = arith.constant 80 : i32
    %dma_start3A_64 = tpu.memref_slice %arg5[%dma_start3A_63] : memref<10000xi32, #tpu.memory_space<vmem>> -> memref<80xi32, #tpu.memory_space<vmem>>
    %dma_start3A_65 = arith.constant 0 : i32
    %dma_start3A_66 = arith.constant 0 : i32
    %dma_start3A_67 = tpu.memref_slice %arg2[%dma_start3A_65, %dma_start3A_66] : memref<20000x128xf32, #tpu.memory_space<hbm>> -> memref<20000x128xf32, #tpu.memory_space<hbm>>
    tpu.enqueue_indirect_dma source(%dma_start3A_67 : memref<20000x128xf32, #tpu.memory_space<hbm>>) target(%arg10 : memref<80x128xf32, #tpu.memory_space<vmem>>) offsets(%dma_start3A_64 : memref<80xi32, #tpu.memory_space<vmem>>) semaphore(%arg14 : memref<!tpu.dma_semaphore, #tpu.memory_space<semaphore_mem>>)
    %scan3A_68 = arith.constant 0 : i32
    %scan3A_69 = arith.constant 41 : i32
    %scan3A_70 = arith.addi %scan3A_68, %scan3A_69 : i32
    %scan3A_71 = arith.constant 1 : i32
    scf.for %scan3A_207 = %scan3A_68 to %scan3A_70 step %scan3A_71  : i32 {
      %mul3A_208 = arith.constant 3 : i32
      %mul3A_209 = arith.muli %mul3A_208, %scan3A_207 : i32
      %add3A_210 = arith.constant 0 : i32
      %add3A_211 = arith.addi %mul3A_209, %add3A_210 : i32
      %mul3A_212 = arith.constant 80 : i32
      %mul3A_213 = arith.muli %add3A_211, %mul3A_212 : i32
      %dma_wait3A_214 = tpu.memref_slice %arg5[%mul3A_213] : memref<10000xi32, #tpu.memory_space<vmem>> -> memref<80xi32, #tpu.memory_space<vmem>>
      %dma_wait3A_215 = arith.constant 0 : i32
      %dma_wait3A_216 = arith.constant 0 : i32
      %dma_wait3A_217 = tpu.memref_slice %arg2[%dma_wait3A_215, %dma_wait3A_216] : memref<20000x128xf32, #tpu.memory_space<hbm>> -> memref<20000x128xf32, #tpu.memory_space<hbm>>
      tpu.wait_indirect_dma semaphore(%arg13 : memref<!tpu.dma_semaphore, #tpu.memory_space<semaphore_mem>>) src(%dma_wait3A_217 : memref<20000x128xf32, #tpu.memory_space<hbm>>) dst(%arg9 : memref<80x128xf32, #tpu.memory_space<vmem>>)
      %mul3A_218 = arith.constant 10000 : i32
      %mul3A_219 = arith.muli %arg1, %mul3A_218 : i32
      %add3A_220 = arith.constant 160000 : i32
      %add3A_221 = arith.addi %add3A_220, %mul3A_219 : i32
      %mul3A_222 = arith.constant 80 : i32
      %mul3A_223 = arith.muli %add3A_211, %mul3A_222 : i32
      %add3A_224 = arith.addi %add3A_221, %mul3A_223 : i32
      %dma_wait3A_225 = tpu.memref_slice %arg3[%add3A_224] : memref<320000xi32, #tpu.memory_space<hbm>> -> memref<80xi32, #tpu.memory_space<hbm>>
      %dma_wait3A_226 = tpu.memref_slice %arg3[%add3A_224] : memref<320000xi32, #tpu.memory_space<hbm>> -> memref<80xi32, #tpu.memory_space<hbm>>
      tpu.wait_dma2 semaphore(%arg19 : memref<!tpu.dma_semaphore, #tpu.memory_space<semaphore_mem>>) src(%dma_wait3A_226 : memref<80xi32, #tpu.memory_space<hbm>>) dst(%arg6 : memref<80xi32, #tpu.memory_space<vmem>>)
      %dma_start3A_227 = arith.constant 0 : i32
      %dma_start3A_228 = arith.constant 0 : i32
      %dma_start3A_229 = tpu.memref_slice %arg12[%dma_start3A_227, %dma_start3A_228] : memref<10000x128xf32, #tpu.memory_space<vmem_shared>> -> memref<10000x128xf32, #tpu.memory_space<vmem_shared>>
      tpu.enqueue_indirect_dma source(%arg9 : memref<80x128xf32, #tpu.memory_space<vmem>>) target(%dma_start3A_229 : memref<10000x128xf32, #tpu.memory_space<vmem_shared>>) offsets(%arg6 : memref<80xi32, #tpu.memory_space<vmem>>) semaphore(%arg16 : memref<!tpu.dma_semaphore, #tpu.memory_space<semaphore_mem>>) {add = true}
      %ge3A = arith.constant 1 : i32
      %ge3A_230 = arith.cmpi sge, %add3A_211, %ge3A : i32
      %convert_element_type3A_231 = arith.extui %ge3A_230 : i1 to i32
      %cond3A_232 = arith.constant 0 : i32
      %cond3A_233 = arith.cmpi ne, %convert_element_type3A_231, %cond3A_232 : i32
      scf.if %cond3A_233 {
        %dma_wait3A_345 = arith.constant 0 : i32
        %dma_wait3A_346 = arith.constant 0 : i32
        %dma_wait3A_347 = tpu.memref_slice %arg12[%dma_wait3A_345, %dma_wait3A_346] : memref<10000x128xf32, #tpu.memory_space<vmem_shared>> -> memref<10000x128xf32, #tpu.memory_space<vmem_shared>>
        tpu.wait_indirect_dma semaphore(%arg18 : memref<!tpu.dma_semaphore, #tpu.memory_space<semaphore_mem>>) src(%arg11 : memref<80x128xf32, #tpu.memory_space<vmem>>) dst(%dma_wait3A_347 : memref<10000x128xf32, #tpu.memory_space<vmem_shared>>)
      } else {
      }
      %add3A_234 = arith.constant 2 : i32
      %add3A_235 = arith.addi %add3A_211, %add3A_234 : i32
      %mul3A_236 = arith.constant 10000 : i32
      %mul3A_237 = arith.muli %arg1, %mul3A_236 : i32
      %add3A_238 = arith.constant 160000 : i32
      %add3A_239 = arith.addi %add3A_238, %mul3A_237 : i32
      %mul3A_240 = arith.constant 80 : i32
      %mul3A_241 = arith.muli %add3A_235, %mul3A_240 : i32
      %add3A_242 = arith.addi %add3A_239, %mul3A_241 : i32
      %dma_start3A_243 = tpu.memref_slice %arg3[%add3A_242] : memref<320000xi32, #tpu.memory_space<hbm>> -> memref<80xi32, #tpu.memory_space<hbm>>
      %dma_start3A_244 = tpu.memref_slice %arg3[%add3A_242] : memref<320000xi32, #tpu.memory_space<hbm>> -> memref<80xi32, #tpu.memory_space<hbm>>
      tpu.enqueue_dma source(%dma_start3A_244 : memref<80xi32, #tpu.memory_space<hbm>>) target(%arg8 : memref<80xi32, #tpu.memory_space<vmem>>) target_semaphore(%arg21 : memref<!tpu.dma_semaphore, #tpu.memory_space<semaphore_mem>>)
      %add3A_245 = arith.constant 2 : i32
      %add3A_246 = arith.addi %add3A_211, %add3A_245 : i32
      %mul3A_247 = arith.constant 80 : i32
      %mul3A_248 = arith.muli %add3A_246, %mul3A_247 : i32
      %dma_start3A_249 = tpu.memref_slice %arg5[%mul3A_248] : memref<10000xi32, #tpu.memory_space<vmem>> -> memref<80xi32, #tpu.memory_space<vmem>>
      %dma_start3A_250 = arith.constant 0 : i32
      %dma_start3A_251 = arith.constant 0 : i32
      %dma_start3A_252 = tpu.memref_slice %arg2[%dma_start3A_250, %dma_start3A_251] : memref<20000x128xf32, #tpu.memory_space<hbm>> -> memref<20000x128xf32, #tpu.memory_space<hbm>>
      tpu.enqueue_indirect_dma source(%dma_start3A_252 : memref<20000x128xf32, #tpu.memory_space<hbm>>) target(%arg11 : memref<80x128xf32, #tpu.memory_space<vmem>>) offsets(%dma_start3A_249 : memref<80xi32, #tpu.memory_space<vmem>>) semaphore(%arg15 : memref<!tpu.dma_semaphore, #tpu.memory_space<semaphore_mem>>)
      %mul3A_253 = arith.constant 3 : i32
      %mul3A_254 = arith.muli %mul3A_253, %scan3A_207 : i32
      %add3A_255 = arith.constant 1 : i32
      %add3A_256 = arith.addi %mul3A_254, %add3A_255 : i32
      %mul3A_257 = arith.constant 80 : i32
      %mul3A_258 = arith.muli %add3A_256, %mul3A_257 : i32
      %dma_wait3A_259 = tpu.memref_slice %arg5[%mul3A_258] : memref<10000xi32, #tpu.memory_space<vmem>> -> memref<80xi32, #tpu.memory_space<vmem>>
      %dma_wait3A_260 = arith.constant 0 : i32
      %dma_wait3A_261 = arith.constant 0 : i32
      %dma_wait3A_262 = tpu.memref_slice %arg2[%dma_wait3A_260, %dma_wait3A_261] : memref<20000x128xf32, #tpu.memory_space<hbm>> -> memref<20000x128xf32, #tpu.memory_space<hbm>>
      tpu.wait_indirect_dma semaphore(%arg14 : memref<!tpu.dma_semaphore, #tpu.memory_space<semaphore_mem>>) src(%dma_wait3A_262 : memref<20000x128xf32, #tpu.memory_space<hbm>>) dst(%arg10 : memref<80x128xf32, #tpu.memory_space<vmem>>)
      %mul3A_263 = arith.constant 10000 : i32
      %mul3A_264 = arith.muli %arg1, %mul3A_263 : i32
      %add3A_265 = arith.constant 160000 : i32
      %add3A_266 = arith.addi %add3A_265, %mul3A_264 : i32
      %mul3A_267 = arith.constant 80 : i32
      %mul3A_268 = arith.muli %add3A_256, %mul3A_267 : i32
      %add3A_269 = arith.addi %add3A_266, %mul3A_268 : i32
      %dma_wait3A_270 = tpu.memref_slice %arg3[%add3A_269] : memref<320000xi32, #tpu.memory_space<hbm>> -> memref<80xi32, #tpu.memory_space<hbm>>
      %dma_wait3A_271 = tpu.memref_slice %arg3[%add3A_269] : memref<320000xi32, #tpu.memory_space<hbm>> -> memref<80xi32, #tpu.memory_space<hbm>>
      tpu.wait_dma2 semaphore(%arg20 : memref<!tpu.dma_semaphore, #tpu.memory_space<semaphore_mem>>) src(%dma_wait3A_271 : memref<80xi32, #tpu.memory_space<hbm>>) dst(%arg7 : memref<80xi32, #tpu.memory_space<vmem>>)
      %dma_start3A_272 = arith.constant 0 : i32
      %dma_start3A_273 = arith.constant 0 : i32
      %dma_start3A_274 = tpu.memref_slice %arg12[%dma_start3A_272, %dma_start3A_273] : memref<10000x128xf32, #tpu.memory_space<vmem_shared>> -> memref<10000x128xf32, #tpu.memory_space<vmem_shared>>
      tpu.enqueue_indirect_dma source(%arg10 : memref<80x128xf32, #tpu.memory_space<vmem>>) target(%dma_start3A_274 : memref<10000x128xf32, #tpu.memory_space<vmem_shared>>) offsets(%arg7 : memref<80xi32, #tpu.memory_space<vmem>>) semaphore(%arg17 : memref<!tpu.dma_semaphore, #tpu.memory_space<semaphore_mem>>) {add = true}
      %ge3A_275 = arith.constant 1 : i32
      %ge3A_276 = arith.cmpi sge, %add3A_256, %ge3A_275 : i32
      %convert_element_type3A_277 = arith.extui %ge3A_276 : i1 to i32
      %cond3A_278 = arith.constant 0 : i32
      %cond3A_279 = arith.cmpi ne, %convert_element_type3A_277, %cond3A_278 : i32
      scf.if %cond3A_279 {
        %dma_wait3A_345 = arith.constant 0 : i32
        %dma_wait3A_346 = arith.constant 0 : i32
        %dma_wait3A_347 = tpu.memref_slice %arg12[%dma_wait3A_345, %dma_wait3A_346] : memref<10000x128xf32, #tpu.memory_space<vmem_shared>> -> memref<10000x128xf32, #tpu.memory_space<vmem_shared>>
        tpu.wait_indirect_dma semaphore(%arg16 : memref<!tpu.dma_semaphore, #tpu.memory_space<semaphore_mem>>) src(%arg9 : memref<80x128xf32, #tpu.memory_space<vmem>>) dst(%dma_wait3A_347 : memref<10000x128xf32, #tpu.memory_space<vmem_shared>>)
      } else {
      }
      %add3A_280 = arith.constant 2 : i32
      %add3A_281 = arith.addi %add3A_256, %add3A_280 : i32
      %mul3A_282 = arith.constant 10000 : i32
      %mul3A_283 = arith.muli %arg1, %mul3A_282 : i32
      %add3A_284 = arith.constant 160000 : i32
      %add3A_285 = arith.addi %add3A_284, %mul3A_283 : i32
      %mul3A_286 = arith.constant 80 : i32
      %mul3A_287 = arith.muli %add3A_281, %mul3A_286 : i32
      %add3A_288 = arith.addi %add3A_285, %mul3A_287 : i32
      %dma_start3A_289 = tpu.memref_slice %arg3[%add3A_288] : memref<320000xi32, #tpu.memory_space<hbm>> -> memref<80xi32, #tpu.memory_space<hbm>>
      %dma_start3A_290 = tpu.memref_slice %arg3[%add3A_288] : memref<320000xi32, #tpu.memory_space<hbm>> -> memref<80xi32, #tpu.memory_space<hbm>>
      tpu.enqueue_dma source(%dma_start3A_290 : memref<80xi32, #tpu.memory_space<hbm>>) target(%arg6 : memref<80xi32, #tpu.memory_space<vmem>>) target_semaphore(%arg19 : memref<!tpu.dma_semaphore, #tpu.memory_space<semaphore_mem>>)
      %add3A_291 = arith.constant 2 : i32
      %add3A_292 = arith.addi %add3A_256, %add3A_291 : i32
      %mul3A_293 = arith.constant 80 : i32
      %mul3A_294 = arith.muli %add3A_292, %mul3A_293 : i32
      %dma_start3A_295 = tpu.memref_slice %arg5[%mul3A_294] : memref<10000xi32, #tpu.memory_space<vmem>> -> memref<80xi32, #tpu.memory_space<vmem>>
      %dma_start3A_296 = arith.constant 0 : i32
      %dma_start3A_297 = arith.constant 0 : i32
      %dma_start3A_298 = tpu.memref_slice %arg2[%dma_start3A_296, %dma_start3A_297] : memref<20000x128xf32, #tpu.memory_space<hbm>> -> memref<20000x128xf32, #tpu.memory_space<hbm>>
      tpu.enqueue_indirect_dma source(%dma_start3A_298 : memref<20000x128xf32, #tpu.memory_space<hbm>>) target(%arg9 : memref<80x128xf32, #tpu.memory_space<vmem>>) offsets(%dma_start3A_295 : memref<80xi32, #tpu.memory_space<vmem>>) semaphore(%arg13 : memref<!tpu.dma_semaphore, #tpu.memory_space<semaphore_mem>>)
      %mul3A_299 = arith.constant 3 : i32
      %mul3A_300 = arith.muli %mul3A_299, %scan3A_207 : i32
      %add3A_301 = arith.constant 2 : i32
      %add3A_302 = arith.addi %mul3A_300, %add3A_301 : i32
      %mul3A_303 = arith.constant 80 : i32
      %mul3A_304 = arith.muli %add3A_302, %mul3A_303 : i32
      %dma_wait3A_305 = tpu.memref_slice %arg5[%mul3A_304] : memref<10000xi32, #tpu.memory_space<vmem>> -> memref<80xi32, #tpu.memory_space<vmem>>
      %dma_wait3A_306 = arith.constant 0 : i32
      %dma_wait3A_307 = arith.constant 0 : i32
      %dma_wait3A_308 = tpu.memref_slice %arg2[%dma_wait3A_306, %dma_wait3A_307] : memref<20000x128xf32, #tpu.memory_space<hbm>> -> memref<20000x128xf32, #tpu.memory_space<hbm>>
      tpu.wait_indirect_dma semaphore(%arg15 : memref<!tpu.dma_semaphore, #tpu.memory_space<semaphore_mem>>) src(%dma_wait3A_308 : memref<20000x128xf32, #tpu.memory_space<hbm>>) dst(%arg11 : memref<80x128xf32, #tpu.memory_space<vmem>>)
      %mul3A_309 = arith.constant 10000 : i32
      %mul3A_310 = arith.muli %arg1, %mul3A_309 : i32
      %add3A_311 = arith.constant 160000 : i32
      %add3A_312 = arith.addi %add3A_311, %mul3A_310 : i32
      %mul3A_313 = arith.constant 80 : i32
      %mul3A_314 = arith.muli %add3A_302, %mul3A_313 : i32
      %add3A_315 = arith.addi %add3A_312, %mul3A_314 : i32
      %dma_wait3A_316 = tpu.memref_slice %arg3[%add3A_315] : memref<320000xi32, #tpu.memory_space<hbm>> -> memref<80xi32, #tpu.memory_space<hbm>>
      %dma_wait3A_317 = tpu.memref_slice %arg3[%add3A_315] : memref<320000xi32, #tpu.memory_space<hbm>> -> memref<80xi32, #tpu.memory_space<hbm>>
      tpu.wait_dma2 semaphore(%arg21 : memref<!tpu.dma_semaphore, #tpu.memory_space<semaphore_mem>>) src(%dma_wait3A_317 : memref<80xi32, #tpu.memory_space<hbm>>) dst(%arg8 : memref<80xi32, #tpu.memory_space<vmem>>)
      %dma_start3A_318 = arith.constant 0 : i32
      %dma_start3A_319 = arith.constant 0 : i32
      %dma_start3A_320 = tpu.memref_slice %arg12[%dma_start3A_318, %dma_start3A_319] : memref<10000x128xf32, #tpu.memory_space<vmem_shared>> -> memref<10000x128xf32, #tpu.memory_space<vmem_shared>>
      tpu.enqueue_indirect_dma source(%arg11 : memref<80x128xf32, #tpu.memory_space<vmem>>) target(%dma_start3A_320 : memref<10000x128xf32, #tpu.memory_space<vmem_shared>>) offsets(%arg8 : memref<80xi32, #tpu.memory_space<vmem>>) semaphore(%arg18 : memref<!tpu.dma_semaphore, #tpu.memory_space<semaphore_mem>>) {add = true}
      %ge3A_321 = arith.constant 1 : i32
      %ge3A_322 = arith.cmpi sge, %add3A_302, %ge3A_321 : i32
      %convert_element_type3A_323 = arith.extui %ge3A_322 : i1 to i32
      %cond3A_324 = arith.constant 0 : i32
      %cond3A_325 = arith.cmpi ne, %convert_element_type3A_323, %cond3A_324 : i32
      scf.if %cond3A_325 {
        %dma_wait3A_345 = arith.constant 0 : i32
        %dma_wait3A_346 = arith.constant 0 : i32
        %dma_wait3A_347 = tpu.memref_slice %arg12[%dma_wait3A_345, %dma_wait3A_346] : memref<10000x128xf32, #tpu.memory_space<vmem_shared>> -> memref<10000x128xf32, #tpu.memory_space<vmem_shared>>
        tpu.wait_indirect_dma semaphore(%arg17 : memref<!tpu.dma_semaphore, #tpu.memory_space<semaphore_mem>>) src(%arg10 : memref<80x128xf32, #tpu.memory_space<vmem>>) dst(%dma_wait3A_347 : memref<10000x128xf32, #tpu.memory_space<vmem_shared>>)
      } else {
      }
      %add3A_326 = arith.constant 2 : i32
      %add3A_327 = arith.addi %add3A_302, %add3A_326 : i32
      %mul3A_328 = arith.constant 10000 : i32
      %mul3A_329 = arith.muli %arg1, %mul3A_328 : i32
      %add3A_330 = arith.constant 160000 : i32
      %add3A_331 = arith.addi %add3A_330, %mul3A_329 : i32
      %mul3A_332 = arith.constant 80 : i32
      %mul3A_333 = arith.muli %add3A_327, %mul3A_332 : i32
      %add3A_334 = arith.addi %add3A_331, %mul3A_333 : i32
      %dma_start3A_335 = tpu.memref_slice %arg3[%add3A_334] : memref<320000xi32, #tpu.memory_space<hbm>> -> memref<80xi32, #tpu.memory_space<hbm>>
      %dma_start3A_336 = tpu.memref_slice %arg3[%add3A_334] : memref<320000xi32, #tpu.memory_space<hbm>> -> memref<80xi32, #tpu.memory_space<hbm>>
      tpu.enqueue_dma source(%dma_start3A_336 : memref<80xi32, #tpu.memory_space<hbm>>) target(%arg7 : memref<80xi32, #tpu.memory_space<vmem>>) target_semaphore(%arg20 : memref<!tpu.dma_semaphore, #tpu.memory_space<semaphore_mem>>)
      %add3A_337 = arith.constant 2 : i32
      %add3A_338 = arith.addi %add3A_302, %add3A_337 : i32
      %mul3A_339 = arith.constant 80 : i32
      %mul3A_340 = arith.muli %add3A_338, %mul3A_339 : i32
      %dma_start3A_341 = tpu.memref_slice %arg5[%mul3A_340] : memref<10000xi32, #tpu.memory_space<vmem>> -> memref<80xi32, #tpu.memory_space<vmem>>
      %dma_start3A_342 = arith.constant 0 : i32
      %dma_start3A_343 = arith.constant 0 : i32
      %dma_start3A_344 = tpu.memref_slice %arg2[%dma_start3A_342, %dma_start3A_343] : memref<20000x128xf32, #tpu.memory_space<hbm>> -> memref<20000x128xf32, #tpu.memory_space<hbm>>
      tpu.enqueue_indirect_dma source(%dma_start3A_344 : memref<20000x128xf32, #tpu.memory_space<hbm>>) target(%arg10 : memref<80x128xf32, #tpu.memory_space<vmem>>) offsets(%dma_start3A_341 : memref<80xi32, #tpu.memory_space<vmem>>) semaphore(%arg14 : memref<!tpu.dma_semaphore, #tpu.memory_space<semaphore_mem>>)
    }
    %scan3A_72 = arith.constant 41 : i32
    %dma_wait3A = arith.constant 9840 : i32
    %dma_wait3A_73 = tpu.memref_slice %arg5[%dma_wait3A] : memref<10000xi32, #tpu.memory_space<vmem>> -> memref<80xi32, #tpu.memory_space<vmem>>
    %dma_wait3A_74 = arith.constant 0 : i32
    %dma_wait3A_75 = arith.constant 0 : i32
    %dma_wait3A_76 = tpu.memref_slice %arg2[%dma_wait3A_74, %dma_wait3A_75] : memref<20000x128xf32, #tpu.memory_space<hbm>> -> memref<20000x128xf32, #tpu.memory_space<hbm>>
    tpu.wait_indirect_dma semaphore(%arg13 : memref<!tpu.dma_semaphore, #tpu.memory_space<semaphore_mem>>) src(%dma_wait3A_76 : memref<20000x128xf32, #tpu.memory_space<hbm>>) dst(%arg9 : memref<80x128xf32, #tpu.memory_space<vmem>>)
    %mul3A_77 = arith.constant 10000 : i32
    %mul3A_78 = arith.muli %arg1, %mul3A_77 : i32
    %add3A_79 = arith.constant 160000 : i32
    %add3A_80 = arith.addi %add3A_79, %mul3A_78 : i32
    %add3A_81 = arith.constant 9840 : i32
    %add3A_82 = arith.addi %add3A_80, %add3A_81 : i32
    %dma_wait3A_83 = tpu.memref_slice %arg3[%add3A_82] : memref<320000xi32, #tpu.memory_space<hbm>> -> memref<80xi32, #tpu.memory_space<hbm>>
    %dma_wait3A_84 = tpu.memref_slice %arg3[%add3A_82] : memref<320000xi32, #tpu.memory_space<hbm>> -> memref<80xi32, #tpu.memory_space<hbm>>
    tpu.wait_dma2 semaphore(%arg19 : memref<!tpu.dma_semaphore, #tpu.memory_space<semaphore_mem>>) src(%dma_wait3A_84 : memref<80xi32, #tpu.memory_space<hbm>>) dst(%arg6 : memref<80xi32, #tpu.memory_space<vmem>>)
    %dma_start3A_85 = arith.constant 0 : i32
    %dma_start3A_86 = arith.constant 0 : i32
    %dma_start3A_87 = tpu.memref_slice %arg12[%dma_start3A_85, %dma_start3A_86] : memref<10000x128xf32, #tpu.memory_space<vmem_shared>> -> memref<10000x128xf32, #tpu.memory_space<vmem_shared>>
    tpu.enqueue_indirect_dma source(%arg9 : memref<80x128xf32, #tpu.memory_space<vmem>>) target(%dma_start3A_87 : memref<10000x128xf32, #tpu.memory_space<vmem_shared>>) offsets(%arg6 : memref<80xi32, #tpu.memory_space<vmem>>) semaphore(%arg16 : memref<!tpu.dma_semaphore, #tpu.memory_space<semaphore_mem>>) {add = true}
    %dma_wait3A_88 = arith.constant 9920 : i32
    %dma_wait3A_89 = tpu.memref_slice %arg5[%dma_wait3A_88] : memref<10000xi32, #tpu.memory_space<vmem>> -> memref<80xi32, #tpu.memory_space<vmem>>
    %dma_wait3A_90 = arith.constant 0 : i32
    %dma_wait3A_91 = arith.constant 0 : i32
    %dma_wait3A_92 = tpu.memref_slice %arg2[%dma_wait3A_90, %dma_wait3A_91] : memref<20000x128xf32, #tpu.memory_space<hbm>> -> memref<20000x128xf32, #tpu.memory_space<hbm>>
    tpu.wait_indirect_dma semaphore(%arg14 : memref<!tpu.dma_semaphore, #tpu.memory_space<semaphore_mem>>) src(%dma_wait3A_92 : memref<20000x128xf32, #tpu.memory_space<hbm>>) dst(%arg10 : memref<80x128xf32, #tpu.memory_space<vmem>>)
    %mul3A_93 = arith.constant 10000 : i32
    %mul3A_94 = arith.muli %arg1, %mul3A_93 : i32
    %add3A_95 = arith.constant 160000 : i32
    %add3A_96 = arith.addi %add3A_95, %mul3A_94 : i32
    %add3A_97 = arith.constant 9920 : i32
    %add3A_98 = arith.addi %add3A_96, %add3A_97 : i32
    %dma_wait3A_99 = tpu.memref_slice %arg3[%add3A_98] : memref<320000xi32, #tpu.memory_space<hbm>> -> memref<80xi32, #tpu.memory_space<hbm>>
    %dma_wait3A_100 = tpu.memref_slice %arg3[%add3A_98] : memref<320000xi32, #tpu.memory_space<hbm>> -> memref<80xi32, #tpu.memory_space<hbm>>
    tpu.wait_dma2 semaphore(%arg20 : memref<!tpu.dma_semaphore, #tpu.memory_space<semaphore_mem>>) src(%dma_wait3A_100 : memref<80xi32, #tpu.memory_space<hbm>>) dst(%arg7 : memref<80xi32, #tpu.memory_space<vmem>>)
    %dma_start3A_101 = arith.constant 0 : i32
    %dma_start3A_102 = arith.constant 0 : i32
    %dma_start3A_103 = tpu.memref_slice %arg12[%dma_start3A_101, %dma_start3A_102] : memref<10000x128xf32, #tpu.memory_space<vmem_shared>> -> memref<10000x128xf32, #tpu.memory_space<vmem_shared>>
    tpu.enqueue_indirect_dma source(%arg10 : memref<80x128xf32, #tpu.memory_space<vmem>>) target(%dma_start3A_103 : memref<10000x128xf32, #tpu.memory_space<vmem_shared>>) offsets(%arg7 : memref<80xi32, #tpu.memory_space<vmem>>) semaphore(%arg17 : memref<!tpu.dma_semaphore, #tpu.memory_space<semaphore_mem>>) {add = true}
    %dma_wait3A_104 = arith.constant 0 : i32
    %dma_wait3A_105 = arith.constant 0 : i32
    %dma_wait3A_106 = tpu.memref_slice %arg12[%dma_wait3A_104, %dma_wait3A_105] : memref<10000x128xf32, #tpu.memory_space<vmem_shared>> -> memref<10000x128xf32, #tpu.memory_space<vmem_shared>>
    tpu.wait_indirect_dma semaphore(%arg18 : memref<!tpu.dma_semaphore, #tpu.memory_space<semaphore_mem>>) src(%arg11 : memref<80x128xf32, #tpu.memory_space<vmem>>) dst(%dma_wait3A_106 : memref<10000x128xf32, #tpu.memory_space<vmem_shared>>)
    %dma_wait3A_107 = arith.constant 0 : i32
    %dma_wait3A_108 = arith.constant 0 : i32
    %dma_wait3A_109 = tpu.memref_slice %arg12[%dma_wait3A_107, %dma_wait3A_108] : memref<10000x128xf32, #tpu.memory_space<vmem_shared>> -> memref<10000x128xf32, #tpu.memory_space<vmem_shared>>
    tpu.wait_indirect_dma semaphore(%arg16 : memref<!tpu.dma_semaphore, #tpu.memory_space<semaphore_mem>>) src(%arg9 : memref<80x128xf32, #tpu.memory_space<vmem>>) dst(%dma_wait3A_109 : memref<10000x128xf32, #tpu.memory_space<vmem_shared>>)
    %dma_wait3A_110 = arith.constant 0 : i32
    %dma_wait3A_111 = arith.constant 0 : i32
    %dma_wait3A_112 = tpu.memref_slice %arg12[%dma_wait3A_110, %dma_wait3A_111] : memref<10000x128xf32, #tpu.memory_space<vmem_shared>> -> memref<10000x128xf32, #tpu.memory_space<vmem_shared>>
    tpu.wait_indirect_dma semaphore(%arg17 : memref<!tpu.dma_semaphore, #tpu.memory_space<semaphore_mem>>) src(%arg10 : memref<80x128xf32, #tpu.memory_space<vmem>>) dst(%dma_wait3A_112 : memref<10000x128xf32, #tpu.memory_space<vmem_shared>>)
    %barrier3A_113 = arith.constant 0 : index
    tpu.barrier barrier_id(%barrier3A_113)
    %mul3A_114 = arith.constant 624 : i32
    %mul3A_115 = arith.muli %arg1, %mul3A_114 : i32
    %add3A_116 = arith.constant 0 : i32
    %add3A_117 = arith.addi %mul3A_115, %add3A_116 : i32
    %mul3A_118 = arith.constant 10000 : i32
    %mul3A_119 = arith.muli %arg0, %mul3A_118 : i32
    %mul3A_120 = arith.constant 624 : i32
    %mul3A_121 = arith.muli %arg1, %mul3A_120 : i32
    %add3A_122 = arith.addi %mul3A_119, %mul3A_121 : i32
    %add3A_123 = arith.constant 0 : i32
    %add3A_124 = arith.addi %add3A_122, %add3A_123 : i32
    "tpu.region"() ({
      %run_scoped3A = tpu.sem_alloc : memref<!tpu.dma_semaphore, #tpu.memory_space<semaphore_mem>>
      %dma_start3A_207 = arith.constant 0 : i32
      %dma_start3A_208 = tpu.memref_slice %arg12[%add3A_117, %dma_start3A_207] : memref<10000x128xf32, #tpu.memory_space<vmem_shared>> -> memref<80x128xf32, #tpu.memory_space<vmem_shared>>
      %dma_start3A_209 = arith.constant 0 : i32
      %dma_start3A_210 = tpu.memref_slice %arg12[%add3A_117, %dma_start3A_209] : memref<10000x128xf32, #tpu.memory_space<vmem_shared>> -> memref<80x128xf32, #tpu.memory_space<vmem_shared>>
      tpu.enqueue_dma source(%dma_start3A_210 : memref<80x128xf32, #tpu.memory_space<vmem_shared>>) target(%arg9 : memref<80x128xf32, #tpu.memory_space<vmem>>) target_semaphore(%run_scoped3A : memref<!tpu.dma_semaphore, #tpu.memory_space<semaphore_mem>>)
      %dma_wait3A_211 = arith.constant 0 : i32
      %dma_wait3A_212 = tpu.memref_slice %arg12[%add3A_117, %dma_wait3A_211] : memref<10000x128xf32, #tpu.memory_space<vmem_shared>> -> memref<80x128xf32, #tpu.memory_space<vmem_shared>>
      %dma_wait3A_213 = arith.constant 0 : i32
      %dma_wait3A_214 = tpu.memref_slice %arg12[%add3A_117, %dma_wait3A_213] : memref<10000x128xf32, #tpu.memory_space<vmem_shared>> -> memref<80x128xf32, #tpu.memory_space<vmem_shared>>
      tpu.wait_dma2 semaphore(%run_scoped3A : memref<!tpu.dma_semaphore, #tpu.memory_space<semaphore_mem>>) src(%dma_wait3A_214 : memref<80x128xf32, #tpu.memory_space<vmem_shared>>) dst(%arg9 : memref<80x128xf32, #tpu.memory_space<vmem>>)
      tpu.yield
    }) : () -> ()
    "tpu.region"() ({
      %run_scoped3A = tpu.sem_alloc : memref<!tpu.dma_semaphore, #tpu.memory_space<semaphore_mem>>
      %dma_start3A_207 = arith.constant 0 : i32
      %dma_start3A_208 = tpu.memref_slice %arg4[%add3A_124, %dma_start3A_207] : memref<20000x128xf32, #tpu.memory_space<hbm>> -> memref<80x128xf32, #tpu.memory_space<hbm>>
      %dma_start3A_209 = arith.constant 0 : i32
      %dma_start3A_210 = tpu.memref_slice %arg4[%add3A_124, %dma_start3A_209] : memref<20000x128xf32, #tpu.memory_space<hbm>> -> memref<80x128xf32, #tpu.memory_space<hbm>>
      tpu.enqueue_dma source(%arg9 : memref<80x128xf32, #tpu.memory_space<vmem>>) target(%dma_start3A_210 : memref<80x128xf32, #tpu.memory_space<hbm>>) target_semaphore(%run_scoped3A : memref<!tpu.dma_semaphore, #tpu.memory_space<semaphore_mem>>)
      %dma_wait3A_211 = arith.constant 0 : i32
      %dma_wait3A_212 = tpu.memref_slice %arg4[%add3A_124, %dma_wait3A_211] : memref<20000x128xf32, #tpu.memory_space<hbm>> -> memref<80x128xf32, #tpu.memory_space<hbm>>
      %dma_wait3A_213 = arith.constant 0 : i32
      %dma_wait3A_214 = tpu.memref_slice %arg4[%add3A_124, %dma_wait3A_213] : memref<20000x128xf32, #tpu.memory_space<hbm>> -> memref<80x128xf32, #tpu.memory_space<hbm>>
      tpu.wait_dma2 semaphore(%run_scoped3A : memref<!tpu.dma_semaphore, #tpu.memory_space<semaphore_mem>>) src(%arg9 : memref<80x128xf32, #tpu.memory_space<vmem>>) dst(%dma_wait3A_214 : memref<80x128xf32, #tpu.memory_space<hbm>>)
      tpu.yield
    }) : () -> ()
    %mul3A_125 = arith.constant 624 : i32
    %mul3A_126 = arith.muli %arg1, %mul3A_125 : i32
    %add3A_127 = arith.constant 80 : i32
    %add3A_128 = arith.addi %mul3A_126, %add3A_127 : i32
    %mul3A_129 = arith.constant 10000 : i32
    %mul3A_130 = arith.muli %arg0, %mul3A_129 : i32
    %mul3A_131 = arith.constant 624 : i32
    %mul3A_132 = arith.muli %arg1, %mul3A_131 : i32
    %add3A_133 = arith.addi %mul3A_130, %mul3A_132 : i32
    %add3A_134 = arith.constant 80 : i32
    %add3A_135 = arith.addi %add3A_133, %add3A_134 : i32
    "tpu.region"() ({
      %run_scoped3A = tpu.sem_alloc : memref<!tpu.dma_semaphore, #tpu.memory_space<semaphore_mem>>
      %dma_start3A_207 = arith.constant 0 : i32
      %dma_start3A_208 = tpu.memref_slice %arg12[%add3A_128, %dma_start3A_207] : memref<10000x128xf32, #tpu.memory_space<vmem_shared>> -> memref<80x128xf32, #tpu.memory_space<vmem_shared>>
      %dma_start3A_209 = arith.constant 0 : i32
      %dma_start3A_210 = tpu.memref_slice %arg12[%add3A_128, %dma_start3A_209] : memref<10000x128xf32, #tpu.memory_space<vmem_shared>> -> memref<80x128xf32, #tpu.memory_space<vmem_shared>>
      tpu.enqueue_dma source(%dma_start3A_210 : memref<80x128xf32, #tpu.memory_space<vmem_shared>>) target(%arg9 : memref<80x128xf32, #tpu.memory_space<vmem>>) target_semaphore(%run_scoped3A : memref<!tpu.dma_semaphore, #tpu.memory_space<semaphore_mem>>)
      %dma_wait3A_211 = arith.constant 0 : i32
      %dma_wait3A_212 = tpu.memref_slice %arg12[%add3A_128, %dma_wait3A_211] : memref<10000x128xf32, #tpu.memory_space<vmem_shared>> -> memref<80x128xf32, #tpu.memory_space<vmem_shared>>
      %dma_wait3A_213 = arith.constant 0 : i32
      %dma_wait3A_214 = tpu.memref_slice %arg12[%add3A_128, %dma_wait3A_213] : memref<10000x128xf32, #tpu.memory_space<vmem_shared>> -> memref<80x128xf32, #tpu.memory_space<vmem_shared>>
      tpu.wait_dma2 semaphore(%run_scoped3A : memref<!tpu.dma_semaphore, #tpu.memory_space<semaphore_mem>>) src(%dma_wait3A_214 : memref<80x128xf32, #tpu.memory_space<vmem_shared>>) dst(%arg9 : memref<80x128xf32, #tpu.memory_space<vmem>>)
      tpu.yield
    }) : () -> ()
    "tpu.region"() ({
      %run_scoped3A = tpu.sem_alloc : memref<!tpu.dma_semaphore, #tpu.memory_space<semaphore_mem>>
      %dma_start3A_207 = arith.constant 0 : i32
      %dma_start3A_208 = tpu.memref_slice %arg4[%add3A_135, %dma_start3A_207] : memref<20000x128xf32, #tpu.memory_space<hbm>> -> memref<80x128xf32, #tpu.memory_space<hbm>>
      %dma_start3A_209 = arith.constant 0 : i32
      %dma_start3A_210 = tpu.memref_slice %arg4[%add3A_135, %dma_start3A_209] : memref<20000x128xf32, #tpu.memory_space<hbm>> -> memref<80x128xf32, #tpu.memory_space<hbm>>
      tpu.enqueue_dma source(%arg9 : memref<80x128xf32, #tpu.memory_space<vmem>>) target(%dma_start3A_210 : memref<80x128xf32, #tpu.memory_space<hbm>>) target_semaphore(%run_scoped3A : memref<!tpu.dma_semaphore, #tpu.memory_space<semaphore_mem>>)
      %dma_wait3A_211 = arith.constant 0 : i32
      %dma_wait3A_212 = tpu.memref_slice %arg4[%add3A_135, %dma_wait3A_211] : memref<20000x128xf32, #tpu.memory_space<hbm>> -> memref<80x128xf32, #tpu.memory_space<hbm>>
      %dma_wait3A_213 = arith.constant 0 : i32
      %dma_wait3A_214 = tpu.memref_slice %arg4[%add3A_135, %dma_wait3A_213] : memref<20000x128xf32, #tpu.memory_space<hbm>> -> memref<80x128xf32, #tpu.memory_space<hbm>>
      tpu.wait_dma2 semaphore(%run_scoped3A : memref<!tpu.dma_semaphore, #tpu.memory_space<semaphore_mem>>) src(%arg9 : memref<80x128xf32, #tpu.memory_space<vmem>>) dst(%dma_wait3A_214 : memref<80x128xf32, #tpu.memory_space<hbm>>)
      tpu.yield
    }) : () -> ()
    %mul3A_136 = arith.constant 624 : i32
    %mul3A_137 = arith.muli %arg1, %mul3A_136 : i32
    %add3A_138 = arith.constant 160 : i32
    %add3A_139 = arith.addi %mul3A_137, %add3A_138 : i32
    %mul3A_140 = arith.constant 10000 : i32
    %mul3A_141 = arith.muli %arg0, %mul3A_140 : i32
    %mul3A_142 = arith.constant 624 : i32
    %mul3A_143 = arith.muli %arg1, %mul3A_142 : i32
    %add3A_144 = arith.addi %mul3A_141, %mul3A_143 : i32
    %add3A_145 = arith.constant 160 : i32
    %add3A_146 = arith.addi %add3A_144, %add3A_145 : i32
    "tpu.region"() ({
      %run_scoped3A = tpu.sem_alloc : memref<!tpu.dma_semaphore, #tpu.memory_space<semaphore_mem>>
      %dma_start3A_207 = arith.constant 0 : i32
      %dma_start3A_208 = tpu.memref_slice %arg12[%add3A_139, %dma_start3A_207] : memref<10000x128xf32, #tpu.memory_space<vmem_shared>> -> memref<80x128xf32, #tpu.memory_space<vmem_shared>>
      %dma_start3A_209 = arith.constant 0 : i32
      %dma_start3A_210 = tpu.memref_slice %arg12[%add3A_139, %dma_start3A_209] : memref<10000x128xf32, #tpu.memory_space<vmem_shared>> -> memref<80x128xf32, #tpu.memory_space<vmem_shared>>
      tpu.enqueue_dma source(%dma_start3A_210 : memref<80x128xf32, #tpu.memory_space<vmem_shared>>) target(%arg9 : memref<80x128xf32, #tpu.memory_space<vmem>>) target_semaphore(%run_scoped3A : memref<!tpu.dma_semaphore, #tpu.memory_space<semaphore_mem>>)
      %dma_wait3A_211 = arith.constant 0 : i32
      %dma_wait3A_212 = tpu.memref_slice %arg12[%add3A_139, %dma_wait3A_211] : memref<10000x128xf32, #tpu.memory_space<vmem_shared>> -> memref<80x128xf32, #tpu.memory_space<vmem_shared>>
      %dma_wait3A_213 = arith.constant 0 : i32
      %dma_wait3A_214 = tpu.memref_slice %arg12[%add3A_139, %dma_wait3A_213] : memref<10000x128xf32, #tpu.memory_space<vmem_shared>> -> memref<80x128xf32, #tpu.memory_space<vmem_shared>>
      tpu.wait_dma2 semaphore(%run_scoped3A : memref<!tpu.dma_semaphore, #tpu.memory_space<semaphore_mem>>) src(%dma_wait3A_214 : memref<80x128xf32, #tpu.memory_space<vmem_shared>>) dst(%arg9 : memref<80x128xf32, #tpu.memory_space<vmem>>)
      tpu.yield
    }) : () -> ()
    "tpu.region"() ({
      %run_scoped3A = tpu.sem_alloc : memref<!tpu.dma_semaphore, #tpu.memory_space<semaphore_mem>>
      %dma_start3A_207 = arith.constant 0 : i32
      %dma_start3A_208 = tpu.memref_slice %arg4[%add3A_146, %dma_start3A_207] : memref<20000x128xf32, #tpu.memory_space<hbm>> -> memref<80x128xf32, #tpu.memory_space<hbm>>
      %dma_start3A_209 = arith.constant 0 : i32
      %dma_start3A_210 = tpu.memref_slice %arg4[%add3A_146, %dma_start3A_209] : memref<20000x128xf32, #tpu.memory_space<hbm>> -> memref<80x128xf32, #tpu.memory_space<hbm>>
      tpu.enqueue_dma source(%arg9 : memref<80x128xf32, #tpu.memory_space<vmem>>) target(%dma_start3A_210 : memref<80x128xf32, #tpu.memory_space<hbm>>) target_semaphore(%run_scoped3A : memref<!tpu.dma_semaphore, #tpu.memory_space<semaphore_mem>>)
      %dma_wait3A_211 = arith.constant 0 : i32
      %dma_wait3A_212 = tpu.memref_slice %arg4[%add3A_146, %dma_wait3A_211] : memref<20000x128xf32, #tpu.memory_space<hbm>> -> memref<80x128xf32, #tpu.memory_space<hbm>>
      %dma_wait3A_213 = arith.constant 0 : i32
      %dma_wait3A_214 = tpu.memref_slice %arg4[%add3A_146, %dma_wait3A_213] : memref<20000x128xf32, #tpu.memory_space<hbm>> -> memref<80x128xf32, #tpu.memory_space<hbm>>
      tpu.wait_dma2 semaphore(%run_scoped3A : memref<!tpu.dma_semaphore, #tpu.memory_space<semaphore_mem>>) src(%arg9 : memref<80x128xf32, #tpu.memory_space<vmem>>) dst(%dma_wait3A_214 : memref<80x128xf32, #tpu.memory_space<hbm>>)
      tpu.yield
    }) : () -> ()
    %mul3A_147 = arith.constant 624 : i32
    %mul3A_148 = arith.muli %arg1, %mul3A_147 : i32
    %add3A_149 = arith.constant 240 : i32
    %add3A_150 = arith.addi %mul3A_148, %add3A_149 : i32
    %mul3A_151 = arith.constant 10000 : i32
    %mul3A_152 = arith.muli %arg0, %mul3A_151 : i32
    %mul3A_153 = arith.constant 624 : i32
    %mul3A_154 = arith.muli %arg1, %mul3A_153 : i32
    %add3A_155 = arith.addi %mul3A_152, %mul3A_154 : i32
    %add3A_156 = arith.constant 240 : i32
    %add3A_157 = arith.addi %add3A_155, %add3A_156 : i32
    "tpu.region"() ({
      %run_scoped3A = tpu.sem_alloc : memref<!tpu.dma_semaphore, #tpu.memory_space<semaphore_mem>>
      %dma_start3A_207 = arith.constant 0 : i32
      %dma_start3A_208 = tpu.memref_slice %arg12[%add3A_150, %dma_start3A_207] : memref<10000x128xf32, #tpu.memory_space<vmem_shared>> -> memref<80x128xf32, #tpu.memory_space<vmem_shared>>
      %dma_start3A_209 = arith.constant 0 : i32
      %dma_start3A_210 = tpu.memref_slice %arg12[%add3A_150, %dma_start3A_209] : memref<10000x128xf32, #tpu.memory_space<vmem_shared>> -> memref<80x128xf32, #tpu.memory_space<vmem_shared>>
      tpu.enqueue_dma source(%dma_start3A_210 : memref<80x128xf32, #tpu.memory_space<vmem_shared>>) target(%arg9 : memref<80x128xf32, #tpu.memory_space<vmem>>) target_semaphore(%run_scoped3A : memref<!tpu.dma_semaphore, #tpu.memory_space<semaphore_mem>>)
      %dma_wait3A_211 = arith.constant 0 : i32
      %dma_wait3A_212 = tpu.memref_slice %arg12[%add3A_150, %dma_wait3A_211] : memref<10000x128xf32, #tpu.memory_space<vmem_shared>> -> memref<80x128xf32, #tpu.memory_space<vmem_shared>>
      %dma_wait3A_213 = arith.constant 0 : i32
      %dma_wait3A_214 = tpu.memref_slice %arg12[%add3A_150, %dma_wait3A_213] : memref<10000x128xf32, #tpu.memory_space<vmem_shared>> -> memref<80x128xf32, #tpu.memory_space<vmem_shared>>
      tpu.wait_dma2 semaphore(%run_scoped3A : memref<!tpu.dma_semaphore, #tpu.memory_space<semaphore_mem>>) src(%dma_wait3A_214 : memref<80x128xf32, #tpu.memory_space<vmem_shared>>) dst(%arg9 : memref<80x128xf32, #tpu.memory_space<vmem>>)
      tpu.yield
    }) : () -> ()
    "tpu.region"() ({
      %run_scoped3A = tpu.sem_alloc : memref<!tpu.dma_semaphore, #tpu.memory_space<semaphore_mem>>
      %dma_start3A_207 = arith.constant 0 : i32
      %dma_start3A_208 = tpu.memref_slice %arg4[%add3A_157, %dma_start3A_207] : memref<20000x128xf32, #tpu.memory_space<hbm>> -> memref<80x128xf32, #tpu.memory_space<hbm>>
      %dma_start3A_209 = arith.constant 0 : i32
      %dma_start3A_210 = tpu.memref_slice %arg4[%add3A_157, %dma_start3A_209] : memref<20000x128xf32, #tpu.memory_space<hbm>> -> memref<80x128xf32, #tpu.memory_space<hbm>>
      tpu.enqueue_dma source(%arg9 : memref<80x128xf32, #tpu.memory_space<vmem>>) target(%dma_start3A_210 : memref<80x128xf32, #tpu.memory_space<hbm>>) target_semaphore(%run_scoped3A : memref<!tpu.dma_semaphore, #tpu.memory_space<semaphore_mem>>)
      %dma_wait3A_211 = arith.constant 0 : i32
      %dma_wait3A_212 = tpu.memref_slice %arg4[%add3A_157, %dma_wait3A_211] : memref<20000x128xf32, #tpu.memory_space<hbm>> -> memref<80x128xf32, #tpu.memory_space<hbm>>
      %dma_wait3A_213 = arith.constant 0 : i32
      %dma_wait3A_214 = tpu.memref_slice %arg4[%add3A_157, %dma_wait3A_213] : memref<20000x128xf32, #tpu.memory_space<hbm>> -> memref<80x128xf32, #tpu.memory_space<hbm>>
      tpu.wait_dma2 semaphore(%run_scoped3A : memref<!tpu.dma_semaphore, #tpu.memory_space<semaphore_mem>>) src(%arg9 : memref<80x128xf32, #tpu.memory_space<vmem>>) dst(%dma_wait3A_214 : memref<80x128xf32, #tpu.memory_space<hbm>>)
      tpu.yield
    }) : () -> ()
    %mul3A_158 = arith.constant 624 : i32
    %mul3A_159 = arith.muli %arg1, %mul3A_158 : i32
    %add3A_160 = arith.constant 320 : i32
    %add3A_161 = arith.addi %mul3A_159, %add3A_160 : i32
    %mul3A_162 = arith.constant 10000 : i32
    %mul3A_163 = arith.muli %arg0, %mul3A_162 : i32
    %mul3A_164 = arith.constant 624 : i32
    %mul3A_165 = arith.muli %arg1, %mul3A_164 : i32
    %add3A_166 = arith.addi %mul3A_163, %mul3A_165 : i32
    %add3A_167 = arith.constant 320 : i32
    %add3A_168 = arith.addi %add3A_166, %add3A_167 : i32
    "tpu.region"() ({
      %run_scoped3A = tpu.sem_alloc : memref<!tpu.dma_semaphore, #tpu.memory_space<semaphore_mem>>
      %dma_start3A_207 = arith.constant 0 : i32
      %dma_start3A_208 = tpu.memref_slice %arg12[%add3A_161, %dma_start3A_207] : memref<10000x128xf32, #tpu.memory_space<vmem_shared>> -> memref<80x128xf32, #tpu.memory_space<vmem_shared>>
      %dma_start3A_209 = arith.constant 0 : i32
      %dma_start3A_210 = tpu.memref_slice %arg12[%add3A_161, %dma_start3A_209] : memref<10000x128xf32, #tpu.memory_space<vmem_shared>> -> memref<80x128xf32, #tpu.memory_space<vmem_shared>>
      tpu.enqueue_dma source(%dma_start3A_210 : memref<80x128xf32, #tpu.memory_space<vmem_shared>>) target(%arg9 : memref<80x128xf32, #tpu.memory_space<vmem>>) target_semaphore(%run_scoped3A : memref<!tpu.dma_semaphore, #tpu.memory_space<semaphore_mem>>)
      %dma_wait3A_211 = arith.constant 0 : i32
      %dma_wait3A_212 = tpu.memref_slice %arg12[%add3A_161, %dma_wait3A_211] : memref<10000x128xf32, #tpu.memory_space<vmem_shared>> -> memref<80x128xf32, #tpu.memory_space<vmem_shared>>
      %dma_wait3A_213 = arith.constant 0 : i32
      %dma_wait3A_214 = tpu.memref_slice %arg12[%add3A_161, %dma_wait3A_213] : memref<10000x128xf32, #tpu.memory_space<vmem_shared>> -> memref<80x128xf32, #tpu.memory_space<vmem_shared>>
      tpu.wait_dma2 semaphore(%run_scoped3A : memref<!tpu.dma_semaphore, #tpu.memory_space<semaphore_mem>>) src(%dma_wait3A_214 : memref<80x128xf32, #tpu.memory_space<vmem_shared>>) dst(%arg9 : memref<80x128xf32, #tpu.memory_space<vmem>>)
      tpu.yield
    }) : () -> ()
    "tpu.region"() ({
      %run_scoped3A = tpu.sem_alloc : memref<!tpu.dma_semaphore, #tpu.memory_space<semaphore_mem>>
      %dma_start3A_207 = arith.constant 0 : i32
      %dma_start3A_208 = tpu.memref_slice %arg4[%add3A_168, %dma_start3A_207] : memref<20000x128xf32, #tpu.memory_space<hbm>> -> memref<80x128xf32, #tpu.memory_space<hbm>>
      %dma_start3A_209 = arith.constant 0 : i32
      %dma_start3A_210 = tpu.memref_slice %arg4[%add3A_168, %dma_start3A_209] : memref<20000x128xf32, #tpu.memory_space<hbm>> -> memref<80x128xf32, #tpu.memory_space<hbm>>
      tpu.enqueue_dma source(%arg9 : memref<80x128xf32, #tpu.memory_space<vmem>>) target(%dma_start3A_210 : memref<80x128xf32, #tpu.memory_space<hbm>>) target_semaphore(%run_scoped3A : memref<!tpu.dma_semaphore, #tpu.memory_space<semaphore_mem>>)
      %dma_wait3A_211 = arith.constant 0 : i32
      %dma_wait3A_212 = tpu.memref_slice %arg4[%add3A_168, %dma_wait3A_211] : memref<20000x128xf32, #tpu.memory_space<hbm>> -> memref<80x128xf32, #tpu.memory_space<hbm>>
      %dma_wait3A_213 = arith.constant 0 : i32
      %dma_wait3A_214 = tpu.memref_slice %arg4[%add3A_168, %dma_wait3A_213] : memref<20000x128xf32, #tpu.memory_space<hbm>> -> memref<80x128xf32, #tpu.memory_space<hbm>>
      tpu.wait_dma2 semaphore(%run_scoped3A : memref<!tpu.dma_semaphore, #tpu.memory_space<semaphore_mem>>) src(%arg9 : memref<80x128xf32, #tpu.memory_space<vmem>>) dst(%dma_wait3A_214 : memref<80x128xf32, #tpu.memory_space<hbm>>)
      tpu.yield
    }) : () -> ()
    %mul3A_169 = arith.constant 624 : i32
    %mul3A_170 = arith.muli %arg1, %mul3A_169 : i32
    %add3A_171 = arith.constant 400 : i32
    %add3A_172 = arith.addi %mul3A_170, %add3A_171 : i32
    %mul3A_173 = arith.constant 10000 : i32
    %mul3A_174 = arith.muli %arg0, %mul3A_173 : i32
    %mul3A_175 = arith.constant 624 : i32
    %mul3A_176 = arith.muli %arg1, %mul3A_175 : i32
    %add3A_177 = arith.addi %mul3A_174, %mul3A_176 : i32
    %add3A_178 = arith.constant 400 : i32
    %add3A_179 = arith.addi %add3A_177, %add3A_178 : i32
    "tpu.region"() ({
      %run_scoped3A = tpu.sem_alloc : memref<!tpu.dma_semaphore, #tpu.memory_space<semaphore_mem>>
      %dma_start3A_207 = arith.constant 0 : i32
      %dma_start3A_208 = tpu.memref_slice %arg12[%add3A_172, %dma_start3A_207] : memref<10000x128xf32, #tpu.memory_space<vmem_shared>> -> memref<80x128xf32, #tpu.memory_space<vmem_shared>>
      %dma_start3A_209 = arith.constant 0 : i32
      %dma_start3A_210 = tpu.memref_slice %arg12[%add3A_172, %dma_start3A_209] : memref<10000x128xf32, #tpu.memory_space<vmem_shared>> -> memref<80x128xf32, #tpu.memory_space<vmem_shared>>
      tpu.enqueue_dma source(%dma_start3A_210 : memref<80x128xf32, #tpu.memory_space<vmem_shared>>) target(%arg9 : memref<80x128xf32, #tpu.memory_space<vmem>>) target_semaphore(%run_scoped3A : memref<!tpu.dma_semaphore, #tpu.memory_space<semaphore_mem>>)
      %dma_wait3A_211 = arith.constant 0 : i32
      %dma_wait3A_212 = tpu.memref_slice %arg12[%add3A_172, %dma_wait3A_211] : memref<10000x128xf32, #tpu.memory_space<vmem_shared>> -> memref<80x128xf32, #tpu.memory_space<vmem_shared>>
      %dma_wait3A_213 = arith.constant 0 : i32
      %dma_wait3A_214 = tpu.memref_slice %arg12[%add3A_172, %dma_wait3A_213] : memref<10000x128xf32, #tpu.memory_space<vmem_shared>> -> memref<80x128xf32, #tpu.memory_space<vmem_shared>>
      tpu.wait_dma2 semaphore(%run_scoped3A : memref<!tpu.dma_semaphore, #tpu.memory_space<semaphore_mem>>) src(%dma_wait3A_214 : memref<80x128xf32, #tpu.memory_space<vmem_shared>>) dst(%arg9 : memref<80x128xf32, #tpu.memory_space<vmem>>)
      tpu.yield
    }) : () -> ()
    "tpu.region"() ({
      %run_scoped3A = tpu.sem_alloc : memref<!tpu.dma_semaphore, #tpu.memory_space<semaphore_mem>>
      %dma_start3A_207 = arith.constant 0 : i32
      %dma_start3A_208 = tpu.memref_slice %arg4[%add3A_179, %dma_start3A_207] : memref<20000x128xf32, #tpu.memory_space<hbm>> -> memref<80x128xf32, #tpu.memory_space<hbm>>
      %dma_start3A_209 = arith.constant 0 : i32
      %dma_start3A_210 = tpu.memref_slice %arg4[%add3A_179, %dma_start3A_209] : memref<20000x128xf32, #tpu.memory_space<hbm>> -> memref<80x128xf32, #tpu.memory_space<hbm>>
      tpu.enqueue_dma source(%arg9 : memref<80x128xf32, #tpu.memory_space<vmem>>) target(%dma_start3A_210 : memref<80x128xf32, #tpu.memory_space<hbm>>) target_semaphore(%run_scoped3A : memref<!tpu.dma_semaphore, #tpu.memory_space<semaphore_mem>>)
      %dma_wait3A_211 = arith.constant 0 : i32
      %dma_wait3A_212 = tpu.memref_slice %arg4[%add3A_179, %dma_wait3A_211] : memref<20000x128xf32, #tpu.memory_space<hbm>> -> memref<80x128xf32, #tpu.memory_space<hbm>>
      %dma_wait3A_213 = arith.constant 0 : i32
      %dma_wait3A_214 = tpu.memref_slice %arg4[%add3A_179, %dma_wait3A_213] : memref<20000x128xf32, #tpu.memory_space<hbm>> -> memref<80x128xf32, #tpu.memory_space<hbm>>
      tpu.wait_dma2 semaphore(%run_scoped3A : memref<!tpu.dma_semaphore, #tpu.memory_space<semaphore_mem>>) src(%arg9 : memref<80x128xf32, #tpu.memory_space<vmem>>) dst(%dma_wait3A_214 : memref<80x128xf32, #tpu.memory_space<hbm>>)
      tpu.yield
    }) : () -> ()
    %mul3A_180 = arith.constant 624 : i32
    %mul3A_181 = arith.muli %arg1, %mul3A_180 : i32
    %add3A_182 = arith.constant 480 : i32
    %add3A_183 = arith.addi %mul3A_181, %add3A_182 : i32
    %mul3A_184 = arith.constant 10000 : i32
    %mul3A_185 = arith.muli %arg0, %mul3A_184 : i32
    %mul3A_186 = arith.constant 624 : i32
    %mul3A_187 = arith.muli %arg1, %mul3A_186 : i32
    %add3A_188 = arith.addi %mul3A_185, %mul3A_187 : i32
    %add3A_189 = arith.constant 480 : i32
    %add3A_190 = arith.addi %add3A_188, %add3A_189 : i32
    "tpu.region"() ({
      %run_scoped3A = tpu.sem_alloc : memref<!tpu.dma_semaphore, #tpu.memory_space<semaphore_mem>>
      %dma_start3A_207 = arith.constant 0 : i32
      %dma_start3A_208 = tpu.memref_slice %arg12[%add3A_183, %dma_start3A_207] : memref<10000x128xf32, #tpu.memory_space<vmem_shared>> -> memref<80x128xf32, #tpu.memory_space<vmem_shared>>
      %dma_start3A_209 = arith.constant 0 : i32
      %dma_start3A_210 = tpu.memref_slice %arg12[%add3A_183, %dma_start3A_209] : memref<10000x128xf32, #tpu.memory_space<vmem_shared>> -> memref<80x128xf32, #tpu.memory_space<vmem_shared>>
      tpu.enqueue_dma source(%dma_start3A_210 : memref<80x128xf32, #tpu.memory_space<vmem_shared>>) target(%arg9 : memref<80x128xf32, #tpu.memory_space<vmem>>) target_semaphore(%run_scoped3A : memref<!tpu.dma_semaphore, #tpu.memory_space<semaphore_mem>>)
      %dma_wait3A_211 = arith.constant 0 : i32
      %dma_wait3A_212 = tpu.memref_slice %arg12[%add3A_183, %dma_wait3A_211] : memref<10000x128xf32, #tpu.memory_space<vmem_shared>> -> memref<80x128xf32, #tpu.memory_space<vmem_shared>>
      %dma_wait3A_213 = arith.constant 0 : i32
      %dma_wait3A_214 = tpu.memref_slice %arg12[%add3A_183, %dma_wait3A_213] : memref<10000x128xf32, #tpu.memory_space<vmem_shared>> -> memref<80x128xf32, #tpu.memory_space<vmem_shared>>
      tpu.wait_dma2 semaphore(%run_scoped3A : memref<!tpu.dma_semaphore, #tpu.memory_space<semaphore_mem>>) src(%dma_wait3A_214 : memref<80x128xf32, #tpu.memory_space<vmem_shared>>) dst(%arg9 : memref<80x128xf32, #tpu.memory_space<vmem>>)
      tpu.yield
    }) : () -> ()
    "tpu.region"() ({
      %run_scoped3A = tpu.sem_alloc : memref<!tpu.dma_semaphore, #tpu.memory_space<semaphore_mem>>
      %dma_start3A_207 = arith.constant 0 : i32
      %dma_start3A_208 = tpu.memref_slice %arg4[%add3A_190, %dma_start3A_207] : memref<20000x128xf32, #tpu.memory_space<hbm>> -> memref<80x128xf32, #tpu.memory_space<hbm>>
      %dma_start3A_209 = arith.constant 0 : i32
      %dma_start3A_210 = tpu.memref_slice %arg4[%add3A_190, %dma_start3A_209] : memref<20000x128xf32, #tpu.memory_space<hbm>> -> memref<80x128xf32, #tpu.memory_space<hbm>>
      tpu.enqueue_dma source(%arg9 : memref<80x128xf32, #tpu.memory_space<vmem>>) target(%dma_start3A_210 : memref<80x128xf32, #tpu.memory_space<hbm>>) target_semaphore(%run_scoped3A : memref<!tpu.dma_semaphore, #tpu.memory_space<semaphore_mem>>)
      %dma_wait3A_211 = arith.constant 0 : i32
      %dma_wait3A_212 = tpu.memref_slice %arg4[%add3A_190, %dma_wait3A_211] : memref<20000x128xf32, #tpu.memory_space<hbm>> -> memref<80x128xf32, #tpu.memory_space<hbm>>
      %dma_wait3A_213 = arith.constant 0 : i32
      %dma_wait3A_214 = tpu.memref_slice %arg4[%add3A_190, %dma_wait3A_213] : memref<20000x128xf32, #tpu.memory_space<hbm>> -> memref<80x128xf32, #tpu.memory_space<hbm>>
      tpu.wait_dma2 semaphore(%run_scoped3A : memref<!tpu.dma_semaphore, #tpu.memory_space<semaphore_mem>>) src(%arg9 : memref<80x128xf32, #tpu.memory_space<vmem>>) dst(%dma_wait3A_214 : memref<80x128xf32, #tpu.memory_space<hbm>>)
      tpu.yield
    }) : () -> ()
    %mul3A_191 = arith.constant 624 : i32
    %mul3A_192 = arith.muli %arg1, %mul3A_191 : i32
    %add3A_193 = arith.constant 560 : i32
    %add3A_194 = arith.addi %mul3A_192, %add3A_193 : i32
    "tpu.region"() ({
      %run_scoped3A = tpu.sem_alloc : memref<!tpu.dma_semaphore, #tpu.memory_space<semaphore_mem>>
      %dma_start3A_207 = arith.constant 0 : i32
      %dma_start3A_208 = arith.constant 0 : i32
      %dma_start3A_209 = tpu.memref_slice %arg9[%dma_start3A_207, %dma_start3A_208] : memref<80x128xf32, #tpu.memory_space<vmem>> -> memref<64x128xf32, #tpu.memory_space<vmem>>
      %dma_start3A_210 = arith.constant 0 : i32
      %dma_start3A_211 = tpu.memref_slice %arg12[%add3A_194, %dma_start3A_210] : memref<10000x128xf32, #tpu.memory_space<vmem_shared>> -> memref<64x128xf32, #tpu.memory_space<vmem_shared>>
      %dma_start3A_212 = arith.constant 0 : i32
      %dma_start3A_213 = arith.constant 0 : i32
      %dma_start3A_214 = tpu.memref_slice %arg9[%dma_start3A_212, %dma_start3A_213] : memref<80x128xf32, #tpu.memory_space<vmem>> -> memref<64x128xf32, #tpu.memory_space<vmem>>
      %dma_start3A_215 = arith.constant 0 : i32
      %dma_start3A_216 = tpu.memref_slice %arg12[%add3A_194, %dma_start3A_215] : memref<10000x128xf32, #tpu.memory_space<vmem_shared>> -> memref<64x128xf32, #tpu.memory_space<vmem_shared>>
      tpu.enqueue_dma source(%dma_start3A_216 : memref<64x128xf32, #tpu.memory_space<vmem_shared>>) target(%dma_start3A_214 : memref<64x128xf32, #tpu.memory_space<vmem>>) target_semaphore(%run_scoped3A : memref<!tpu.dma_semaphore, #tpu.memory_space<semaphore_mem>>)
      %dma_wait3A_217 = arith.constant 0 : i32
      %dma_wait3A_218 = arith.constant 0 : i32
      %dma_wait3A_219 = tpu.memref_slice %arg9[%dma_wait3A_217, %dma_wait3A_218] : memref<80x128xf32, #tpu.memory_space<vmem>> -> memref<64x128xf32, #tpu.memory_space<vmem>>
      %dma_wait3A_220 = arith.constant 0 : i32
      %dma_wait3A_221 = tpu.memref_slice %arg12[%add3A_194, %dma_wait3A_220] : memref<10000x128xf32, #tpu.memory_space<vmem_shared>> -> memref<64x128xf32, #tpu.memory_space<vmem_shared>>
      %dma_wait3A_222 = arith.constant 0 : i32
      %dma_wait3A_223 = arith.constant 0 : i32
      %dma_wait3A_224 = tpu.memref_slice %arg9[%dma_wait3A_222, %dma_wait3A_223] : memref<80x128xf32, #tpu.memory_space<vmem>> -> memref<64x128xf32, #tpu.memory_space<vmem>>
      %dma_wait3A_225 = arith.constant 0 : i32
      %dma_wait3A_226 = tpu.memref_slice %arg12[%add3A_194, %dma_wait3A_225] : memref<10000x128xf32, #tpu.memory_space<vmem_shared>> -> memref<64x128xf32, #tpu.memory_space<vmem_shared>>
      tpu.wait_dma2 semaphore(%run_scoped3A : memref<!tpu.dma_semaphore, #tpu.memory_space<semaphore_mem>>) src(%dma_wait3A_226 : memref<64x128xf32, #tpu.memory_space<vmem_shared>>) dst(%dma_wait3A_224 : memref<64x128xf32, #tpu.memory_space<vmem>>)
      tpu.yield
    }) : () -> ()
    %mul3A_195 = arith.constant 10000 : i32
    %mul3A_196 = arith.muli %arg0, %mul3A_195 : i32
    %mul3A_197 = arith.constant 624 : i32
    %mul3A_198 = arith.muli %arg1, %mul3A_197 : i32
    %add3A_199 = arith.addi %mul3A_196, %mul3A_198 : i32
    %add3A_200 = arith.constant 560 : i32
    %add3A_201 = arith.addi %add3A_199, %add3A_200 : i32
    "tpu.region"() ({
      %run_scoped3A = tpu.sem_alloc : memref<!tpu.dma_semaphore, #tpu.memory_space<semaphore_mem>>
      %dma_start3A_207 = arith.constant 0 : i32
      %dma_start3A_208 = arith.constant 0 : i32
      %dma_start3A_209 = tpu.memref_slice %arg9[%dma_start3A_207, %dma_start3A_208] : memref<80x128xf32, #tpu.memory_space<vmem>> -> memref<64x128xf32, #tpu.memory_space<vmem>>
      %dma_start3A_210 = arith.constant 0 : i32
      %dma_start3A_211 = tpu.memref_slice %arg4[%add3A_201, %dma_start3A_210] : memref<20000x128xf32, #tpu.memory_space<hbm>> -> memref<64x128xf32, #tpu.memory_space<hbm>>
      %dma_start3A_212 = arith.constant 0 : i32
      %dma_start3A_213 = tpu.memref_slice %arg4[%add3A_201, %dma_start3A_212] : memref<20000x128xf32, #tpu.memory_space<hbm>> -> memref<64x128xf32, #tpu.memory_space<hbm>>
      %dma_start3A_214 = arith.constant 0 : i32
      %dma_start3A_215 = arith.constant 0 : i32
      %dma_start3A_216 = tpu.memref_slice %arg9[%dma_start3A_214, %dma_start3A_215] : memref<80x128xf32, #tpu.memory_space<vmem>> -> memref<64x128xf32, #tpu.memory_space<vmem>>
      tpu.enqueue_dma source(%dma_start3A_216 : memref<64x128xf32, #tpu.memory_space<vmem>>) target(%dma_start3A_213 : memref<64x128xf32, #tpu.memory_space<hbm>>) target_semaphore(%run_scoped3A : memref<!tpu.dma_semaphore, #tpu.memory_space<semaphore_mem>>)
      %dma_wait3A_217 = arith.constant 0 : i32
      %dma_wait3A_218 = arith.constant 0 : i32
      %dma_wait3A_219 = tpu.memref_slice %arg9[%dma_wait3A_217, %dma_wait3A_218] : memref<80x128xf32, #tpu.memory_space<vmem>> -> memref<64x128xf32, #tpu.memory_space<vmem>>
      %dma_wait3A_220 = arith.constant 0 : i32
      %dma_wait3A_221 = tpu.memref_slice %arg4[%add3A_201, %dma_wait3A_220] : memref<20000x128xf32, #tpu.memory_space<hbm>> -> memref<64x128xf32, #tpu.memory_space<hbm>>
      %dma_wait3A_222 = arith.constant 0 : i32
      %dma_wait3A_223 = tpu.memref_slice %arg4[%add3A_201, %dma_wait3A_222] : memref<20000x128xf32, #tpu.memory_space<hbm>> -> memref<64x128xf32, #tpu.memory_space<hbm>>
      %dma_wait3A_224 = arith.constant 0 : i32
      %dma_wait3A_225 = arith.constant 0 : i32
      %dma_wait3A_226 = tpu.memref_slice %arg9[%dma_wait3A_224, %dma_wait3A_225] : memref<80x128xf32, #tpu.memory_space<vmem>> -> memref<64x128xf32, #tpu.memory_space<vmem>>
      tpu.wait_dma2 semaphore(%run_scoped3A : memref<!tpu.dma_semaphore, #tpu.memory_space<semaphore_mem>>) src(%dma_wait3A_226 : memref<64x128xf32, #tpu.memory_space<vmem>>) dst(%dma_wait3A_223 : memref<64x128xf32, #tpu.memory_space<hbm>>)
      tpu.yield
    }) : () -> ()
    %eq3A_202 = arith.constant 0 : i32
    %eq3A_203 = arith.cmpi eq, %arg1, %eq3A_202 : i32
    %convert_element_type3A_204 = arith.extui %eq3A_203 : i1 to i32
    %cond3A_205 = arith.constant 0 : i32
    %cond3A_206 = arith.cmpi ne, %convert_element_type3A_204, %cond3A_205 : i32
    scf.if %cond3A_206 {
      "tpu.region"() ({
        %run_scoped3A = tpu.sem_alloc : memref<!tpu.dma_semaphore, #tpu.memory_space<semaphore_mem>>
        %dma_start3A_211 = arith.constant 0 : i32
        %dma_start3A_212 = arith.constant 0 : i32
        %dma_start3A_213 = tpu.memref_slice %arg9[%dma_start3A_211, %dma_start3A_212] : memref<80x128xf32, #tpu.memory_space<vmem>> -> memref<16x128xf32, #tpu.memory_space<vmem>>
        %dma_start3A_214 = arith.constant 9984 : i32
        %dma_start3A_215 = arith.constant 0 : i32
        %dma_start3A_216 = tpu.memref_slice %arg12[%dma_start3A_214, %dma_start3A_215] : memref<10000x128xf32, #tpu.memory_space<vmem_shared>> -> memref<16x128xf32, #tpu.memory_space<vmem_shared>>
        %dma_start3A_217 = arith.constant 0 : i32
        %dma_start3A_218 = arith.constant 0 : i32
        %dma_start3A_219 = tpu.memref_slice %arg9[%dma_start3A_217, %dma_start3A_218] : memref<80x128xf32, #tpu.memory_space<vmem>> -> memref<16x128xf32, #tpu.memory_space<vmem>>
        %dma_start3A_220 = arith.constant 9984 : i32
        %dma_start3A_221 = arith.constant 0 : i32
        %dma_start3A_222 = tpu.memref_slice %arg12[%dma_start3A_220, %dma_start3A_221] : memref<10000x128xf32, #tpu.memory_space<vmem_shared>> -> memref<16x128xf32, #tpu.memory_space<vmem_shared>>
        tpu.enqueue_dma source(%dma_start3A_222 : memref<16x128xf32, #tpu.memory_space<vmem_shared>>) target(%dma_start3A_219 : memref<16x128xf32, #tpu.memory_space<vmem>>) target_semaphore(%run_scoped3A : memref<!tpu.dma_semaphore, #tpu.memory_space<semaphore_mem>>)
        %dma_wait3A_223 = arith.constant 0 : i32
        %dma_wait3A_224 = arith.constant 0 : i32
        %dma_wait3A_225 = tpu.memref_slice %arg9[%dma_wait3A_223, %dma_wait3A_224] : memref<80x128xf32, #tpu.memory_space<vmem>> -> memref<16x128xf32, #tpu.memory_space<vmem>>
        %dma_wait3A_226 = arith.constant 9984 : i32
        %dma_wait3A_227 = arith.constant 0 : i32
        %dma_wait3A_228 = tpu.memref_slice %arg12[%dma_wait3A_226, %dma_wait3A_227] : memref<10000x128xf32, #tpu.memory_space<vmem_shared>> -> memref<16x128xf32, #tpu.memory_space<vmem_shared>>
        %dma_wait3A_229 = arith.constant 0 : i32
        %dma_wait3A_230 = arith.constant 0 : i32
        %dma_wait3A_231 = tpu.memref_slice %arg9[%dma_wait3A_229, %dma_wait3A_230] : memref<80x128xf32, #tpu.memory_space<vmem>> -> memref<16x128xf32, #tpu.memory_space<vmem>>
        %dma_wait3A_232 = arith.constant 9984 : i32
        %dma_wait3A_233 = arith.constant 0 : i32
        %dma_wait3A_234 = tpu.memref_slice %arg12[%dma_wait3A_232, %dma_wait3A_233] : memref<10000x128xf32, #tpu.memory_space<vmem_shared>> -> memref<16x128xf32, #tpu.memory_space<vmem_shared>>
        tpu.wait_dma2 semaphore(%run_scoped3A : memref<!tpu.dma_semaphore, #tpu.memory_space<semaphore_mem>>) src(%dma_wait3A_234 : memref<16x128xf32, #tpu.memory_space<vmem_shared>>) dst(%dma_wait3A_231 : memref<16x128xf32, #tpu.memory_space<vmem>>)
        tpu.yield
      }) : () -> ()
      %mul3A_207 = arith.constant 10000 : i32
      %mul3A_208 = arith.muli %arg0, %mul3A_207 : i32
      %add3A_209 = arith.constant 9984 : i32
      %add3A_210 = arith.addi %mul3A_208, %add3A_209 : i32
      "tpu.region"() ({
        %run_scoped3A = tpu.sem_alloc : memref<!tpu.dma_semaphore, #tpu.memory_space<semaphore_mem>>
        %dma_start3A_211 = arith.constant 0 : i32
        %dma_start3A_212 = arith.constant 0 : i32
        %dma_start3A_213 = tpu.memref_slice %arg9[%dma_start3A_211, %dma_start3A_212] : memref<80x128xf32, #tpu.memory_space<vmem>> -> memref<16x128xf32, #tpu.memory_space<vmem>>
        %dma_start3A_214 = arith.constant 0 : i32
        %dma_start3A_215 = tpu.memref_slice %arg4[%add3A_210, %dma_start3A_214] : memref<20000x128xf32, #tpu.memory_space<hbm>> -> memref<16x128xf32, #tpu.memory_space<hbm>>
        %dma_start3A_216 = arith.constant 0 : i32
        %dma_start3A_217 = tpu.memref_slice %arg4[%add3A_210, %dma_start3A_216] : memref<20000x128xf32, #tpu.memory_space<hbm>> -> memref<16x128xf32, #tpu.memory_space<hbm>>
        %dma_start3A_218 = arith.constant 0 : i32
        %dma_start3A_219 = arith.constant 0 : i32
        %dma_start3A_220 = tpu.memref_slice %arg9[%dma_start3A_218, %dma_start3A_219] : memref<80x128xf32, #tpu.memory_space<vmem>> -> memref<16x128xf32, #tpu.memory_space<vmem>>
        tpu.enqueue_dma source(%dma_start3A_220 : memref<16x128xf32, #tpu.memory_space<vmem>>) target(%dma_start3A_217 : memref<16x128xf32, #tpu.memory_space<hbm>>) target_semaphore(%run_scoped3A : memref<!tpu.dma_semaphore, #tpu.memory_space<semaphore_mem>>)
        %dma_wait3A_221 = arith.constant 0 : i32
        %dma_wait3A_222 = arith.constant 0 : i32
        %dma_wait3A_223 = tpu.memref_slice %arg9[%dma_wait3A_221, %dma_wait3A_222] : memref<80x128xf32, #tpu.memory_space<vmem>> -> memref<16x128xf32, #tpu.memory_space<vmem>>
        %dma_wait3A_224 = arith.constant 0 : i32
        %dma_wait3A_225 = tpu.memref_slice %arg4[%add3A_210, %dma_wait3A_224] : memref<20000x128xf32, #tpu.memory_space<hbm>> -> memref<16x128xf32, #tpu.memory_space<hbm>>
        %dma_wait3A_226 = arith.constant 0 : i32
        %dma_wait3A_227 = tpu.memref_slice %arg4[%add3A_210, %dma_wait3A_226] : memref<20000x128xf32, #tpu.memory_space<hbm>> -> memref<16x128xf32, #tpu.memory_space<hbm>>
        %dma_wait3A_228 = arith.constant 0 : i32
        %dma_wait3A_229 = arith.constant 0 : i32
        %dma_wait3A_230 = tpu.memref_slice %arg9[%dma_wait3A_228, %dma_wait3A_229] : memref<80x128xf32, #tpu.memory_space<vmem>> -> memref<16x128xf32, #tpu.memory_space<vmem>>
        tpu.wait_dma2 semaphore(%run_scoped3A : memref<!tpu.dma_semaphore, #tpu.memory_space<semaphore_mem>>) src(%dma_wait3A_230 : memref<16x128xf32, #tpu.memory_space<vmem>>) dst(%dma_wait3A_227 : memref<16x128xf32, #tpu.memory_space<hbm>>)
        tpu.yield
      }) : () -> ()
    } else {
    }
    return
  }
}

module attributes {stable_mosaic.version = 14 : i64} {
  func.func @_tc_pre_body(%arg0: i32, %arg1: memref<1000x256xf32, #tpu.memory_space<vmem>>, %arg2: memref<1000x1xf32, #tpu.memory_space<vmem>>, %arg3: memref<1x256xf32, #tpu.memory_space<vmem>>, %arg4: memref<1x256xf32, #tpu.memory_space<vmem>>, %arg5: memref<2x1000x128xf32, #tpu.memory_space<vmem>>) attributes {dimension_semantics = [#tpu.dimension_semantics<arbitrary>], iteration_bounds = array<i64: 10>, scalar_prefetch = 0 : i64, scratch_operands = 0 : i64, tpu.core_type = #tpu.core_type<tc>, window_params = [{transform_indices = @transform_0, window_bounds = array<i64: 1000, 256>}, {transform_indices = @transform_1, window_bounds = array<i64: 1000, 1>}, {pipeline_mode = #tpu.pipeline_mode<synchronous>, transform_indices = @transform_2, window_bounds = array<i64: 1, 256>}, {pipeline_mode = #tpu.pipeline_mode<synchronous>, transform_indices = @transform_3, window_bounds = array<i64: 1, 256>}, {transform_indices = @transform_4, window_bounds = array<i64: 2, 1000, 128>}]} {
    %get3A = arith.constant 0 : index
    %get3A_0 = arith.constant 0 : index
    %get3A_1 = vector.load %arg1[%get3A, %get3A_0] : memref<1000x256xf32, #tpu.memory_space<vmem>>, vector<1000x256xf32>
    %get3A_2 = arith.constant 0 : index
    %get3A_3 = arith.constant 0 : index
    %get3A_4 = vector.load %arg3[%get3A_2, %get3A_3] : memref<1x256xf32, #tpu.memory_space<vmem>>, vector<1x256xf32>
    %get3A_5 = arith.constant 0 : index
    %get3A_6 = arith.constant 0 : index
    %get3A_7 = vector.load %arg4[%get3A_5, %get3A_6] : memref<1x256xf32, #tpu.memory_space<vmem>>, vector<1x256xf32>
    %reduce_sum3A = arith.constant dense<0.000000e+00> : vector<1000xf32>
    %reduce_sum3A_8 = vector.multi_reduction <add>, %get3A_1, %reduce_sum3A [1] : vector<1000x256xf32> to vector<1000xf32>
    %broadcast_in_dim3A = vector.shape_cast %reduce_sum3A_8 : vector<1000xf32> to vector<1000x1xf32>
    %div3A = arith.constant 2.560000e+02 : f32
    %div3A_9 = vector.broadcast %div3A : f32 to vector<1000x1xf32>
    %div3A_10 = arith.divf %broadcast_in_dim3A, %div3A_9 : vector<1000x1xf32>
    %sub3A = vector.broadcast %div3A_10 : vector<1000x1xf32> to vector<1000x256xf32>
    %sub3A_11 = arith.subf %get3A_1, %sub3A : vector<1000x256xf32>
    %mul3A = arith.mulf %sub3A_11, %sub3A_11 : vector<1000x256xf32>
    %reduce_sum3A_12 = arith.constant dense<0.000000e+00> : vector<1000xf32>
    %reduce_sum3A_13 = vector.multi_reduction <add>, %mul3A, %reduce_sum3A_12 [1] : vector<1000x256xf32> to vector<1000xf32>
    %broadcast_in_dim3A_14 = vector.shape_cast %reduce_sum3A_13 : vector<1000xf32> to vector<1000x1xf32>
    %div3A_15 = arith.constant 2.560000e+02 : f32
    %div3A_16 = vector.broadcast %div3A_15 : f32 to vector<1000x1xf32>
    %div3A_17 = arith.divf %broadcast_in_dim3A_14, %div3A_16 : vector<1000x1xf32>
    %add3A = arith.constant 9.99999974E-6 : f32
    %add3A_18 = vector.broadcast %add3A : f32 to vector<1000x1xf32>
    %add3A_19 = arith.addf %div3A_17, %add3A_18 : vector<1000x1xf32>
    %rsqrt3A = math.rsqrt %add3A_19 : vector<1000x1xf32>
    %mul3A_20 = vector.broadcast %rsqrt3A : vector<1000x1xf32> to vector<1000x256xf32>
    %mul3A_21 = arith.mulf %sub3A_11, %mul3A_20 : vector<1000x256xf32>
    %mul3A_22 = vector.broadcast %get3A_4 : vector<1x256xf32> to vector<1000x256xf32>
    %mul3A_23 = arith.mulf %mul3A_21, %mul3A_22 : vector<1000x256xf32>
    %add3A_24 = vector.broadcast %get3A_7 : vector<1x256xf32> to vector<1000x256xf32>
    %add3A_25 = arith.addf %mul3A_23, %add3A_24 : vector<1000x256xf32>
    %get3A_26 = arith.constant 0 : index
    %get3A_27 = arith.constant 0 : index
    %get3A_28 = vector.load %arg2[%get3A_26, %get3A_27] : memref<1000x1xf32, #tpu.memory_space<vmem>>, vector<1000x1xf32>
    %max3A = arith.constant 1.000000e+00 : f32
    %max3A_29 = vector.broadcast %max3A : f32 to vector<1000x1xf32>
    %max3A_30 = arith.maximumf %get3A_28, %max3A_29 : vector<1000x1xf32>
    %rsqrt3A_31 = math.rsqrt %max3A_30 : vector<1000x1xf32>
    %mul3A_32 = vector.broadcast %rsqrt3A_31 : vector<1000x1xf32> to vector<1000x256xf32>
    %mul3A_33 = arith.mulf %add3A_25, %mul3A_32 : vector<1000x256xf32>
    %slice3A = vector.extract_strided_slice %mul3A_33 {offsets = [0, 0], sizes = [1000, 128], strides = [1, 1]} : vector<1000x256xf32> to vector<1000x128xf32>
    %swap3A = arith.constant 0 : index
    %swap3A_34 = arith.constant 0 : index
    %swap3A_35 = arith.constant 0 : index
    %swap3A_36 = vector.load %arg5[%swap3A, %swap3A_34, %swap3A_35] : memref<2x1000x128xf32, #tpu.memory_space<vmem>>, vector<1x1000x128xf32>
    %swap3A_37 = vector.shape_cast %swap3A_36 : vector<1x1000x128xf32> to vector<1000x128xf32>
    %swap3A_38 = vector.shape_cast %slice3A : vector<1000x128xf32> to vector<1x1000x128xf32>
    tpu.vector_store %arg5[%swap3A, %swap3A_34, %swap3A_35], %swap3A_38 {strides = array<i32>} : memref<2x1000x128xf32, #tpu.memory_space<vmem>>, vector<1x1000x128xf32>,
    %slice3A_39 = vector.extract_strided_slice %mul3A_33 {offsets = [0, 128], sizes = [1000, 128], strides = [1, 1]} : vector<1000x256xf32> to vector<1000x128xf32>
    %swap3A_40 = arith.constant 1 : index
    %swap3A_41 = arith.constant 0 : index
    %swap3A_42 = arith.constant 0 : index
    %swap3A_43 = vector.load %arg5[%swap3A_40, %swap3A_41, %swap3A_42] : memref<2x1000x128xf32, #tpu.memory_space<vmem>>, vector<1x1000x128xf32>
    %swap3A_44 = vector.shape_cast %swap3A_43 : vector<1x1000x128xf32> to vector<1000x128xf32>
    %swap3A_45 = vector.shape_cast %slice3A_39 : vector<1000x128xf32> to vector<1x1000x128xf32>
    tpu.vector_store %arg5[%swap3A_40, %swap3A_41, %swap3A_42], %swap3A_45 {strides = array<i32>} : memref<2x1000x128xf32, #tpu.memory_space<vmem>>, vector<1x1000x128xf32>,
    return
  }
  func.func @transform_0(%arg0: i32) -> (i32, i32) {
    %c0_i32 = arith.constant 0 : i32
    %c0_i32_0 = arith.constant 0 : i32
    return %arg0, %c0_i32 : i32, i32
  }
  func.func @transform_1(%arg0: i32) -> (i32, i32) {
    %c0_i32 = arith.constant 0 : i32
    %c0_i32_0 = arith.constant 0 : i32
    return %arg0, %c0_i32 : i32, i32
  }
  func.func @transform_2(%arg0: i32) -> (i32, i32) {
    %c0_i32 = arith.constant 0 : i32
    %c0_i32_0 = arith.constant 0 : i32
    %c0_i32_1 = arith.constant 0 : i32
    return %c0_i32, %c0_i32_0 : i32, i32
  }
  func.func @transform_3(%arg0: i32) -> (i32, i32) {
    %c0_i32 = arith.constant 0 : i32
    %c0_i32_0 = arith.constant 0 : i32
    %c0_i32_1 = arith.constant 0 : i32
    return %c0_i32, %c0_i32_0 : i32, i32
  }
  func.func @transform_4(%arg0: i32) -> (i32, i32, i32) {
    %c0_i32 = arith.constant 0 : i32
    %c0_i32_0 = arith.constant 0 : i32
    %c0_i32_1 = arith.constant 0 : i32
    return %c0_i32, %arg0, %c0_i32_0 : i32, i32, i32
  }
}

module attributes {stable_mosaic.version = 14 : i64} {
  func.func @_tc_mid_body(%arg0: i32, %arg1: memref<2x1000x128xf32, #tpu.memory_space<vmem>>, %arg2: memref<1000x1xf32, #tpu.memory_space<vmem>>, %arg3: memref<1000x1xf32, #tpu.memory_space<vmem>>, %arg4: memref<256x256xbf16, #tpu.memory_space<vmem>>, %arg5: memref<1x256xf32, #tpu.memory_space<vmem>>, %arg6: memref<1x256xf32, #tpu.memory_space<vmem>>, %arg7: memref<1x256xf32, #tpu.memory_space<vmem>>, %arg8: memref<256x512xbf16, #tpu.memory_space<vmem>>, %arg9: memref<1x512xf32, #tpu.memory_space<vmem>>, %arg10: memref<512x256xbf16, #tpu.memory_space<vmem>>, %arg11: memref<1x256xf32, #tpu.memory_space<vmem>>, %arg12: memref<1x256xf32, #tpu.memory_space<vmem>>, %arg13: memref<1x256xf32, #tpu.memory_space<vmem>>, %arg14: memref<2x1000x128xf32, #tpu.memory_space<vmem>>) attributes {dimension_semantics = [#tpu.dimension_semantics<arbitrary>], iteration_bounds = array<i64: 10>, scalar_prefetch = 0 : i64, scratch_operands = 0 : i64, tpu.core_type = #tpu.core_type<tc>, window_params = [{transform_indices = @transform_0, window_bounds = array<i64: 2, 1000, 128>}, {transform_indices = @transform_1, window_bounds = array<i64: 1000, 1>}, {transform_indices = @transform_2, window_bounds = array<i64: 1000, 1>}, {pipeline_mode = #tpu.pipeline_mode<synchronous>, transform_indices = @transform_3, window_bounds = array<i64: 256, 256>}, {pipeline_mode = #tpu.pipeline_mode<synchronous>, transform_indices = @transform_4, window_bounds = array<i64: 1, 256>}, {pipeline_mode = #tpu.pipeline_mode<synchronous>, transform_indices = @transform_5, window_bounds = array<i64: 1, 256>}, {pipeline_mode = #tpu.pipeline_mode<synchronous>, transform_indices = @transform_6, window_bounds = array<i64: 1, 256>}, {pipeline_mode = #tpu.pipeline_mode<synchronous>, transform_indices = @transform_7, window_bounds = array<i64: 256, 512>}, {pipeline_mode = #tpu.pipeline_mode<synchronous>, transform_indices = @transform_8, window_bounds = array<i64: 1, 512>}, {pipeline_mode = #tpu.pipeline_mode<synchronous>, transform_indices = @transform_9, window_bounds = array<i64: 512, 256>}, {pipeline_mode = #tpu.pipeline_mode<synchronous>, transform_indices = @transform_10, window_bounds = array<i64: 1, 256>}, {pipeline_mode = #tpu.pipeline_mode<synchronous>, transform_indices = @transform_11, window_bounds = array<i64: 1, 256>}, {pipeline_mode = #tpu.pipeline_mode<synchronous>, transform_indices = @transform_12, window_bounds = array<i64: 1, 256>}, {transform_indices = @transform_13, window_bounds = array<i64: 2, 1000, 128>}]} {
    %get3A = arith.constant 0 : index
    %get3A_0 = arith.constant 0 : index
    %get3A_1 = arith.constant 0 : index
    %get3A_2 = vector.load %arg1[%get3A, %get3A_0, %get3A_1] : memref<2x1000x128xf32, #tpu.memory_space<vmem>>, vector<1x1000x128xf32>
    %get3A_3 = vector.shape_cast %get3A_2 : vector<1x1000x128xf32> to vector<1000x128xf32>
    %get3A_4 = arith.constant 1 : index
    %get3A_5 = arith.constant 0 : index
    %get3A_6 = arith.constant 0 : index
    %get3A_7 = vector.load %arg1[%get3A_4, %get3A_5, %get3A_6] : memref<2x1000x128xf32, #tpu.memory_space<vmem>>, vector<1x1000x128xf32>
    %get3A_8 = vector.shape_cast %get3A_7 : vector<1x1000x128xf32> to vector<1000x128xf32>
    %concatenate3A = tpu.concatenate %get3A_3, %get3A_8 in 1 : vector<1000x128xf32>, vector<1000x128xf32> -> vector<1000x256xf32>
    %get3A_9 = arith.constant 0 : index
    %get3A_10 = arith.constant 0 : index
    %get3A_11 = vector.load %arg2[%get3A_9, %get3A_10] : memref<1000x1xf32, #tpu.memory_space<vmem>>, vector<1000x1xf32>
    %max3A = arith.constant 1.000000e+00 : f32
    %max3A_12 = vector.broadcast %max3A : f32 to vector<1000x1xf32>
    %max3A_13 = arith.maximumf %get3A_11, %max3A_12 : vector<1000x1xf32>
    %rsqrt3A = math.rsqrt %max3A_13 : vector<1000x1xf32>
    %mul3A = vector.broadcast %rsqrt3A : vector<1000x1xf32> to vector<1000x256xf32>
    %mul3A_14 = arith.mulf %concatenate3A, %mul3A : vector<1000x256xf32>
    %convert_element_type3A = arith.truncf %mul3A_14 : vector<1000x256xf32> to vector<1000x256xbf16>
    %get3A_15 = arith.constant 0 : index
    %get3A_16 = arith.constant 0 : index
    %get3A_17 = vector.load %arg4[%get3A_15, %get3A_16] : memref<256x256xbf16, #tpu.memory_space<vmem>>, vector<256x256xbf16>
    %dot_general3A = arith.constant dense<0.000000e+00> : vector<1000x256xf32>
    %dot_general3A_18 = tpu.matmul %convert_element_type3A, %get3A_17, %dot_general3A {dimension_numbers = #tpu.dot_dimension_numbers<[1], [0], [0], [1], [0, 0, 1, 1], [], []>, transpose_lhs_hint = false} : vector<1000x256xbf16>, vector<256x256xbf16>, vector<1000x256xf32> -> vector<1000x256xf32>
    %get3A_19 = arith.constant 0 : index
    %get3A_20 = arith.constant 0 : index
    %get3A_21 = vector.load %arg5[%get3A_19, %get3A_20] : memref<1x256xf32, #tpu.memory_space<vmem>>, vector<1x256xf32>
    %add3A = vector.broadcast %get3A_21 : vector<1x256xf32> to vector<1000x256xf32>
    %add3A_22 = arith.addf %dot_general3A_18, %add3A : vector<1000x256xf32>
    %get3A_23 = arith.constant 0 : index
    %get3A_24 = arith.constant 0 : index
    %get3A_25 = vector.load %arg6[%get3A_23, %get3A_24] : memref<1x256xf32, #tpu.memory_space<vmem>>, vector<1x256xf32>
    %get3A_26 = arith.constant 0 : index
    %get3A_27 = arith.constant 0 : index
    %get3A_28 = vector.load %arg7[%get3A_26, %get3A_27] : memref<1x256xf32, #tpu.memory_space<vmem>>, vector<1x256xf32>
    %reduce_sum3A = arith.constant dense<0.000000e+00> : vector<1000xf32>
    %reduce_sum3A_29 = vector.multi_reduction <add>, %add3A_22, %reduce_sum3A [1] : vector<1000x256xf32> to vector<1000xf32>
    %broadcast_in_dim3A = vector.shape_cast %reduce_sum3A_29 : vector<1000xf32> to vector<1000x1xf32>
    %div3A = arith.constant 2.560000e+02 : f32
    %div3A_30 = vector.broadcast %div3A : f32 to vector<1000x1xf32>
    %div3A_31 = arith.divf %broadcast_in_dim3A, %div3A_30 : vector<1000x1xf32>
    %sub3A = vector.broadcast %div3A_31 : vector<1000x1xf32> to vector<1000x256xf32>
    %sub3A_32 = arith.subf %add3A_22, %sub3A : vector<1000x256xf32>
    %mul3A_33 = arith.mulf %sub3A_32, %sub3A_32 : vector<1000x256xf32>
    %reduce_sum3A_34 = arith.constant dense<0.000000e+00> : vector<1000xf32>
    %reduce_sum3A_35 = vector.multi_reduction <add>, %mul3A_33, %reduce_sum3A_34 [1] : vector<1000x256xf32> to vector<1000xf32>
    %broadcast_in_dim3A_36 = vector.shape_cast %reduce_sum3A_35 : vector<1000xf32> to vector<1000x1xf32>
    %div3A_37 = arith.constant 2.560000e+02 : f32
    %div3A_38 = vector.broadcast %div3A_37 : f32 to vector<1000x1xf32>
    %div3A_39 = arith.divf %broadcast_in_dim3A_36, %div3A_38 : vector<1000x1xf32>
    %add3A_40 = arith.constant 9.99999974E-6 : f32
    %add3A_41 = vector.broadcast %add3A_40 : f32 to vector<1000x1xf32>
    %add3A_42 = arith.addf %div3A_39, %add3A_41 : vector<1000x1xf32>
    %rsqrt3A_43 = math.rsqrt %add3A_42 : vector<1000x1xf32>
    %mul3A_44 = vector.broadcast %rsqrt3A_43 : vector<1000x1xf32> to vector<1000x256xf32>
    %mul3A_45 = arith.mulf %sub3A_32, %mul3A_44 : vector<1000x256xf32>
    %mul3A_46 = vector.broadcast %get3A_25 : vector<1x256xf32> to vector<1000x256xf32>
    %mul3A_47 = arith.mulf %mul3A_45, %mul3A_46 : vector<1000x256xf32>
    %add3A_48 = vector.broadcast %get3A_28 : vector<1x256xf32> to vector<1000x256xf32>
    %add3A_49 = arith.addf %mul3A_47, %add3A_48 : vector<1000x256xf32>
    %convert_element_type3A_50 = arith.truncf %add3A_49 : vector<1000x256xf32> to vector<1000x256xbf16>
    %get3A_51 = arith.constant 0 : index
    %get3A_52 = arith.constant 0 : index
    %get3A_53 = vector.load %arg8[%get3A_51, %get3A_52] : memref<256x512xbf16, #tpu.memory_space<vmem>>, vector<256x512xbf16>
    %dot_general3A_54 = arith.constant dense<0.000000e+00> : vector<1000x512xf32>
    %dot_general3A_55 = tpu.matmul %convert_element_type3A_50, %get3A_53, %dot_general3A_54 {dimension_numbers = #tpu.dot_dimension_numbers<[1], [0], [0], [1], [0, 0, 1, 1], [], []>, transpose_lhs_hint = false} : vector<1000x256xbf16>, vector<256x512xbf16>, vector<1000x512xf32> -> vector<1000x512xf32>
    %get3A_56 = arith.constant 0 : index
    %get3A_57 = arith.constant 0 : index
    %get3A_58 = vector.load %arg9[%get3A_56, %get3A_57] : memref<1x512xf32, #tpu.memory_space<vmem>>, vector<1x512xf32>
    %add3A_59 = vector.broadcast %get3A_58 : vector<1x512xf32> to vector<1000x512xf32>
    %add3A_60 = arith.addf %dot_general3A_55, %add3A_59 : vector<1000x512xf32>
    %max3A_61 = arith.constant 0.000000e+00 : f32
    %max3A_62 = vector.broadcast %max3A_61 : f32 to vector<1000x512xf32>
    %max3A_63 = arith.maximumf %add3A_60, %max3A_62 : vector<1000x512xf32>
    %convert_element_type3A_64 = arith.truncf %max3A_63 : vector<1000x512xf32> to vector<1000x512xbf16>
    %get3A_65 = arith.constant 0 : index
    %get3A_66 = arith.constant 0 : index
    %get3A_67 = vector.load %arg10[%get3A_65, %get3A_66] : memref<512x256xbf16, #tpu.memory_space<vmem>>, vector<512x256xbf16>
    %dot_general3A_68 = arith.constant dense<0.000000e+00> : vector<1000x256xf32>
    %dot_general3A_69 = tpu.matmul %convert_element_type3A_64, %get3A_67, %dot_general3A_68 {dimension_numbers = #tpu.dot_dimension_numbers<[1], [0], [0], [1], [0, 0, 1, 1], [], []>, transpose_lhs_hint = false} : vector<1000x512xbf16>, vector<512x256xbf16>, vector<1000x256xf32> -> vector<1000x256xf32>
    %get3A_70 = arith.constant 0 : index
    %get3A_71 = arith.constant 0 : index
    %get3A_72 = vector.load %arg11[%get3A_70, %get3A_71] : memref<1x256xf32, #tpu.memory_space<vmem>>, vector<1x256xf32>
    %add3A_73 = vector.broadcast %get3A_72 : vector<1x256xf32> to vector<1000x256xf32>
    %add3A_74 = arith.addf %dot_general3A_69, %add3A_73 : vector<1000x256xf32>
    %add3A_75 = arith.addf %add3A_74, %add3A_22 : vector<1000x256xf32>
    %get3A_76 = arith.constant 0 : index
    %get3A_77 = arith.constant 0 : index
    %get3A_78 = vector.load %arg12[%get3A_76, %get3A_77] : memref<1x256xf32, #tpu.memory_space<vmem>>, vector<1x256xf32>
    %get3A_79 = arith.constant 0 : index
    %get3A_80 = arith.constant 0 : index
    %get3A_81 = vector.load %arg13[%get3A_79, %get3A_80] : memref<1x256xf32, #tpu.memory_space<vmem>>, vector<1x256xf32>
    %reduce_sum3A_82 = arith.constant dense<0.000000e+00> : vector<1000xf32>
    %reduce_sum3A_83 = vector.multi_reduction <add>, %add3A_75, %reduce_sum3A_82 [1] : vector<1000x256xf32> to vector<1000xf32>
    %broadcast_in_dim3A_84 = vector.shape_cast %reduce_sum3A_83 : vector<1000xf32> to vector<1000x1xf32>
    %div3A_85 = arith.constant 2.560000e+02 : f32
    %div3A_86 = vector.broadcast %div3A_85 : f32 to vector<1000x1xf32>
    %div3A_87 = arith.divf %broadcast_in_dim3A_84, %div3A_86 : vector<1000x1xf32>
    %sub3A_88 = vector.broadcast %div3A_87 : vector<1000x1xf32> to vector<1000x256xf32>
    %sub3A_89 = arith.subf %add3A_75, %sub3A_88 : vector<1000x256xf32>
    %mul3A_90 = arith.mulf %sub3A_89, %sub3A_89 : vector<1000x256xf32>
    %reduce_sum3A_91 = arith.constant dense<0.000000e+00> : vector<1000xf32>
    %reduce_sum3A_92 = vector.multi_reduction <add>, %mul3A_90, %reduce_sum3A_91 [1] : vector<1000x256xf32> to vector<1000xf32>
    %broadcast_in_dim3A_93 = vector.shape_cast %reduce_sum3A_92 : vector<1000xf32> to vector<1000x1xf32>
    %div3A_94 = arith.constant 2.560000e+02 : f32
    %div3A_95 = vector.broadcast %div3A_94 : f32 to vector<1000x1xf32>
    %div3A_96 = arith.divf %broadcast_in_dim3A_93, %div3A_95 : vector<1000x1xf32>
    %add3A_97 = arith.constant 9.99999974E-6 : f32
    %add3A_98 = vector.broadcast %add3A_97 : f32 to vector<1000x1xf32>
    %add3A_99 = arith.addf %div3A_96, %add3A_98 : vector<1000x1xf32>
    %rsqrt3A_100 = math.rsqrt %add3A_99 : vector<1000x1xf32>
    %mul3A_101 = vector.broadcast %rsqrt3A_100 : vector<1000x1xf32> to vector<1000x256xf32>
    %mul3A_102 = arith.mulf %sub3A_89, %mul3A_101 : vector<1000x256xf32>
    %mul3A_103 = vector.broadcast %get3A_78 : vector<1x256xf32> to vector<1000x256xf32>
    %mul3A_104 = arith.mulf %mul3A_102, %mul3A_103 : vector<1000x256xf32>
    %add3A_105 = vector.broadcast %get3A_81 : vector<1x256xf32> to vector<1000x256xf32>
    %add3A_106 = arith.addf %mul3A_104, %add3A_105 : vector<1000x256xf32>
    %get3A_107 = arith.constant 0 : index
    %get3A_108 = arith.constant 0 : index
    %get3A_109 = vector.load %arg3[%get3A_107, %get3A_108] : memref<1000x1xf32, #tpu.memory_space<vmem>>, vector<1000x1xf32>
    %max3A_110 = arith.constant 1.000000e+00 : f32
    %max3A_111 = vector.broadcast %max3A_110 : f32 to vector<1000x1xf32>
    %max3A_112 = arith.maximumf %get3A_109, %max3A_111 : vector<1000x1xf32>
    %rsqrt3A_113 = math.rsqrt %max3A_112 : vector<1000x1xf32>
    %mul3A_114 = vector.broadcast %rsqrt3A_113 : vector<1000x1xf32> to vector<1000x256xf32>
    %mul3A_115 = arith.mulf %add3A_106, %mul3A_114 : vector<1000x256xf32>
    %slice3A = vector.extract_strided_slice %mul3A_115 {offsets = [0, 0], sizes = [1000, 128], strides = [1, 1]} : vector<1000x256xf32> to vector<1000x128xf32>
    %swap3A = arith.constant 0 : index
    %swap3A_116 = arith.constant 0 : index
    %swap3A_117 = arith.constant 0 : index
    %swap3A_118 = vector.load %arg14[%swap3A, %swap3A_116, %swap3A_117] : memref<2x1000x128xf32, #tpu.memory_space<vmem>>, vector<1x1000x128xf32>
    %swap3A_119 = vector.shape_cast %swap3A_118 : vector<1x1000x128xf32> to vector<1000x128xf32>
    %swap3A_120 = vector.shape_cast %slice3A : vector<1000x128xf32> to vector<1x1000x128xf32>
    tpu.vector_store %arg14[%swap3A, %swap3A_116, %swap3A_117], %swap3A_120 {strides = array<i32>} : memref<2x1000x128xf32, #tpu.memory_space<vmem>>, vector<1x1000x128xf32>,
    %slice3A_121 = vector.extract_strided_slice %mul3A_115 {offsets = [0, 128], sizes = [1000, 128], strides = [1, 1]} : vector<1000x256xf32> to vector<1000x128xf32>
    %swap3A_122 = arith.constant 1 : index
    %swap3A_123 = arith.constant 0 : index
    %swap3A_124 = arith.constant 0 : index
    %swap3A_125 = vector.load %arg14[%swap3A_122, %swap3A_123, %swap3A_124] : memref<2x1000x128xf32, #tpu.memory_space<vmem>>, vector<1x1000x128xf32>
    %swap3A_126 = vector.shape_cast %swap3A_125 : vector<1x1000x128xf32> to vector<1000x128xf32>
    %swap3A_127 = vector.shape_cast %slice3A_121 : vector<1000x128xf32> to vector<1x1000x128xf32>
    tpu.vector_store %arg14[%swap3A_122, %swap3A_123, %swap3A_124], %swap3A_127 {strides = array<i32>} : memref<2x1000x128xf32, #tpu.memory_space<vmem>>, vector<1x1000x128xf32>,
    return
  }
  func.func @transform_0(%arg0: i32) -> (i32, i32, i32) {
    %c0_i32 = arith.constant 0 : i32
    %c0_i32_0 = arith.constant 0 : i32
    %c0_i32_1 = arith.constant 0 : i32
    return %c0_i32, %arg0, %c0_i32_0 : i32, i32, i32
  }
  func.func @transform_1(%arg0: i32) -> (i32, i32) {
    %c0_i32 = arith.constant 0 : i32
    %c0_i32_0 = arith.constant 0 : i32
    return %arg0, %c0_i32 : i32, i32
  }
  func.func @transform_2(%arg0: i32) -> (i32, i32) {
    %c0_i32 = arith.constant 0 : i32
    %c0_i32_0 = arith.constant 0 : i32
    return %arg0, %c0_i32 : i32, i32
  }
  func.func @transform_3(%arg0: i32) -> (i32, i32) {
    %c0_i32 = arith.constant 0 : i32
    %c0_i32_0 = arith.constant 0 : i32
    %c0_i32_1 = arith.constant 0 : i32
    return %c0_i32, %c0_i32_0 : i32, i32
  }
  func.func @transform_4(%arg0: i32) -> (i32, i32) {
    %c0_i32 = arith.constant 0 : i32
    %c0_i32_0 = arith.constant 0 : i32
    %c0_i32_1 = arith.constant 0 : i32
    return %c0_i32, %c0_i32_0 : i32, i32
  }
  func.func @transform_5(%arg0: i32) -> (i32, i32) {
    %c0_i32 = arith.constant 0 : i32
    %c0_i32_0 = arith.constant 0 : i32
    %c0_i32_1 = arith.constant 0 : i32
    return %c0_i32, %c0_i32_0 : i32, i32
  }
  func.func @transform_6(%arg0: i32) -> (i32, i32) {
    %c0_i32 = arith.constant 0 : i32
    %c0_i32_0 = arith.constant 0 : i32
    %c0_i32_1 = arith.constant 0 : i32
    return %c0_i32, %c0_i32_0 : i32, i32
  }
  func.func @transform_7(%arg0: i32) -> (i32, i32) {
    %c0_i32 = arith.constant 0 : i32
    %c0_i32_0 = arith.constant 0 : i32
    %c0_i32_1 = arith.constant 0 : i32
    return %c0_i32, %c0_i32_0 : i32, i32
  }
  func.func @transform_8(%arg0: i32) -> (i32, i32) {
    %c0_i32 = arith.constant 0 : i32
    %c0_i32_0 = arith.constant 0 : i32
    %c0_i32_1 = arith.constant 0 : i32
    return %c0_i32, %c0_i32_0 : i32, i32
  }
  func.func @transform_9(%arg0: i32) -> (i32, i32) {
    %c0_i32 = arith.constant 0 : i32
    %c0_i32_0 = arith.constant 0 : i32
    %c0_i32_1 = arith.constant 0 : i32
    return %c0_i32, %c0_i32_0 : i32, i32
  }
  func.func @transform_10(%arg0: i32) -> (i32, i32) {
    %c0_i32 = arith.constant 0 : i32
    %c0_i32_0 = arith.constant 0 : i32
    %c0_i32_1 = arith.constant 0 : i32
    return %c0_i32, %c0_i32_0 : i32, i32
  }
  func.func @transform_11(%arg0: i32) -> (i32, i32) {
    %c0_i32 = arith.constant 0 : i32
    %c0_i32_0 = arith.constant 0 : i32
    %c0_i32_1 = arith.constant 0 : i32
    return %c0_i32, %c0_i32_0 : i32, i32
  }
  func.func @transform_12(%arg0: i32) -> (i32, i32) {
    %c0_i32 = arith.constant 0 : i32
    %c0_i32_0 = arith.constant 0 : i32
    %c0_i32_1 = arith.constant 0 : i32
    return %c0_i32, %c0_i32_0 : i32, i32
  }
  func.func @transform_13(%arg0: i32) -> (i32, i32, i32) {
    %c0_i32 = arith.constant 0 : i32
    %c0_i32_0 = arith.constant 0 : i32
    %c0_i32_1 = arith.constant 0 : i32
    return %c0_i32, %arg0, %c0_i32_0 : i32, i32, i32
  }
}

module attributes {stable_mosaic.version = 14 : i64} {
  func.func @_tc_fin_body(%arg0: i32, %arg1: memref<2x1000x128xf32, #tpu.memory_space<vmem>>, %arg2: memref<1000x1xf32, #tpu.memory_space<vmem>>, %arg3: memref<256x256xbf16, #tpu.memory_space<vmem>>, %arg4: memref<1x256xf32, #tpu.memory_space<vmem>>, %arg5: memref<1x256xf32, #tpu.memory_space<vmem>>, %arg6: memref<1x256xf32, #tpu.memory_space<vmem>>, %arg7: memref<256x512xbf16, #tpu.memory_space<vmem>>, %arg8: memref<1x512xf32, #tpu.memory_space<vmem>>, %arg9: memref<512x256xbf16, #tpu.memory_space<vmem>>, %arg10: memref<1x256xf32, #tpu.memory_space<vmem>>, %arg11: memref<8x1xi32, #tpu.memory_space<vmem>>, %arg12: memref<8x256xf32, #tpu.memory_space<vmem>>) attributes {dimension_semantics = [#tpu.dimension_semantics<arbitrary>], iteration_bounds = array<i64: 10>, scalar_prefetch = 0 : i64, scratch_operands = 0 : i64, tpu.core_type = #tpu.core_type<tc>, window_params = [{transform_indices = @transform_0, window_bounds = array<i64: 2, 1000, 128>}, {transform_indices = @transform_1, window_bounds = array<i64: 1000, 1>}, {pipeline_mode = #tpu.pipeline_mode<synchronous>, transform_indices = @transform_2, window_bounds = array<i64: 256, 256>}, {pipeline_mode = #tpu.pipeline_mode<synchronous>, transform_indices = @transform_3, window_bounds = array<i64: 1, 256>}, {pipeline_mode = #tpu.pipeline_mode<synchronous>, transform_indices = @transform_4, window_bounds = array<i64: 1, 256>}, {pipeline_mode = #tpu.pipeline_mode<synchronous>, transform_indices = @transform_5, window_bounds = array<i64: 1, 256>}, {pipeline_mode = #tpu.pipeline_mode<synchronous>, transform_indices = @transform_6, window_bounds = array<i64: 256, 512>}, {pipeline_mode = #tpu.pipeline_mode<synchronous>, transform_indices = @transform_7, window_bounds = array<i64: 1, 512>}, {pipeline_mode = #tpu.pipeline_mode<synchronous>, transform_indices = @transform_8, window_bounds = array<i64: 512, 256>}, {pipeline_mode = #tpu.pipeline_mode<synchronous>, transform_indices = @transform_9, window_bounds = array<i64: 1, 256>}, {pipeline_mode = #tpu.pipeline_mode<synchronous>, transform_indices = @transform_10, window_bounds = array<i64: 8, 1>}, {pipeline_mode = #tpu.pipeline_mode<synchronous>, transform_indices = @transform_11, window_bounds = array<i64: 8, 256>}]} {
    %get3A = arith.constant 0 : index
    %get3A_0 = arith.constant 0 : index
    %get3A_1 = arith.constant 0 : index
    %get3A_2 = vector.load %arg1[%get3A, %get3A_0, %get3A_1] : memref<2x1000x128xf32, #tpu.memory_space<vmem>>, vector<1x1000x128xf32>
    %get3A_3 = vector.shape_cast %get3A_2 : vector<1x1000x128xf32> to vector<1000x128xf32>
    %get3A_4 = arith.constant 1 : index
    %get3A_5 = arith.constant 0 : index
    %get3A_6 = arith.constant 0 : index
    %get3A_7 = vector.load %arg1[%get3A_4, %get3A_5, %get3A_6] : memref<2x1000x128xf32, #tpu.memory_space<vmem>>, vector<1x1000x128xf32>
    %get3A_8 = vector.shape_cast %get3A_7 : vector<1x1000x128xf32> to vector<1000x128xf32>
    %concatenate3A = tpu.concatenate %get3A_3, %get3A_8 in 1 : vector<1000x128xf32>, vector<1000x128xf32> -> vector<1000x256xf32>
    %get3A_9 = arith.constant 0 : index
    %get3A_10 = arith.constant 0 : index
    %get3A_11 = vector.load %arg2[%get3A_9, %get3A_10] : memref<1000x1xf32, #tpu.memory_space<vmem>>, vector<1000x1xf32>
    %max3A = arith.constant 1.000000e+00 : f32
    %max3A_12 = vector.broadcast %max3A : f32 to vector<1000x1xf32>
    %max3A_13 = arith.maximumf %get3A_11, %max3A_12 : vector<1000x1xf32>
    %rsqrt3A = math.rsqrt %max3A_13 : vector<1000x1xf32>
    %mul3A = vector.broadcast %rsqrt3A : vector<1000x1xf32> to vector<1000x256xf32>
    %mul3A_14 = arith.mulf %concatenate3A, %mul3A : vector<1000x256xf32>
    %convert_element_type3A = arith.truncf %mul3A_14 : vector<1000x256xf32> to vector<1000x256xbf16>
    %get3A_15 = arith.constant 0 : index
    %get3A_16 = arith.constant 0 : index
    %get3A_17 = vector.load %arg3[%get3A_15, %get3A_16] : memref<256x256xbf16, #tpu.memory_space<vmem>>, vector<256x256xbf16>
    %dot_general3A = arith.constant dense<0.000000e+00> : vector<1000x256xf32>
    %dot_general3A_18 = tpu.matmul %convert_element_type3A, %get3A_17, %dot_general3A {dimension_numbers = #tpu.dot_dimension_numbers<[1], [0], [0], [1], [0, 0, 1, 1], [], []>, transpose_lhs_hint = false} : vector<1000x256xbf16>, vector<256x256xbf16>, vector<1000x256xf32> -> vector<1000x256xf32>
    %get3A_19 = arith.constant 0 : index
    %get3A_20 = arith.constant 0 : index
    %get3A_21 = vector.load %arg4[%get3A_19, %get3A_20] : memref<1x256xf32, #tpu.memory_space<vmem>>, vector<1x256xf32>
    %add3A = vector.broadcast %get3A_21 : vector<1x256xf32> to vector<1000x256xf32>
    %add3A_22 = arith.addf %dot_general3A_18, %add3A : vector<1000x256xf32>
    %get3A_23 = arith.constant 0 : index
    %get3A_24 = arith.constant 0 : index
    %get3A_25 = vector.load %arg5[%get3A_23, %get3A_24] : memref<1x256xf32, #tpu.memory_space<vmem>>, vector<1x256xf32>
    %get3A_26 = arith.constant 0 : index
    %get3A_27 = arith.constant 0 : index
    %get3A_28 = vector.load %arg6[%get3A_26, %get3A_27] : memref<1x256xf32, #tpu.memory_space<vmem>>, vector<1x256xf32>
    %reduce_sum3A = arith.constant dense<0.000000e+00> : vector<1000xf32>
    %reduce_sum3A_29 = vector.multi_reduction <add>, %add3A_22, %reduce_sum3A [1] : vector<1000x256xf32> to vector<1000xf32>
    %broadcast_in_dim3A = vector.shape_cast %reduce_sum3A_29 : vector<1000xf32> to vector<1000x1xf32>
    %div3A = arith.constant 2.560000e+02 : f32
    %div3A_30 = vector.broadcast %div3A : f32 to vector<1000x1xf32>
    %div3A_31 = arith.divf %broadcast_in_dim3A, %div3A_30 : vector<1000x1xf32>
    %sub3A = vector.broadcast %div3A_31 : vector<1000x1xf32> to vector<1000x256xf32>
    %sub3A_32 = arith.subf %add3A_22, %sub3A : vector<1000x256xf32>
    %mul3A_33 = arith.mulf %sub3A_32, %sub3A_32 : vector<1000x256xf32>
    %reduce_sum3A_34 = arith.constant dense<0.000000e+00> : vector<1000xf32>
    %reduce_sum3A_35 = vector.multi_reduction <add>, %mul3A_33, %reduce_sum3A_34 [1] : vector<1000x256xf32> to vector<1000xf32>
    %broadcast_in_dim3A_36 = vector.shape_cast %reduce_sum3A_35 : vector<1000xf32> to vector<1000x1xf32>
    %div3A_37 = arith.constant 2.560000e+02 : f32
    %div3A_38 = vector.broadcast %div3A_37 : f32 to vector<1000x1xf32>
    %div3A_39 = arith.divf %broadcast_in_dim3A_36, %div3A_38 : vector<1000x1xf32>
    %add3A_40 = arith.constant 9.99999974E-6 : f32
    %add3A_41 = vector.broadcast %add3A_40 : f32 to vector<1000x1xf32>
    %add3A_42 = arith.addf %div3A_39, %add3A_41 : vector<1000x1xf32>
    %rsqrt3A_43 = math.rsqrt %add3A_42 : vector<1000x1xf32>
    %mul3A_44 = vector.broadcast %rsqrt3A_43 : vector<1000x1xf32> to vector<1000x256xf32>
    %mul3A_45 = arith.mulf %sub3A_32, %mul3A_44 : vector<1000x256xf32>
    %mul3A_46 = vector.broadcast %get3A_25 : vector<1x256xf32> to vector<1000x256xf32>
    %mul3A_47 = arith.mulf %mul3A_45, %mul3A_46 : vector<1000x256xf32>
    %add3A_48 = vector.broadcast %get3A_28 : vector<1x256xf32> to vector<1000x256xf32>
    %add3A_49 = arith.addf %mul3A_47, %add3A_48 : vector<1000x256xf32>
    %convert_element_type3A_50 = arith.truncf %add3A_49 : vector<1000x256xf32> to vector<1000x256xbf16>
    %get3A_51 = arith.constant 0 : index
    %get3A_52 = arith.constant 0 : index
    %get3A_53 = vector.load %arg7[%get3A_51, %get3A_52] : memref<256x512xbf16, #tpu.memory_space<vmem>>, vector<256x512xbf16>
    %dot_general3A_54 = arith.constant dense<0.000000e+00> : vector<1000x512xf32>
    %dot_general3A_55 = tpu.matmul %convert_element_type3A_50, %get3A_53, %dot_general3A_54 {dimension_numbers = #tpu.dot_dimension_numbers<[1], [0], [0], [1], [0, 0, 1, 1], [], []>, transpose_lhs_hint = false} : vector<1000x256xbf16>, vector<256x512xbf16>, vector<1000x512xf32> -> vector<1000x512xf32>
    %get3A_56 = arith.constant 0 : index
    %get3A_57 = arith.constant 0 : index
    %get3A_58 = vector.load %arg8[%get3A_56, %get3A_57] : memref<1x512xf32, #tpu.memory_space<vmem>>, vector<1x512xf32>
    %add3A_59 = vector.broadcast %get3A_58 : vector<1x512xf32> to vector<1000x512xf32>
    %add3A_60 = arith.addf %dot_general3A_55, %add3A_59 : vector<1000x512xf32>
    %max3A_61 = arith.constant 0.000000e+00 : f32
    %max3A_62 = vector.broadcast %max3A_61 : f32 to vector<1000x512xf32>
    %max3A_63 = arith.maximumf %add3A_60, %max3A_62 : vector<1000x512xf32>
    %convert_element_type3A_64 = arith.truncf %max3A_63 : vector<1000x512xf32> to vector<1000x512xbf16>
    %get3A_65 = arith.constant 0 : index
    %get3A_66 = arith.constant 0 : index
    %get3A_67 = vector.load %arg9[%get3A_65, %get3A_66] : memref<512x256xbf16, #tpu.memory_space<vmem>>, vector<512x256xbf16>
    %dot_general3A_68 = arith.constant dense<0.000000e+00> : vector<1000x256xf32>
    %dot_general3A_69 = tpu.matmul %convert_element_type3A_64, %get3A_67, %dot_general3A_68 {dimension_numbers = #tpu.dot_dimension_numbers<[1], [0], [0], [1], [0, 0, 1, 1], [], []>, transpose_lhs_hint = false} : vector<1000x512xbf16>, vector<512x256xbf16>, vector<1000x256xf32> -> vector<1000x256xf32>
    %get3A_70 = arith.constant 0 : index
    %get3A_71 = arith.constant 0 : index
    %get3A_72 = vector.load %arg10[%get3A_70, %get3A_71] : memref<1x256xf32, #tpu.memory_space<vmem>>, vector<1x256xf32>
    %add3A_73 = vector.broadcast %get3A_72 : vector<1x256xf32> to vector<1000x256xf32>
    %add3A_74 = arith.addf %dot_general3A_69, %add3A_73 : vector<1000x256xf32>
    %add3A_75 = arith.addf %add3A_74, %add3A_22 : vector<1000x256xf32>
    %iota3A = tpu.iota {dimensions = array<i32: 1>} : vector<8x1000xi32>
    %mul3A_76 = arith.constant 1000 : i32
    %mul3A_77 = arith.muli %arg0, %mul3A_76 : i32
    %add3A_78 = vector.broadcast %mul3A_77 : i32 to vector<8x1000xi32>
    %add3A_79 = arith.addi %iota3A, %add3A_78 : vector<8x1000xi32>
    %get3A_80 = arith.constant 0 : index
    %get3A_81 = arith.constant 0 : index
    %get3A_82 = vector.load %arg11[%get3A_80, %get3A_81] : memref<8x1xi32, #tpu.memory_space<vmem>>, vector<8x1xi32>
    %eq3A = vector.broadcast %get3A_82 : vector<8x1xi32> to vector<8x1000xi32>
    %eq3A_83 = arith.cmpi eq, %add3A_79, %eq3A : vector<8x1000xi32>
    %convert_element_type3A_84 = arith.extui %eq3A_83 : vector<8x1000xi1> to vector<8x1000xi32>
    %convert_element_type3A_85 = arith.sitofp %convert_element_type3A_84 : vector<8x1000xi32> to vector<8x1000xf32>
    %dot_general3A_86 = arith.constant dense<0.000000e+00> : vector<8x256xf32>
    %dot_general3A_87 = tpu.matmul %convert_element_type3A_85, %add3A_75, %dot_general3A_86 {dimension_numbers = #tpu.dot_dimension_numbers<[1], [0], [0], [1], [0, 0, 1, 1], [], []>, transpose_lhs_hint = false} : vector<8x1000xf32>, vector<1000x256xf32>, vector<8x256xf32> -> vector<8x256xf32>
    %eq3A_88 = arith.constant 0 : i32
    %eq3A_89 = arith.cmpi eq, %arg0, %eq3A_88 : i32
    %convert_element_type3A_90 = arith.extui %eq3A_89 : i1 to i32
    %cond3A = arith.constant 0 : i32
    %cond3A_91 = arith.cmpi ne, %convert_element_type3A_90, %cond3A : i32
    scf.if %cond3A_91 {
      %swap3A = arith.constant 0 : index
      %swap3A_96 = arith.constant 0 : index
      %swap3A_97 = vector.load %arg12[%swap3A, %swap3A_96] : memref<8x256xf32, #tpu.memory_space<vmem>>, vector<8x256xf32>
      tpu.vector_store %arg12[%swap3A, %swap3A_96], %dot_general3A_87 {strides = array<i32>} : memref<8x256xf32, #tpu.memory_space<vmem>>, vector<8x256xf32>,
    } else {
    }
    %gt3A = arith.constant 0 : i32
    %gt3A_92 = arith.cmpi sgt, %arg0, %gt3A : i32
    %convert_element_type3A_93 = arith.extui %gt3A_92 : i1 to i32
    %cond3A_94 = arith.constant 0 : i32
    %cond3A_95 = arith.cmpi ne, %convert_element_type3A_93, %cond3A_94 : i32
    scf.if %cond3A_95 {
      %get3A_96 = arith.constant 0 : index
      %get3A_97 = arith.constant 0 : index
      %get3A_98 = vector.load %arg12[%get3A_96, %get3A_97] : memref<8x256xf32, #tpu.memory_space<vmem>>, vector<8x256xf32>
      %add3A_99 = arith.addf %get3A_98, %dot_general3A_87 : vector<8x256xf32>
      %swap3A = arith.constant 0 : index
      %swap3A_100 = arith.constant 0 : index
      %swap3A_101 = vector.load %arg12[%swap3A, %swap3A_100] : memref<8x256xf32, #tpu.memory_space<vmem>>, vector<8x256xf32>
      tpu.vector_store %arg12[%swap3A, %swap3A_100], %add3A_99 {strides = array<i32>} : memref<8x256xf32, #tpu.memory_space<vmem>>, vector<8x256xf32>,
    } else {
    }
    return
  }
  func.func @transform_0(%arg0: i32) -> (i32, i32, i32) {
    %c0_i32 = arith.constant 0 : i32
    %c0_i32_0 = arith.constant 0 : i32
    %c0_i32_1 = arith.constant 0 : i32
    return %c0_i32, %arg0, %c0_i32_0 : i32, i32, i32
  }
  func.func @transform_1(%arg0: i32) -> (i32, i32) {
    %c0_i32 = arith.constant 0 : i32
    %c0_i32_0 = arith.constant 0 : i32
    return %arg0, %c0_i32 : i32, i32
  }
  func.func @transform_2(%arg0: i32) -> (i32, i32) {
    %c0_i32 = arith.constant 0 : i32
    %c0_i32_0 = arith.constant 0 : i32
    %c0_i32_1 = arith.constant 0 : i32
    return %c0_i32, %c0_i32_0 : i32, i32
  }
  func.func @transform_3(%arg0: i32) -> (i32, i32) {
    %c0_i32 = arith.constant 0 : i32
    %c0_i32_0 = arith.constant 0 : i32
    %c0_i32_1 = arith.constant 0 : i32
    return %c0_i32, %c0_i32_0 : i32, i32
  }
  func.func @transform_4(%arg0: i32) -> (i32, i32) {
    %c0_i32 = arith.constant 0 : i32
    %c0_i32_0 = arith.constant 0 : i32
    %c0_i32_1 = arith.constant 0 : i32
    return %c0_i32, %c0_i32_0 : i32, i32
  }
  func.func @transform_5(%arg0: i32) -> (i32, i32) {
    %c0_i32 = arith.constant 0 : i32
    %c0_i32_0 = arith.constant 0 : i32
    %c0_i32_1 = arith.constant 0 : i32
    return %c0_i32, %c0_i32_0 : i32, i32
  }
  func.func @transform_6(%arg0: i32) -> (i32, i32) {
    %c0_i32 = arith.constant 0 : i32
    %c0_i32_0 = arith.constant 0 : i32
    %c0_i32_1 = arith.constant 0 : i32
    return %c0_i32, %c0_i32_0 : i32, i32
  }
  func.func @transform_7(%arg0: i32) -> (i32, i32) {
    %c0_i32 = arith.constant 0 : i32
    %c0_i32_0 = arith.constant 0 : i32
    %c0_i32_1 = arith.constant 0 : i32
    return %c0_i32, %c0_i32_0 : i32, i32
  }
  func.func @transform_8(%arg0: i32) -> (i32, i32) {
    %c0_i32 = arith.constant 0 : i32
    %c0_i32_0 = arith.constant 0 : i32
    %c0_i32_1 = arith.constant 0 : i32
    return %c0_i32, %c0_i32_0 : i32, i32
  }
  func.func @transform_9(%arg0: i32) -> (i32, i32) {
    %c0_i32 = arith.constant 0 : i32
    %c0_i32_0 = arith.constant 0 : i32
    %c0_i32_1 = arith.constant 0 : i32
    return %c0_i32, %c0_i32_0 : i32, i32
  }
  func.func @transform_10(%arg0: i32) -> (i32, i32) {
    %c0_i32 = arith.constant 0 : i32
    %c0_i32_0 = arith.constant 0 : i32
    %c0_i32_1 = arith.constant 0 : i32
    return %c0_i32, %c0_i32_0 : i32, i32
  }
  func.func @transform_11(%arg0: i32) -> (i32, i32) {
    %c0_i32 = arith.constant 0 : i32
    %c0_i32_0 = arith.constant 0 : i32
    %c0_i32_1 = arith.constant 0 : i32
    return %c0_i32, %c0_i32_0 : i32, i32
  }
}

</mosaic_0001>

<sc_bundles>
// kernel: kernel.11.cloned.1.call-start
scs
__scs_entry_jumppad:
0x0: {  	(pc) =	sbr.rel $0x88, $3  }
0x1: {  	(tag) =	ssettag $0x0;
	lr =	simm.s32 $0x1  }
0x2: {  	[smem:$0x3F94] =	sst lr;
	_ =	strace $0xD0000000  }
0x3: {  	_ = 	snop  }
0x4: {  	_ = 	snop  }
0x5: {  	_ = 	snop  }
0x6: {  	_ = 	snop  }
0x7: {  	_ = 	snop  }
__scs_overlays_trampoline_lowered:
0x8: {  	[smem:$0x3FA3] =	sst s0  }
0x9: {  	[smem:$0x3FA4] =	sst s1  }
0xa: {  	[smem:$0x3FA5] =	sst s2  }
0xb: {  	[smem:$0x3FA6] =	sst s3  }
0xc: {  	[smem:$0x3FA7] =	sst s4  }
0xd: {  	[smem:$0x3FA8] =	sst s5  }
0xe: {  	[smem:$0x3FA9] =	sst s6  }
0xf: {  	[smem:$0x3FAA] =	sst s7  }
0x10: {  	[smem:$0x3FAB] =	sst s8  }
0x11: {  	[smem:$0x3FAC] =	sst s9;
	s0 =	simm.s32 @!p0 $0x0  }
0x12: {  	s1 =	sld [smem:$0x3F92];
	s0 =	simm.s32 @p0 $0x1  }
0x13: {  	[smem:$0x3FAD] =	sst s0;
	s0 =	simm.s32 @!p1 $0x0  }
0x14: {  	s2 =	sld [smem:$0x3F91];
	s0 =	simm.s32 @p1 $0x1  }
0x15: {  	[smem:$0x3FAE] =	sst s0;
	s0 =	simm.s32 @!p2 $0x0  }
0x16: {  	s3 =	sld [smem:$0x3FDB];
	s0 =	simm.s32 @p2 $0x1  }
0x17: {  	s4 =	simm.s32 $0x1BF5;
	[smem:$0x3FB0] =	sst s0  }
0x18: {  	s0 =	sld [smem:$0x3F93];
	_ =	swait.ge [sflag:s4], $0x0  }
0x19: {  	s7 =	sld [smem:$0x3F94]  }
0x1a: {  	s8 =	sadd.s32 $0xFFFFE003, lr  }
0x1b: {  	s9 =	sadd.s32 $0xFFFFFEF7, lr;
	s5 =	simm.s32 $0xFFFFFFFF;
	p2 =	slt.u32 s8, $0xFFFFF086  }
0x1c: {  	p1 =	slt.u32 s9, $0xF7A;
	s5 =	simm.s32 @!p2 $0x0  }
0x1d: {  	s5 =	simm.s32 @p1 $0x1;
	p0 =	seq.s32 s7, s2  }
0x1e: {  	s7 =	smul.u32 @!p0 $0xF7A, s2;
	p2 =	seq.s32 @!p0 s5, $0x0  }
0x1f: {  	s9 =	smul.u32 $0xF7A, s1;
	s8 =	simm.s32 @!p0 $0x1BF5;
	p2 =	por !p2, p0  }
0x20: {  	[sflag:s8] =	ssyncset.s32 @!p0 $0xFFFFF086;
	s6 =	sadd.s32 @!p0 s3, s7;
	s7 =	simm.s32 @!p0 $0x108  }
0x21: {  	s3 =	sadd.s32 s3, s9;
	s6 =	sadd.s32 @!p0 $0x88, s6;
	s7 =	simm.s32 @p2 $0x1082  }
0x22: {  	[simem:s7], [sflag:s8] =	dma.local @!p0 [hbm:s6], $0xF7A  }
0x23: {  	s9 =	sor.u32 $0xD0000000, s2;
	s6 =	simm.s32 $0x108;
	_ =	swait.ge @!p0 [sflag:s8], $0x0  }
0x24: {  	s3 =	sadd.s32 $0x88, s3;
	s6 =	simm.s32 @!p1 $0x1082;
	[sflag:s4] =	ssyncset.s32 $0xFFFFF086  }
0x25: {  	[simem:s6], [sflag:s4] =	dma.local [hbm:s3], $0xF7A  }
0x26: {  	[smem:$0x3F94] =	sst s1;
	(tag) =	ssettag s2;
	_ =	strace s9  }
0x27: {  	s1 =	sld [smem:$0x3FA4]  }
0x28: {  	s2 =	sld [smem:$0x3FA5]  }
0x29: {  	s4 =	sld [smem:$0x3FA7]  }
0x2a: {  	p0 =	seq.s32 s5, $0x0;
	s5 =	sld [smem:$0x3FA8]  }
0x2b: {  	s6 =	sld [smem:$0x3FA9]  }
0x2c: {  	s7 =	sld [smem:$0x3FAA]  }
0x2d: {  	s3 =	simm.s32 $0x108;
	s8 =	sld [smem:$0x3FAB]  }
0x2e: {  	s3 =	simm.s32 @!p0 $0x1082;
	s9 =	sld [smem:$0x3FAC]  }
0x2f: {  	lr =	sadd.s32 s0, s3;
	s0 =	sld [smem:$0x3FA3]  }
0x30: {  	s3 =	sld [smem:$0x3FA6]  }
0x31: {  	[smem:$0x3FAF] =	sst s10  }
0x32: {  	s10 =	sld [smem:$0x3FAD];
	_ =	sdelay $0x3  }
0x33: {  	p0 =	seq.s32 s10, $0x1;
	s10 =	sld [smem:$0x3FAF];
	_ =	sdelay $0x3  }
0x34: {  	[smem:$0x3FAF] =	sst s10  }
0x35: {  	s10 =	sld [smem:$0x3FAE];
	_ =	sdelay $0x3  }
0x36: {  	p1 =	seq.s32 s10, $0x1;
	s10 =	sld [smem:$0x3FAF];
	_ =	sdelay $0x3  }
0x37: {  	[smem:$0x3FAF] =	sst s10  }
0x38: {  	s10 =	sld [smem:$0x3FB0]  }
0x39: {  	_ = 	snop;
	(pc) =	sbr.ind lr, $3  }
0x3a: {  	_ = 	snop  }
0x3b: {  	_ = 	snop  }
0x3c: {  	p2 =	seq.s32 s10, $0x1;
	s10 =	sld [smem:$0x3FAF]  }
0x3d: {  	_ =	shalt  }
0x3e: {  	_ =	shalt  }
0x3f: {  	_ =	shalt  }
0x40: {  	_ =	shalt  }
0x41: {  	_ =	shalt  }
0x42: {  	_ =	shalt  }
0x43: {  	_ =	shalt  }
0x44: {  	_ =	shalt  }
0x45: {  	_ =	shalt  }
0x46: {  	_ =	shalt  }
0x47: {  	_ =	shalt  }
0x48: {  	_ =	shalt  }
0x49: {  	_ =	shalt  }
0x4a: {  	_ =	shalt  }
0x4b: {  	_ =	shalt  }
0x4c: {  	_ =	shalt  }
0x4d: {  	_ =	shalt  }
0x4e: {  	_ =	shalt  }
0x4f: {  	_ =	shalt  }
0x50: {  	_ =	shalt  }
0x51: {  	_ =	shalt  }
0x52: {  	_ =	shalt  }
0x53: {  	_ =	shalt  }
0x54: {  	_ =	shalt  }
0x55: {  	_ =	shalt  }
0x56: {  	_ =	shalt  }
0x57: {  	_ =	shalt  }
0x58: {  	_ =	shalt  }
0x59: {  	_ =	shalt  }
0x5a: {  	_ =	shalt  }
0x5b: {  	_ =	shalt  }
0x5c: {  	_ =	shalt  }
0x5d: {  	_ =	shalt  }
0x5e: {  	_ =	shalt  }
0x5f: {  	_ =	shalt  }
0x60: {  	_ =	shalt  }
0x61: {  	_ =	shalt  }
0x62: {  	_ =	shalt  }
0x63: {  	_ =	shalt  }
0x64: {  	_ =	shalt  }
0x65: {  	_ =	shalt  }
0x66: {  	_ =	shalt  }
0x67: {  	_ =	shalt  }
0x68: {  	_ =	shalt  }
0x69: {  	_ =	shalt  }
0x6a: {  	_ =	shalt  }
0x6b: {  	_ =	shalt  }
0x6c: {  	_ =	shalt  }
0x6d: {  	_ =	shalt  }
0x6e: {  	_ =	shalt  }
0x6f: {  	_ =	shalt  }
0x70: {  	_ =	shalt  }
0x71: {  	_ =	shalt  }
0x72: {  	_ =	shalt  }
0x73: {  	_ =	shalt  }
0x74: {  	_ =	shalt  }
0x75: {  	_ =	shalt  }
0x76: {  	_ =	shalt  }
0x77: {  	_ =	shalt  }
0x78: {  	_ =	shalt  }
0x79: {  	_ =	shalt  }
0x7a: {  	_ =	shalt  }
0x7b: {  	_ =	shalt  }
0x7c: {  	_ =	shalt  }
0x7d: {  	_ =	shalt  }
0x7e: {  	_ =	shalt  }
0x7f: {  	_ =	shalt  }
0x80: {  	_ =	shalt  }
0x81: {  	_ =	shalt  }
0x82: {  	_ =	shalt  }
0x83: {  	_ =	shalt  }
0x84: {  	_ =	shalt  }
0x85: {  	_ =	shalt  }
0x86: {  	_ =	shalt  }
0x87: {  	_ =	shalt  }
.Lfunc_end0:
.L_simem_size_0:
called_computation.1_lowered:
.L_overlay_start_0:
0x88: {  	s2 =	sld [smem:$0x3FD9]  }
0x89: {  	s3 =	sld [smem:$0x3FFE];
	_ =	sdelay $0x1  }
0x8a: {  	s1 =	srdreg.scid  }
0x8b: {  	s0 =	sand.u32 $0x1, s1  }
0x8c: {  	s16 =	sshll.u32 s0, $0xA;
	s2 =	sadd.s32 s3, s2  }
0x8d: {  	s2 =	sadd.s32 s2, s16  }
0x8e: {  	[smem:$0x3FBB] =	sst s2  }
0x8f: {  	_ = 	snop  }
0x90: {  	(tm) =	ssettm $0x1  }
0x91: {  	s17 =	sld [smem:$0x3FFB];
	_ =	sdelay $0x3  }
0x92: {  	_ =	strace s17  }
0x93: {  	s2 =	sld [smem:$0x3FFC];
	_ =	sdelay $0x3  }
0x94: {  	_ =	strace s2  }
0x95: {  	s2 =	sld [smem:$0x3FFD];
	_ =	sdelay $0x3  }
0x96: {  	_ =	strace s2  }
0x97: {  	_ =	strace $0x8FFFFFFF  }
0x98: {  	s18 =	sld [smem:$0x3FDB];
	_ =	sdelay $0x1  }
0x99: {  	s19 =	simm.s32 $_scs_section_size  }
0x9a: {  	s4 =	simm.s32 $_size__tile_overlayer_lowered;
	s5 =	simm.s32 $_tile_overlayer_lowered  }
0x9b: {  	s22 =	simm.s32 $0x1BFF;
	s21 =	sshll.u32 s5, $0x1;
	s2 =	sadd.s32 s19, s18  }
0x9c: {  	s6 =	simm.s32 $0x0;
	s20 =	sshll.u32 s4, $0x1;
	s4 =	sadd.s32 s21, s2  }
0x9d: {  	[timem:s6], [sflag:s22] =	dma.local [hbm:s4], s20  }
0x9e: {  	_ =	swait.ge [sflag:s22], s20  }
0x9f: {  	s3 =	ssub.s32 $0x0, s20;
	[sflag:s22] =	ssyncset.done $0x0  }
0xa0: {  	[sflag:s22] =	ssyncadd.s32 s3;
	_ =	sdelay $0x1  }
0xa1: {  	s23 =	simm.s32 $0x1B8B  }
0xa2: {  	_ =	swait.ge [sflag:s23], $0x1  }
0xa3: {  	[sflag:s23] =	ssyncset.done $0x0  }
0xa4: {  	s25 =	simm.s32 $0x1B8E;
	s24 =	sld [smem:$0x3FFE];
	[sflag:s23] =	ssyncadd.s32 $0xFFFFFFFF  }
0xa5: {  	s26 =	simm.s32 $execute0_lowered;
	[smem:$0x3FD2] =	sst s25  }
0xa6: {  	s4 =	sshll.u32 s26, $0x1;
	_ =	strace $0x80000049;
	[dreg:$0x1] =	wrdreg $0xFFFFFFFF  }
0xa7: {  	s28 =	simm.s32 $_size_execute0_lowered;
	s2 =	sadd.s32 s2, s4;
	[dreg:$0x0] =	wrdreg $0x0  }
0xa8: {  	s4 =	sshll.u32 s28, $0x1;
	[dreg:$0x2] =	wrdreg s2  }
0xa9: {  	[dreg:$0x3] =	wrdreg s4  }
0xaa: {  	[dreg:$0x4] =	wrdreg $0xC0  }
0xab: {  	_ =	task [dreg:s6], $0x5FFFF  }
0xac: {  	[dreg:$0x1] =	wrdreg $0xFFFFFFFF  }
0xad: {  	[dreg:$0x0] =	wrdreg $0x60  }
0xae: {  	[dreg:$0x2] =	wrdreg s24  }
0xaf: {  	[dreg:$0x3] =	wrdreg $0xA1000  }
0xb0: {  	[dreg:$0x4] =	wrdreg $0x9  }
0xb1: {  	_ =	task.clear_ibuf [dreg:s6], $0x5FFFF;
	_ =	strace $0x90000049  }
0xb2: {  	s29 =	simm.s32 $0x9;
	_ =	strace $0x8000004B  }
0xb3: {  	_ =	swait.ge [sflag:s29], $0x1  }
0xb4: {  	[sflag:s29] =	ssyncadd.s32 $0xFFFFFFFF  }
0xb5: {  	_ =	strace $0x9000004B  }
0xb6: {  	_ =	sfence  }
0xb7: {  	s30 =	sld [smem:$0x0];
	_ =	sdelay $0x2  }
0xb8: {  	s31 =	sshll.u32 s1, $0xD;
	s1 =	sshrl.u32 s1, $0x2  }
0xb9: {  	s3 =	sand.u32 $0x4000, s31;
	s1 =	sadd.s32 s1, s30  }
0xba: {  	s0 =	sor.u32 s3, s0;
	s1 =	sshll.u32 s1, $0x11  }
0xbb: {  	s0 =	sor.u32 s1, s0  }
0xbc: {  	s0 =	sadd.s32 $0x8F2B, s0  }
0xbd: {  	[sflag:s0] =	ssyncadd.remote.s32 $0x1  }
0xbe: {  	_ =	sfence.sel $0xFFFF  }
0xbf: {  	[dreg:$0x0] =	wrdreg $0xFFFFFFFF;
	(pc) =	sbr.abs _section_cstart, $3  }
0xc0: {  	[dreg:$0x1] =	wrdreg $0xFFFFFFFF  }
0xc1: {  	_ =	task.clear_ibuf [dreg:s6], $0x2FFFF;
	_ =	strace $0x9FFFFFFF  }
0xc2: {  	(tm) =	ssettm $0x7FFFFFFF  }
0xc3: {  	_ =	shalt  }
tec
execute0_lowered:
.L_overlay_start_1:
0x0: {  	(tag) =	ssettag $0x1  }
0x1: {  	s0 =	rddreg [dreg:$0x0]  }
0x2: {  	s1 =	rddreg [dreg:$0x1]  }
0x3: {  	s2 =	simm.s32 $0x0;
	s3 =	srdreg.scid;
	s5 =	stileid.u32  }
0x4: {  	s31 =	simm.s32 $0xA;
	s28 =	simm.s32 $0x3;
	s29 =	simm.s32 $0x9  }
0x5: {  	s30 =	simm.s32 $0x5;
	[smem:$0x7FF] =	sst s2;
	s7 =	smul.u32 $0x4E000, s5  }
0x6: {  	s6 =	sand.u32 $0x1, s3;
	s3 =	sadd.s32 $0xD200, s0;
	s10 =	smul.u32 $0x2710, s5  }
0x7: {  	s8 =	sadd.s32 $0x3400, s0;
	s0 =	sadd.s32 $0x5B400, s0;
	s4 =	ssub.s32 $0x2, s6  }
0x8: {  	s9 =	sshrl.u32 s4, $0x1;
	s13 =	sshrl.u32 s7, $0x2;
	s15 =	sshrl.u32 s10, $0x3  }
0x9: {  	s14 =	ssub.s32 s4, s9;
	s4 =	sadd.s32 s13, s1;
	s9 =	sadd.s32 s8, s15  }
0xa: {  	_ =	strace $0x8000004A;
	s11 =	sadd.s32 $0x5000, s4;
	[dreg:$0x3] =	wrdreg s9  }
0xb: {  	s17 =	smul.u32 $0x270, s5;
	s18 =	sadd.s32 $0x7800, s4;
	[dreg:$0x4] =	wrdreg s11  }
0xc: {  	s25 =	smul.u32 $0x4E2, s5;
	s19 =	sadd.s32 $0xA000, s4;
	[dreg:$0x5] =	wrdreg s18  }
0xd: {  	p0 =	sne.s32 s5, $0x0;
	s20 =	sadd.s32 $0xC800, s4;
	[dreg:$0x6] =	wrdreg s19  }
0xe: {  	s16 =	smul.u32 $0x2710, s6;
	s21 =	sadd.s32 $0xF000, s4;
	[dreg:$0x7] =	wrdreg s20  }
0xf: {  	s5 =	simm.s32 $0x6;
	s22 =	sadd.s32 $0x4E20, s9;
	[dreg:$0x8] =	wrdreg s21  }
0x10: {  	s7 =	sadd.s32 s17, s16;
	s23 =	sadd.s32 $0x4E2A, s9;
	[dreg:$0x9] =	wrdreg s22  }
0x11: {  	s7 =	sshll.u32 s7, $0x4;
	[dreg:$0xa] =	wrdreg s23;
	s21 =	smax.u32 s14, $0x1  }
0x12: {  	s6 =	smul.u32 $0x138800, s6;
	s24 =	sadd.s32 s0, s7;
	[dreg:$0x12] =	wrdreg s21  }
0x13: {  	s20 =	sadd.s32 s25, s8;
	s25 =	sadd.s32 $0x4E3E, s9;
	[dreg:$0xb] =	wrdreg s24  }
0x14: {  	s13 =	sadd.s32 $0x138000, s1;
	s15 =	sadd.s32 $0x500, s24;
	[dreg:$0x16] =	wrdreg s25  }
0x15: {  	s6 =	sshrl.u32 s6, $0x3;
	s26 =	sadd.s32 $0xA00, s24;
	[dreg:$0xc] =	wrdreg s15  }
0x16: {  	v0 =	vmov s16;
	s16 =	simm.s32 $0x0;
	s17 =	sadd.s32 $0xF00, s24;
	[dreg:$0xd] =	wrdreg s26  }
0x17: {  	s10 =	sadd.s32 $0x2800, s4;
	s18 =	sadd.s32 $0x1400, s24;
	[dreg:$0xe] =	wrdreg s17  }
0x18: {  	s0 =	sadd.s32 s0, s6;
	s19 =	sadd.s32 $0x1900, s24;
	[dreg:$0xf] =	wrdreg s18  }
0x19: {  	s12 =	sadd.s32 $0x11800, s4;
	s0 =	sadd.s32 $0x27000, s0;
	[dreg:$0x10] =	wrdreg s19  }
0x1a: {  	s14 =	simm.s32 $0x2780;
	s22 =	sadd.s32 $0x1E00, s24;
	[dreg:$0x11] =	wrdreg s0  }
0x1b: {  	s23 =	sadd.s32 $0x2300, s24;
	s24 =	sadd.s32 $0x4E34, s9;
	[dreg:$0x13] =	wrdreg s22  }
0x1c: {  	s21 =	simm.s32 $0x7;
	s25 =	simm.s32 $0x8;
	[dreg:$0x14] =	wrdreg s23  }
0x1d: {  	[dreg:$0x15] =	wrdreg s24;
	s26 =	sadd.s32 $0x4E48, s9;
	s0 =	simm.s32 $0x2900  }
0x1e: {  	s15 =	simm.s32 $0x50;
	s17 =	simm.s32 $0x2800;
	s18 =	simm.s32 $0x5100  }
0x1f: {  	s19 =	simm.s32 $0x1;
	s22 =	simm.s32 $0x2880;
	s23 =	simm.s32 $0x7900  }
0x20: {  	v1 =	vimm.f32 $0.0e+00;
	s24 =	simm.s32 $0x2;
	[dreg:$0x17] =	wrdreg s26;
	s26 =	simm.s32 $0x4  }
.LBB2_1:
0x21: {  	s6 =	rddreg [dreg:$0x3]  }
0x22: {  	[tilespmem:s2], [sflag:$0xA] =	stream.linear.gather [hbm4b:s6+s2], $0x2710, $0x38;
	[tilespmem:$0x1D980] =	vst v63  }
0x23: {  	_ =	swait.ge [sflag:s31], $0x2710  }
0x24: {  	[sflag:s31] =	ssyncset.done $0x0  }
0x25: {  	s7 =	simm.s32 $0x0;
	s6 =	simm.s32 $0x40;
	[sflag:s31] =	ssyncadd.s32 $0xFFFFD8F0  }
.LBB2_2:
0x26: {  	p1 =	sne.s32 s6, $0x9C00;
	v2 =	vld [tilespmem:s7+$0x0];
	_ =	sdelay $0x1  }
.Ltmp0:
0x27: {  	(pc) =	sbr.rel @p1 .LBB2_2-.Ltmp0, $3  }
0x28: {  	_ =	sdelay $0x1  }
0x29: {  	v2 =	vadd.s32 v0, v2  }
0x2a: {  	[tilespmem:s7+$0x0] =	vst v2;
	s7 =	sshra.s32 s6, $0x2;
	s6 =	sadd.s32 $0x40, s6  }
0x2b: {  	v2 =	vld [tilespmem:s7+$0x0];
	_ =	sdelay $0x2  }
0x2c: {  	s6 =	simm.s32 $0x0  }
0x2d: {  	s8 =	sand.u32 $0xFE00, s6  }
0x2e: {  	s9 =	sand.u32 $0x70, s6;
	s8 =	sshrl.u32 s8, $0x2;
	v2 =	vadd.s32 v0, v2  }
0x2f: {  	s8 =	sor.u32 s9, s8;
	[tilespmem:s7+$0x0] =	vst v2;
	s7 =	simm.s32 $0x40  }
.LBB2_4:
0x30: {  	p1 =	sne.s32 s7, $0x9FC0  }
0x31: {  	[tilespmem:s8+$0x2900] =	vst v1;
	s6 =	sadd.s32 $0x10, s6;
	s8 =	smov.u32 s7;
	s7 =	sadd.s32 $0x40, s7  }
.Ltmp1:
0x32: {  	(pc) =	sbr.rel @p1 .LBB2_4-.Ltmp1, $4  }
0x33: {  	_ = 	snop  }
0x34: {  	s8 =	sand.u32 $0xFE00, s8  }
0x35: {  	s9 =	sand.u32 $0x70, s6;
	s8 =	sshrl.u32 s8, $0x2  }
0x36: {  	s8 =	sor.u32 s9, s8  }
0x37: {  	[tilespmem:s8+$0x2900] =	vst v1  }
0x38: {  	[spmem:s4] =	stream.linear.scatter [tilespmem:s0], [sflag:$0xA], $0x2800, $0x38;
	[tilespmem:$0x1D980] =	vst v63  }
0x39: {  	_ =	swait.ge [sflag:s31], $0x2800  }
0x3a: {  	[sflag:s31] =	ssyncset.done $0x0  }
0x3b: {  	[sflag:s31] =	ssyncadd.s32 $0xFFFFD800  }
0x3c: {  	[spmem:s10] =	stream.linear.scatter [tilespmem:s0], [sflag:$0xA], $0x2800, $0x38;
	[tilespmem:$0x1D980] =	vst v63  }
0x3d: {  	_ =	swait.ge [sflag:s31], $0x2800  }
0x3e: {  	[sflag:s31] =	ssyncset.done $0x0  }
0x3f: {  	s6 =	rddreg [dreg:$0x4];
	[sflag:s31] =	ssyncadd.s32 $0xFFFFD800  }
0x40: {  	[spmem:s6] =	stream.linear.scatter [tilespmem:s0], [sflag:$0xA], $0x2800, $0x38;
	[tilespmem:$0x1D980] =	vst v63  }
0x41: {  	_ =	swait.ge [sflag:s31], $0x2800  }
0x42: {  	[sflag:s31] =	ssyncset.done $0x0  }
0x43: {  	s9 =	rddreg [dreg:$0x5];
	[sflag:s31] =	ssyncadd.s32 $0xFFFFD800  }
0x44: {  	[spmem:s9] =	stream.linear.scatter [tilespmem:s0], [sflag:$0xA], $0x2800, $0x38;
	[tilespmem:$0x1D980] =	vst v63  }
0x45: {  	_ =	swait.ge [sflag:s31], $0x2800  }
0x46: {  	[sflag:s31] =	ssyncset.done $0x0  }
0x47: {  	s11 =	smov.u32 s10;
	s10 =	rddreg [dreg:$0x6];
	[sflag:s31] =	ssyncadd.s32 $0xFFFFD800  }
0x48: {  	[spmem:s10] =	stream.linear.scatter [tilespmem:s0], [sflag:$0xA], $0x2800, $0x38;
	[tilespmem:$0x1D980] =	vst v63  }
0x49: {  	_ =	swait.ge [sflag:s31], $0x2800  }
0x4a: {  	[sflag:s31] =	ssyncset.done $0x0  }
0x4b: {  	s7 =	rddreg [dreg:$0x7];
	[sflag:s31] =	ssyncadd.s32 $0xFFFFD800  }
0x4c: {  	[spmem:s7] =	stream.linear.scatter [tilespmem:s0], [sflag:$0xA], $0x2800, $0x38;
	[tilespmem:$0x1D980] =	vst v63  }
0x4d: {  	_ =	swait.ge [sflag:s31], $0x2800  }
0x4e: {  	[sflag:s31] =	ssyncset.done $0x0  }
0x4f: {  	s8 =	rddreg [dreg:$0x8];
	[sflag:s31] =	ssyncadd.s32 $0xFFFFD800  }
0x50: {  	[spmem:s8] =	stream.linear.scatter [tilespmem:s0], [sflag:$0xA], $0x2800, $0x38;
	[tilespmem:$0x1D980] =	vst v63  }
0x51: {  	_ =	swait.ge [sflag:s31], $0x2800  }
0x52: {  	[sflag:s31] =	ssyncset.done $0x0  }
0x53: {  	[sflag:s31] =	ssyncadd.s32 $0xFFFFD800  }
0x54: {  	[spmem:s12] =	stream.linear.scatter [tilespmem:s0], [sflag:$0xA], $0x2000, $0x38;
	[tilespmem:$0x1D980] =	vst v63  }
0x55: {  	_ =	swait.ge [sflag:s31], $0x2000  }
0x56: {  	[sflag:s31] =	ssyncset.done $0x0  }
0x57: {  	s6 =	simm.s32 @!p0 $0x2900;
	[sflag:s31] =	ssyncadd.s32 $0xFFFFE000  }
0x58: {  	[spmem:s13] =	stream.linear.scatter @!p0 [tilespmem:s6], [sflag:$0xA], $0x800, $0x38;
	[tilespmem:$0x1D980] =	vst v63  }
0x59: {  	s6 =	simm.s32 @!p0 $0xA  }
0x5a: {  	_ =	swait.ge @!p0 [sflag:s6], $0x800  }
0x5b: {  	[sflag:s6] =	ssyncset.done @!p0 $0x0  }
0x5c: {  	[sflag:s6] =	ssyncadd.s32 @!p0 $0xFFFFF800  }
0x5d: {  	[bflag:$0x0] =	sbarrier.arrive $0xFFFF  }
0x5e: {  	s6 =	simm.s32 $0x0;
	s7 =	rddreg [dreg:$0x9]  }
0x5f: {  	[tilespmem:s14], [sflag:$0x7] =	stream.linear.gather [hbm4b:s7+s6], $0x50, $0x38;
	[tilespmem:$0x1D980] =	vst v63  }
0x60: {  	_ = 	snop  }
0x61: {  	[tilespmem:s0], [sflag:$0x1] =	stream.indirect.gather [hbm4b:s3+s15], $0x80, s6, s15, $0xb8;
	[tilespmem:$0x1D980] =	vst v63  }
0x62: {  	s9 =	rddreg [dreg:$0xa]  }
0x63: {  	[tilespmem:s17], [sflag:$0x8] =	stream.linear.gather [hbm4b:s9+s6], $0x50, $0x38;
	[tilespmem:$0x1D980] =	vst v63  }
0x64: {  	_ = 	snop  }
0x65: {  	[tilespmem:s18], [sflag:$0x2] =	stream.indirect.gather [hbm4b:s3+s15], $0x80, s15, s15, $0xb8;
	[tilespmem:$0x1D980] =	vst v63  }
0x66: {  	_ =	swait.ge [sflag:s19], $0x2800  }
0x67: {  	[sflag:s19] =	ssyncset.done $0x0  }
0x68: {  	[sflag:s19] =	ssyncadd.s32 $0xFFFFD800  }
0x69: {  	_ =	swait.ge [sflag:s21], $0x50  }
0x6a: {  	[sflag:s21] =	ssyncset.done $0x0  }
0x6b: {  	[sflag:s21] =	ssyncadd.s32 $0xFFFFFFB0  }
0x6c: {  	[spmem:s1] =	stream.indirect.scatter.add.f32 [tilespmem:s0], [sflag:$0x4], $0x80, s14, s15, $0xb8;
	[tilespmem:$0x1D980] =	vst v63  }
0x6d: {  	s10 =	rddreg [dreg:$0x15]  }
0x6e: {  	[tilespmem:s22], [sflag:$0x9] =	stream.linear.gather [hbm4b:s10+s6], $0x50, $0x38;
	[tilespmem:$0x1D980] =	vst v63  }
0x6f: {  	s8 =	simm.s32 $0xA0  }
0x70: {  	[tilespmem:s23], [sflag:$0x3] =	stream.indirect.gather [hbm4b:s3+s15], $0x80, s8, s15, $0xb8;
	[tilespmem:$0x1D980] =	vst v63  }
0x71: {  	_ =	swait.ge [sflag:s24], $0x2800  }
0x72: {  	[sflag:s24] =	ssyncset.done $0x0  }
0x73: {  	[sflag:s24] =	ssyncadd.s32 $0xFFFFD800  }
0x74: {  	_ =	swait.ge [sflag:s25], $0x50  }
0x75: {  	[sflag:s25] =	ssyncset.done $0x0  }
0x76: {  	[sflag:s25] =	ssyncadd.s32 $0xFFFFFFB0  }
0x77: {  	[spmem:s1] =	stream.indirect.scatter.add.f32 [tilespmem:s18], [sflag:$0x5], $0x80, s17, s15, $0xb8;
	[tilespmem:$0x1D980] =	vst v63  }
0x78: {  	_ =	swait.ge [sflag:s26], $0x2800  }
0x79: {  	[sflag:s26] =	ssyncset.done $0x0  }
0x7a: {  	s9 =	rddreg [dreg:$0x16];
	[sflag:s26] =	ssyncadd.s32 $0xFFFFD800  }
0x7b: {  	[tilespmem:s14], [sflag:$0x7] =	stream.linear.gather [hbm4b:s9+s6], $0x50, $0x38;
	[tilespmem:$0x1D980] =	vst v63  }
0x7c: {  	s10 =	simm.s32 $0xF0  }
0x7d: {  	[tilespmem:s0], [sflag:$0x1] =	stream.indirect.gather [hbm4b:s3+s15], $0x80, s10, s15, $0xb8;
	[tilespmem:$0x1D980] =	vst v63  }
0x7e: {  	_ =	swait.ge [sflag:s28], $0x2800  }
0x7f: {  	[sflag:s28] =	ssyncset.done $0x0  }
0x80: {  	[sflag:s28] =	ssyncadd.s32 $0xFFFFD800  }
0x81: {  	_ =	swait.ge [sflag:s29], $0x50  }
0x82: {  	[sflag:s29] =	ssyncset.done $0x0  }
0x83: {  	[sflag:s29] =	ssyncadd.s32 $0xFFFFFFB0  }
0x84: {  	[spmem:s1] =	stream.indirect.scatter.add.f32 [tilespmem:s23], [sflag:$0x6], $0x80, s22, s15, $0xb8;
	[tilespmem:$0x1D980] =	vst v63  }
0x85: {  	_ =	swait.ge [sflag:s30], $0x2800  }
0x86: {  	[sflag:s30] =	ssyncset.done $0x0  }
0x87: {  	s8 =	rddreg [dreg:$0x17];
	[sflag:s30] =	ssyncadd.s32 $0xFFFFD800  }
0x88: {  	[tilespmem:s17], [sflag:$0x8] =	stream.linear.gather [hbm4b:s8+s6], $0x50, $0x38;
	[tilespmem:$0x1D980] =	vst v63  }
0x89: {  	s9 =	simm.s32 $0x140  }
0x8a: {  	[tilespmem:s18], [sflag:$0x2] =	stream.indirect.gather [hbm4b:s3+s15], $0x80, s9, s15, $0xb8;
	[tilespmem:$0x1D980] =	vst v63  }
0x8b: {  	_ =	swait.ge [sflag:s19], $0x2800  }
0x8c: {  	[sflag:s19] =	ssyncset.done $0x0  }
0x8d: {  	[sflag:s19] =	ssyncadd.s32 $0xFFFFD800  }
0x8e: {  	_ =	swait.ge [sflag:s21], $0x50  }
0x8f: {  	[sflag:s21] =	ssyncset.done $0x0  }
0x90: {  	[sflag:s21] =	ssyncadd.s32 $0xFFFFFFB0  }
0x91: {  	[spmem:s1] =	stream.indirect.scatter.add.f32 [tilespmem:s0], [sflag:$0x4], $0x80, s14, s15, $0xb8;
	[tilespmem:$0x1D980] =	vst v63  }
0x92: {  	_ =	swait.ge [sflag:s5], $0x2800  }
0x93: {  	s6 =	sadd.s32 $0x0, s20;
	[sflag:s5] =	ssyncset.done $0x0  }
0x94: {  	s10 =	sadd.s32 $0x4E52, s6;
	[sflag:s5] =	ssyncadd.s32 $0xFFFFD800  }
0x95: {  	[tilespmem:s22], [sflag:$0x9] =	stream.linear.gather [hbm4b:s10+s2], $0x50, $0x38;
	[tilespmem:$0x1D980] =	vst v63  }
0x96: {  	s8 =	simm.s32 $0x190  }
0x97: {  	[tilespmem:s23], [sflag:$0x3] =	stream.indirect.gather [hbm4b:s3+s15], $0x80, s8, s15, $0xb8;
	[tilespmem:$0x1D980] =	vst v63  }
0x98: {  	_ =	swait.ge [sflag:s24], $0x2800  }
0x99: {  	[sflag:s24] =	ssyncset.done $0x0  }
0x9a: {  	[sflag:s24] =	ssyncadd.s32 $0xFFFFD800  }
0x9b: {  	_ =	swait.ge [sflag:s25], $0x50  }
0x9c: {  	[sflag:s25] =	ssyncset.done $0x0  }
0x9d: {  	[sflag:s25] =	ssyncadd.s32 $0xFFFFFFB0  }
0x9e: {  	[spmem:s1] =	stream.indirect.scatter.add.f32 [tilespmem:s18], [sflag:$0x5], $0x80, s17, s15, $0xb8;
	[tilespmem:$0x1D980] =	vst v63  }
0x9f: {  	_ =	swait.ge [sflag:s26], $0x2800  }
0xa0: {  	[sflag:s26] =	ssyncset.done $0x0  }
0xa1: {  	s9 =	sadd.s32 $0x4E5C, s6;
	[sflag:s26] =	ssyncadd.s32 $0xFFFFD800  }
0xa2: {  	[tilespmem:s14], [sflag:$0x7] =	stream.linear.gather [hbm4b:s9+s2], $0x50, $0x38;
	[tilespmem:$0x1D980] =	vst v63  }
0xa3: {  	s10 =	simm.s32 $0x1E0  }
0xa4: {  	[tilespmem:s0], [sflag:$0x1] =	stream.indirect.gather [hbm4b:s3+s15], $0x80, s10, s15, $0xb8;
	[tilespmem:$0x1D980] =	vst v63  }
0xa5: {  	_ =	swait.ge [sflag:s28], $0x2800  }
0xa6: {  	[sflag:s28] =	ssyncset.done $0x0  }
0xa7: {  	[sflag:s28] =	ssyncadd.s32 $0xFFFFD800  }
0xa8: {  	_ =	swait.ge [sflag:s29], $0x50  }
0xa9: {  	[sflag:s29] =	ssyncset.done $0x0  }
0xaa: {  	[sflag:s29] =	ssyncadd.s32 $0xFFFFFFB0  }
0xab: {  	[spmem:s1] =	stream.indirect.scatter.add.f32 [tilespmem:s23], [sflag:$0x6], $0x80, s22, s15, $0xb8;
	[tilespmem:$0x1D980] =	vst v63  }
0xac: {  	_ =	swait.ge [sflag:s30], $0x2800  }
0xad: {  	[sflag:s30] =	ssyncset.done $0x0  }
0xae: {  	s6 =	sadd.s32 $0x4E66, s6;
	[sflag:s30] =	ssyncadd.s32 $0xFFFFD800  }
0xaf: {  	[tilespmem:s17], [sflag:$0x8] =	stream.linear.gather [hbm4b:s6+s2], $0x50, $0x38;
	[tilespmem:$0x1D980] =	vst v63  }
0xb0: {  	s7 =	simm.s32 $0x1E;
	s8 =	simm.s32 $0x320;
	s6 =	simm.s32 $0x230  }
.LBB2_6:
0xb1: {  	[tilespmem:s18], [sflag:$0x2] =	stream.indirect.gather [hbm4b:s3+s15], $0x80, s6, s15, $0xb8;
	[tilespmem:$0x1D980] =	vst v63  }
0xb2: {  	s9 =	smov.u32 s7;
	s6 =	smov.u32 s8  }
0xb3: {  	p1 =	sne.s32 s7, $0x492;
	s7 =	sadd.s32 $0x1E, s7;
	_ =	swait.ge [sflag:s19], $0x2800  }
0xb4: {  	[sflag:s19] =	ssyncset.done $0x0  }
0xb5: {  	[sflag:s19] =	ssyncadd.s32 $0xFFFFD800  }
0xb6: {  	_ =	swait.ge [sflag:s21], $0x50  }
0xb7: {  	[sflag:s21] =	ssyncset.done $0x0  }
0xb8: {  	[sflag:s21] =	ssyncadd.s32 $0xFFFFFFB0  }
0xb9: {  	[spmem:s1] =	stream.indirect.scatter.add.f32 [tilespmem:s0], [sflag:$0x4], $0x80, s14, s15, $0xb8;
	[tilespmem:$0x1D980] =	vst v63  }
0xba: {  	_ =	swait.ge [sflag:s5], $0x2800  }
0xbb: {  	s9 =	sadd.s32 s9, s20;
	[sflag:s5] =	ssyncset.done $0x0  }
0xbc: {  	s10 =	sadd.s32 $0x4E52, s9;
	[sflag:s5] =	ssyncadd.s32 $0xFFFFD800  }
0xbd: {  	[tilespmem:s22], [sflag:$0x9] =	stream.linear.gather [hbm4b:s10+s2], $0x50, $0x38;
	[tilespmem:$0x1D980] =	vst v63  }
0xbe: {  	s10 =	sadd.s32 $0xFFFFFF60, s8  }
0xbf: {  	[tilespmem:s23], [sflag:$0x3] =	stream.indirect.gather [hbm4b:s3+s15], $0x80, s10, s15, $0xb8;
	[tilespmem:$0x1D980] =	vst v63  }
0xc0: {  	_ =	swait.ge [sflag:s24], $0x2800  }
0xc1: {  	[sflag:s24] =	ssyncset.done $0x0  }
0xc2: {  	[sflag:s24] =	ssyncadd.s32 $0xFFFFD800  }
0xc3: {  	_ =	swait.ge [sflag:s25], $0x50  }
0xc4: {  	[sflag:s25] =	ssyncset.done $0x0  }
0xc5: {  	[sflag:s25] =	ssyncadd.s32 $0xFFFFFFB0  }
0xc6: {  	[spmem:s1] =	stream.indirect.scatter.add.f32 [tilespmem:s18], [sflag:$0x5], $0x80, s17, s15, $0xb8;
	[tilespmem:$0x1D980] =	vst v63  }
0xc7: {  	_ =	swait.ge [sflag:s26], $0x2800  }
0xc8: {  	[sflag:s26] =	ssyncset.done $0x0  }
0xc9: {  	s10 =	sadd.s32 $0x4E5C, s9;
	[sflag:s26] =	ssyncadd.s32 $0xFFFFD800  }
0xca: {  	[tilespmem:s14], [sflag:$0x7] =	stream.linear.gather [hbm4b:s10+s2], $0x50, $0x38;
	[tilespmem:$0x1D980] =	vst v63  }
0xcb: {  	s10 =	sadd.s32 $0xFFFFFFB0, s8  }
0xcc: {  	[tilespmem:s0], [sflag:$0x1] =	stream.indirect.gather [hbm4b:s3+s15], $0x80, s10, s15, $0xb8;
	[tilespmem:$0x1D980] =	vst v63  }
0xcd: {  	_ =	swait.ge [sflag:s28], $0x2800  }
0xce: {  	[sflag:s28] =	ssyncset.done $0x0  }
0xcf: {  	[sflag:s28] =	ssyncadd.s32 $0xFFFFD800  }
0xd0: {  	_ =	swait.ge [sflag:s29], $0x50  }
0xd1: {  	[sflag:s29] =	ssyncset.done $0x0  }
0xd2: {  	[sflag:s29] =	ssyncadd.s32 $0xFFFFFFB0  }
0xd3: {  	[spmem:s1] =	stream.indirect.scatter.add.f32 [tilespmem:s23], [sflag:$0x6], $0x80, s22, s15, $0xb8;
	[tilespmem:$0x1D980] =	vst v63  }
.Ltmp2:
0xd4: {  	_ =	swait.ge [sflag:s30], $0x2800;
	(pc) =	sbr.rel @p1 .LBB2_6-.Ltmp2, $4  }
0xd5: {  	[sflag:s30] =	ssyncset.done $0x0  }
0xd6: {  	s9 =	sadd.s32 $0x4E66, s9;
	[sflag:s30] =	ssyncadd.s32 $0xFFFFD800  }
0xd7: {  	[tilespmem:s17], [sflag:$0x8] =	stream.linear.gather [hbm4b:s9+s2], $0x50, $0x38;
	[tilespmem:$0x1D980] =	vst v63  }
0xd8: {  	s8 =	sadd.s32 $0xF0, s8  }
0xd9: {  	[tilespmem:s18], [sflag:$0x2] =	stream.indirect.gather [hbm4b:s3+s15], $0x80, s6, s15, $0xb8;
	[tilespmem:$0x1D980] =	vst v63  }
0xda: {  	_ =	swait.ge [sflag:s19], $0x2800  }
0xdb: {  	[sflag:s19] =	ssyncset.done $0x0  }
0xdc: {  	[sflag:s19] =	ssyncadd.s32 $0xFFFFD800  }
0xdd: {  	_ =	swait.ge [sflag:s21], $0x50  }
0xde: {  	[sflag:s21] =	ssyncset.done $0x0  }
0xdf: {  	[sflag:s21] =	ssyncadd.s32 $0xFFFFFFB0  }
0xe0: {  	[spmem:s1] =	stream.indirect.scatter.add.f32 [tilespmem:s0], [sflag:$0x4], $0x80, s14, s15, $0xb8;
	[tilespmem:$0x1D980] =	vst v63  }
0xe1: {  	_ =	swait.ge [sflag:s24], $0x2800  }
0xe2: {  	[sflag:s24] =	ssyncset.done $0x0  }
0xe3: {  	[sflag:s24] =	ssyncadd.s32 $0xFFFFD800  }
0xe4: {  	_ =	swait.ge [sflag:s25], $0x50  }
0xe5: {  	[sflag:s25] =	ssyncset.done $0x0  }
0xe6: {  	[sflag:s25] =	ssyncadd.s32 $0xFFFFFFB0  }
0xe7: {  	[spmem:s1] =	stream.indirect.scatter.add.f32 [tilespmem:s18], [sflag:$0x5], $0x80, s17, s15, $0xb8;
	[tilespmem:$0x1D980] =	vst v63  }
0xe8: {  	_ =	swait.ge [sflag:s5], $0x2800  }
0xe9: {  	[sflag:s5] =	ssyncset.done $0x0  }
0xea: {  	[sflag:s5] =	ssyncadd.s32 $0xFFFFD800  }
0xeb: {  	_ =	swait.ge [sflag:s26], $0x2800  }
0xec: {  	[sflag:s26] =	ssyncset.done $0x0  }
0xed: {  	[sflag:s26] =	ssyncadd.s32 $0xFFFFD800  }
0xee: {  	_ =	swait.ge [sflag:s30], $0x2800  }
0xef: {  	[sflag:s30] =	ssyncset.done $0x0  }
0xf0: {  	[sflag:s30] =	ssyncadd.s32 $0xFFFFD800  }
0xf1: {  	[bflag:$0x0] =	sbarrier.arrive $0xFFFF  }
0xf2: {  	[tilespmem:s0], [sflag:$0xA] =	stream.linear.gather [spmem:s4], $0x2800, $0x38;
	[tilespmem:$0x1D980] =	vst v63  }
0xf3: {  	_ =	swait.ge [sflag:s31], $0x2800  }
0xf4: {  	[sflag:s31] =	ssyncset.done $0x0  }
0xf5: {  	s10 =	rddreg [dreg:$0xb];
	[sflag:s31] =	ssyncadd.s32 $0xFFFFD800  }
0xf6: {  	[hbm4b:s10+s2] =	stream.linear.scatter [tilespmem:s0], [sflag:$0xA], $0x2800, $0x38;
	[tilespmem:$0x1D980] =	vst v63  }
0xf7: {  	_ =	swait.ge [sflag:s31], $0x2800  }
0xf8: {  	[sflag:s31] =	ssyncset.done $0x0  }
0xf9: {  	[sflag:s31] =	ssyncadd.s32 $0xFFFFD800  }
0xfa: {  	[tilespmem:s0], [sflag:$0xA] =	stream.linear.gather [spmem:s11], $0x2800, $0x38;
	[tilespmem:$0x1D980] =	vst v63  }
0xfb: {  	_ =	swait.ge [sflag:s31], $0x2800  }
0xfc: {  	[sflag:s31] =	ssyncset.done $0x0  }
0xfd: {  	s10 =	smov.u32 s11;
	s11 =	rddreg [dreg:$0xc];
	[sflag:s31] =	ssyncadd.s32 $0xFFFFD800  }
0xfe: {  	[hbm4b:s11+s2] =	stream.linear.scatter [tilespmem:s0], [sflag:$0xA], $0x2800, $0x38;
	[tilespmem:$0x1D980] =	vst v63  }
0xff: {  	_ =	swait.ge [sflag:s31], $0x2800  }
0x100: {  	[sflag:s31] =	ssyncset.done $0x0  }
0x101: {  	s7 =	rddreg [dreg:$0x4];
	[sflag:s31] =	ssyncadd.s32 $0xFFFFD800  }
0x102: {  	[tilespmem:s0], [sflag:$0xA] =	stream.linear.gather [spmem:s7], $0x2800, $0x38;
	[tilespmem:$0x1D980] =	vst v63  }
0x103: {  	_ =	swait.ge [sflag:s31], $0x2800  }
0x104: {  	[sflag:s31] =	ssyncset.done $0x0  }
0x105: {  	s8 =	rddreg [dreg:$0xd];
	[sflag:s31] =	ssyncadd.s32 $0xFFFFD800  }
0x106: {  	[hbm4b:s8+s2] =	stream.linear.scatter [tilespmem:s0], [sflag:$0xA], $0x2800, $0x38;
	[tilespmem:$0x1D980] =	vst v63  }
0x107: {  	_ =	swait.ge [sflag:s31], $0x2800  }
0x108: {  	[sflag:s31] =	ssyncset.done $0x0  }
0x109: {  	s9 =	rddreg [dreg:$0x5];
	[sflag:s31] =	ssyncadd.s32 $0xFFFFD800  }
0x10a: {  	[tilespmem:s0], [sflag:$0xA] =	stream.linear.gather [spmem:s9], $0x2800, $0x38;
	[tilespmem:$0x1D980] =	vst v63  }
0x10b: {  	_ =	swait.ge [sflag:s31], $0x2800  }
0x10c: {  	[sflag:s31] =	ssyncset.done $0x0  }
0x10d: {  	s11 =	rddreg [dreg:$0xe];
	[sflag:s31] =	ssyncadd.s32 $0xFFFFD800  }
0x10e: {  	[hbm4b:s11+s2] =	stream.linear.scatter [tilespmem:s0], [sflag:$0xA], $0x2800, $0x38;
	[tilespmem:$0x1D980] =	vst v63  }
0x10f: {  	_ =	swait.ge [sflag:s31], $0x2800  }
0x110: {  	[sflag:s31] =	ssyncset.done $0x0  }
0x111: {  	s7 =	rddreg [dreg:$0x6];
	[sflag:s31] =	ssyncadd.s32 $0xFFFFD800  }
0x112: {  	[tilespmem:s0], [sflag:$0xA] =	stream.linear.gather [spmem:s7], $0x2800, $0x38;
	[tilespmem:$0x1D980] =	vst v63  }
0x113: {  	_ =	swait.ge [sflag:s31], $0x2800  }
0x114: {  	[sflag:s31] =	ssyncset.done $0x0  }
0x115: {  	s8 =	rddreg [dreg:$0xf];
	[sflag:s31] =	ssyncadd.s32 $0xFFFFD800  }
0x116: {  	[hbm4b:s8+s2] =	stream.linear.scatter [tilespmem:s0], [sflag:$0xA], $0x2800, $0x38;
	[tilespmem:$0x1D980] =	vst v63  }
0x117: {  	_ =	swait.ge [sflag:s31], $0x2800  }
0x118: {  	[sflag:s31] =	ssyncset.done $0x0  }
0x119: {  	s9 =	rddreg [dreg:$0x7];
	[sflag:s31] =	ssyncadd.s32 $0xFFFFD800  }
0x11a: {  	[tilespmem:s0], [sflag:$0xA] =	stream.linear.gather [spmem:s9], $0x2800, $0x38;
	[tilespmem:$0x1D980] =	vst v63  }
0x11b: {  	_ =	swait.ge [sflag:s31], $0x2800  }
0x11c: {  	[sflag:s31] =	ssyncset.done $0x0  }
0x11d: {  	s11 =	rddreg [dreg:$0x10];
	[sflag:s31] =	ssyncadd.s32 $0xFFFFD800  }
0x11e: {  	[hbm4b:s11+s2] =	stream.linear.scatter [tilespmem:s0], [sflag:$0xA], $0x2800, $0x38;
	[tilespmem:$0x1D980] =	vst v63  }
0x11f: {  	_ =	swait.ge [sflag:s31], $0x2800  }
0x120: {  	[sflag:s31] =	ssyncset.done $0x0  }
0x121: {  	s7 =	rddreg [dreg:$0x8];
	[sflag:s31] =	ssyncadd.s32 $0xFFFFD800  }
0x122: {  	[tilespmem:s0], [sflag:$0xA] =	stream.linear.gather [spmem:s7], $0x2800, $0x38;
	[tilespmem:$0x1D980] =	vst v63  }
0x123: {  	_ =	swait.ge [sflag:s31], $0x2800  }
0x124: {  	[sflag:s31] =	ssyncset.done $0x0  }
0x125: {  	s8 =	rddreg [dreg:$0x13];
	[sflag:s31] =	ssyncadd.s32 $0xFFFFD800  }
0x126: {  	[hbm4b:s8+s2] =	stream.linear.scatter [tilespmem:s0], [sflag:$0xA], $0x2800, $0x38;
	[tilespmem:$0x1D980] =	vst v63  }
0x127: {  	_ =	swait.ge [sflag:s31], $0x2800  }
0x128: {  	[sflag:s31] =	ssyncset.done $0x0  }
0x129: {  	[sflag:s31] =	ssyncadd.s32 $0xFFFFD800  }
0x12a: {  	[tilespmem:s0], [sflag:$0xA] =	stream.linear.gather [spmem:s12], $0x2000, $0x38;
	[tilespmem:$0x1D980] =	vst v63  }
0x12b: {  	_ =	swait.ge [sflag:s31], $0x2000  }
0x12c: {  	[sflag:s31] =	ssyncset.done $0x0  }
0x12d: {  	s9 =	rddreg [dreg:$0x14];
	[sflag:s31] =	ssyncadd.s32 $0xFFFFE000  }
0x12e: {  	[hbm4b:s9+s2] =	stream.linear.scatter [tilespmem:s0], [sflag:$0xA], $0x2000, $0x38;
	[tilespmem:$0x1D980] =	vst v63  }
0x12f: {  	_ =	swait.ge [sflag:s31], $0x2000  }
0x130: {  	[sflag:s31] =	ssyncset.done $0x0  }
0x131: {  	s6 =	simm.s32 @!p0 $0x2900;
	s7 =	simm.s32 @!p0 $0xA;
	[sflag:s31] =	ssyncadd.s32 $0xFFFFE000  }
0x132: {  	[tilespmem:s6], [sflag:$0xA] =	stream.linear.gather @!p0 [spmem:s13], $0x800, $0x38;
	[tilespmem:$0x1D980] =	vst v63  }
0x133: {  	_ =	swait.ge @!p0 [sflag:s7], $0x800  }
0x134: {  	[sflag:s7] =	ssyncset.done @!p0 $0x0  }
0x135: {  	s8 =	simm.s32 @!p0 $0x0;
	s9 =	rddreg [dreg:$0x11];
	[sflag:s7] =	ssyncadd.s32 @!p0 $0xFFFFF800  }
0x136: {  	[hbm4b:s9+s8] =	stream.linear.scatter @!p0 [tilespmem:s6], [sflag:$0xA], $0x800, $0x38;
	[tilespmem:$0x1D980] =	vst v63  }
0x137: {  	_ =	swait.ge @!p0 [sflag:s7], $0x800  }
0x138: {  	s16 =	sadd.s32 $0x1, s16;
	s11 =	rddreg [dreg:$0x12]  }
0x139: {  	p1 =	sne.s32 s16, s11  }
.Ltmp3:
0x13a: {  	_ = 	snop;
	(pc) =	sbr.rel @p1 .LBB2_1-.Ltmp3, $3  }
0x13b: {  	_ =	sdelay $0x1  }
0x13c: {  	[sflag:s7] =	ssyncset.done @!p0 $0x0  }
0x13d: {  	[sflag:s7] =	ssyncadd.s32 @!p0 $0xFFFFF800  }
0x13e: {  	_ =	sfence.sel $0x180000  }
0x13f: {  	[bflag:$0x0] =	sbarrier.arrive $0xFFFF  }
0x140: {  	_ =	strace $0x9000004A  }
0x141: {  	[bflag:$0x2] =	sbarrier.arrive $0xFFFF  }
0x142: {  	s0 =	rddreg [dreg:$0x2]  }
0x143: {  	s0 =	sadd.s32 @!p0 $0x100000, s0  }
0x144: {  	[sflag:s0] =	ssyncadd.tile.s32 @!p0 $0x1;
	_ =	shalt  }
.Lfunc_end2:
_tile_overlayer_lowered:
.L_overlay_start_2:
0x145: {  	(tag) =	ssettag $0x2  }
0x146: {  	s0 =	rddreg [dreg:$0x0];
	s2 =	stileid.u32  }
0x147: {  	s1 =	rddreg [dreg:$0x1];
	p0 =	sne.s32 s2, $0x0  }
0x148: {  	s3 =	rddreg [dreg:$0x2];
	[bflag:$0x3] =	sbarrier.arrive $0xFFFF;
	s2 =	simm.s32 @!p0 $0x1C0A  }
0x149: {  	[timem:s3], [sflag:s2] =	dma.local @!p0 [hbm:s0], s1  }
0x14a: {  	s0 =	simm.s32 @!p0 $0xA  }
0x14b: {  	_ =	swait.ge @!p0 [sflag:s0], s1  }
0x14c: {  	s1 =	ssub.s32 @!p0 $0x0, s1;
	[sflag:s0] =	ssyncset.done @!p0 $0x0  }
0x14d: {  	[sflag:s0] =	ssyncadd.s32 @!p0 s1  }
0x14e: {  	[bflag:$0x3] =	sbarrier.arrive $0xFFFF  }
0x14f: {  	_ =	shalt  }

// kernel: kernel.14.cloned.1.call-start
scs
__scs_entry_jumppad:
0x0: {  	(pc) =	sbr.rel $0x88, $3  }
0x1: {  	(tag) =	ssettag $0x0;
	lr =	simm.s32 $0x1  }
0x2: {  	[smem:$0x3F94] =	sst lr;
	_ =	strace $0xD0000000  }
0x3: {  	_ = 	snop  }
0x4: {  	_ = 	snop  }
0x5: {  	_ = 	snop  }
0x6: {  	_ = 	snop  }
0x7: {  	_ = 	snop  }
__scs_overlays_trampoline_lowered:
0x8: {  	[smem:$0x3FA3] =	sst s0  }
0x9: {  	[smem:$0x3FA4] =	sst s1  }
0xa: {  	[smem:$0x3FA5] =	sst s2  }
0xb: {  	[smem:$0x3FA6] =	sst s3  }
0xc: {  	[smem:$0x3FA7] =	sst s4  }
0xd: {  	[smem:$0x3FA8] =	sst s5  }
0xe: {  	[smem:$0x3FA9] =	sst s6  }
0xf: {  	[smem:$0x3FAA] =	sst s7  }
0x10: {  	[smem:$0x3FAB] =	sst s8  }
0x11: {  	[smem:$0x3FAC] =	sst s9;
	s0 =	simm.s32 @!p0 $0x0  }
0x12: {  	s1 =	sld [smem:$0x3F92];
	s0 =	simm.s32 @p0 $0x1  }
0x13: {  	[smem:$0x3FAD] =	sst s0;
	s0 =	simm.s32 @!p1 $0x0  }
0x14: {  	s2 =	sld [smem:$0x3F91];
	s0 =	simm.s32 @p1 $0x1  }
0x15: {  	[smem:$0x3FAE] =	sst s0;
	s0 =	simm.s32 @!p2 $0x0  }
0x16: {  	s3 =	sld [smem:$0x3FDB];
	s0 =	simm.s32 @p2 $0x1  }
0x17: {  	s4 =	simm.s32 $0x1BF5;
	[smem:$0x3FB0] =	sst s0  }
0x18: {  	s0 =	sld [smem:$0x3F93];
	_ =	swait.ge [sflag:s4], $0x0  }
0x19: {  	s7 =	sld [smem:$0x3F94]  }
0x1a: {  	s8 =	sadd.s32 $0xFFFFE003, lr  }
0x1b: {  	s9 =	sadd.s32 $0xFFFFFEF7, lr;
	s5 =	simm.s32 $0xFFFFFFFF;
	p2 =	slt.u32 s8, $0xFFFFF086  }
0x1c: {  	p1 =	slt.u32 s9, $0xF7A;
	s5 =	simm.s32 @!p2 $0x0  }
0x1d: {  	s5 =	simm.s32 @p1 $0x1;
	p0 =	seq.s32 s7, s2  }
0x1e: {  	s7 =	smul.u32 @!p0 $0xF7A, s2;
	p2 =	seq.s32 @!p0 s5, $0x0  }
0x1f: {  	s9 =	smul.u32 $0xF7A, s1;
	s8 =	simm.s32 @!p0 $0x1BF5;
	p2 =	por !p2, p0  }
0x20: {  	[sflag:s8] =	ssyncset.s32 @!p0 $0xFFFFF086;
	s6 =	sadd.s32 @!p0 s3, s7;
	s7 =	simm.s32 @!p0 $0x108  }
0x21: {  	s3 =	sadd.s32 s3, s9;
	s6 =	sadd.s32 @!p0 $0x88, s6;
	s7 =	simm.s32 @p2 $0x1082  }
0x22: {  	[simem:s7], [sflag:s8] =	dma.local @!p0 [hbm:s6], $0xF7A  }
0x23: {  	s9 =	sor.u32 $0xD0000000, s2;
	s6 =	simm.s32 $0x108;
	_ =	swait.ge @!p0 [sflag:s8], $0x0  }
0x24: {  	s3 =	sadd.s32 $0x88, s3;
	s6 =	simm.s32 @!p1 $0x1082;
	[sflag:s4] =	ssyncset.s32 $0xFFFFF086  }
0x25: {  	[simem:s6], [sflag:s4] =	dma.local [hbm:s3], $0xF7A  }
0x26: {  	[smem:$0x3F94] =	sst s1;
	(tag) =	ssettag s2;
	_ =	strace s9  }
0x27: {  	s1 =	sld [smem:$0x3FA4]  }
0x28: {  	s2 =	sld [smem:$0x3FA5]  }
0x29: {  	s4 =	sld [smem:$0x3FA7]  }
0x2a: {  	p0 =	seq.s32 s5, $0x0;
	s5 =	sld [smem:$0x3FA8]  }
0x2b: {  	s6 =	sld [smem:$0x3FA9]  }
0x2c: {  	s7 =	sld [smem:$0x3FAA]  }
0x2d: {  	s3 =	simm.s32 $0x108;
	s8 =	sld [smem:$0x3FAB]  }
0x2e: {  	s3 =	simm.s32 @!p0 $0x1082;
	s9 =	sld [smem:$0x3FAC]  }
0x2f: {  	lr =	sadd.s32 s0, s3;
	s0 =	sld [smem:$0x3FA3]  }
0x30: {  	s3 =	sld [smem:$0x3FA6]  }
0x31: {  	[smem:$0x3FAF] =	sst s10  }
0x32: {  	s10 =	sld [smem:$0x3FAD];
	_ =	sdelay $0x3  }
0x33: {  	p0 =	seq.s32 s10, $0x1;
	s10 =	sld [smem:$0x3FAF];
	_ =	sdelay $0x3  }
0x34: {  	[smem:$0x3FAF] =	sst s10  }
0x35: {  	s10 =	sld [smem:$0x3FAE];
	_ =	sdelay $0x3  }
0x36: {  	p1 =	seq.s32 s10, $0x1;
	s10 =	sld [smem:$0x3FAF];
	_ =	sdelay $0x3  }
0x37: {  	[smem:$0x3FAF] =	sst s10  }
0x38: {  	s10 =	sld [smem:$0x3FB0]  }
0x39: {  	_ = 	snop;
	(pc) =	sbr.ind lr, $3  }
0x3a: {  	_ = 	snop  }
0x3b: {  	_ = 	snop  }
0x3c: {  	p2 =	seq.s32 s10, $0x1;
	s10 =	sld [smem:$0x3FAF]  }
0x3d: {  	_ =	shalt  }
0x3e: {  	_ =	shalt  }
0x3f: {  	_ =	shalt  }
0x40: {  	_ =	shalt  }
0x41: {  	_ =	shalt  }
0x42: {  	_ =	shalt  }
0x43: {  	_ =	shalt  }
0x44: {  	_ =	shalt  }
0x45: {  	_ =	shalt  }
0x46: {  	_ =	shalt  }
0x47: {  	_ =	shalt  }
0x48: {  	_ =	shalt  }
0x49: {  	_ =	shalt  }
0x4a: {  	_ =	shalt  }
0x4b: {  	_ =	shalt  }
0x4c: {  	_ =	shalt  }
0x4d: {  	_ =	shalt  }
0x4e: {  	_ =	shalt  }
0x4f: {  	_ =	shalt  }
0x50: {  	_ =	shalt  }
0x51: {  	_ =	shalt  }
0x52: {  	_ =	shalt  }
0x53: {  	_ =	shalt  }
0x54: {  	_ =	shalt  }
0x55: {  	_ =	shalt  }
0x56: {  	_ =	shalt  }
0x57: {  	_ =	shalt  }
0x58: {  	_ =	shalt  }
0x59: {  	_ =	shalt  }
0x5a: {  	_ =	shalt  }
0x5b: {  	_ =	shalt  }
0x5c: {  	_ =	shalt  }
0x5d: {  	_ =	shalt  }
0x5e: {  	_ =	shalt  }
0x5f: {  	_ =	shalt  }
0x60: {  	_ =	shalt  }
0x61: {  	_ =	shalt  }
0x62: {  	_ =	shalt  }
0x63: {  	_ =	shalt  }
0x64: {  	_ =	shalt  }
0x65: {  	_ =	shalt  }
0x66: {  	_ =	shalt  }
0x67: {  	_ =	shalt  }
0x68: {  	_ =	shalt  }
0x69: {  	_ =	shalt  }
0x6a: {  	_ =	shalt  }
0x6b: {  	_ =	shalt  }
0x6c: {  	_ =	shalt  }
0x6d: {  	_ =	shalt  }
0x6e: {  	_ =	shalt  }
0x6f: {  	_ =	shalt  }
0x70: {  	_ =	shalt  }
0x71: {  	_ =	shalt  }
0x72: {  	_ =	shalt  }
0x73: {  	_ =	shalt  }
0x74: {  	_ =	shalt  }
0x75: {  	_ =	shalt  }
0x76: {  	_ =	shalt  }
0x77: {  	_ =	shalt  }
0x78: {  	_ =	shalt  }
0x79: {  	_ =	shalt  }
0x7a: {  	_ =	shalt  }
0x7b: {  	_ =	shalt  }
0x7c: {  	_ =	shalt  }
0x7d: {  	_ =	shalt  }
0x7e: {  	_ =	shalt  }
0x7f: {  	_ =	shalt  }
0x80: {  	_ =	shalt  }
0x81: {  	_ =	shalt  }
0x82: {  	_ =	shalt  }
0x83: {  	_ =	shalt  }
0x84: {  	_ =	shalt  }
0x85: {  	_ =	shalt  }
0x86: {  	_ =	shalt  }
0x87: {  	_ =	shalt  }
.Lfunc_end0:
.L_simem_size_0:
called_computation.2_lowered:
.L_overlay_start_0:
0x88: {  	s2 =	sld [smem:$0x3FD9]  }
0x89: {  	s3 =	sld [smem:$0x3FFE];
	_ =	sdelay $0x1  }
0x8a: {  	s1 =	srdreg.scid  }
0x8b: {  	s0 =	sand.u32 $0x1, s1  }
0x8c: {  	s16 =	sshll.u32 s0, $0xA;
	s2 =	sadd.s32 s3, s2  }
0x8d: {  	s2 =	sadd.s32 s2, s16  }
0x8e: {  	[smem:$0x3FBB] =	sst s2  }
0x8f: {  	_ = 	snop  }
0x90: {  	(tm) =	ssettm $0x1  }
0x91: {  	s17 =	sld [smem:$0x3FFB];
	_ =	sdelay $0x3  }
0x92: {  	_ =	strace s17  }
0x93: {  	s2 =	sld [smem:$0x3FFC];
	_ =	sdelay $0x3  }
0x94: {  	_ =	strace s2  }
0x95: {  	s2 =	sld [smem:$0x3FFD];
	_ =	sdelay $0x3  }
0x96: {  	_ =	strace s2  }
0x97: {  	_ =	strace $0x8FFFFFFF  }
0x98: {  	s18 =	sld [smem:$0x3FDB];
	_ =	sdelay $0x1  }
0x99: {  	s19 =	simm.s32 $_scs_section_size  }
0x9a: {  	s4 =	simm.s32 $_size__tile_overlayer_lowered;
	s5 =	simm.s32 $_tile_overlayer_lowered  }
0x9b: {  	s22 =	simm.s32 $0x1BFF;
	s21 =	sshll.u32 s5, $0x1;
	s2 =	sadd.s32 s19, s18  }
0x9c: {  	s6 =	simm.s32 $0x0;
	s20 =	sshll.u32 s4, $0x1;
	s4 =	sadd.s32 s21, s2  }
0x9d: {  	[timem:s6], [sflag:s22] =	dma.local [hbm:s4], s20  }
0x9e: {  	_ =	swait.ge [sflag:s22], s20  }
0x9f: {  	s3 =	ssub.s32 $0x0, s20;
	[sflag:s22] =	ssyncset.done $0x0  }
0xa0: {  	[sflag:s22] =	ssyncadd.s32 s3;
	_ =	sdelay $0x1  }
0xa1: {  	s23 =	simm.s32 $0x1B8B  }
0xa2: {  	_ =	swait.ge [sflag:s23], $0x1  }
0xa3: {  	[sflag:s23] =	ssyncset.done $0x0  }
0xa4: {  	s25 =	simm.s32 $0x1B8E;
	s24 =	sld [smem:$0x3FFE];
	[sflag:s23] =	ssyncadd.s32 $0xFFFFFFFF  }
0xa5: {  	s26 =	simm.s32 $execute0_lowered;
	[smem:$0x3FD2] =	sst s25  }
0xa6: {  	s4 =	sshll.u32 s26, $0x1;
	_ =	strace $0x8000004C;
	[dreg:$0x1] =	wrdreg $0xFFFFFFFF  }
0xa7: {  	s28 =	simm.s32 $_size_execute0_lowered;
	s2 =	sadd.s32 s2, s4;
	[dreg:$0x0] =	wrdreg $0x0  }
0xa8: {  	s4 =	sshll.u32 s28, $0x1;
	[dreg:$0x2] =	wrdreg s2  }
0xa9: {  	[dreg:$0x3] =	wrdreg s4  }
0xaa: {  	[dreg:$0x4] =	wrdreg $0xC0  }
0xab: {  	_ =	task [dreg:s6], $0x5FFFF  }
0xac: {  	[dreg:$0x1] =	wrdreg $0xFFFFFFFF  }
0xad: {  	[dreg:$0x0] =	wrdreg $0x60  }
0xae: {  	[dreg:$0x2] =	wrdreg s24  }
0xaf: {  	[dreg:$0x3] =	wrdreg $0xA1000  }
0xb0: {  	[dreg:$0x4] =	wrdreg $0x9  }
0xb1: {  	_ =	task.clear_ibuf [dreg:s6], $0x5FFFF;
	_ =	strace $0x9000004C  }
0xb2: {  	s29 =	simm.s32 $0x9;
	_ =	strace $0x8000004E  }
0xb3: {  	_ =	swait.ge [sflag:s29], $0x1  }
0xb4: {  	[sflag:s29] =	ssyncadd.s32 $0xFFFFFFFF  }
0xb5: {  	_ =	strace $0x9000004E  }
0xb6: {  	_ =	sfence  }
0xb7: {  	s30 =	sld [smem:$0x0];
	_ =	sdelay $0x2  }
0xb8: {  	s31 =	sshll.u32 s1, $0xD;
	s1 =	sshrl.u32 s1, $0x2  }
0xb9: {  	s3 =	sand.u32 $0x4000, s31;
	s1 =	sadd.s32 s1, s30  }
0xba: {  	s0 =	sor.u32 s3, s0;
	s1 =	sshll.u32 s1, $0x11  }
0xbb: {  	s0 =	sor.u32 s1, s0  }
0xbc: {  	s0 =	sadd.s32 $0x8F2B, s0  }
0xbd: {  	[sflag:s0] =	ssyncadd.remote.s32 $0x1  }
0xbe: {  	_ =	sfence.sel $0xFFFF  }
0xbf: {  	[dreg:$0x0] =	wrdreg $0xFFFFFFFF;
	(pc) =	sbr.abs _section_cstart, $3  }
0xc0: {  	[dreg:$0x1] =	wrdreg $0xFFFFFFFF  }
0xc1: {  	_ =	task.clear_ibuf [dreg:s6], $0x2FFFF;
	_ =	strace $0x9FFFFFFF  }
0xc2: {  	(tm) =	ssettm $0x7FFFFFFF  }
0xc3: {  	_ =	shalt  }
tec
execute0_lowered:
.L_overlay_start_1:
0x0: {  	(tag) =	ssettag $0x1  }
0x1: {  	s0 =	rddreg [dreg:$0x0]  }
0x2: {  	s1 =	rddreg [dreg:$0x1]  }
0x3: {  	s2 =	simm.s32 $0x0;
	s3 =	srdreg.scid;
	s5 =	stileid.u32  }
0x4: {  	s31 =	simm.s32 $0xA;
	s28 =	simm.s32 $0x3;
	s29 =	simm.s32 $0x9  }
0x5: {  	s30 =	simm.s32 $0x5;
	[smem:$0x7FF] =	sst s2;
	s7 =	smul.u32 $0x4E000, s5  }
0x6: {  	s6 =	sand.u32 $0x1, s3;
	s3 =	sadd.s32 $0xD200, s0;
	s10 =	smul.u32 $0x2710, s5  }
0x7: {  	s8 =	sadd.s32 $0x3400, s0;
	s0 =	sadd.s32 $0x5B400, s0;
	s4 =	ssub.s32 $0x2, s6  }
0x8: {  	s9 =	sshrl.u32 s4, $0x1;
	s13 =	sshrl.u32 s7, $0x2;
	s15 =	sshrl.u32 s10, $0x3  }
0x9: {  	s14 =	ssub.s32 s4, s9;
	s4 =	sadd.s32 s13, s1;
	s9 =	sadd.s32 s8, s15  }
0xa: {  	_ =	strace $0x8000004D;
	s11 =	sadd.s32 $0x5000, s4;
	[dreg:$0x3] =	wrdreg s9  }
0xb: {  	s17 =	smul.u32 $0x270, s5;
	s18 =	sadd.s32 $0x7800, s4;
	[dreg:$0x4] =	wrdreg s11  }
0xc: {  	s25 =	smul.u32 $0x4E2, s5;
	s19 =	sadd.s32 $0xA000, s4;
	[dreg:$0x5] =	wrdreg s18  }
0xd: {  	p0 =	sne.s32 s5, $0x0;
	s20 =	sadd.s32 $0xC800, s4;
	[dreg:$0x6] =	wrdreg s19  }
0xe: {  	s16 =	smul.u32 $0x2710, s6;
	s21 =	sadd.s32 $0xF000, s4;
	[dreg:$0x7] =	wrdreg s20  }
0xf: {  	s5 =	simm.s32 $0x6;
	s22 =	sadd.s32 $0x4E20, s9;
	[dreg:$0x8] =	wrdreg s21  }
0x10: {  	s7 =	sadd.s32 s17, s16;
	s23 =	sadd.s32 $0x4E2A, s9;
	[dreg:$0x9] =	wrdreg s22  }
0x11: {  	s7 =	sshll.u32 s7, $0x4;
	[dreg:$0xa] =	wrdreg s23;
	s21 =	smax.u32 s14, $0x1  }
0x12: {  	s6 =	smul.u32 $0x138800, s6;
	s24 =	sadd.s32 s0, s7;
	[dreg:$0x12] =	wrdreg s21  }
0x13: {  	s20 =	sadd.s32 s25, s8;
	s25 =	sadd.s32 $0x4E3E, s9;
	[dreg:$0xb] =	wrdreg s24  }
0x14: {  	s13 =	sadd.s32 $0x138000, s1;
	s15 =	sadd.s32 $0x500, s24;
	[dreg:$0x16] =	wrdreg s25  }
0x15: {  	s6 =	sshrl.u32 s6, $0x3;
	s26 =	sadd.s32 $0xA00, s24;
	[dreg:$0xc] =	wrdreg s15  }
0x16: {  	v0 =	vmov s16;
	s16 =	simm.s32 $0x0;
	s17 =	sadd.s32 $0xF00, s24;
	[dreg:$0xd] =	wrdreg s26  }
0x17: {  	s10 =	sadd.s32 $0x2800, s4;
	s18 =	sadd.s32 $0x1400, s24;
	[dreg:$0xe] =	wrdreg s17  }
0x18: {  	s0 =	sadd.s32 s0, s6;
	s19 =	sadd.s32 $0x1900, s24;
	[dreg:$0xf] =	wrdreg s18  }
0x19: {  	s12 =	sadd.s32 $0x11800, s4;
	s0 =	sadd.s32 $0x27000, s0;
	[dreg:$0x10] =	wrdreg s19  }
0x1a: {  	s14 =	simm.s32 $0x2780;
	s22 =	sadd.s32 $0x1E00, s24;
	[dreg:$0x11] =	wrdreg s0  }
0x1b: {  	s23 =	sadd.s32 $0x2300, s24;
	s24 =	sadd.s32 $0x4E34, s9;
	[dreg:$0x13] =	wrdreg s22  }
0x1c: {  	s21 =	simm.s32 $0x7;
	s25 =	simm.s32 $0x8;
	[dreg:$0x14] =	wrdreg s23  }
0x1d: {  	[dreg:$0x15] =	wrdreg s24;
	s26 =	sadd.s32 $0x4E48, s9;
	s0 =	simm.s32 $0x2900  }
0x1e: {  	s15 =	simm.s32 $0x50;
	s17 =	simm.s32 $0x2800;
	s18 =	simm.s32 $0x5100  }
0x1f: {  	s19 =	simm.s32 $0x1;
	s22 =	simm.s32 $0x2880;
	s23 =	simm.s32 $0x7900  }
0x20: {  	v1 =	vimm.f32 $0.0e+00;
	s24 =	simm.s32 $0x2;
	[dreg:$0x17] =	wrdreg s26;
	s26 =	simm.s32 $0x4  }
.LBB2_1:
0x21: {  	s6 =	rddreg [dreg:$0x3]  }
0x22: {  	[tilespmem:s2], [sflag:$0xA] =	stream.linear.gather [hbm4b:s6+s2], $0x2710, $0x38;
	[tilespmem:$0x1D980] =	vst v63  }
0x23: {  	_ =	swait.ge [sflag:s31], $0x2710  }
0x24: {  	[sflag:s31] =	ssyncset.done $0x0  }
0x25: {  	s7 =	simm.s32 $0x0;
	s6 =	simm.s32 $0x40;
	[sflag:s31] =	ssyncadd.s32 $0xFFFFD8F0  }
.LBB2_2:
0x26: {  	p1 =	sne.s32 s6, $0x9C00;
	v2 =	vld [tilespmem:s7+$0x0];
	_ =	sdelay $0x1  }
.Ltmp0:
0x27: {  	(pc) =	sbr.rel @p1 .LBB2_2-.Ltmp0, $3  }
0x28: {  	_ =	sdelay $0x1  }
0x29: {  	v2 =	vadd.s32 v0, v2  }
0x2a: {  	[tilespmem:s7+$0x0] =	vst v2;
	s7 =	sshra.s32 s6, $0x2;
	s6 =	sadd.s32 $0x40, s6  }
0x2b: {  	v2 =	vld [tilespmem:s7+$0x0];
	_ =	sdelay $0x2  }
0x2c: {  	s6 =	simm.s32 $0x0  }
0x2d: {  	s8 =	sand.u32 $0xFE00, s6  }
0x2e: {  	s9 =	sand.u32 $0x70, s6;
	s8 =	sshrl.u32 s8, $0x2;
	v2 =	vadd.s32 v0, v2  }
0x2f: {  	s8 =	sor.u32 s9, s8;
	[tilespmem:s7+$0x0] =	vst v2;
	s7 =	simm.s32 $0x40  }
.LBB2_4:
0x30: {  	p1 =	sne.s32 s7, $0x9FC0  }
0x31: {  	[tilespmem:s8+$0x2900] =	vst v1;
	s6 =	sadd.s32 $0x10, s6;
	s8 =	smov.u32 s7;
	s7 =	sadd.s32 $0x40, s7  }
.Ltmp1:
0x32: {  	(pc) =	sbr.rel @p1 .LBB2_4-.Ltmp1, $4  }
0x33: {  	_ = 	snop  }
0x34: {  	s8 =	sand.u32 $0xFE00, s8  }
0x35: {  	s9 =	sand.u32 $0x70, s6;
	s8 =	sshrl.u32 s8, $0x2  }
0x36: {  	s8 =	sor.u32 s9, s8  }
0x37: {  	[tilespmem:s8+$0x2900] =	vst v1  }
0x38: {  	[spmem:s4] =	stream.linear.scatter [tilespmem:s0], [sflag:$0xA], $0x2800, $0x38;
	[tilespmem:$0x1D980] =	vst v63  }
0x39: {  	_ =	swait.ge [sflag:s31], $0x2800  }
0x3a: {  	[sflag:s31] =	ssyncset.done $0x0  }
0x3b: {  	[sflag:s31] =	ssyncadd.s32 $0xFFFFD800  }
0x3c: {  	[spmem:s10] =	stream.linear.scatter [tilespmem:s0], [sflag:$0xA], $0x2800, $0x38;
	[tilespmem:$0x1D980] =	vst v63  }
0x3d: {  	_ =	swait.ge [sflag:s31], $0x2800  }
0x3e: {  	[sflag:s31] =	ssyncset.done $0x0  }
0x3f: {  	s6 =	rddreg [dreg:$0x4];
	[sflag:s31] =	ssyncadd.s32 $0xFFFFD800  }
0x40: {  	[spmem:s6] =	stream.linear.scatter [tilespmem:s0], [sflag:$0xA], $0x2800, $0x38;
	[tilespmem:$0x1D980] =	vst v63  }
0x41: {  	_ =	swait.ge [sflag:s31], $0x2800  }
0x42: {  	[sflag:s31] =	ssyncset.done $0x0  }
0x43: {  	s9 =	rddreg [dreg:$0x5];
	[sflag:s31] =	ssyncadd.s32 $0xFFFFD800  }
0x44: {  	[spmem:s9] =	stream.linear.scatter [tilespmem:s0], [sflag:$0xA], $0x2800, $0x38;
	[tilespmem:$0x1D980] =	vst v63  }
0x45: {  	_ =	swait.ge [sflag:s31], $0x2800  }
0x46: {  	[sflag:s31] =	ssyncset.done $0x0  }
0x47: {  	s11 =	smov.u32 s10;
	s10 =	rddreg [dreg:$0x6];
	[sflag:s31] =	ssyncadd.s32 $0xFFFFD800  }
0x48: {  	[spmem:s10] =	stream.linear.scatter [tilespmem:s0], [sflag:$0xA], $0x2800, $0x38;
	[tilespmem:$0x1D980] =	vst v63  }
0x49: {  	_ =	swait.ge [sflag:s31], $0x2800  }
0x4a: {  	[sflag:s31] =	ssyncset.done $0x0  }
0x4b: {  	s7 =	rddreg [dreg:$0x7];
	[sflag:s31] =	ssyncadd.s32 $0xFFFFD800  }
0x4c: {  	[spmem:s7] =	stream.linear.scatter [tilespmem:s0], [sflag:$0xA], $0x2800, $0x38;
	[tilespmem:$0x1D980] =	vst v63  }
0x4d: {  	_ =	swait.ge [sflag:s31], $0x2800  }
0x4e: {  	[sflag:s31] =	ssyncset.done $0x0  }
0x4f: {  	s8 =	rddreg [dreg:$0x8];
	[sflag:s31] =	ssyncadd.s32 $0xFFFFD800  }
0x50: {  	[spmem:s8] =	stream.linear.scatter [tilespmem:s0], [sflag:$0xA], $0x2800, $0x38;
	[tilespmem:$0x1D980] =	vst v63  }
0x51: {  	_ =	swait.ge [sflag:s31], $0x2800  }
0x52: {  	[sflag:s31] =	ssyncset.done $0x0  }
0x53: {  	[sflag:s31] =	ssyncadd.s32 $0xFFFFD800  }
0x54: {  	[spmem:s12] =	stream.linear.scatter [tilespmem:s0], [sflag:$0xA], $0x2000, $0x38;
	[tilespmem:$0x1D980] =	vst v63  }
0x55: {  	_ =	swait.ge [sflag:s31], $0x2000  }
0x56: {  	[sflag:s31] =	ssyncset.done $0x0  }
0x57: {  	s6 =	simm.s32 @!p0 $0x2900;
	[sflag:s31] =	ssyncadd.s32 $0xFFFFE000  }
0x58: {  	[spmem:s13] =	stream.linear.scatter @!p0 [tilespmem:s6], [sflag:$0xA], $0x800, $0x38;
	[tilespmem:$0x1D980] =	vst v63  }
0x59: {  	s6 =	simm.s32 @!p0 $0xA  }
0x5a: {  	_ =	swait.ge @!p0 [sflag:s6], $0x800  }
0x5b: {  	[sflag:s6] =	ssyncset.done @!p0 $0x0  }
0x5c: {  	[sflag:s6] =	ssyncadd.s32 @!p0 $0xFFFFF800  }
0x5d: {  	[bflag:$0x0] =	sbarrier.arrive $0xFFFF  }
0x5e: {  	s6 =	simm.s32 $0x0;
	s7 =	rddreg [dreg:$0x9]  }
0x5f: {  	[tilespmem:s14], [sflag:$0x7] =	stream.linear.gather [hbm4b:s7+s6], $0x50, $0x38;
	[tilespmem:$0x1D980] =	vst v63  }
0x60: {  	_ = 	snop  }
0x61: {  	[tilespmem:s0], [sflag:$0x1] =	stream.indirect.gather [hbm4b:s3+s15], $0x80, s6, s15, $0xb8;
	[tilespmem:$0x1D980] =	vst v63  }
0x62: {  	s9 =	rddreg [dreg:$0xa]  }
0x63: {  	[tilespmem:s17], [sflag:$0x8] =	stream.linear.gather [hbm4b:s9+s6], $0x50, $0x38;
	[tilespmem:$0x1D980] =	vst v63  }
0x64: {  	_ = 	snop  }
0x65: {  	[tilespmem:s18], [sflag:$0x2] =	stream.indirect.gather [hbm4b:s3+s15], $0x80, s15, s15, $0xb8;
	[tilespmem:$0x1D980] =	vst v63  }
0x66: {  	_ =	swait.ge [sflag:s19], $0x2800  }
0x67: {  	[sflag:s19] =	ssyncset.done $0x0  }
0x68: {  	[sflag:s19] =	ssyncadd.s32 $0xFFFFD800  }
0x69: {  	_ =	swait.ge [sflag:s21], $0x50  }
0x6a: {  	[sflag:s21] =	ssyncset.done $0x0  }
0x6b: {  	[sflag:s21] =	ssyncadd.s32 $0xFFFFFFB0  }
0x6c: {  	[spmem:s1] =	stream.indirect.scatter.add.f32 [tilespmem:s0], [sflag:$0x4], $0x80, s14, s15, $0xb8;
	[tilespmem:$0x1D980] =	vst v63  }
0x6d: {  	s10 =	rddreg [dreg:$0x15]  }
0x6e: {  	[tilespmem:s22], [sflag:$0x9] =	stream.linear.gather [hbm4b:s10+s6], $0x50, $0x38;
	[tilespmem:$0x1D980] =	vst v63  }
0x6f: {  	s8 =	simm.s32 $0xA0  }
0x70: {  	[tilespmem:s23], [sflag:$0x3] =	stream.indirect.gather [hbm4b:s3+s15], $0x80, s8, s15, $0xb8;
	[tilespmem:$0x1D980] =	vst v63  }
0x71: {  	_ =	swait.ge [sflag:s24], $0x2800  }
0x72: {  	[sflag:s24] =	ssyncset.done $0x0  }
0x73: {  	[sflag:s24] =	ssyncadd.s32 $0xFFFFD800  }
0x74: {  	_ =	swait.ge [sflag:s25], $0x50  }
0x75: {  	[sflag:s25] =	ssyncset.done $0x0  }
0x76: {  	[sflag:s25] =	ssyncadd.s32 $0xFFFFFFB0  }
0x77: {  	[spmem:s1] =	stream.indirect.scatter.add.f32 [tilespmem:s18], [sflag:$0x5], $0x80, s17, s15, $0xb8;
	[tilespmem:$0x1D980] =	vst v63  }
0x78: {  	_ =	swait.ge [sflag:s26], $0x2800  }
0x79: {  	[sflag:s26] =	ssyncset.done $0x0  }
0x7a: {  	s9 =	rddreg [dreg:$0x16];
	[sflag:s26] =	ssyncadd.s32 $0xFFFFD800  }
0x7b: {  	[tilespmem:s14], [sflag:$0x7] =	stream.linear.gather [hbm4b:s9+s6], $0x50, $0x38;
	[tilespmem:$0x1D980] =	vst v63  }
0x7c: {  	s10 =	simm.s32 $0xF0  }
0x7d: {  	[tilespmem:s0], [sflag:$0x1] =	stream.indirect.gather [hbm4b:s3+s15], $0x80, s10, s15, $0xb8;
	[tilespmem:$0x1D980] =	vst v63  }
0x7e: {  	_ =	swait.ge [sflag:s28], $0x2800  }
0x7f: {  	[sflag:s28] =	ssyncset.done $0x0  }
0x80: {  	[sflag:s28] =	ssyncadd.s32 $0xFFFFD800  }
0x81: {  	_ =	swait.ge [sflag:s29], $0x50  }
0x82: {  	[sflag:s29] =	ssyncset.done $0x0  }
0x83: {  	[sflag:s29] =	ssyncadd.s32 $0xFFFFFFB0  }
0x84: {  	[spmem:s1] =	stream.indirect.scatter.add.f32 [tilespmem:s23], [sflag:$0x6], $0x80, s22, s15, $0xb8;
	[tilespmem:$0x1D980] =	vst v63  }
0x85: {  	_ =	swait.ge [sflag:s30], $0x2800  }
0x86: {  	[sflag:s30] =	ssyncset.done $0x0  }
0x87: {  	s8 =	rddreg [dreg:$0x17];
	[sflag:s30] =	ssyncadd.s32 $0xFFFFD800  }
0x88: {  	[tilespmem:s17], [sflag:$0x8] =	stream.linear.gather [hbm4b:s8+s6], $0x50, $0x38;
	[tilespmem:$0x1D980] =	vst v63  }
0x89: {  	s9 =	simm.s32 $0x140  }
0x8a: {  	[tilespmem:s18], [sflag:$0x2] =	stream.indirect.gather [hbm4b:s3+s15], $0x80, s9, s15, $0xb8;
	[tilespmem:$0x1D980] =	vst v63  }
0x8b: {  	_ =	swait.ge [sflag:s19], $0x2800  }
0x8c: {  	[sflag:s19] =	ssyncset.done $0x0  }
0x8d: {  	[sflag:s19] =	ssyncadd.s32 $0xFFFFD800  }
0x8e: {  	_ =	swait.ge [sflag:s21], $0x50  }
0x8f: {  	[sflag:s21] =	ssyncset.done $0x0  }
0x90: {  	[sflag:s21] =	ssyncadd.s32 $0xFFFFFFB0  }
0x91: {  	[spmem:s1] =	stream.indirect.scatter.add.f32 [tilespmem:s0], [sflag:$0x4], $0x80, s14, s15, $0xb8;
	[tilespmem:$0x1D980] =	vst v63  }
0x92: {  	_ =	swait.ge [sflag:s5], $0x2800  }
0x93: {  	s6 =	sadd.s32 $0x0, s20;
	[sflag:s5] =	ssyncset.done $0x0  }
0x94: {  	s10 =	sadd.s32 $0x4E52, s6;
	[sflag:s5] =	ssyncadd.s32 $0xFFFFD800  }
0x95: {  	[tilespmem:s22], [sflag:$0x9] =	stream.linear.gather [hbm4b:s10+s2], $0x50, $0x38;
	[tilespmem:$0x1D980] =	vst v63  }
0x96: {  	s8 =	simm.s32 $0x190  }
0x97: {  	[tilespmem:s23], [sflag:$0x3] =	stream.indirect.gather [hbm4b:s3+s15], $0x80, s8, s15, $0xb8;
	[tilespmem:$0x1D980] =	vst v63  }
0x98: {  	_ =	swait.ge [sflag:s24], $0x2800  }
0x99: {  	[sflag:s24] =	ssyncset.done $0x0  }
0x9a: {  	[sflag:s24] =	ssyncadd.s32 $0xFFFFD800  }
0x9b: {  	_ =	swait.ge [sflag:s25], $0x50  }
0x9c: {  	[sflag:s25] =	ssyncset.done $0x0  }
0x9d: {  	[sflag:s25] =	ssyncadd.s32 $0xFFFFFFB0  }
0x9e: {  	[spmem:s1] =	stream.indirect.scatter.add.f32 [tilespmem:s18], [sflag:$0x5], $0x80, s17, s15, $0xb8;
	[tilespmem:$0x1D980] =	vst v63  }
0x9f: {  	_ =	swait.ge [sflag:s26], $0x2800  }
0xa0: {  	[sflag:s26] =	ssyncset.done $0x0  }
0xa1: {  	s9 =	sadd.s32 $0x4E5C, s6;
	[sflag:s26] =	ssyncadd.s32 $0xFFFFD800  }
0xa2: {  	[tilespmem:s14], [sflag:$0x7] =	stream.linear.gather [hbm4b:s9+s2], $0x50, $0x38;
	[tilespmem:$0x1D980] =	vst v63  }
0xa3: {  	s10 =	simm.s32 $0x1E0  }
0xa4: {  	[tilespmem:s0], [sflag:$0x1] =	stream.indirect.gather [hbm4b:s3+s15], $0x80, s10, s15, $0xb8;
	[tilespmem:$0x1D980] =	vst v63  }
0xa5: {  	_ =	swait.ge [sflag:s28], $0x2800  }
0xa6: {  	[sflag:s28] =	ssyncset.done $0x0  }
0xa7: {  	[sflag:s28] =	ssyncadd.s32 $0xFFFFD800  }
0xa8: {  	_ =	swait.ge [sflag:s29], $0x50  }
0xa9: {  	[sflag:s29] =	ssyncset.done $0x0  }
0xaa: {  	[sflag:s29] =	ssyncadd.s32 $0xFFFFFFB0  }
0xab: {  	[spmem:s1] =	stream.indirect.scatter.add.f32 [tilespmem:s23], [sflag:$0x6], $0x80, s22, s15, $0xb8;
	[tilespmem:$0x1D980] =	vst v63  }
0xac: {  	_ =	swait.ge [sflag:s30], $0x2800  }
0xad: {  	[sflag:s30] =	ssyncset.done $0x0  }
0xae: {  	s6 =	sadd.s32 $0x4E66, s6;
	[sflag:s30] =	ssyncadd.s32 $0xFFFFD800  }
0xaf: {  	[tilespmem:s17], [sflag:$0x8] =	stream.linear.gather [hbm4b:s6+s2], $0x50, $0x38;
	[tilespmem:$0x1D980] =	vst v63  }
0xb0: {  	s7 =	simm.s32 $0x1E;
	s8 =	simm.s32 $0x320;
	s6 =	simm.s32 $0x230  }
.LBB2_6:
0xb1: {  	[tilespmem:s18], [sflag:$0x2] =	stream.indirect.gather [hbm4b:s3+s15], $0x80, s6, s15, $0xb8;
	[tilespmem:$0x1D980] =	vst v63  }
0xb2: {  	s9 =	smov.u32 s7;
	s6 =	smov.u32 s8  }
0xb3: {  	p1 =	sne.s32 s7, $0x492;
	s7 =	sadd.s32 $0x1E, s7;
	_ =	swait.ge [sflag:s19], $0x2800  }
0xb4: {  	[sflag:s19] =	ssyncset.done $0x0  }
0xb5: {  	[sflag:s19] =	ssyncadd.s32 $0xFFFFD800  }
0xb6: {  	_ =	swait.ge [sflag:s21], $0x50  }
0xb7: {  	[sflag:s21] =	ssyncset.done $0x0  }
0xb8: {  	[sflag:s21] =	ssyncadd.s32 $0xFFFFFFB0  }
0xb9: {  	[spmem:s1] =	stream.indirect.scatter.add.f32 [tilespmem:s0], [sflag:$0x4], $0x80, s14, s15, $0xb8;
	[tilespmem:$0x1D980] =	vst v63  }
0xba: {  	_ =	swait.ge [sflag:s5], $0x2800  }
0xbb: {  	s9 =	sadd.s32 s9, s20;
	[sflag:s5] =	ssyncset.done $0x0  }
0xbc: {  	s10 =	sadd.s32 $0x4E52, s9;
	[sflag:s5] =	ssyncadd.s32 $0xFFFFD800  }
0xbd: {  	[tilespmem:s22], [sflag:$0x9] =	stream.linear.gather [hbm4b:s10+s2], $0x50, $0x38;
	[tilespmem:$0x1D980] =	vst v63  }
0xbe: {  	s10 =	sadd.s32 $0xFFFFFF60, s8  }
0xbf: {  	[tilespmem:s23], [sflag:$0x3] =	stream.indirect.gather [hbm4b:s3+s15], $0x80, s10, s15, $0xb8;
	[tilespmem:$0x1D980] =	vst v63  }
0xc0: {  	_ =	swait.ge [sflag:s24], $0x2800  }
0xc1: {  	[sflag:s24] =	ssyncset.done $0x0  }
0xc2: {  	[sflag:s24] =	ssyncadd.s32 $0xFFFFD800  }
0xc3: {  	_ =	swait.ge [sflag:s25], $0x50  }
0xc4: {  	[sflag:s25] =	ssyncset.done $0x0  }
0xc5: {  	[sflag:s25] =	ssyncadd.s32 $0xFFFFFFB0  }
0xc6: {  	[spmem:s1] =	stream.indirect.scatter.add.f32 [tilespmem:s18], [sflag:$0x5], $0x80, s17, s15, $0xb8;
	[tilespmem:$0x1D980] =	vst v63  }
0xc7: {  	_ =	swait.ge [sflag:s26], $0x2800  }
0xc8: {  	[sflag:s26] =	ssyncset.done $0x0  }
0xc9: {  	s10 =	sadd.s32 $0x4E5C, s9;
	[sflag:s26] =	ssyncadd.s32 $0xFFFFD800  }
0xca: {  	[tilespmem:s14], [sflag:$0x7] =	stream.linear.gather [hbm4b:s10+s2], $0x50, $0x38;
	[tilespmem:$0x1D980] =	vst v63  }
0xcb: {  	s10 =	sadd.s32 $0xFFFFFFB0, s8  }
0xcc: {  	[tilespmem:s0], [sflag:$0x1] =	stream.indirect.gather [hbm4b:s3+s15], $0x80, s10, s15, $0xb8;
	[tilespmem:$0x1D980] =	vst v63  }
0xcd: {  	_ =	swait.ge [sflag:s28], $0x2800  }
0xce: {  	[sflag:s28] =	ssyncset.done $0x0  }
0xcf: {  	[sflag:s28] =	ssyncadd.s32 $0xFFFFD800  }
0xd0: {  	_ =	swait.ge [sflag:s29], $0x50  }
0xd1: {  	[sflag:s29] =	ssyncset.done $0x0  }
0xd2: {  	[sflag:s29] =	ssyncadd.s32 $0xFFFFFFB0  }
0xd3: {  	[spmem:s1] =	stream.indirect.scatter.add.f32 [tilespmem:s23], [sflag:$0x6], $0x80, s22, s15, $0xb8;
	[tilespmem:$0x1D980] =	vst v63  }
.Ltmp2:
0xd4: {  	_ =	swait.ge [sflag:s30], $0x2800;
	(pc) =	sbr.rel @p1 .LBB2_6-.Ltmp2, $4  }
0xd5: {  	[sflag:s30] =	ssyncset.done $0x0  }
0xd6: {  	s9 =	sadd.s32 $0x4E66, s9;
	[sflag:s30] =	ssyncadd.s32 $0xFFFFD800  }
0xd7: {  	[tilespmem:s17], [sflag:$0x8] =	stream.linear.gather [hbm4b:s9+s2], $0x50, $0x38;
	[tilespmem:$0x1D980] =	vst v63  }
0xd8: {  	s8 =	sadd.s32 $0xF0, s8  }
0xd9: {  	[tilespmem:s18], [sflag:$0x2] =	stream.indirect.gather [hbm4b:s3+s15], $0x80, s6, s15, $0xb8;
	[tilespmem:$0x1D980] =	vst v63  }
0xda: {  	_ =	swait.ge [sflag:s19], $0x2800  }
0xdb: {  	[sflag:s19] =	ssyncset.done $0x0  }
0xdc: {  	[sflag:s19] =	ssyncadd.s32 $0xFFFFD800  }
0xdd: {  	_ =	swait.ge [sflag:s21], $0x50  }
0xde: {  	[sflag:s21] =	ssyncset.done $0x0  }
0xdf: {  	[sflag:s21] =	ssyncadd.s32 $0xFFFFFFB0  }
0xe0: {  	[spmem:s1] =	stream.indirect.scatter.add.f32 [tilespmem:s0], [sflag:$0x4], $0x80, s14, s15, $0xb8;
	[tilespmem:$0x1D980] =	vst v63  }
0xe1: {  	_ =	swait.ge [sflag:s24], $0x2800  }
0xe2: {  	[sflag:s24] =	ssyncset.done $0x0  }
0xe3: {  	[sflag:s24] =	ssyncadd.s32 $0xFFFFD800  }
0xe4: {  	_ =	swait.ge [sflag:s25], $0x50  }
0xe5: {  	[sflag:s25] =	ssyncset.done $0x0  }
0xe6: {  	[sflag:s25] =	ssyncadd.s32 $0xFFFFFFB0  }
0xe7: {  	[spmem:s1] =	stream.indirect.scatter.add.f32 [tilespmem:s18], [sflag:$0x5], $0x80, s17, s15, $0xb8;
	[tilespmem:$0x1D980] =	vst v63  }
0xe8: {  	_ =	swait.ge [sflag:s5], $0x2800  }
0xe9: {  	[sflag:s5] =	ssyncset.done $0x0  }
0xea: {  	[sflag:s5] =	ssyncadd.s32 $0xFFFFD800  }
0xeb: {  	_ =	swait.ge [sflag:s26], $0x2800  }
0xec: {  	[sflag:s26] =	ssyncset.done $0x0  }
0xed: {  	[sflag:s26] =	ssyncadd.s32 $0xFFFFD800  }
0xee: {  	_ =	swait.ge [sflag:s30], $0x2800  }
0xef: {  	[sflag:s30] =	ssyncset.done $0x0  }
0xf0: {  	[sflag:s30] =	ssyncadd.s32 $0xFFFFD800  }
0xf1: {  	[bflag:$0x0] =	sbarrier.arrive $0xFFFF  }
0xf2: {  	[tilespmem:s0], [sflag:$0xA] =	stream.linear.gather [spmem:s4], $0x2800, $0x38;
	[tilespmem:$0x1D980] =	vst v63  }
0xf3: {  	_ =	swait.ge [sflag:s31], $0x2800  }
0xf4: {  	[sflag:s31] =	ssyncset.done $0x0  }
0xf5: {  	s10 =	rddreg [dreg:$0xb];
	[sflag:s31] =	ssyncadd.s32 $0xFFFFD800  }
0xf6: {  	[hbm4b:s10+s2] =	stream.linear.scatter [tilespmem:s0], [sflag:$0xA], $0x2800, $0x38;
	[tilespmem:$0x1D980] =	vst v63  }
0xf7: {  	_ =	swait.ge [sflag:s31], $0x2800  }
0xf8: {  	[sflag:s31] =	ssyncset.done $0x0  }
0xf9: {  	[sflag:s31] =	ssyncadd.s32 $0xFFFFD800  }
0xfa: {  	[tilespmem:s0], [sflag:$0xA] =	stream.linear.gather [spmem:s11], $0x2800, $0x38;
	[tilespmem:$0x1D980] =	vst v63  }
0xfb: {  	_ =	swait.ge [sflag:s31], $0x2800  }
0xfc: {  	[sflag:s31] =	ssyncset.done $0x0  }
0xfd: {  	s10 =	smov.u32 s11;
	s11 =	rddreg [dreg:$0xc];
	[sflag:s31] =	ssyncadd.s32 $0xFFFFD800  }
0xfe: {  	[hbm4b:s11+s2] =	stream.linear.scatter [tilespmem:s0], [sflag:$0xA], $0x2800, $0x38;
	[tilespmem:$0x1D980] =	vst v63  }
0xff: {  	_ =	swait.ge [sflag:s31], $0x2800  }
0x100: {  	[sflag:s31] =	ssyncset.done $0x0  }
0x101: {  	s7 =	rddreg [dreg:$0x4];
	[sflag:s31] =	ssyncadd.s32 $0xFFFFD800  }
0x102: {  	[tilespmem:s0], [sflag:$0xA] =	stream.linear.gather [spmem:s7], $0x2800, $0x38;
	[tilespmem:$0x1D980] =	vst v63  }
0x103: {  	_ =	swait.ge [sflag:s31], $0x2800  }
0x104: {  	[sflag:s31] =	ssyncset.done $0x0  }
0x105: {  	s8 =	rddreg [dreg:$0xd];
	[sflag:s31] =	ssyncadd.s32 $0xFFFFD800  }
0x106: {  	[hbm4b:s8+s2] =	stream.linear.scatter [tilespmem:s0], [sflag:$0xA], $0x2800, $0x38;
	[tilespmem:$0x1D980] =	vst v63  }
0x107: {  	_ =	swait.ge [sflag:s31], $0x2800  }
0x108: {  	[sflag:s31] =	ssyncset.done $0x0  }
0x109: {  	s9 =	rddreg [dreg:$0x5];
	[sflag:s31] =	ssyncadd.s32 $0xFFFFD800  }
0x10a: {  	[tilespmem:s0], [sflag:$0xA] =	stream.linear.gather [spmem:s9], $0x2800, $0x38;
	[tilespmem:$0x1D980] =	vst v63  }
0x10b: {  	_ =	swait.ge [sflag:s31], $0x2800  }
0x10c: {  	[sflag:s31] =	ssyncset.done $0x0  }
0x10d: {  	s11 =	rddreg [dreg:$0xe];
	[sflag:s31] =	ssyncadd.s32 $0xFFFFD800  }
0x10e: {  	[hbm4b:s11+s2] =	stream.linear.scatter [tilespmem:s0], [sflag:$0xA], $0x2800, $0x38;
	[tilespmem:$0x1D980] =	vst v63  }
0x10f: {  	_ =	swait.ge [sflag:s31], $0x2800  }
0x110: {  	[sflag:s31] =	ssyncset.done $0x0  }
0x111: {  	s7 =	rddreg [dreg:$0x6];
	[sflag:s31] =	ssyncadd.s32 $0xFFFFD800  }
0x112: {  	[tilespmem:s0], [sflag:$0xA] =	stream.linear.gather [spmem:s7], $0x2800, $0x38;
	[tilespmem:$0x1D980] =	vst v63  }
0x113: {  	_ =	swait.ge [sflag:s31], $0x2800  }
0x114: {  	[sflag:s31] =	ssyncset.done $0x0  }
0x115: {  	s8 =	rddreg [dreg:$0xf];
	[sflag:s31] =	ssyncadd.s32 $0xFFFFD800  }
0x116: {  	[hbm4b:s8+s2] =	stream.linear.scatter [tilespmem:s0], [sflag:$0xA], $0x2800, $0x38;
	[tilespmem:$0x1D980] =	vst v63  }
0x117: {  	_ =	swait.ge [sflag:s31], $0x2800  }
0x118: {  	[sflag:s31] =	ssyncset.done $0x0  }
0x119: {  	s9 =	rddreg [dreg:$0x7];
	[sflag:s31] =	ssyncadd.s32 $0xFFFFD800  }
0x11a: {  	[tilespmem:s0], [sflag:$0xA] =	stream.linear.gather [spmem:s9], $0x2800, $0x38;
	[tilespmem:$0x1D980] =	vst v63  }
0x11b: {  	_ =	swait.ge [sflag:s31], $0x2800  }
0x11c: {  	[sflag:s31] =	ssyncset.done $0x0  }
0x11d: {  	s11 =	rddreg [dreg:$0x10];
	[sflag:s31] =	ssyncadd.s32 $0xFFFFD800  }
0x11e: {  	[hbm4b:s11+s2] =	stream.linear.scatter [tilespmem:s0], [sflag:$0xA], $0x2800, $0x38;
	[tilespmem:$0x1D980] =	vst v63  }
0x11f: {  	_ =	swait.ge [sflag:s31], $0x2800  }
0x120: {  	[sflag:s31] =	ssyncset.done $0x0  }
0x121: {  	s7 =	rddreg [dreg:$0x8];
	[sflag:s31] =	ssyncadd.s32 $0xFFFFD800  }
0x122: {  	[tilespmem:s0], [sflag:$0xA] =	stream.linear.gather [spmem:s7], $0x2800, $0x38;
	[tilespmem:$0x1D980] =	vst v63  }
0x123: {  	_ =	swait.ge [sflag:s31], $0x2800  }
0x124: {  	[sflag:s31] =	ssyncset.done $0x0  }
0x125: {  	s8 =	rddreg [dreg:$0x13];
	[sflag:s31] =	ssyncadd.s32 $0xFFFFD800  }
0x126: {  	[hbm4b:s8+s2] =	stream.linear.scatter [tilespmem:s0], [sflag:$0xA], $0x2800, $0x38;
	[tilespmem:$0x1D980] =	vst v63  }
0x127: {  	_ =	swait.ge [sflag:s31], $0x2800  }
0x128: {  	[sflag:s31] =	ssyncset.done $0x0  }
0x129: {  	[sflag:s31] =	ssyncadd.s32 $0xFFFFD800  }
0x12a: {  	[tilespmem:s0], [sflag:$0xA] =	stream.linear.gather [spmem:s12], $0x2000, $0x38;
	[tilespmem:$0x1D980] =	vst v63  }
0x12b: {  	_ =	swait.ge [sflag:s31], $0x2000  }
0x12c: {  	[sflag:s31] =	ssyncset.done $0x0  }
0x12d: {  	s9 =	rddreg [dreg:$0x14];
	[sflag:s31] =	ssyncadd.s32 $0xFFFFE000  }
0x12e: {  	[hbm4b:s9+s2] =	stream.linear.scatter [tilespmem:s0], [sflag:$0xA], $0x2000, $0x38;
	[tilespmem:$0x1D980] =	vst v63  }
0x12f: {  	_ =	swait.ge [sflag:s31], $0x2000  }
0x130: {  	[sflag:s31] =	ssyncset.done $0x0  }
0x131: {  	s6 =	simm.s32 @!p0 $0x2900;
	s7 =	simm.s32 @!p0 $0xA;
	[sflag:s31] =	ssyncadd.s32 $0xFFFFE000  }
0x132: {  	[tilespmem:s6], [sflag:$0xA] =	stream.linear.gather @!p0 [spmem:s13], $0x800, $0x38;
	[tilespmem:$0x1D980] =	vst v63  }
0x133: {  	_ =	swait.ge @!p0 [sflag:s7], $0x800  }
0x134: {  	[sflag:s7] =	ssyncset.done @!p0 $0x0  }
0x135: {  	s8 =	simm.s32 @!p0 $0x0;
	s9 =	rddreg [dreg:$0x11];
	[sflag:s7] =	ssyncadd.s32 @!p0 $0xFFFFF800  }
0x136: {  	[hbm4b:s9+s8] =	stream.linear.scatter @!p0 [tilespmem:s6], [sflag:$0xA], $0x800, $0x38;
	[tilespmem:$0x1D980] =	vst v63  }
0x137: {  	_ =	swait.ge @!p0 [sflag:s7], $0x800  }
0x138: {  	s16 =	sadd.s32 $0x1, s16;
	s11 =	rddreg [dreg:$0x12]  }
0x139: {  	p1 =	sne.s32 s16, s11  }
.Ltmp3:
0x13a: {  	_ = 	snop;
	(pc) =	sbr.rel @p1 .LBB2_1-.Ltmp3, $3  }
0x13b: {  	_ =	sdelay $0x1  }
0x13c: {  	[sflag:s7] =	ssyncset.done @!p0 $0x0  }
0x13d: {  	[sflag:s7] =	ssyncadd.s32 @!p0 $0xFFFFF800  }
0x13e: {  	_ =	sfence.sel $0x180000  }
0x13f: {  	[bflag:$0x0] =	sbarrier.arrive $0xFFFF  }
0x140: {  	_ =	strace $0x9000004D  }
0x141: {  	[bflag:$0x2] =	sbarrier.arrive $0xFFFF  }
0x142: {  	s0 =	rddreg [dreg:$0x2]  }
0x143: {  	s0 =	sadd.s32 @!p0 $0x100000, s0  }
0x144: {  	[sflag:s0] =	ssyncadd.tile.s32 @!p0 $0x1;
	_ =	shalt  }
.Lfunc_end2:
_tile_overlayer_lowered:
.L_overlay_start_2:
0x145: {  	(tag) =	ssettag $0x2  }
0x146: {  	s0 =	rddreg [dreg:$0x0];
	s2 =	stileid.u32  }
0x147: {  	s1 =	rddreg [dreg:$0x1];
	p0 =	sne.s32 s2, $0x0  }
0x148: {  	s3 =	rddreg [dreg:$0x2];
	[bflag:$0x3] =	sbarrier.arrive $0xFFFF;
	s2 =	simm.s32 @!p0 $0x1C0A  }
0x149: {  	[timem:s3], [sflag:s2] =	dma.local @!p0 [hbm:s0], s1  }
0x14a: {  	s0 =	simm.s32 @!p0 $0xA  }
0x14b: {  	_ =	swait.ge @!p0 [sflag:s0], s1  }
0x14c: {  	s1 =	ssub.s32 @!p0 $0x0, s1;
	[sflag:s0] =	ssyncset.done @!p0 $0x0  }
0x14d: {  	[sflag:s0] =	ssyncadd.s32 @!p0 s1  }
0x14e: {  	[bflag:$0x3] =	sbarrier.arrive $0xFFFF  }
0x14f: {  	_ =	shalt  }

// kernel: kernel.8.cloned.1.call-start
scs
__scs_entry_jumppad:
0x0: {  	(pc) =	sbr.rel $0x88, $3  }
0x1: {  	(tag) =	ssettag $0x0;
	lr =	simm.s32 $0x1  }
0x2: {  	[smem:$0x3F94] =	sst lr;
	_ =	strace $0xD0000000  }
0x3: {  	_ = 	snop  }
0x4: {  	_ = 	snop  }
0x5: {  	_ = 	snop  }
0x6: {  	_ = 	snop  }
0x7: {  	_ = 	snop  }
__scs_overlays_trampoline_lowered:
0x8: {  	[smem:$0x3FA3] =	sst s0  }
0x9: {  	[smem:$0x3FA4] =	sst s1  }
0xa: {  	[smem:$0x3FA5] =	sst s2  }
0xb: {  	[smem:$0x3FA6] =	sst s3  }
0xc: {  	[smem:$0x3FA7] =	sst s4  }
0xd: {  	[smem:$0x3FA8] =	sst s5  }
0xe: {  	[smem:$0x3FA9] =	sst s6  }
0xf: {  	[smem:$0x3FAA] =	sst s7  }
0x10: {  	[smem:$0x3FAB] =	sst s8  }
0x11: {  	[smem:$0x3FAC] =	sst s9;
	s0 =	simm.s32 @!p0 $0x0  }
0x12: {  	s1 =	sld [smem:$0x3F92];
	s0 =	simm.s32 @p0 $0x1  }
0x13: {  	[smem:$0x3FAD] =	sst s0;
	s0 =	simm.s32 @!p1 $0x0  }
0x14: {  	s2 =	sld [smem:$0x3F91];
	s0 =	simm.s32 @p1 $0x1  }
0x15: {  	[smem:$0x3FAE] =	sst s0;
	s0 =	simm.s32 @!p2 $0x0  }
0x16: {  	s3 =	sld [smem:$0x3FDB];
	s0 =	simm.s32 @p2 $0x1  }
0x17: {  	s4 =	simm.s32 $0x1BF5;
	[smem:$0x3FB0] =	sst s0  }
0x18: {  	s0 =	sld [smem:$0x3F93];
	_ =	swait.ge [sflag:s4], $0x0  }
0x19: {  	s7 =	sld [smem:$0x3F94]  }
0x1a: {  	s8 =	sadd.s32 $0xFFFFE003, lr  }
0x1b: {  	s9 =	sadd.s32 $0xFFFFFEF7, lr;
	s5 =	simm.s32 $0xFFFFFFFF;
	p2 =	slt.u32 s8, $0xFFFFF086  }
0x1c: {  	p1 =	slt.u32 s9, $0xF7A;
	s5 =	simm.s32 @!p2 $0x0  }
0x1d: {  	s5 =	simm.s32 @p1 $0x1;
	p0 =	seq.s32 s7, s2  }
0x1e: {  	s7 =	smul.u32 @!p0 $0xF7A, s2;
	p2 =	seq.s32 @!p0 s5, $0x0  }
0x1f: {  	s9 =	smul.u32 $0xF7A, s1;
	s8 =	simm.s32 @!p0 $0x1BF5;
	p2 =	por !p2, p0  }
0x20: {  	[sflag:s8] =	ssyncset.s32 @!p0 $0xFFFFF086;
	s6 =	sadd.s32 @!p0 s3, s7;
	s7 =	simm.s32 @!p0 $0x108  }
0x21: {  	s3 =	sadd.s32 s3, s9;
	s6 =	sadd.s32 @!p0 $0x88, s6;
	s7 =	simm.s32 @p2 $0x1082  }
0x22: {  	[simem:s7], [sflag:s8] =	dma.local @!p0 [hbm:s6], $0xF7A  }
0x23: {  	s9 =	sor.u32 $0xD0000000, s2;
	s6 =	simm.s32 $0x108;
	_ =	swait.ge @!p0 [sflag:s8], $0x0  }
0x24: {  	s3 =	sadd.s32 $0x88, s3;
	s6 =	simm.s32 @!p1 $0x1082;
	[sflag:s4] =	ssyncset.s32 $0xFFFFF086  }
0x25: {  	[simem:s6], [sflag:s4] =	dma.local [hbm:s3], $0xF7A  }
0x26: {  	[smem:$0x3F94] =	sst s1;
	(tag) =	ssettag s2;
	_ =	strace s9  }
0x27: {  	s1 =	sld [smem:$0x3FA4]  }
0x28: {  	s2 =	sld [smem:$0x3FA5]  }
0x29: {  	s4 =	sld [smem:$0x3FA7]  }
0x2a: {  	p0 =	seq.s32 s5, $0x0;
	s5 =	sld [smem:$0x3FA8]  }
0x2b: {  	s6 =	sld [smem:$0x3FA9]  }
0x2c: {  	s7 =	sld [smem:$0x3FAA]  }
0x2d: {  	s3 =	simm.s32 $0x108;
	s8 =	sld [smem:$0x3FAB]  }
0x2e: {  	s3 =	simm.s32 @!p0 $0x1082;
	s9 =	sld [smem:$0x3FAC]  }
0x2f: {  	lr =	sadd.s32 s0, s3;
	s0 =	sld [smem:$0x3FA3]  }
0x30: {  	s3 =	sld [smem:$0x3FA6]  }
0x31: {  	[smem:$0x3FAF] =	sst s10  }
0x32: {  	s10 =	sld [smem:$0x3FAD];
	_ =	sdelay $0x3  }
0x33: {  	p0 =	seq.s32 s10, $0x1;
	s10 =	sld [smem:$0x3FAF];
	_ =	sdelay $0x3  }
0x34: {  	[smem:$0x3FAF] =	sst s10  }
0x35: {  	s10 =	sld [smem:$0x3FAE];
	_ =	sdelay $0x3  }
0x36: {  	p1 =	seq.s32 s10, $0x1;
	s10 =	sld [smem:$0x3FAF];
	_ =	sdelay $0x3  }
0x37: {  	[smem:$0x3FAF] =	sst s10  }
0x38: {  	s10 =	sld [smem:$0x3FB0]  }
0x39: {  	_ = 	snop;
	(pc) =	sbr.ind lr, $3  }
0x3a: {  	_ = 	snop  }
0x3b: {  	_ = 	snop  }
0x3c: {  	p2 =	seq.s32 s10, $0x1;
	s10 =	sld [smem:$0x3FAF]  }
0x3d: {  	_ =	shalt  }
0x3e: {  	_ =	shalt  }
0x3f: {  	_ =	shalt  }
0x40: {  	_ =	shalt  }
0x41: {  	_ =	shalt  }
0x42: {  	_ =	shalt  }
0x43: {  	_ =	shalt  }
0x44: {  	_ =	shalt  }
0x45: {  	_ =	shalt  }
0x46: {  	_ =	shalt  }
0x47: {  	_ =	shalt  }
0x48: {  	_ =	shalt  }
0x49: {  	_ =	shalt  }
0x4a: {  	_ =	shalt  }
0x4b: {  	_ =	shalt  }
0x4c: {  	_ =	shalt  }
0x4d: {  	_ =	shalt  }
0x4e: {  	_ =	shalt  }
0x4f: {  	_ =	shalt  }
0x50: {  	_ =	shalt  }
0x51: {  	_ =	shalt  }
0x52: {  	_ =	shalt  }
0x53: {  	_ =	shalt  }
0x54: {  	_ =	shalt  }
0x55: {  	_ =	shalt  }
0x56: {  	_ =	shalt  }
0x57: {  	_ =	shalt  }
0x58: {  	_ =	shalt  }
0x59: {  	_ =	shalt  }
0x5a: {  	_ =	shalt  }
0x5b: {  	_ =	shalt  }
0x5c: {  	_ =	shalt  }
0x5d: {  	_ =	shalt  }
0x5e: {  	_ =	shalt  }
0x5f: {  	_ =	shalt  }
0x60: {  	_ =	shalt  }
0x61: {  	_ =	shalt  }
0x62: {  	_ =	shalt  }
0x63: {  	_ =	shalt  }
0x64: {  	_ =	shalt  }
0x65: {  	_ =	shalt  }
0x66: {  	_ =	shalt  }
0x67: {  	_ =	shalt  }
0x68: {  	_ =	shalt  }
0x69: {  	_ =	shalt  }
0x6a: {  	_ =	shalt  }
0x6b: {  	_ =	shalt  }
0x6c: {  	_ =	shalt  }
0x6d: {  	_ =	shalt  }
0x6e: {  	_ =	shalt  }
0x6f: {  	_ =	shalt  }
0x70: {  	_ =	shalt  }
0x71: {  	_ =	shalt  }
0x72: {  	_ =	shalt  }
0x73: {  	_ =	shalt  }
0x74: {  	_ =	shalt  }
0x75: {  	_ =	shalt  }
0x76: {  	_ =	shalt  }
0x77: {  	_ =	shalt  }
0x78: {  	_ =	shalt  }
0x79: {  	_ =	shalt  }
0x7a: {  	_ =	shalt  }
0x7b: {  	_ =	shalt  }
0x7c: {  	_ =	shalt  }
0x7d: {  	_ =	shalt  }
0x7e: {  	_ =	shalt  }
0x7f: {  	_ =	shalt  }
0x80: {  	_ =	shalt  }
0x81: {  	_ =	shalt  }
0x82: {  	_ =	shalt  }
0x83: {  	_ =	shalt  }
0x84: {  	_ =	shalt  }
0x85: {  	_ =	shalt  }
0x86: {  	_ =	shalt  }
0x87: {  	_ =	shalt  }
.Lfunc_end0:
.L_simem_size_0:
called_computation_lowered:
.L_overlay_start_0:
0x88: {  	s2 =	sld [smem:$0x3FD9]  }
0x89: {  	s3 =	sld [smem:$0x3FFE];
	_ =	sdelay $0x1  }
0x8a: {  	s1 =	srdreg.scid  }
0x8b: {  	s0 =	sand.u32 $0x1, s1  }
0x8c: {  	s16 =	sshll.u32 s0, $0xA;
	s2 =	sadd.s32 s3, s2  }
0x8d: {  	s2 =	sadd.s32 s2, s16  }
0x8e: {  	[smem:$0x3FBB] =	sst s2  }
0x8f: {  	_ = 	snop  }
0x90: {  	(tm) =	ssettm $0x1  }
0x91: {  	s17 =	sld [smem:$0x3FFB];
	_ =	sdelay $0x3  }
0x92: {  	_ =	strace s17  }
0x93: {  	s2 =	sld [smem:$0x3FFC];
	_ =	sdelay $0x3  }
0x94: {  	_ =	strace s2  }
0x95: {  	s2 =	sld [smem:$0x3FFD];
	_ =	sdelay $0x3  }
0x96: {  	_ =	strace s2  }
0x97: {  	_ =	strace $0x8FFFFFFF  }
0x98: {  	s18 =	sld [smem:$0x3FDB];
	_ =	sdelay $0x1  }
0x99: {  	s19 =	simm.s32 $_scs_section_size  }
0x9a: {  	s4 =	simm.s32 $_size__tile_overlayer_lowered;
	s5 =	simm.s32 $_tile_overlayer_lowered  }
0x9b: {  	s22 =	simm.s32 $0x1BFF;
	s21 =	sshll.u32 s5, $0x1;
	s2 =	sadd.s32 s19, s18  }
0x9c: {  	s6 =	simm.s32 $0x0;
	s20 =	sshll.u32 s4, $0x1;
	s4 =	sadd.s32 s21, s2  }
0x9d: {  	[timem:s6], [sflag:s22] =	dma.local [hbm:s4], s20  }
0x9e: {  	_ =	swait.ge [sflag:s22], s20  }
0x9f: {  	s3 =	ssub.s32 $0x0, s20;
	[sflag:s22] =	ssyncset.done $0x0  }
0xa0: {  	[sflag:s22] =	ssyncadd.s32 s3;
	_ =	sdelay $0x1  }
0xa1: {  	s23 =	simm.s32 $0x1B8B  }
0xa2: {  	_ =	swait.ge [sflag:s23], $0x1  }
0xa3: {  	[sflag:s23] =	ssyncset.done $0x0  }
0xa4: {  	s25 =	simm.s32 $0x1B8E;
	s24 =	sld [smem:$0x3FFE];
	[sflag:s23] =	ssyncadd.s32 $0xFFFFFFFF  }
0xa5: {  	s26 =	simm.s32 $execute0_lowered;
	[smem:$0x3FD2] =	sst s25  }
0xa6: {  	s4 =	sshll.u32 s26, $0x1;
	_ =	strace $0x80000046;
	[dreg:$0x1] =	wrdreg $0xFFFFFFFF  }
0xa7: {  	s28 =	simm.s32 $_size_execute0_lowered;
	s2 =	sadd.s32 s2, s4;
	[dreg:$0x0] =	wrdreg $0x0  }
0xa8: {  	s4 =	sshll.u32 s28, $0x1;
	[dreg:$0x2] =	wrdreg s2  }
0xa9: {  	[dreg:$0x3] =	wrdreg s4  }
0xaa: {  	[dreg:$0x4] =	wrdreg $0xC0  }
0xab: {  	_ =	task [dreg:s6], $0x5FFFF  }
0xac: {  	[dreg:$0x1] =	wrdreg $0xFFFFFFFF  }
0xad: {  	[dreg:$0x0] =	wrdreg $0x60  }
0xae: {  	[dreg:$0x2] =	wrdreg s24  }
0xaf: {  	[dreg:$0x3] =	wrdreg $0x55000  }
0xb0: {  	[dreg:$0x4] =	wrdreg $0x9  }
0xb1: {  	_ =	task.clear_ibuf [dreg:s6], $0x5FFFF;
	_ =	strace $0x90000046  }
0xb2: {  	s29 =	simm.s32 $0x9;
	_ =	strace $0x80000048  }
0xb3: {  	_ =	swait.ge [sflag:s29], $0x1  }
0xb4: {  	[sflag:s29] =	ssyncadd.s32 $0xFFFFFFFF  }
0xb5: {  	_ =	strace $0x90000048  }
0xb6: {  	_ =	sfence  }
0xb7: {  	s30 =	sld [smem:$0x0];
	_ =	sdelay $0x2  }
0xb8: {  	s31 =	sshll.u32 s1, $0xD;
	s1 =	sshrl.u32 s1, $0x2  }
0xb9: {  	s3 =	sand.u32 $0x4000, s31;
	s1 =	sadd.s32 s1, s30  }
0xba: {  	s0 =	sor.u32 s3, s0;
	s1 =	sshll.u32 s1, $0x11  }
0xbb: {  	s0 =	sor.u32 s1, s0  }
0xbc: {  	s0 =	sadd.s32 $0x8F2B, s0  }
0xbd: {  	[sflag:s0] =	ssyncadd.remote.s32 $0x1  }
0xbe: {  	_ =	sfence.sel $0xFFFF  }
0xbf: {  	[dreg:$0x0] =	wrdreg $0xFFFFFFFF;
	(pc) =	sbr.abs _section_cstart, $3  }
0xc0: {  	[dreg:$0x1] =	wrdreg $0xFFFFFFFF  }
0xc1: {  	_ =	task.clear_ibuf [dreg:s6], $0x2FFFF;
	_ =	strace $0x9FFFFFFF  }
0xc2: {  	(tm) =	ssettm $0x7FFFFFFF  }
0xc3: {  	_ =	shalt  }
tec
execute0_lowered:
.L_overlay_start_1:
0x0: {  	(tag) =	ssettag $0x1  }
0x1: {  	s5 =	rddreg [dreg:$0x0]  }
0x2: {  	s0 =	srdreg.scid;
	s7 =	rddreg [dreg:$0x1]  }
0x3: {  	s1 =	rddreg [dreg:$0x2];
	s3 =	sand.u32 $0x1, s0  }
0x4: {  	s0 =	stileid.u32;
	s4 =	smul.u32 $0x27100, s3  }
0x5: {  	s2 =	simm.s32 $0x0;
	s23 =	simm.s32 $0x1;
	s6 =	smul.u32 $0x2710, s0  }
0x6: {  	s24 =	simm.s32 $0x2800;
	s25 =	simm.s32 $0x5000;
	s8 =	smul.u32 $0x280, s0  }
0x7: {  	s28 =	simm.s32 $0x0;
	[smem:$0x7FF] =	sst s2;
	s9 =	smul.u32 $0x2800, s3  }
0x8: {  	_ =	strace $0x80000047;
	s3 =	ssub.s32 $0x2, s3;
	s29 =	smul.u32 $0xA000, s0  }
0x9: {  	s30 =	sshrl.u32 s3, $0x1;
	s4 =	sadd.s32 s6, s4;
	s26 =	sadd.s32 s8, s9  }
0xa: {  	s22 =	ssub.s32 s3, s30;
	s31 =	sshrl.u32 s29, $0x2;
	s3 =	sadd.s32 s8, s7  }
0xb: {  	s4 =	sshrl.u32 s4, $0x3;
	s6 =	sshrl.u32 s26, $0x3;
	s8 =	sadd.s32 $0x7800, s3  }
0xc: {  	s9 =	sadd.s32 $0xA000, s3;
	s10 =	sadd.s32 $0xC800, s3;
	s11 =	sadd.s32 $0xF000, s3  }
0xd: {  	s12 =	sadd.s32 $0x11800, s3;
	s13 =	sadd.s32 $0x14000, s3;
	s14 =	sadd.s32 $0x16800, s3  }
0xe: {  	s15 =	sadd.s32 $0x19000, s3;
	s16 =	sadd.s32 $0x1B800, s3;
	s17 =	sadd.s32 $0x1E000, s3  }
0xf: {  	s18 =	sadd.s32 $0x20800, s3;
	s19 =	sadd.s32 $0x23000, s3;
	s20 =	sadd.s32 $0x25800, s3  }
0x10: {  	s22 =	smax.u32 s22, $0x1;
	s26 =	simm.s32 $0x5280;
	s4 =	sadd.s32 s4, s5  }
0x11: {  	s21 =	sadd.s32 s6, s5;
	s5 =	sadd.s32 s31, s7;
	s6 =	sadd.s32 $0x2800, s3  }
0x12: {  	v0 =	vimm.f32 $0.0e+00;
	v1 =	vimm.s32 $0x2710;
	v2 =	vimm.f32 $1.000000000e+00;
	s7 =	sadd.s32 $0x5000, s3;
	s4 =	sadd.s32 $0x3400, s4;
	s21 =	sadd.s32 $0xD200, s21  }
.LBB2_1:
0x13: {  	s29 =	simm.s32 $0x40;
	s30 =	simm.s32 $0x0  }
.LBB2_2:
0x14: {  	p0 =	sne.s32 s29, $0x9FC0;
	[tilespmem:s30+$0x2800] =	vst v0;
	s30 =	smov.u32 s29;
	s29 =	sadd.s32 $0x40, s29  }
.Ltmp0:
0x15: {  	(pc) =	sbr.rel @p0 .LBB2_2-.Ltmp0, $2  }
0x16: {  	_ =	sdelay $0x2  }
0x17: {  	s30 =	sshra.s32 s30, $0x2  }
0x18: {  	[tilespmem:s30+$0x2800] =	vst v0;
	s29 =	simm.s32 $0x0  }
0x19: {  	[tilespmem:s29], [sflag:$0x1] =	stream.linear.gather [hbm4b:s4+s29], $0x2710, $0x38;
	[tilespmem:$0x7D00] =	vst v63  }
0x1a: {  	_ =	swait.ge [sflag:s23], $0x2710  }
0x1b: {  	[sflag:s23] =	ssyncset.done $0x0  }
0x1c: {  	[sflag:s23] =	ssyncadd.s32 $0xFFFFD8F0  }
0x1d: {  	[tilespmem:$0x2710] =	vst v1  }
0x1e: {  	[tilespmem:$0x2720] =	vst v1  }
0x1f: {  	[tilespmem:$0x2730] =	vst v1  }
0x20: {  	[tilespmem:$0x2740] =	vst v1  }
0x21: {  	[tilespmem:$0x2750] =	vst v1  }
0x22: {  	[tilespmem:$0x2760] =	vst v1  }
0x23: {  	[tilespmem:$0x2770] =	vst v1  }
0x24: {  	[tilespmem:$0x2780] =	vst v1  }
0x25: {  	[tilespmem:$0x2790] =	vst v1  }
0x26: {  	[tilespmem:$0x27A0] =	vst v1  }
0x27: {  	[tilespmem:$0x27B0] =	vst v1  }
0x28: {  	[tilespmem:$0x27C0] =	vst v1  }
0x29: {  	[tilespmem:$0x27D0] =	vst v1  }
0x2a: {  	[tilespmem:$0x27E0] =	vst v1  }
0x2b: {  	s30 =	simm.s32 $0x0;
	s29 =	simm.s32 $0x40;
	[tilespmem:$0x27F0] =	vst v1  }
.LBB2_4:
0x2c: {  	p0 =	sne.s32 s29, $0x9FC0;
	v3 =	vld [tilespmem:s30+$0x0];
	_ =	sdelay $0x3  }
.Ltmp1:
0x2d: {  	(pc) =	sbr.rel @p0 .LBB2_4-.Ltmp1, $2  }
0x2e: {  	_ =	sdelay $0x2  }
0x2f: {  	s30 =	sshra.s32 s29, $0x2;
	s29 =	sadd.s32 $0x40, s29;
	[tilespmem:v3+s24+$0x0] =	vst.idx.add.f32.msk $0xffff, v2  }
0x30: {  	v3 =	vld [tilespmem:s30+$0x0];
	_ =	sdelay $0x7  }
0x31: {  	[tilespmem:v3+s24+$0x0] =	vst.idx.add.f32.msk $0xffff, v2  }
0x32: {  	[spmem:s5] =	stream.linear.scatter [tilespmem:s24], [sflag:$0x1], $0x2800, $0x38;
	[tilespmem:$0x7D00] =	vst v63  }
0x33: {  	_ =	swait.ge [sflag:s23], $0x2800  }
0x34: {  	[sflag:s23] =	ssyncset.done $0x0  }
0x35: {  	[sflag:s23] =	ssyncadd.s32 $0xFFFFD800  }
0x36: {  	[bflag:$0x0] =	sbarrier.arrive $0xFFFF  }
0x37: {  	[tilespmem:$0x5280] =	vst v0  }
0x38: {  	[tilespmem:$0x5290] =	vst v0  }
0x39: {  	[tilespmem:$0x52A0] =	vst v0  }
0x3a: {  	[tilespmem:$0x52B0] =	vst v0  }
0x3b: {  	[tilespmem:$0x52C0] =	vst v0  }
0x3c: {  	[tilespmem:$0x52D0] =	vst v0  }
0x3d: {  	[tilespmem:$0x52E0] =	vst v0  }
0x3e: {  	[tilespmem:$0x52F0] =	vst v0  }
0x3f: {  	[tilespmem:$0x5300] =	vst v0  }
0x40: {  	[tilespmem:$0x5310] =	vst v0  }
0x41: {  	[tilespmem:$0x5320] =	vst v0  }
0x42: {  	[tilespmem:$0x5330] =	vst v0  }
0x43: {  	[tilespmem:$0x5340] =	vst v0  }
0x44: {  	[tilespmem:$0x5350] =	vst v0  }
0x45: {  	[tilespmem:$0x5360] =	vst v0  }
0x46: {  	[tilespmem:$0x5370] =	vst v0  }
0x47: {  	[tilespmem:$0x5380] =	vst v0  }
0x48: {  	[tilespmem:$0x5390] =	vst v0  }
0x49: {  	[tilespmem:$0x53A0] =	vst v0  }
0x4a: {  	[tilespmem:$0x53B0] =	vst v0  }
0x4b: {  	[tilespmem:$0x53C0] =	vst v0  }
0x4c: {  	[tilespmem:$0x53D0] =	vst v0  }
0x4d: {  	[tilespmem:$0x53E0] =	vst v0  }
0x4e: {  	[tilespmem:$0x53F0] =	vst v0  }
0x4f: {  	[tilespmem:$0x5400] =	vst v0  }
0x50: {  	[tilespmem:$0x5410] =	vst v0  }
0x51: {  	[tilespmem:$0x5420] =	vst v0  }
0x52: {  	[tilespmem:$0x5430] =	vst v0  }
0x53: {  	[tilespmem:$0x5440] =	vst v0  }
0x54: {  	[tilespmem:$0x5450] =	vst v0  }
0x55: {  	[tilespmem:$0x5460] =	vst v0  }
0x56: {  	[tilespmem:$0x5470] =	vst v0  }
0x57: {  	[tilespmem:$0x5480] =	vst v0  }
0x58: {  	[tilespmem:$0x5490] =	vst v0  }
0x59: {  	[tilespmem:$0x54A0] =	vst v0  }
0x5a: {  	[tilespmem:$0x54B0] =	vst v0  }
0x5b: {  	[tilespmem:$0x54C0] =	vst v0  }
0x5c: {  	[tilespmem:$0x54D0] =	vst v0  }
0x5d: {  	[tilespmem:$0x54E0] =	vst v0  }
0x5e: {  	[tilespmem:$0x54F0] =	vst v0  }
0x5f: {  	[tilespmem:s25], [sflag:$0x1] =	stream.linear.gather [spmem:s3], $0x280, $0x38;
	[tilespmem:$0x7D00] =	vst v63  }
0x60: {  	_ =	swait.ge [sflag:s23], $0x280  }
0x61: {  	[sflag:s23] =	ssyncset.done $0x0  }
0x62: {  	s29 =	simm.s32 $0x0;
	[sflag:s23] =	ssyncadd.s32 $0xFFFFFD80  }
0x63: {  	s30 =	simm.s32 $0x40;
	v3 =	vld [tilespmem:s29+$0x5000]  }
.LBB2_6:
0x64: {  	p0 =	sne.s32 s30, $0x9C0;
	v4 =	vld [tilespmem:s29+$0x5280];
	_ =	sdelay $0x2  }
.Ltmp2:
0x65: {  	(pc) =	sbr.rel @p0 .LBB2_6-.Ltmp2, $4  }
0x66: {  	_ = 	snop  }
0x67: {  	v4 =	vadd.f32 v3, v4  }
0x68: {  	s31 =	sshra.s32 s30, $0x2  }
0x69: {  	s30 =	sadd.s32 $0x40, s30;
	v3 =	vld [tilespmem:s31+$0x5000];
	[tilespmem:s29+$0x5280] =	vst v4;
	s29 =	smov.u32 s31  }
0x6a: {  	v4 =	vld [tilespmem:s29+$0x5280];
	_ =	sdelay $0x4  }
0x6b: {  	v3 =	vadd.f32 v3, v4;
	_ =	sdelay $0x1  }
0x6c: {  	[tilespmem:s29+$0x5280] =	vst v3  }
0x6d: {  	[tilespmem:s25], [sflag:$0x1] =	stream.linear.gather [spmem:s6], $0x280, $0x38;
	[tilespmem:$0x7D00] =	vst v63  }
0x6e: {  	_ =	swait.ge [sflag:s23], $0x280  }
0x6f: {  	[sflag:s23] =	ssyncset.done $0x0  }
0x70: {  	s29 =	simm.s32 $0x0;
	[sflag:s23] =	ssyncadd.s32 $0xFFFFFD80  }
0x71: {  	s30 =	simm.s32 $0x40;
	v3 =	vld [tilespmem:s29+$0x5000]  }
.LBB2_8:
0x72: {  	p0 =	sne.s32 s30, $0x9C0;
	v4 =	vld [tilespmem:s29+$0x5280];
	_ =	sdelay $0x2  }
.Ltmp3:
0x73: {  	(pc) =	sbr.rel @p0 .LBB2_8-.Ltmp3, $4  }
0x74: {  	_ = 	snop  }
0x75: {  	v4 =	vadd.f32 v3, v4  }
0x76: {  	s31 =	sshra.s32 s30, $0x2  }
0x77: {  	s30 =	sadd.s32 $0x40, s30;
	v3 =	vld [tilespmem:s31+$0x5000];
	[tilespmem:s29+$0x5280] =	vst v4;
	s29 =	smov.u32 s31  }
0x78: {  	v4 =	vld [tilespmem:s29+$0x5280];
	_ =	sdelay $0x4  }
0x79: {  	v3 =	vadd.f32 v3, v4;
	_ =	sdelay $0x1  }
0x7a: {  	[tilespmem:s29+$0x5280] =	vst v3  }
0x7b: {  	[tilespmem:s25], [sflag:$0x1] =	stream.linear.gather [spmem:s7], $0x280, $0x38;
	[tilespmem:$0x7D00] =	vst v63  }
0x7c: {  	_ =	swait.ge [sflag:s23], $0x280  }
0x7d: {  	[sflag:s23] =	ssyncset.done $0x0  }
0x7e: {  	s29 =	simm.s32 $0x0;
	[sflag:s23] =	ssyncadd.s32 $0xFFFFFD80  }
0x7f: {  	s30 =	simm.s32 $0x40;
	v3 =	vld [tilespmem:s29+$0x5000]  }
.LBB2_10:
0x80: {  	p0 =	sne.s32 s30, $0x9C0;
	v4 =	vld [tilespmem:s29+$0x5280];
	_ =	sdelay $0x2  }
.Ltmp4:
0x81: {  	(pc) =	sbr.rel @p0 .LBB2_10-.Ltmp4, $4  }
0x82: {  	_ = 	snop  }
0x83: {  	v4 =	vadd.f32 v3, v4  }
0x84: {  	s31 =	sshra.s32 s30, $0x2  }
0x85: {  	s30 =	sadd.s32 $0x40, s30;
	v3 =	vld [tilespmem:s31+$0x5000];
	[tilespmem:s29+$0x5280] =	vst v4;
	s29 =	smov.u32 s31  }
0x86: {  	v4 =	vld [tilespmem:s29+$0x5280];
	_ =	sdelay $0x4  }
0x87: {  	v3 =	vadd.f32 v3, v4;
	_ =	sdelay $0x1  }
0x88: {  	[tilespmem:s29+$0x5280] =	vst v3  }
0x89: {  	[tilespmem:s25], [sflag:$0x1] =	stream.linear.gather [spmem:s8], $0x280, $0x38;
	[tilespmem:$0x7D00] =	vst v63  }
0x8a: {  	_ =	swait.ge [sflag:s23], $0x280  }
0x8b: {  	[sflag:s23] =	ssyncset.done $0x0  }
0x8c: {  	s29 =	simm.s32 $0x0;
	[sflag:s23] =	ssyncadd.s32 $0xFFFFFD80  }
0x8d: {  	s30 =	simm.s32 $0x40;
	v3 =	vld [tilespmem:s29+$0x5000]  }
.LBB2_12:
0x8e: {  	p0 =	sne.s32 s30, $0x9C0;
	v4 =	vld [tilespmem:s29+$0x5280];
	_ =	sdelay $0x2  }
.Ltmp5:
0x8f: {  	(pc) =	sbr.rel @p0 .LBB2_12-.Ltmp5, $4  }
0x90: {  	_ = 	snop  }
0x91: {  	v4 =	vadd.f32 v3, v4  }
0x92: {  	s31 =	sshra.s32 s30, $0x2  }
0x93: {  	s30 =	sadd.s32 $0x40, s30;
	v3 =	vld [tilespmem:s31+$0x5000];
	[tilespmem:s29+$0x5280] =	vst v4;
	s29 =	smov.u32 s31  }
0x94: {  	v4 =	vld [tilespmem:s29+$0x5280];
	_ =	sdelay $0x4  }
0x95: {  	v3 =	vadd.f32 v3, v4;
	_ =	sdelay $0x1  }
0x96: {  	[tilespmem:s29+$0x5280] =	vst v3  }
0x97: {  	[tilespmem:s25], [sflag:$0x1] =	stream.linear.gather [spmem:s9], $0x280, $0x38;
	[tilespmem:$0x7D00] =	vst v63  }
0x98: {  	_ =	swait.ge [sflag:s23], $0x280  }
0x99: {  	[sflag:s23] =	ssyncset.done $0x0  }
0x9a: {  	s29 =	simm.s32 $0x0;
	[sflag:s23] =	ssyncadd.s32 $0xFFFFFD80  }
0x9b: {  	s30 =	simm.s32 $0x40;
	v3 =	vld [tilespmem:s29+$0x5000]  }
.LBB2_14:
0x9c: {  	p0 =	sne.s32 s30, $0x9C0;
	v4 =	vld [tilespmem:s29+$0x5280];
	_ =	sdelay $0x2  }
.Ltmp6:
0x9d: {  	(pc) =	sbr.rel @p0 .LBB2_14-.Ltmp6, $4  }
0x9e: {  	_ = 	snop  }
0x9f: {  	v4 =	vadd.f32 v3, v4  }
0xa0: {  	s31 =	sshra.s32 s30, $0x2  }
0xa1: {  	s30 =	sadd.s32 $0x40, s30;
	v3 =	vld [tilespmem:s31+$0x5000];
	[tilespmem:s29+$0x5280] =	vst v4;
	s29 =	smov.u32 s31  }
0xa2: {  	v4 =	vld [tilespmem:s29+$0x5280];
	_ =	sdelay $0x4  }
0xa3: {  	v3 =	vadd.f32 v3, v4;
	_ =	sdelay $0x1  }
0xa4: {  	[tilespmem:s29+$0x5280] =	vst v3  }
0xa5: {  	[tilespmem:s25], [sflag:$0x1] =	stream.linear.gather [spmem:s10], $0x280, $0x38;
	[tilespmem:$0x7D00] =	vst v63  }
0xa6: {  	_ =	swait.ge [sflag:s23], $0x280  }
0xa7: {  	[sflag:s23] =	ssyncset.done $0x0  }
0xa8: {  	s29 =	simm.s32 $0x0;
	[sflag:s23] =	ssyncadd.s32 $0xFFFFFD80  }
0xa9: {  	s30 =	simm.s32 $0x40;
	v3 =	vld [tilespmem:s29+$0x5000]  }
.LBB2_16:
0xaa: {  	p0 =	sne.s32 s30, $0x9C0;
	v4 =	vld [tilespmem:s29+$0x5280];
	_ =	sdelay $0x2  }
.Ltmp7:
0xab: {  	(pc) =	sbr.rel @p0 .LBB2_16-.Ltmp7, $4  }
0xac: {  	_ = 	snop  }
0xad: {  	v4 =	vadd.f32 v3, v4  }
0xae: {  	s31 =	sshra.s32 s30, $0x2  }
0xaf: {  	s30 =	sadd.s32 $0x40, s30;
	v3 =	vld [tilespmem:s31+$0x5000];
	[tilespmem:s29+$0x5280] =	vst v4;
	s29 =	smov.u32 s31  }
0xb0: {  	v4 =	vld [tilespmem:s29+$0x5280];
	_ =	sdelay $0x4  }
0xb1: {  	v3 =	vadd.f32 v3, v4;
	_ =	sdelay $0x1  }
0xb2: {  	[tilespmem:s29+$0x5280] =	vst v3  }
0xb3: {  	[tilespmem:s25], [sflag:$0x1] =	stream.linear.gather [spmem:s11], $0x280, $0x38;
	[tilespmem:$0x7D00] =	vst v63  }
0xb4: {  	_ =	swait.ge [sflag:s23], $0x280  }
0xb5: {  	[sflag:s23] =	ssyncset.done $0x0  }
0xb6: {  	s29 =	simm.s32 $0x0;
	[sflag:s23] =	ssyncadd.s32 $0xFFFFFD80  }
0xb7: {  	s30 =	simm.s32 $0x40;
	v3 =	vld [tilespmem:s29+$0x5000]  }
.LBB2_18:
0xb8: {  	p0 =	sne.s32 s30, $0x9C0;
	v4 =	vld [tilespmem:s29+$0x5280];
	_ =	sdelay $0x2  }
.Ltmp8:
0xb9: {  	(pc) =	sbr.rel @p0 .LBB2_18-.Ltmp8, $4  }
0xba: {  	_ = 	snop  }
0xbb: {  	v4 =	vadd.f32 v3, v4  }
0xbc: {  	s31 =	sshra.s32 s30, $0x2  }
0xbd: {  	s30 =	sadd.s32 $0x40, s30;
	v3 =	vld [tilespmem:s31+$0x5000];
	[tilespmem:s29+$0x5280] =	vst v4;
	s29 =	smov.u32 s31  }
0xbe: {  	v4 =	vld [tilespmem:s29+$0x5280];
	_ =	sdelay $0x4  }
0xbf: {  	v3 =	vadd.f32 v3, v4;
	_ =	sdelay $0x1  }
0xc0: {  	[tilespmem:s29+$0x5280] =	vst v3  }
0xc1: {  	[tilespmem:s25], [sflag:$0x1] =	stream.linear.gather [spmem:s12], $0x280, $0x38;
	[tilespmem:$0x7D00] =	vst v63  }
0xc2: {  	_ =	swait.ge [sflag:s23], $0x280  }
0xc3: {  	[sflag:s23] =	ssyncset.done $0x0  }
0xc4: {  	s29 =	simm.s32 $0x0;
	[sflag:s23] =	ssyncadd.s32 $0xFFFFFD80  }
0xc5: {  	s30 =	simm.s32 $0x40;
	v3 =	vld [tilespmem:s29+$0x5000]  }
.LBB2_20:
0xc6: {  	p0 =	sne.s32 s30, $0x9C0;
	v4 =	vld [tilespmem:s29+$0x5280];
	_ =	sdelay $0x2  }
.Ltmp9:
0xc7: {  	(pc) =	sbr.rel @p0 .LBB2_20-.Ltmp9, $4  }
0xc8: {  	_ = 	snop  }
0xc9: {  	v4 =	vadd.f32 v3, v4  }
0xca: {  	s31 =	sshra.s32 s30, $0x2  }
0xcb: {  	s30 =	sadd.s32 $0x40, s30;
	v3 =	vld [tilespmem:s31+$0x5000];
	[tilespmem:s29+$0x5280] =	vst v4;
	s29 =	smov.u32 s31  }
0xcc: {  	v4 =	vld [tilespmem:s29+$0x5280];
	_ =	sdelay $0x4  }
0xcd: {  	v3 =	vadd.f32 v3, v4;
	_ =	sdelay $0x1  }
0xce: {  	[tilespmem:s29+$0x5280] =	vst v3  }
0xcf: {  	[tilespmem:s25], [sflag:$0x1] =	stream.linear.gather [spmem:s13], $0x280, $0x38;
	[tilespmem:$0x7D00] =	vst v63  }
0xd0: {  	_ =	swait.ge [sflag:s23], $0x280  }
0xd1: {  	[sflag:s23] =	ssyncset.done $0x0  }
0xd2: {  	s29 =	simm.s32 $0x0;
	[sflag:s23] =	ssyncadd.s32 $0xFFFFFD80  }
0xd3: {  	s30 =	simm.s32 $0x40;
	v3 =	vld [tilespmem:s29+$0x5000]  }
.LBB2_22:
0xd4: {  	p0 =	sne.s32 s30, $0x9C0;
	v4 =	vld [tilespmem:s29+$0x5280];
	_ =	sdelay $0x2  }
.Ltmp10:
0xd5: {  	(pc) =	sbr.rel @p0 .LBB2_22-.Ltmp10, $4  }
0xd6: {  	_ = 	snop  }
0xd7: {  	v4 =	vadd.f32 v3, v4  }
0xd8: {  	s31 =	sshra.s32 s30, $0x2  }
0xd9: {  	s30 =	sadd.s32 $0x40, s30;
	v3 =	vld [tilespmem:s31+$0x5000];
	[tilespmem:s29+$0x5280] =	vst v4;
	s29 =	smov.u32 s31  }
0xda: {  	v4 =	vld [tilespmem:s29+$0x5280];
	_ =	sdelay $0x4  }
0xdb: {  	v3 =	vadd.f32 v3, v4;
	_ =	sdelay $0x1  }
0xdc: {  	[tilespmem:s29+$0x5280] =	vst v3  }
0xdd: {  	[tilespmem:s25], [sflag:$0x1] =	stream.linear.gather [spmem:s14], $0x280, $0x38;
	[tilespmem:$0x7D00] =	vst v63  }
0xde: {  	_ =	swait.ge [sflag:s23], $0x280  }
0xdf: {  	[sflag:s23] =	ssyncset.done $0x0  }
0xe0: {  	s29 =	simm.s32 $0x0;
	[sflag:s23] =	ssyncadd.s32 $0xFFFFFD80  }
0xe1: {  	s30 =	simm.s32 $0x40;
	v3 =	vld [tilespmem:s29+$0x5000]  }
.LBB2_24:
0xe2: {  	p0 =	sne.s32 s30, $0x9C0;
	v4 =	vld [tilespmem:s29+$0x5280];
	_ =	sdelay $0x2  }
.Ltmp11:
0xe3: {  	(pc) =	sbr.rel @p0 .LBB2_24-.Ltmp11, $4  }
0xe4: {  	_ = 	snop  }
0xe5: {  	v4 =	vadd.f32 v3, v4  }
0xe6: {  	s31 =	sshra.s32 s30, $0x2  }
0xe7: {  	s30 =	sadd.s32 $0x40, s30;
	v3 =	vld [tilespmem:s31+$0x5000];
	[tilespmem:s29+$0x5280] =	vst v4;
	s29 =	smov.u32 s31  }
0xe8: {  	v4 =	vld [tilespmem:s29+$0x5280];
	_ =	sdelay $0x4  }
0xe9: {  	v3 =	vadd.f32 v3, v4;
	_ =	sdelay $0x1  }
0xea: {  	[tilespmem:s29+$0x5280] =	vst v3  }
0xeb: {  	[tilespmem:s25], [sflag:$0x1] =	stream.linear.gather [spmem:s15], $0x280, $0x38;
	[tilespmem:$0x7D00] =	vst v63  }
0xec: {  	_ =	swait.ge [sflag:s23], $0x280  }
0xed: {  	[sflag:s23] =	ssyncset.done $0x0  }
0xee: {  	s29 =	simm.s32 $0x0;
	[sflag:s23] =	ssyncadd.s32 $0xFFFFFD80  }
0xef: {  	s30 =	simm.s32 $0x40;
	v3 =	vld [tilespmem:s29+$0x5000]  }
.LBB2_26:
0xf0: {  	p0 =	sne.s32 s30, $0x9C0;
	v4 =	vld [tilespmem:s29+$0x5280];
	_ =	sdelay $0x2  }
.Ltmp12:
0xf1: {  	(pc) =	sbr.rel @p0 .LBB2_26-.Ltmp12, $4  }
0xf2: {  	_ = 	snop  }
0xf3: {  	v4 =	vadd.f32 v3, v4  }
0xf4: {  	s31 =	sshra.s32 s30, $0x2  }
0xf5: {  	s30 =	sadd.s32 $0x40, s30;
	v3 =	vld [tilespmem:s31+$0x5000];
	[tilespmem:s29+$0x5280] =	vst v4;
	s29 =	smov.u32 s31  }
0xf6: {  	v4 =	vld [tilespmem:s29+$0x5280];
	_ =	sdelay $0x4  }
0xf7: {  	v3 =	vadd.f32 v3, v4;
	_ =	sdelay $0x1  }
0xf8: {  	[tilespmem:s29+$0x5280] =	vst v3  }
0xf9: {  	[tilespmem:s25], [sflag:$0x1] =	stream.linear.gather [spmem:s16], $0x280, $0x38;
	[tilespmem:$0x7D00] =	vst v63  }
0xfa: {  	_ =	swait.ge [sflag:s23], $0x280  }
0xfb: {  	[sflag:s23] =	ssyncset.done $0x0  }
0xfc: {  	s29 =	simm.s32 $0x0;
	[sflag:s23] =	ssyncadd.s32 $0xFFFFFD80  }
0xfd: {  	s30 =	simm.s32 $0x40;
	v3 =	vld [tilespmem:s29+$0x5000]  }
.LBB2_28:
0xfe: {  	p0 =	sne.s32 s30, $0x9C0;
	v4 =	vld [tilespmem:s29+$0x5280];
	_ =	sdelay $0x2  }
.Ltmp13:
0xff: {  	(pc) =	sbr.rel @p0 .LBB2_28-.Ltmp13, $4  }
0x100: {  	_ = 	snop  }
0x101: {  	v4 =	vadd.f32 v3, v4  }
0x102: {  	s31 =	sshra.s32 s30, $0x2  }
0x103: {  	s30 =	sadd.s32 $0x40, s30;
	v3 =	vld [tilespmem:s31+$0x5000];
	[tilespmem:s29+$0x5280] =	vst v4;
	s29 =	smov.u32 s31  }
0x104: {  	v4 =	vld [tilespmem:s29+$0x5280];
	_ =	sdelay $0x4  }
0x105: {  	v3 =	vadd.f32 v3, v4;
	_ =	sdelay $0x1  }
0x106: {  	[tilespmem:s29+$0x5280] =	vst v3  }
0x107: {  	[tilespmem:s25], [sflag:$0x1] =	stream.linear.gather [spmem:s17], $0x280, $0x38;
	[tilespmem:$0x7D00] =	vst v63  }
0x108: {  	_ =	swait.ge [sflag:s23], $0x280  }
0x109: {  	[sflag:s23] =	ssyncset.done $0x0  }
0x10a: {  	s29 =	simm.s32 $0x0;
	[sflag:s23] =	ssyncadd.s32 $0xFFFFFD80  }
0x10b: {  	s30 =	simm.s32 $0x40;
	v3 =	vld [tilespmem:s29+$0x5000]  }
.LBB2_30:
0x10c: {  	p0 =	sne.s32 s30, $0x9C0;
	v4 =	vld [tilespmem:s29+$0x5280];
	_ =	sdelay $0x2  }
.Ltmp14:
0x10d: {  	(pc) =	sbr.rel @p0 .LBB2_30-.Ltmp14, $4  }
0x10e: {  	_ = 	snop  }
0x10f: {  	v4 =	vadd.f32 v3, v4  }
0x110: {  	s31 =	sshra.s32 s30, $0x2  }
0x111: {  	s30 =	sadd.s32 $0x40, s30;
	v3 =	vld [tilespmem:s31+$0x5000];
	[tilespmem:s29+$0x5280] =	vst v4;
	s29 =	smov.u32 s31  }
0x112: {  	v4 =	vld [tilespmem:s29+$0x5280];
	_ =	sdelay $0x4  }
0x113: {  	v3 =	vadd.f32 v3, v4;
	_ =	sdelay $0x1  }
0x114: {  	[tilespmem:s29+$0x5280] =	vst v3  }
0x115: {  	[tilespmem:s25], [sflag:$0x1] =	stream.linear.gather [spmem:s18], $0x280, $0x38;
	[tilespmem:$0x7D00] =	vst v63  }
0x116: {  	_ =	swait.ge [sflag:s23], $0x280  }
0x117: {  	[sflag:s23] =	ssyncset.done $0x0  }
0x118: {  	s29 =	simm.s32 $0x0;
	[sflag:s23] =	ssyncadd.s32 $0xFFFFFD80  }
0x119: {  	s30 =	simm.s32 $0x40;
	v3 =	vld [tilespmem:s29+$0x5000]  }
.LBB2_32:
0x11a: {  	p0 =	sne.s32 s30, $0x9C0;
	v4 =	vld [tilespmem:s29+$0x5280];
	_ =	sdelay $0x2  }
.Ltmp15:
0x11b: {  	(pc) =	sbr.rel @p0 .LBB2_32-.Ltmp15, $4  }
0x11c: {  	_ = 	snop  }
0x11d: {  	v4 =	vadd.f32 v3, v4  }
0x11e: {  	s31 =	sshra.s32 s30, $0x2  }
0x11f: {  	s30 =	sadd.s32 $0x40, s30;
	v3 =	vld [tilespmem:s31+$0x5000];
	[tilespmem:s29+$0x5280] =	vst v4;
	s29 =	smov.u32 s31  }
0x120: {  	v4 =	vld [tilespmem:s29+$0x5280];
	_ =	sdelay $0x4  }
0x121: {  	v3 =	vadd.f32 v3, v4;
	_ =	sdelay $0x1  }
0x122: {  	[tilespmem:s29+$0x5280] =	vst v3  }
0x123: {  	[tilespmem:s25], [sflag:$0x1] =	stream.linear.gather [spmem:s19], $0x280, $0x38;
	[tilespmem:$0x7D00] =	vst v63  }
0x124: {  	_ =	swait.ge [sflag:s23], $0x280  }
0x125: {  	[sflag:s23] =	ssyncset.done $0x0  }
0x126: {  	s29 =	simm.s32 $0x0;
	[sflag:s23] =	ssyncadd.s32 $0xFFFFFD80  }
0x127: {  	s30 =	simm.s32 $0x40;
	v3 =	vld [tilespmem:s29+$0x5000]  }
.LBB2_34:
0x128: {  	p0 =	sne.s32 s30, $0x9C0;
	v4 =	vld [tilespmem:s29+$0x5280];
	_ =	sdelay $0x2  }
.Ltmp16:
0x129: {  	(pc) =	sbr.rel @p0 .LBB2_34-.Ltmp16, $4  }
0x12a: {  	_ = 	snop  }
0x12b: {  	v4 =	vadd.f32 v3, v4  }
0x12c: {  	s31 =	sshra.s32 s30, $0x2  }
0x12d: {  	s30 =	sadd.s32 $0x40, s30;
	v3 =	vld [tilespmem:s31+$0x5000];
	[tilespmem:s29+$0x5280] =	vst v4;
	s29 =	smov.u32 s31  }
0x12e: {  	v4 =	vld [tilespmem:s29+$0x5280];
	_ =	sdelay $0x4  }
0x12f: {  	v3 =	vadd.f32 v3, v4;
	_ =	sdelay $0x1  }
0x130: {  	[tilespmem:s29+$0x5280] =	vst v3  }
0x131: {  	[tilespmem:s25], [sflag:$0x1] =	stream.linear.gather [spmem:s20], $0x280, $0x38;
	[tilespmem:$0x7D00] =	vst v63  }
0x132: {  	_ =	swait.ge [sflag:s23], $0x280  }
0x133: {  	[sflag:s23] =	ssyncset.done $0x0  }
0x134: {  	s29 =	simm.s32 $0x0;
	[sflag:s23] =	ssyncadd.s32 $0xFFFFFD80  }
0x135: {  	s30 =	simm.s32 $0x40;
	v3 =	vld [tilespmem:s29+$0x5000]  }
.LBB2_36:
0x136: {  	p0 =	sne.s32 s30, $0x9C0;
	v4 =	vld [tilespmem:s29+$0x5280];
	_ =	sdelay $0x2  }
.Ltmp17:
0x137: {  	(pc) =	sbr.rel @p0 .LBB2_36-.Ltmp17, $4  }
0x138: {  	_ = 	snop  }
0x139: {  	v4 =	vadd.f32 v3, v4  }
0x13a: {  	s31 =	sshra.s32 s30, $0x2  }
0x13b: {  	s30 =	sadd.s32 $0x40, s30;
	v3 =	vld [tilespmem:s31+$0x5000];
	[tilespmem:s29+$0x5280] =	vst v4;
	s29 =	smov.u32 s31  }
0x13c: {  	v4 =	vld [tilespmem:s29+$0x5280];
	_ =	sdelay $0x4  }
0x13d: {  	s28 =	sadd.s32 $0x1, s28;
	v3 =	vadd.f32 v3, v4  }
0x13e: {  	p0 =	sne.s32 s28, s22  }
.Ltmp18:
0x13f: {  	[tilespmem:s29+$0x5280] =	vst v3;
	(pc) =	sbr.rel @p0 .LBB2_1-.Ltmp18, $4  }
0x140: {  	[hbm4b:s21+s2] =	stream.linear.scatter [tilespmem:s26], [sflag:$0x1], $0x280, $0x38;
	[tilespmem:$0x7D00] =	vst v63  }
0x141: {  	_ =	swait.ge [sflag:s23], $0x280  }
0x142: {  	[sflag:s23] =	ssyncset.done $0x0  }
0x143: {  	[sflag:s23] =	ssyncadd.s32 $0xFFFFFD80  }
0x144: {  	_ =	sfence.sel $0x180000  }
0x145: {  	[bflag:$0x0] =	sbarrier.arrive $0xFFFF  }
0x146: {  	p0 =	sne.s32 s0, $0x0;
	_ =	strace $0x90000047  }
0x147: {  	s0 =	sadd.s32 @!p0 $0x100000, s1;
	[bflag:$0x2] =	sbarrier.arrive $0xFFFF  }
0x148: {  	[sflag:s0] =	ssyncadd.tile.s32 @!p0 $0x1;
	_ =	shalt  }
.Lfunc_end2:
_tile_overlayer_lowered:
.L_overlay_start_2:
0x149: {  	(tag) =	ssettag $0x2  }
0x14a: {  	s0 =	rddreg [dreg:$0x0];
	s2 =	stileid.u32  }
0x14b: {  	s1 =	rddreg [dreg:$0x1];
	p0 =	sne.s32 s2, $0x0  }
0x14c: {  	s3 =	rddreg [dreg:$0x2];
	[bflag:$0x3] =	sbarrier.arrive $0xFFFF;
	s2 =	simm.s32 @!p0 $0x1C01  }
0x14d: {  	[timem:s3], [sflag:s2] =	dma.local @!p0 [hbm:s0], s1  }
0x14e: {  	s0 =	simm.s32 @!p0 $0x1  }
0x14f: {  	_ =	swait.ge @!p0 [sflag:s0], s1  }
0x150: {  	s1 =	ssub.s32 @!p0 $0x0, s1;
	[sflag:s0] =	ssyncset.done @!p0 $0x0  }
0x151: {  	[sflag:s0] =	ssyncadd.s32 @!p0 s1  }
0x152: {  	[bflag:$0x3] =	sbarrier.arrive $0xFFFF  }
0x153: {  	_ =	shalt  }

</sc_bundles>
